<compile_context>
chip_gen: v7x
topology: tpu7x:2x2x1
jax: 0.10.2.dev20260603
libtpu: 0.0.44.dev20260713+nightly
codegen_flags: <defaults>
</compile_context>

<pallas_src>
import jax
import jax.numpy as jnp
from jax import lax
from jax.experimental import pallas as pl
from jax.experimental.pallas import tpu as pltpu
from jax.experimental.pallas import tpu_sc as plsc

NPREM = 8000
NCTX = 2000
NEDGE = 320000
DD = 128
NREL = 2
NSLOT = NREL * NCTX
NSLOT_PAD = 4096
NTRASH = NSLOT_PAD - NSLOT
NC = 2
NS = 16
NW = NC * NS
E_PER_W = NEDGE // NW
LANES = 16
NSTEP = E_PER_W // LANES
SCAN_UNROLL = 5
SPLIT_ITERS = (NSTEP // SCAN_UNROLL) // 2
CHUNK = 128
IDXBUF = E_PER_W + 2 * CHUNK
ROWS_PER_TILE = NSLOT_PAD // NS


NBUF = 3
PACK_SHIFT = 13


def _sc_body(eidx_hbm, typ_hbm, ctx_hbm,
             acc_out, cnt_out,
             src_v, dst_v, typ_v, pidx_v,
             gchunks, schunks, rows, gsems, ssems, csem, cnt_v, acc_sh):
    cid = lax.axis_index("c")
    sid = lax.axis_index("s")
    wid = cid * NS + sid
    base = wid * E_PER_W

    EH = E_PER_W // 2
    pltpu.async_copy(eidx_hbm.at[pl.ds(base, EH)], src_v.at[pl.ds(0, EH)], gsems[0])
    pltpu.async_copy(eidx_hbm.at[pl.ds(NEDGE + base, EH)], dst_v.at[pl.ds(0, EH)], gsems[1])
    pltpu.async_copy(typ_hbm.at[pl.ds(base, EH)], typ_v.at[pl.ds(0, EH)], gsems[2])
    pltpu.async_copy(eidx_hbm.at[pl.ds(base + EH, EH)], src_v.at[pl.ds(EH, EH)], ssems[0])
    pltpu.async_copy(eidx_hbm.at[pl.ds(NEDGE + base + EH, EH)], dst_v.at[pl.ds(EH, EH)], ssems[1])
    pltpu.async_copy(typ_hbm.at[pl.ds(base + EH, EH)], typ_v.at[pl.ds(EH, EH)], ssems[2])

    zi = jnp.zeros((LANES,), jnp.int32)
    zf = jnp.zeros((LANES,), jnp.float32)

    def zbody(i, carry):
        cnt_v[pl.ds(i * LANES, LANES)] = zi
        return carry

    lax.fori_loop(0, NSLOT // LANES, zbody, 0)

    def zrow(r, carry):
        for l in range(DD // LANES):
            rows[0][r, pl.ds(l * LANES, LANES)] = zf
        return carry

    lax.fori_loop(0, CHUNK, zrow, 0)
    for h in range(ROWS_PER_TILE // CHUNK):
        pltpu.sync_copy(rows[0], acc_sh.at[pl.ds(sid * ROWS_PER_TILE + h * CHUNK, CHUNK)])

    pltpu.make_async_copy(eidx_hbm.at[pl.ds(base, EH)], src_v.at[pl.ds(0, EH)], gsems[0]).wait()
    pltpu.make_async_copy(eidx_hbm.at[pl.ds(NEDGE + base, EH)], dst_v.at[pl.ds(0, EH)], gsems[1]).wait()
    pltpu.make_async_copy(typ_hbm.at[pl.ds(base, EH)], typ_v.at[pl.ds(0, EH)], gsems[2]).wait()

    ones_i = jnp.ones((LANES,), jnp.int32)

    def sbody(i, n):
        for u in range(SCAN_UNROLL):
            off = (i * SCAN_UNROLL + u) * LANES
            s = src_v[pl.ds(off, LANES)]
            d = dst_v[pl.ds(off, LANES)]
            t = typ_v[pl.ds(off, LANES)]
            m_dst = d >= NPREM
            slot = t * NCTX + (d - NPREM)
            plsc.addupdate_scatter(cnt_v, [slot], ones_i, mask=m_dst)
            m_acc = m_dst & (s < NPREM)
            packed = (slot << PACK_SHIFT) | s
            plsc.store_compressed(pidx_v.at[pl.ds(n, LANES)], packed, mask=m_acc)
            n = n + jnp.sum(m_acc.astype(jnp.int32))
        return n

    def prep(c, b):
        for l in range(CHUNK // LANES):
            packed = pidx_v[pl.ds(c * CHUNK + l * LANES, LANES)]
            gchunks[b][pl.ds(l * LANES, LANES)] = packed & ((1 << PACK_SHIFT) - 1)
            schunks[b][pl.ds(l * LANES, LANES)] = packed >> PACK_SHIFT

    def fire_gather(b):
        pltpu.async_copy(ctx_hbm.at[gchunks[b]], rows[b], gsems[b])

    def drain_gather(b):
        pltpu.make_async_copy(ctx_hbm.at[gchunks[b]], rows[b], gsems[b]).wait()

    def fire_scatter(b):
        pltpu.async_copy(rows[b], acc_sh.at[schunks[b]], ssems[b], add=True)

    def drain_scatter(b):
        pltpu.make_async_copy(rows[b], acc_sh.at[schunks[b]], ssems[b]).wait()

    n1 = lax.fori_loop(0, SPLIT_ITERS, sbody, jnp.int32(0))
    nfired = n1 // CHUNK

    for b in range(NBUF):
        @pl.when(b < nfired)
        def _(b=b):
            prep(b, b)
            fire_gather(b)

    pltpu.make_async_copy(eidx_hbm.at[pl.ds(base + EH, EH)], src_v.at[pl.ds(EH, EH)], ssems[0]).wait()
    pltpu.make_async_copy(eidx_hbm.at[pl.ds(NEDGE + base + EH, EH)], dst_v.at[pl.ds(EH, EH)], ssems[1]).wait()
    pltpu.make_async_copy(typ_hbm.at[pl.ds(base + EH, EH)], typ_v.at[pl.ds(EH, EH)], ssems[2]).wait()
    n = lax.fori_loop(SPLIT_ITERS, NSTEP // SCAN_UNROLL, sbody, n1)

    pltpu.async_copy(cnt_v, cnt_out.at[pl.ds(wid * NSLOT, NSLOT)], csem)

    pad_p = jnp.full((LANES,), ((NSLOT + wid) << PACK_SHIFT) | wid, jnp.int32)

    def pbody(j, carry):
        pidx_v[pl.ds(n + j * LANES, LANES)] = pad_p
        return carry

    lax.fori_loop(0, CHUNK // LANES, pbody, 0)
    nch = (n + CHUNK - 1) // CHUNK

    for b in range(NBUF):
        @pl.when((b < nch) & (b >= nfired))
        def _(b=b):
            prep(b, b)
            fire_gather(b)

    plsc.subcore_barrier()

    def gbody(i0, carry):
        for b in range(NBUF):
            c = i0 * NBUF + b
            cn = c + NBUF

            @pl.when(c < nch)
            def _(b=b):
                drain_gather(b)
                fire_scatter(b)

            @pl.when(cn < nch)
            def _(b=b, cn=cn):
                drain_scatter(b)
                prep(cn, b)
                fire_gather(b)

        return carry

    lax.fori_loop(0, (nch + NBUF - 1) // NBUF, gbody, 0)

    for b in range(NBUF):
        @pl.when(b < nch)
        def _(b=b):
            drain_scatter(b)

    plsc.subcore_barrier()

    pltpu.sync_copy(acc_sh.at[pl.ds(sid * ROWS_PER_TILE, ROWS_PER_TILE)],
                    acc_out.at[cid, pl.ds(sid * ROWS_PER_TILE, ROWS_PER_TILE)])
    pltpu.make_async_copy(cnt_v, cnt_out.at[pl.ds(wid * NSLOT, NSLOT)], csem).wait()


_sc_mesh = plsc.VectorSubcoreMesh(core_axis_name="c", subcore_axis_name="s",
                                  num_cores=NC, num_subcores=NS)

_sc_call = pl.kernel(
    _sc_body,
    out_type=[jax.ShapeDtypeStruct((NC, NSLOT_PAD, DD), jnp.float32),
              jax.ShapeDtypeStruct((NW * NSLOT,), jnp.int32)],
    mesh=_sc_mesh,
    compiler_params=pltpu.CompilerParams(needs_layout_passes=False),
    scratch_types=[
        pltpu.VMEM((E_PER_W,), jnp.int32),
        pltpu.VMEM((E_PER_W,), jnp.int32),
        pltpu.VMEM((E_PER_W,), jnp.int32),
        pltpu.VMEM((IDXBUF,), jnp.int32),
        [pltpu.VMEM((CHUNK,), jnp.int32) for _ in range(NBUF)],
        [pltpu.VMEM((CHUNK,), jnp.int32) for _ in range(NBUF)],
        [pltpu.VMEM((CHUNK, DD), jnp.float32) for _ in range(NBUF)],
        [pltpu.SemaphoreType.DMA for _ in range(NBUF)],
        [pltpu.SemaphoreType.DMA for _ in range(NBUF)],
        pltpu.SemaphoreType.DMA,
        pltpu.VMEM((NSLOT,), jnp.int32),
        pltpu.VMEM_SHARED((NSLOT_PAD, DD), jnp.float32),
    ],
)


def _tc_body(acc_ref, cnt_ref, wrel_ref, bias_ref, res_ref, out_ref):
    acc = acc_ref[0, :NSLOT, :] + acc_ref[1, :NSLOT, :]
    cnt = jnp.sum(cnt_ref[...], axis=0).astype(jnp.float32)
    inv = 1.0 / jnp.maximum(cnt, 1.0)
    scaled = acc * inv[:, None]
    out = jnp.dot(scaled[:NCTX, :], wrel_ref[0],
                  preferred_element_type=jnp.float32)
    out = out + jnp.dot(scaled[NCTX:, :], wrel_ref[1],
                        preferred_element_type=jnp.float32)
    out_ref[...] = out + bias_ref[...] + res_ref[0, 0]


def kernel(batch_embeddings, batch_edge_index, batch_edge_attr, n_premises,
           premise_table, premise_ctx_table, W_rel, W_root, bias):
    eidx = batch_edge_index.astype(jnp.int32).reshape(2 * NEDGE)
    typ = batch_edge_attr.astype(jnp.int32)
    acc, cnt = _sc_call(eidx, typ, premise_ctx_table.astype(jnp.float32))
    cnt = cnt.reshape(NW, NSLOT)
    residual = (jnp.asarray(n_premises, jnp.int32) - NPREM).astype(jnp.float32)
    refined_ctx = pl.pallas_call(
        _tc_body,
        out_shape=jax.ShapeDtypeStruct((NCTX, DD), jnp.float32),
    )(acc, cnt, W_rel.astype(jnp.float32), bias.astype(jnp.float32).reshape(1, DD),
      residual.reshape(1, 1))
    return (premise_table.astype(jnp.float32), refined_ctx)

# --- scband reference (transcript-rebuilt; emitter-appended) ---
"""Pipeline reference for scband-test-model-15616501088635 (READ-ONLY COPY).

The authoritative reference and input builder live on the scoring server;
editing this copy changes nothing except your own understanding.
"""

import jax, jax.numpy as jnp
import numpy as np

N_NODES = 10000
N_PREMISES = 8000
N_EDGES = 320000
D = 128
H = 128
NUM_REL = 2


def setup_inputs(seed: int = 0) -> dict:
    key = jax.random.key(seed)
    ks = jax.random.split(key, 8)
    batch_embeddings = jax.random.normal(ks[0], (N_NODES, D), dtype=jnp.float32)
    batch_edge_index = jax.random.randint(ks[1], (2, N_EDGES), 0, N_NODES, dtype=jnp.int32)
    batch_edge_attr = jax.random.randint(ks[2], (N_EDGES,), 0, NUM_REL, dtype=jnp.int32)
    premise_table = jax.random.normal(ks[3], (N_PREMISES, H), dtype=jnp.float32) * 0.02
    premise_ctx_table = jax.random.normal(ks[4], (N_PREMISES, D), dtype=jnp.float32) * 0.02
    W_rel = jax.random.normal(ks[5], (NUM_REL, D, H), dtype=jnp.float32) / np.sqrt(D)
    W_root = jax.random.normal(ks[6], (D, H), dtype=jnp.float32) / np.sqrt(D)
    bias = jnp.zeros((H,), dtype=jnp.float32)
    return {
        "batch_embeddings": batch_embeddings,
        "batch_edge_index": batch_edge_index,
        "batch_edge_attr": batch_edge_attr,
        "n_premises": N_PREMISES,
        "premise_table": premise_table,
        "premise_ctx_table": premise_ctx_table,
        "W_rel": W_rel,
        "W_root": W_root,
        "bias": bias,
    }


def _rgcn(x, edge_index, edge_type, W_rel, W_root, bias):
    # RGCNConv (PyG semantics): per-relation linear transform applied per node,
    # then gather over src, mean-aggregate over dst per relation, plus root + bias.
    src = edge_index[0]
    dst = edge_index[1]
    n = x.shape[0]
    out = x @ W_root + bias
    for r in range(W_rel.shape[0]):
        w = (edge_type == r).astype(x.dtype)
        h = x @ W_rel[r]
        msg = h[src] * w[:, None]
        summed = jax.ops.segment_sum(msg, dst, num_segments=n)
        cnt = jax.ops.segment_sum(w, dst, num_segments=n)
        out = out + summed / jnp.clip(cnt, 1.0, None)[:, None]
    return out


def reference(batch_embeddings, batch_edge_index, batch_edge_attr, n_premises,
              premise_table, premise_ctx_table, W_rel, W_root, bias):
    # Faithful translation of TestModel.forward:
    # initial_premise_embs = random_premise_embeds.weight (float32)
    # initial_context_embs = zeros_like(batch_embeddings[n_premises:])
    # batch_embeddings_for_context = cat([random_premise_embed_for_context.weight, zeros])
    # refined_context_embs = rgcn(batch_embeddings_for_context, edge_index, edge_attr)
    n_p = premise_table.shape[0]
    n_premises_residual = (jnp.asarray(n_premises, jnp.int32) - n_p).astype(jnp.float32)
    initial_premise_embs = premise_table.astype(jnp.float32)
    initial_context_embs = jnp.zeros_like(batch_embeddings[n_p:]).astype(jnp.float32)
    x = jnp.concatenate([premise_ctx_table.astype(jnp.float32), initial_context_embs], axis=0)
    refined = _rgcn(x, batch_edge_index, batch_edge_attr, W_rel, W_root, bias)
    return (initial_premise_embs, refined[n_p:] + n_premises_residual)

if __name__ == "__main__":
    import jax
    _d = setup_inputs()
    print(jax.jit(kernel)(*tuple(_d.values())))

</pallas_src>

<mosaic_0001>
#map = affine_map<(d0, d1) -> (0)>
#map1 = affine_map<(d0, d1) -> (0, 0)>
#map2 = affine_map<(d0, d1) -> (0, 0, 0)>
module attributes {stable_mosaic.version = 14 : i64} {
  func.func @_sc_body(%arg0: i32, %arg1: i32, %arg2: memref<640000xi32, #tpu.memory_space<hbm>>, %arg3: memref<320000xi32, #tpu.memory_space<hbm>>, %arg4: memref<8000x128xf32, #tpu.memory_space<hbm>>, %arg5: memref<2x4096x128xf32, #tpu.memory_space<hbm>>, %arg6: memref<128000xi32, #tpu.memory_space<hbm>>, %arg7: memref<10000xi32, #tpu.memory_space<vmem>>, %arg8: memref<10000xi32, #tpu.memory_space<vmem>>, %arg9: memref<10000xi32, #tpu.memory_space<vmem>>, %arg10: memref<10256xi32, #tpu.memory_space<vmem>>, %arg11: memref<128xi32, #tpu.memory_space<vmem>>, %arg12: memref<128xi32, #tpu.memory_space<vmem>>, %arg13: memref<128xi32, #tpu.memory_space<vmem>>, %arg14: memref<128xi32, #tpu.memory_space<vmem>>, %arg15: memref<128xi32, #tpu.memory_space<vmem>>, %arg16: memref<128xi32, #tpu.memory_space<vmem>>, %arg17: memref<128x128xf32, #tpu.memory_space<vmem>>, %arg18: memref<128x128xf32, #tpu.memory_space<vmem>>, %arg19: memref<128x128xf32, #tpu.memory_space<vmem>>, %arg20: memref<!tpu.dma_semaphore, #tpu.memory_space<semaphore_mem>>, %arg21: memref<!tpu.dma_semaphore, #tpu.memory_space<semaphore_mem>>, %arg22: memref<!tpu.dma_semaphore, #tpu.memory_space<semaphore_mem>>, %arg23: memref<!tpu.dma_semaphore, #tpu.memory_space<semaphore_mem>>, %arg24: memref<!tpu.dma_semaphore, #tpu.memory_space<semaphore_mem>>, %arg25: memref<!tpu.dma_semaphore, #tpu.memory_space<semaphore_mem>>, %arg26: memref<!tpu.dma_semaphore, #tpu.memory_space<semaphore_mem>>, %arg27: memref<4000xi32, #tpu.memory_space<vmem>>, %arg28: memref<4096x128xf32, #tpu.memory_space<vmem_shared>>) attributes {dimension_semantics = [#tpu.dimension_semantics<core_parallel>, #tpu.dimension_semantics<subcore_parallel>], iteration_bounds = array<i64: 2, 16>, scalar_prefetch = 0 : i64, scratch_operands = 22 : i64, tpu.core_type = #tpu.core_type<sc_vector_subcore>, window_params = [{transform_indices = #map}, {transform_indices = #map}, {transform_indices = #map1}, {transform_indices = #map2}, {transform_indices = #map}]} {
    %mul3A = arith.constant 16 : i32
    %mul3A_0 = arith.muli %arg0, %mul3A : i32
    %add3A = arith.addi %mul3A_0, %arg1 : i32
    %mul3A_1 = arith.constant 10000 : i32
    %mul3A_2 = arith.muli %add3A, %mul3A_1 : i32
    %dma_start3A = arith.constant 0 : i32
    %dma_start3A_3 = tpu.memref_slice %arg7[%dma_start3A] : memref<10000xi32, #tpu.memory_space<vmem>> -> memref<5000xi32, #tpu.memory_space<vmem>>
    %dma_start3A_4 = tpu.memref_slice %arg2[%mul3A_2] : memref<640000xi32, #tpu.memory_space<hbm>> -> memref<5000xi32, #tpu.memory_space<hbm>>
    %dma_start3A_5 = arith.constant 0 : i32
    %dma_start3A_6 = tpu.memref_slice %arg7[%dma_start3A_5] : memref<10000xi32, #tpu.memory_space<vmem>> -> memref<5000xi32, #tpu.memory_space<vmem>>
    %dma_start3A_7 = tpu.memref_slice %arg2[%mul3A_2] : memref<640000xi32, #tpu.memory_space<hbm>> -> memref<5000xi32, #tpu.memory_space<hbm>>
    tpu.enqueue_dma source(%dma_start3A_7 : memref<5000xi32, #tpu.memory_space<hbm>>) target(%dma_start3A_6 : memref<5000xi32, #tpu.memory_space<vmem>>) target_semaphore(%arg20 : memref<!tpu.dma_semaphore, #tpu.memory_space<semaphore_mem>>)
    %add3A_8 = arith.constant 320000 : i32
    %add3A_9 = arith.addi %add3A_8, %mul3A_2 : i32
    %dma_start3A_10 = arith.constant 0 : i32
    %dma_start3A_11 = tpu.memref_slice %arg8[%dma_start3A_10] : memref<10000xi32, #tpu.memory_space<vmem>> -> memref<5000xi32, #tpu.memory_space<vmem>>
    %dma_start3A_12 = tpu.memref_slice %arg2[%add3A_9] : memref<640000xi32, #tpu.memory_space<hbm>> -> memref<5000xi32, #tpu.memory_space<hbm>>
    %dma_start3A_13 = arith.constant 0 : i32
    %dma_start3A_14 = tpu.memref_slice %arg8[%dma_start3A_13] : memref<10000xi32, #tpu.memory_space<vmem>> -> memref<5000xi32, #tpu.memory_space<vmem>>
    %dma_start3A_15 = tpu.memref_slice %arg2[%add3A_9] : memref<640000xi32, #tpu.memory_space<hbm>> -> memref<5000xi32, #tpu.memory_space<hbm>>
    tpu.enqueue_dma source(%dma_start3A_15 : memref<5000xi32, #tpu.memory_space<hbm>>) target(%dma_start3A_14 : memref<5000xi32, #tpu.memory_space<vmem>>) target_semaphore(%arg21 : memref<!tpu.dma_semaphore, #tpu.memory_space<semaphore_mem>>)
    %dma_start3A_16 = arith.constant 0 : i32
    %dma_start3A_17 = tpu.memref_slice %arg9[%dma_start3A_16] : memref<10000xi32, #tpu.memory_space<vmem>> -> memref<5000xi32, #tpu.memory_space<vmem>>
    %dma_start3A_18 = tpu.memref_slice %arg3[%mul3A_2] : memref<320000xi32, #tpu.memory_space<hbm>> -> memref<5000xi32, #tpu.memory_space<hbm>>
    %dma_start3A_19 = arith.constant 0 : i32
    %dma_start3A_20 = tpu.memref_slice %arg9[%dma_start3A_19] : memref<10000xi32, #tpu.memory_space<vmem>> -> memref<5000xi32, #tpu.memory_space<vmem>>
    %dma_start3A_21 = tpu.memref_slice %arg3[%mul3A_2] : memref<320000xi32, #tpu.memory_space<hbm>> -> memref<5000xi32, #tpu.memory_space<hbm>>
    tpu.enqueue_dma source(%dma_start3A_21 : memref<5000xi32, #tpu.memory_space<hbm>>) target(%dma_start3A_20 : memref<5000xi32, #tpu.memory_space<vmem>>) target_semaphore(%arg22 : memref<!tpu.dma_semaphore, #tpu.memory_space<semaphore_mem>>)
    %add3A_22 = arith.constant 5000 : i32
    %add3A_23 = arith.addi %mul3A_2, %add3A_22 : i32
    %dma_start3A_24 = arith.constant 5000 : i32
    %dma_start3A_25 = tpu.memref_slice %arg7[%dma_start3A_24] : memref<10000xi32, #tpu.memory_space<vmem>> -> memref<5000xi32, #tpu.memory_space<vmem>>
    %dma_start3A_26 = tpu.memref_slice %arg2[%add3A_23] : memref<640000xi32, #tpu.memory_space<hbm>> -> memref<5000xi32, #tpu.memory_space<hbm>>
    %dma_start3A_27 = arith.constant 5000 : i32
    %dma_start3A_28 = tpu.memref_slice %arg7[%dma_start3A_27] : memref<10000xi32, #tpu.memory_space<vmem>> -> memref<5000xi32, #tpu.memory_space<vmem>>
    %dma_start3A_29 = tpu.memref_slice %arg2[%add3A_23] : memref<640000xi32, #tpu.memory_space<hbm>> -> memref<5000xi32, #tpu.memory_space<hbm>>
    tpu.enqueue_dma source(%dma_start3A_29 : memref<5000xi32, #tpu.memory_space<hbm>>) target(%dma_start3A_28 : memref<5000xi32, #tpu.memory_space<vmem>>) target_semaphore(%arg23 : memref<!tpu.dma_semaphore, #tpu.memory_space<semaphore_mem>>)
    %add3A_30 = arith.constant 320000 : i32
    %add3A_31 = arith.addi %add3A_30, %mul3A_2 : i32
    %add3A_32 = arith.constant 5000 : i32
    %add3A_33 = arith.addi %add3A_31, %add3A_32 : i32
    %dma_start3A_34 = arith.constant 5000 : i32
    %dma_start3A_35 = tpu.memref_slice %arg8[%dma_start3A_34] : memref<10000xi32, #tpu.memory_space<vmem>> -> memref<5000xi32, #tpu.memory_space<vmem>>
    %dma_start3A_36 = tpu.memref_slice %arg2[%add3A_33] : memref<640000xi32, #tpu.memory_space<hbm>> -> memref<5000xi32, #tpu.memory_space<hbm>>
    %dma_start3A_37 = arith.constant 5000 : i32
    %dma_start3A_38 = tpu.memref_slice %arg8[%dma_start3A_37] : memref<10000xi32, #tpu.memory_space<vmem>> -> memref<5000xi32, #tpu.memory_space<vmem>>
    %dma_start3A_39 = tpu.memref_slice %arg2[%add3A_33] : memref<640000xi32, #tpu.memory_space<hbm>> -> memref<5000xi32, #tpu.memory_space<hbm>>
    tpu.enqueue_dma source(%dma_start3A_39 : memref<5000xi32, #tpu.memory_space<hbm>>) target(%dma_start3A_38 : memref<5000xi32, #tpu.memory_space<vmem>>) target_semaphore(%arg24 : memref<!tpu.dma_semaphore, #tpu.memory_space<semaphore_mem>>)
    %add3A_40 = arith.constant 5000 : i32
    %add3A_41 = arith.addi %mul3A_2, %add3A_40 : i32
    %dma_start3A_42 = arith.constant 5000 : i32
    %dma_start3A_43 = tpu.memref_slice %arg9[%dma_start3A_42] : memref<10000xi32, #tpu.memory_space<vmem>> -> memref<5000xi32, #tpu.memory_space<vmem>>
    %dma_start3A_44 = tpu.memref_slice %arg3[%add3A_41] : memref<320000xi32, #tpu.memory_space<hbm>> -> memref<5000xi32, #tpu.memory_space<hbm>>
    %dma_start3A_45 = arith.constant 5000 : i32
    %dma_start3A_46 = tpu.memref_slice %arg9[%dma_start3A_45] : memref<10000xi32, #tpu.memory_space<vmem>> -> memref<5000xi32, #tpu.memory_space<vmem>>
    %dma_start3A_47 = tpu.memref_slice %arg3[%add3A_41] : memref<320000xi32, #tpu.memory_space<hbm>> -> memref<5000xi32, #tpu.memory_space<hbm>>
    tpu.enqueue_dma source(%dma_start3A_47 : memref<5000xi32, #tpu.memory_space<hbm>>) target(%dma_start3A_46 : memref<5000xi32, #tpu.memory_space<vmem>>) target_semaphore(%arg25 : memref<!tpu.dma_semaphore, #tpu.memory_space<semaphore_mem>>)
    %broadcast_in_dim3A = arith.constant 0 : i32
    %broadcast_in_dim3A_48 = vector.broadcast %broadcast_in_dim3A : i32 to vector<16xi32>
    %broadcast_in_dim3A_49 = arith.constant 0.000000e+00 : f32
    %broadcast_in_dim3A_50 = vector.broadcast %broadcast_in_dim3A_49 : f32 to vector<16xf32>
    %scan3A = arith.constant 0 : i32
    %scan3A_51 = arith.constant 0 : i32
    %scan3A_52 = arith.constant 250 : i32
    %scan3A_53 = arith.addi %scan3A_51, %scan3A_52 : i32
    %scan3A_54 = arith.constant 1 : i32
    scf.for %scan3A_284 = %scan3A_51 to %scan3A_53 step %scan3A_54  : i32 {
      %mul3A_285 = arith.constant 16 : i32
      %mul3A_286 = arith.muli %scan3A_284, %mul3A_285 : i32
      %swap3A = arith.index_cast %mul3A_286 : i32 to index
      %swap3A_287 = tpu.vector_load %arg27[%swap3A] {strides = array<i32>} : memref<4000xi32, #tpu.memory_space<vmem>>, vector<16xi32>,
      tpu.vector_store %arg27[%swap3A], %broadcast_in_dim3A_48 {strides = array<i32>} : memref<4000xi32, #tpu.memory_space<vmem>>, vector<16xi32>,
    }
    %scan3A_55 = arith.constant 250 : i32
    %scan3A_56 = arith.constant 0 : i32
    %scan3A_57 = arith.constant 0 : i32
    %scan3A_58 = arith.constant 128 : i32
    %scan3A_59 = arith.addi %scan3A_57, %scan3A_58 : i32
    %scan3A_60 = arith.constant 1 : i32
    scf.for %scan3A_284 = %scan3A_57 to %scan3A_59 step %scan3A_60  : i32 {
      %swap3A = arith.index_cast %scan3A_284 : i32 to index
      %swap3A_285 = arith.constant 0 : index
      %swap3A_286 = tpu.vector_load %arg17[%swap3A, %swap3A_285] {strides = array<i32>} : memref<128x128xf32, #tpu.memory_space<vmem>>, vector<16xf32>,
      tpu.vector_store %arg17[%swap3A, %swap3A_285], %broadcast_in_dim3A_50 {strides = array<i32>} : memref<128x128xf32, #tpu.memory_space<vmem>>, vector<16xf32>,
      %swap3A_287 = arith.index_cast %scan3A_284 : i32 to index
      %swap3A_288 = arith.constant 16 : index
      %swap3A_289 = tpu.vector_load %arg17[%swap3A_287, %swap3A_288] {strides = array<i32>} : memref<128x128xf32, #tpu.memory_space<vmem>>, vector<16xf32>,
      tpu.vector_store %arg17[%swap3A_287, %swap3A_288], %broadcast_in_dim3A_50 {strides = array<i32>} : memref<128x128xf32, #tpu.memory_space<vmem>>, vector<16xf32>,
      %swap3A_290 = arith.index_cast %scan3A_284 : i32 to index
      %swap3A_291 = arith.constant 32 : index
      %swap3A_292 = tpu.vector_load %arg17[%swap3A_290, %swap3A_291] {strides = array<i32>} : memref<128x128xf32, #tpu.memory_space<vmem>>, vector<16xf32>,
      tpu.vector_store %arg17[%swap3A_290, %swap3A_291], %broadcast_in_dim3A_50 {strides = array<i32>} : memref<128x128xf32, #tpu.memory_space<vmem>>, vector<16xf32>,
      %swap3A_293 = arith.index_cast %scan3A_284 : i32 to index
      %swap3A_294 = arith.constant 48 : index
      %swap3A_295 = tpu.vector_load %arg17[%swap3A_293, %swap3A_294] {strides = array<i32>} : memref<128x128xf32, #tpu.memory_space<vmem>>, vector<16xf32>,
      tpu.vector_store %arg17[%swap3A_293, %swap3A_294], %broadcast_in_dim3A_50 {strides = array<i32>} : memref<128x128xf32, #tpu.memory_space<vmem>>, vector<16xf32>,
      %swap3A_296 = arith.index_cast %scan3A_284 : i32 to index
      %swap3A_297 = arith.constant 64 : index
      %swap3A_298 = tpu.vector_load %arg17[%swap3A_296, %swap3A_297] {strides = array<i32>} : memref<128x128xf32, #tpu.memory_space<vmem>>, vector<16xf32>,
      tpu.vector_store %arg17[%swap3A_296, %swap3A_297], %broadcast_in_dim3A_50 {strides = array<i32>} : memref<128x128xf32, #tpu.memory_space<vmem>>, vector<16xf32>,
      %swap3A_299 = arith.index_cast %scan3A_284 : i32 to index
      %swap3A_300 = arith.constant 80 : index
      %swap3A_301 = tpu.vector_load %arg17[%swap3A_299, %swap3A_300] {strides = array<i32>} : memref<128x128xf32, #tpu.memory_space<vmem>>, vector<16xf32>,
      tpu.vector_store %arg17[%swap3A_299, %swap3A_300], %broadcast_in_dim3A_50 {strides = array<i32>} : memref<128x128xf32, #tpu.memory_space<vmem>>, vector<16xf32>,
      %swap3A_302 = arith.index_cast %scan3A_284 : i32 to index
      %swap3A_303 = arith.constant 96 : index
      %swap3A_304 = tpu.vector_load %arg17[%swap3A_302, %swap3A_303] {strides = array<i32>} : memref<128x128xf32, #tpu.memory_space<vmem>>, vector<16xf32>,
      tpu.vector_store %arg17[%swap3A_302, %swap3A_303], %broadcast_in_dim3A_50 {strides = array<i32>} : memref<128x128xf32, #tpu.memory_space<vmem>>, vector<16xf32>,
      %swap3A_305 = arith.index_cast %scan3A_284 : i32 to index
      %swap3A_306 = arith.constant 112 : index
      %swap3A_307 = tpu.vector_load %arg17[%swap3A_305, %swap3A_306] {strides = array<i32>} : memref<128x128xf32, #tpu.memory_space<vmem>>, vector<16xf32>,
      tpu.vector_store %arg17[%swap3A_305, %swap3A_306], %broadcast_in_dim3A_50 {strides = array<i32>} : memref<128x128xf32, #tpu.memory_space<vmem>>, vector<16xf32>,
    }
    %scan3A_61 = arith.constant 128 : i32
    %mul3A_62 = arith.constant 256 : i32
    %mul3A_63 = arith.muli %arg1, %mul3A_62 : i32
    %add3A_64 = arith.constant 0 : i32
    %add3A_65 = arith.addi %mul3A_63, %add3A_64 : i32
    "tpu.region"() ({
      %run_scoped3A = tpu.sem_alloc : memref<!tpu.dma_semaphore, #tpu.memory_space<semaphore_mem>>
      %dma_start3A_284 = arith.constant 0 : i32
      %dma_start3A_285 = tpu.memref_slice %arg28[%add3A_65, %dma_start3A_284] : memref<4096x128xf32, #tpu.memory_space<vmem_shared>> -> memref<128x128xf32, #tpu.memory_space<vmem_shared>>
      %dma_start3A_286 = arith.constant 0 : i32
      %dma_start3A_287 = tpu.memref_slice %arg28[%add3A_65, %dma_start3A_286] : memref<4096x128xf32, #tpu.memory_space<vmem_shared>> -> memref<128x128xf32, #tpu.memory_space<vmem_shared>>
      tpu.enqueue_dma source(%arg17 : memref<128x128xf32, #tpu.memory_space<vmem>>) target(%dma_start3A_287 : memref<128x128xf32, #tpu.memory_space<vmem_shared>>) target_semaphore(%run_scoped3A : memref<!tpu.dma_semaphore, #tpu.memory_space<semaphore_mem>>)
      %dma_wait3A_288 = arith.constant 0 : i32
      %dma_wait3A_289 = tpu.memref_slice %arg28[%add3A_65, %dma_wait3A_288] : memref<4096x128xf32, #tpu.memory_space<vmem_shared>> -> memref<128x128xf32, #tpu.memory_space<vmem_shared>>
      %dma_wait3A_290 = arith.constant 0 : i32
      %dma_wait3A_291 = tpu.memref_slice %arg28[%add3A_65, %dma_wait3A_290] : memref<4096x128xf32, #tpu.memory_space<vmem_shared>> -> memref<128x128xf32, #tpu.memory_space<vmem_shared>>
      tpu.wait_dma2 semaphore(%run_scoped3A : memref<!tpu.dma_semaphore, #tpu.memory_space<semaphore_mem>>) src(%arg17 : memref<128x128xf32, #tpu.memory_space<vmem>>) dst(%dma_wait3A_291 : memref<128x128xf32, #tpu.memory_space<vmem_shared>>)
      tpu.yield
    }) : () -> ()
    %mul3A_66 = arith.constant 256 : i32
    %mul3A_67 = arith.muli %arg1, %mul3A_66 : i32
    %add3A_68 = arith.constant 128 : i32
    %add3A_69 = arith.addi %mul3A_67, %add3A_68 : i32
    "tpu.region"() ({
      %run_scoped3A = tpu.sem_alloc : memref<!tpu.dma_semaphore, #tpu.memory_space<semaphore_mem>>
      %dma_start3A_284 = arith.constant 0 : i32
      %dma_start3A_285 = tpu.memref_slice %arg28[%add3A_69, %dma_start3A_284] : memref<4096x128xf32, #tpu.memory_space<vmem_shared>> -> memref<128x128xf32, #tpu.memory_space<vmem_shared>>
      %dma_start3A_286 = arith.constant 0 : i32
      %dma_start3A_287 = tpu.memref_slice %arg28[%add3A_69, %dma_start3A_286] : memref<4096x128xf32, #tpu.memory_space<vmem_shared>> -> memref<128x128xf32, #tpu.memory_space<vmem_shared>>
      tpu.enqueue_dma source(%arg17 : memref<128x128xf32, #tpu.memory_space<vmem>>) target(%dma_start3A_287 : memref<128x128xf32, #tpu.memory_space<vmem_shared>>) target_semaphore(%run_scoped3A : memref<!tpu.dma_semaphore, #tpu.memory_space<semaphore_mem>>)
      %dma_wait3A_288 = arith.constant 0 : i32
      %dma_wait3A_289 = tpu.memref_slice %arg28[%add3A_69, %dma_wait3A_288] : memref<4096x128xf32, #tpu.memory_space<vmem_shared>> -> memref<128x128xf32, #tpu.memory_space<vmem_shared>>
      %dma_wait3A_290 = arith.constant 0 : i32
      %dma_wait3A_291 = tpu.memref_slice %arg28[%add3A_69, %dma_wait3A_290] : memref<4096x128xf32, #tpu.memory_space<vmem_shared>> -> memref<128x128xf32, #tpu.memory_space<vmem_shared>>
      tpu.wait_dma2 semaphore(%run_scoped3A : memref<!tpu.dma_semaphore, #tpu.memory_space<semaphore_mem>>) src(%arg17 : memref<128x128xf32, #tpu.memory_space<vmem>>) dst(%dma_wait3A_291 : memref<128x128xf32, #tpu.memory_space<vmem_shared>>)
      tpu.yield
    }) : () -> ()
    %dma_wait3A = arith.constant 0 : i32
    %dma_wait3A_70 = tpu.memref_slice %arg7[%dma_wait3A] : memref<10000xi32, #tpu.memory_space<vmem>> -> memref<5000xi32, #tpu.memory_space<vmem>>
    %dma_wait3A_71 = tpu.memref_slice %arg2[%mul3A_2] : memref<640000xi32, #tpu.memory_space<hbm>> -> memref<5000xi32, #tpu.memory_space<hbm>>
    %dma_wait3A_72 = arith.constant 0 : i32
    %dma_wait3A_73 = tpu.memref_slice %arg7[%dma_wait3A_72] : memref<10000xi32, #tpu.memory_space<vmem>> -> memref<5000xi32, #tpu.memory_space<vmem>>
    %dma_wait3A_74 = tpu.memref_slice %arg2[%mul3A_2] : memref<640000xi32, #tpu.memory_space<hbm>> -> memref<5000xi32, #tpu.memory_space<hbm>>
    tpu.wait_dma2 semaphore(%arg20 : memref<!tpu.dma_semaphore, #tpu.memory_space<semaphore_mem>>) src(%dma_wait3A_74 : memref<5000xi32, #tpu.memory_space<hbm>>) dst(%dma_wait3A_73 : memref<5000xi32, #tpu.memory_space<vmem>>)
    %add3A_75 = arith.constant 320000 : i32
    %add3A_76 = arith.addi %add3A_75, %mul3A_2 : i32
    %dma_wait3A_77 = arith.constant 0 : i32
    %dma_wait3A_78 = tpu.memref_slice %arg8[%dma_wait3A_77] : memref<10000xi32, #tpu.memory_space<vmem>> -> memref<5000xi32, #tpu.memory_space<vmem>>
    %dma_wait3A_79 = tpu.memref_slice %arg2[%add3A_76] : memref<640000xi32, #tpu.memory_space<hbm>> -> memref<5000xi32, #tpu.memory_space<hbm>>
    %dma_wait3A_80 = arith.constant 0 : i32
    %dma_wait3A_81 = tpu.memref_slice %arg8[%dma_wait3A_80] : memref<10000xi32, #tpu.memory_space<vmem>> -> memref<5000xi32, #tpu.memory_space<vmem>>
    %dma_wait3A_82 = tpu.memref_slice %arg2[%add3A_76] : memref<640000xi32, #tpu.memory_space<hbm>> -> memref<5000xi32, #tpu.memory_space<hbm>>
    tpu.wait_dma2 semaphore(%arg21 : memref<!tpu.dma_semaphore, #tpu.memory_space<semaphore_mem>>) src(%dma_wait3A_82 : memref<5000xi32, #tpu.memory_space<hbm>>) dst(%dma_wait3A_81 : memref<5000xi32, #tpu.memory_space<vmem>>)
    %dma_wait3A_83 = arith.constant 0 : i32
    %dma_wait3A_84 = tpu.memref_slice %arg9[%dma_wait3A_83] : memref<10000xi32, #tpu.memory_space<vmem>> -> memref<5000xi32, #tpu.memory_space<vmem>>
    %dma_wait3A_85 = tpu.memref_slice %arg3[%mul3A_2] : memref<320000xi32, #tpu.memory_space<hbm>> -> memref<5000xi32, #tpu.memory_space<hbm>>
    %dma_wait3A_86 = arith.constant 0 : i32
    %dma_wait3A_87 = tpu.memref_slice %arg9[%dma_wait3A_86] : memref<10000xi32, #tpu.memory_space<vmem>> -> memref<5000xi32, #tpu.memory_space<vmem>>
    %dma_wait3A_88 = tpu.memref_slice %arg3[%mul3A_2] : memref<320000xi32, #tpu.memory_space<hbm>> -> memref<5000xi32, #tpu.memory_space<hbm>>
    tpu.wait_dma2 semaphore(%arg22 : memref<!tpu.dma_semaphore, #tpu.memory_space<semaphore_mem>>) src(%dma_wait3A_88 : memref<5000xi32, #tpu.memory_space<hbm>>) dst(%dma_wait3A_87 : memref<5000xi32, #tpu.memory_space<vmem>>)
    %broadcast_in_dim3A_89 = arith.constant 1 : i32
    %broadcast_in_dim3A_90 = vector.broadcast %broadcast_in_dim3A_89 : i32 to vector<16xi32>
    %scan3A_91 = arith.constant 0 : i32
    %scan3A_92 = arith.constant 0 : i32
    %scan3A_93 = arith.constant 62 : i32
    %scan3A_94 = arith.addi %scan3A_92, %scan3A_93 : i32
    %scan3A_95 = arith.constant 1 : i32
    %scan3A_96 = scf.for %scan3A_284 = %scan3A_92 to %scan3A_94 step %scan3A_95 iter_args(%scan3A_285 = %scan3A_91) -> (i32)  : i32 {
      %mul3A_286 = arith.constant 5 : i32
      %mul3A_287 = arith.muli %scan3A_284, %mul3A_286 : i32
      %add3A_288 = arith.constant 0 : i32
      %add3A_289 = arith.addi %mul3A_287, %add3A_288 : i32
      %mul3A_290 = arith.constant 16 : i32
      %mul3A_291 = arith.muli %add3A_289, %mul3A_290 : i32
      %get3A = arith.index_cast %mul3A_291 : i32 to index
      %get3A_292 = tpu.vector_load %arg7[%get3A] {strides = array<i32>} : memref<10000xi32, #tpu.memory_space<vmem>>, vector<16xi32>,
      %get3A_293 = arith.index_cast %mul3A_291 : i32 to index
      %get3A_294 = tpu.vector_load %arg8[%get3A_293] {strides = array<i32>} : memref<10000xi32, #tpu.memory_space<vmem>>, vector<16xi32>,
      %get3A_295 = arith.index_cast %mul3A_291 : i32 to index
      %get3A_296 = tpu.vector_load %arg9[%get3A_295] {strides = array<i32>} : memref<10000xi32, #tpu.memory_space<vmem>>, vector<16xi32>,
      %ge3A = arith.constant 8000 : i32
      %ge3A_297 = vector.broadcast %ge3A : i32 to vector<16xi32>
      %ge3A_298 = arith.cmpi sge, %get3A_294, %ge3A_297 : vector<16xi32>
      %mul3A_299 = arith.constant 2000 : i32
      %mul3A_300 = vector.broadcast %mul3A_299 : i32 to vector<16xi32>
      %mul3A_301 = arith.muli %get3A_296, %mul3A_300 : vector<16xi32>
      %sub3A_302 = arith.constant 8000 : i32
      %sub3A_303 = vector.broadcast %sub3A_302 : i32 to vector<16xi32>
      %sub3A_304 = arith.subi %get3A_294, %sub3A_303 : vector<16xi32>
      %add3A_305 = arith.addi %mul3A_301, %sub3A_304 : vector<16xi32>
      tpu.vector_store_idx %arg27[%add3A_305], %broadcast_in_dim3A_90 masked %ge3A_298 {add = true} : memref<4000xi32, #tpu.memory_space<vmem>>[vector<16xi32>], vector<16xi32>, vector<16xi1>
      %lt3A = arith.constant 8000 : i32
      %lt3A_306 = vector.broadcast %lt3A : i32 to vector<16xi32>
      %lt3A_307 = arith.cmpi slt, %get3A_292, %lt3A_306 : vector<16xi32>
      %and3A_308 = arith.andi %ge3A_298, %lt3A_307 : vector<16xi1>
      %shift_left3A_309 = arith.constant 13 : i32
      %shift_left3A_310 = vector.broadcast %shift_left3A_309 : i32 to vector<16xi32>
      %shift_left3A_311 = arith.shli %add3A_305, %shift_left3A_310 : vector<16xi32>
      %or3A_312 = arith.ori %shift_left3A_311, %get3A_292 : vector<16xi32>
      %swap3A = arith.index_cast %scan3A_285 : i32 to index
      %swap3A_313 = tpu.vector_load %arg10[%swap3A] masked %and3A_308 {strides = array<i32>} : memref<10256xi32, #tpu.memory_space<vmem>>, vector<16xi32>, vector<16xi1>
      tpu.vector_store %arg10[%swap3A], %or3A_312 masked %and3A_308 {strides = array<i32>} : memref<10256xi32, #tpu.memory_space<vmem>>, vector<16xi32>, vector<16xi1>
      %convert_element_type3A_314 = arith.extui %and3A_308 : vector<16xi1> to vector<16xi32>
      %reduce_sum3A = arith.constant true
      %reduce_sum3A_315 = vector.broadcast %reduce_sum3A : i1 to vector<16xi1>
      %reduce_sum3A_316 = tpu.scan <sum>, %convert_element_type3A_314 masked %reduce_sum3A_315 : vector<16xi32>, vector<16xi1> -> vector<16xi32>
      %reduce_sum3A_317 = vector.extract %reduce_sum3A_316[15] : i32 from vector<16xi32>
      %add3A_318 = arith.addi %scan3A_285, %reduce_sum3A_317 : i32
      %mul3A_319 = arith.constant 5 : i32
      %mul3A_320 = arith.muli %scan3A_284, %mul3A_319 : i32
      %add3A_321 = arith.constant 1 : i32
      %add3A_322 = arith.addi %mul3A_320, %add3A_321 : i32
      %mul3A_323 = arith.constant 16 : i32
      %mul3A_324 = arith.muli %add3A_322, %mul3A_323 : i32
      %get3A_325 = arith.index_cast %mul3A_324 : i32 to index
      %get3A_326 = tpu.vector_load %arg7[%get3A_325] {strides = array<i32>} : memref<10000xi32, #tpu.memory_space<vmem>>, vector<16xi32>,
      %get3A_327 = arith.index_cast %mul3A_324 : i32 to index
      %get3A_328 = tpu.vector_load %arg8[%get3A_327] {strides = array<i32>} : memref<10000xi32, #tpu.memory_space<vmem>>, vector<16xi32>,
      %get3A_329 = arith.index_cast %mul3A_324 : i32 to index
      %get3A_330 = tpu.vector_load %arg9[%get3A_329] {strides = array<i32>} : memref<10000xi32, #tpu.memory_space<vmem>>, vector<16xi32>,
      %ge3A_331 = arith.constant 8000 : i32
      %ge3A_332 = vector.broadcast %ge3A_331 : i32 to vector<16xi32>
      %ge3A_333 = arith.cmpi sge, %get3A_328, %ge3A_332 : vector<16xi32>
      %mul3A_334 = arith.constant 2000 : i32
      %mul3A_335 = vector.broadcast %mul3A_334 : i32 to vector<16xi32>
      %mul3A_336 = arith.muli %get3A_330, %mul3A_335 : vector<16xi32>
      %sub3A_337 = arith.constant 8000 : i32
      %sub3A_338 = vector.broadcast %sub3A_337 : i32 to vector<16xi32>
      %sub3A_339 = arith.subi %get3A_328, %sub3A_338 : vector<16xi32>
      %add3A_340 = arith.addi %mul3A_336, %sub3A_339 : vector<16xi32>
      tpu.vector_store_idx %arg27[%add3A_340], %broadcast_in_dim3A_90 masked %ge3A_333 {add = true} : memref<4000xi32, #tpu.memory_space<vmem>>[vector<16xi32>], vector<16xi32>, vector<16xi1>
      %lt3A_341 = arith.constant 8000 : i32
      %lt3A_342 = vector.broadcast %lt3A_341 : i32 to vector<16xi32>
      %lt3A_343 = arith.cmpi slt, %get3A_326, %lt3A_342 : vector<16xi32>
      %and3A_344 = arith.andi %ge3A_333, %lt3A_343 : vector<16xi1>
      %shift_left3A_345 = arith.constant 13 : i32
      %shift_left3A_346 = vector.broadcast %shift_left3A_345 : i32 to vector<16xi32>
      %shift_left3A_347 = arith.shli %add3A_340, %shift_left3A_346 : vector<16xi32>
      %or3A_348 = arith.ori %shift_left3A_347, %get3A_326 : vector<16xi32>
      %swap3A_349 = arith.index_cast %add3A_318 : i32 to index
      %swap3A_350 = tpu.vector_load %arg10[%swap3A_349] masked %and3A_344 {strides = array<i32>} : memref<10256xi32, #tpu.memory_space<vmem>>, vector<16xi32>, vector<16xi1>
      tpu.vector_store %arg10[%swap3A_349], %or3A_348 masked %and3A_344 {strides = array<i32>} : memref<10256xi32, #tpu.memory_space<vmem>>, vector<16xi32>, vector<16xi1>
      %convert_element_type3A_351 = arith.extui %and3A_344 : vector<16xi1> to vector<16xi32>
      %reduce_sum3A_352 = arith.constant true
      %reduce_sum3A_353 = vector.broadcast %reduce_sum3A_352 : i1 to vector<16xi1>
      %reduce_sum3A_354 = tpu.scan <sum>, %convert_element_type3A_351 masked %reduce_sum3A_353 : vector<16xi32>, vector<16xi1> -> vector<16xi32>
      %reduce_sum3A_355 = vector.extract %reduce_sum3A_354[15] : i32 from vector<16xi32>
      %add3A_356 = arith.addi %add3A_318, %reduce_sum3A_355 : i32
      %mul3A_357 = arith.constant 5 : i32
      %mul3A_358 = arith.muli %scan3A_284, %mul3A_357 : i32
      %add3A_359 = arith.constant 2 : i32
      %add3A_360 = arith.addi %mul3A_358, %add3A_359 : i32
      %mul3A_361 = arith.constant 16 : i32
      %mul3A_362 = arith.muli %add3A_360, %mul3A_361 : i32
      %get3A_363 = arith.index_cast %mul3A_362 : i32 to index
      %get3A_364 = tpu.vector_load %arg7[%get3A_363] {strides = array<i32>} : memref<10000xi32, #tpu.memory_space<vmem>>, vector<16xi32>,
      %get3A_365 = arith.index_cast %mul3A_362 : i32 to index
      %get3A_366 = tpu.vector_load %arg8[%get3A_365] {strides = array<i32>} : memref<10000xi32, #tpu.memory_space<vmem>>, vector<16xi32>,
      %get3A_367 = arith.index_cast %mul3A_362 : i32 to index
      %get3A_368 = tpu.vector_load %arg9[%get3A_367] {strides = array<i32>} : memref<10000xi32, #tpu.memory_space<vmem>>, vector<16xi32>,
      %ge3A_369 = arith.constant 8000 : i32
      %ge3A_370 = vector.broadcast %ge3A_369 : i32 to vector<16xi32>
      %ge3A_371 = arith.cmpi sge, %get3A_366, %ge3A_370 : vector<16xi32>
      %mul3A_372 = arith.constant 2000 : i32
      %mul3A_373 = vector.broadcast %mul3A_372 : i32 to vector<16xi32>
      %mul3A_374 = arith.muli %get3A_368, %mul3A_373 : vector<16xi32>
      %sub3A_375 = arith.constant 8000 : i32
      %sub3A_376 = vector.broadcast %sub3A_375 : i32 to vector<16xi32>
      %sub3A_377 = arith.subi %get3A_366, %sub3A_376 : vector<16xi32>
      %add3A_378 = arith.addi %mul3A_374, %sub3A_377 : vector<16xi32>
      tpu.vector_store_idx %arg27[%add3A_378], %broadcast_in_dim3A_90 masked %ge3A_371 {add = true} : memref<4000xi32, #tpu.memory_space<vmem>>[vector<16xi32>], vector<16xi32>, vector<16xi1>
      %lt3A_379 = arith.constant 8000 : i32
      %lt3A_380 = vector.broadcast %lt3A_379 : i32 to vector<16xi32>
      %lt3A_381 = arith.cmpi slt, %get3A_364, %lt3A_380 : vector<16xi32>
      %and3A_382 = arith.andi %ge3A_371, %lt3A_381 : vector<16xi1>
      %shift_left3A_383 = arith.constant 13 : i32
      %shift_left3A_384 = vector.broadcast %shift_left3A_383 : i32 to vector<16xi32>
      %shift_left3A_385 = arith.shli %add3A_378, %shift_left3A_384 : vector<16xi32>
      %or3A_386 = arith.ori %shift_left3A_385, %get3A_364 : vector<16xi32>
      %swap3A_387 = arith.index_cast %add3A_356 : i32 to index
      %swap3A_388 = tpu.vector_load %arg10[%swap3A_387] masked %and3A_382 {strides = array<i32>} : memref<10256xi32, #tpu.memory_space<vmem>>, vector<16xi32>, vector<16xi1>
      tpu.vector_store %arg10[%swap3A_387], %or3A_386 masked %and3A_382 {strides = array<i32>} : memref<10256xi32, #tpu.memory_space<vmem>>, vector<16xi32>, vector<16xi1>
      %convert_element_type3A_389 = arith.extui %and3A_382 : vector<16xi1> to vector<16xi32>
      %reduce_sum3A_390 = arith.constant true
      %reduce_sum3A_391 = vector.broadcast %reduce_sum3A_390 : i1 to vector<16xi1>
      %reduce_sum3A_392 = tpu.scan <sum>, %convert_element_type3A_389 masked %reduce_sum3A_391 : vector<16xi32>, vector<16xi1> -> vector<16xi32>
      %reduce_sum3A_393 = vector.extract %reduce_sum3A_392[15] : i32 from vector<16xi32>
      %add3A_394 = arith.addi %add3A_356, %reduce_sum3A_393 : i32
      %mul3A_395 = arith.constant 5 : i32
      %mul3A_396 = arith.muli %scan3A_284, %mul3A_395 : i32
      %add3A_397 = arith.constant 3 : i32
      %add3A_398 = arith.addi %mul3A_396, %add3A_397 : i32
      %mul3A_399 = arith.constant 16 : i32
      %mul3A_400 = arith.muli %add3A_398, %mul3A_399 : i32
      %get3A_401 = arith.index_cast %mul3A_400 : i32 to index
      %get3A_402 = tpu.vector_load %arg7[%get3A_401] {strides = array<i32>} : memref<10000xi32, #tpu.memory_space<vmem>>, vector<16xi32>,
      %get3A_403 = arith.index_cast %mul3A_400 : i32 to index
      %get3A_404 = tpu.vector_load %arg8[%get3A_403] {strides = array<i32>} : memref<10000xi32, #tpu.memory_space<vmem>>, vector<16xi32>,
      %get3A_405 = arith.index_cast %mul3A_400 : i32 to index
      %get3A_406 = tpu.vector_load %arg9[%get3A_405] {strides = array<i32>} : memref<10000xi32, #tpu.memory_space<vmem>>, vector<16xi32>,
      %ge3A_407 = arith.constant 8000 : i32
      %ge3A_408 = vector.broadcast %ge3A_407 : i32 to vector<16xi32>
      %ge3A_409 = arith.cmpi sge, %get3A_404, %ge3A_408 : vector<16xi32>
      %mul3A_410 = arith.constant 2000 : i32
      %mul3A_411 = vector.broadcast %mul3A_410 : i32 to vector<16xi32>
      %mul3A_412 = arith.muli %get3A_406, %mul3A_411 : vector<16xi32>
      %sub3A_413 = arith.constant 8000 : i32
      %sub3A_414 = vector.broadcast %sub3A_413 : i32 to vector<16xi32>
      %sub3A_415 = arith.subi %get3A_404, %sub3A_414 : vector<16xi32>
      %add3A_416 = arith.addi %mul3A_412, %sub3A_415 : vector<16xi32>
      tpu.vector_store_idx %arg27[%add3A_416], %broadcast_in_dim3A_90 masked %ge3A_409 {add = true} : memref<4000xi32, #tpu.memory_space<vmem>>[vector<16xi32>], vector<16xi32>, vector<16xi1>
      %lt3A_417 = arith.constant 8000 : i32
      %lt3A_418 = vector.broadcast %lt3A_417 : i32 to vector<16xi32>
      %lt3A_419 = arith.cmpi slt, %get3A_402, %lt3A_418 : vector<16xi32>
      %and3A_420 = arith.andi %ge3A_409, %lt3A_419 : vector<16xi1>
      %shift_left3A_421 = arith.constant 13 : i32
      %shift_left3A_422 = vector.broadcast %shift_left3A_421 : i32 to vector<16xi32>
      %shift_left3A_423 = arith.shli %add3A_416, %shift_left3A_422 : vector<16xi32>
      %or3A_424 = arith.ori %shift_left3A_423, %get3A_402 : vector<16xi32>
      %swap3A_425 = arith.index_cast %add3A_394 : i32 to index
      %swap3A_426 = tpu.vector_load %arg10[%swap3A_425] masked %and3A_420 {strides = array<i32>} : memref<10256xi32, #tpu.memory_space<vmem>>, vector<16xi32>, vector<16xi1>
      tpu.vector_store %arg10[%swap3A_425], %or3A_424 masked %and3A_420 {strides = array<i32>} : memref<10256xi32, #tpu.memory_space<vmem>>, vector<16xi32>, vector<16xi1>
      %convert_element_type3A_427 = arith.extui %and3A_420 : vector<16xi1> to vector<16xi32>
      %reduce_sum3A_428 = arith.constant true
      %reduce_sum3A_429 = vector.broadcast %reduce_sum3A_428 : i1 to vector<16xi1>
      %reduce_sum3A_430 = tpu.scan <sum>, %convert_element_type3A_427 masked %reduce_sum3A_429 : vector<16xi32>, vector<16xi1> -> vector<16xi32>
      %reduce_sum3A_431 = vector.extract %reduce_sum3A_430[15] : i32 from vector<16xi32>
      %add3A_432 = arith.addi %add3A_394, %reduce_sum3A_431 : i32
      %mul3A_433 = arith.constant 5 : i32
      %mul3A_434 = arith.muli %scan3A_284, %mul3A_433 : i32
      %add3A_435 = arith.constant 4 : i32
      %add3A_436 = arith.addi %mul3A_434, %add3A_435 : i32
      %mul3A_437 = arith.constant 16 : i32
      %mul3A_438 = arith.muli %add3A_436, %mul3A_437 : i32
      %get3A_439 = arith.index_cast %mul3A_438 : i32 to index
      %get3A_440 = tpu.vector_load %arg7[%get3A_439] {strides = array<i32>} : memref<10000xi32, #tpu.memory_space<vmem>>, vector<16xi32>,
      %get3A_441 = arith.index_cast %mul3A_438 : i32 to index
      %get3A_442 = tpu.vector_load %arg8[%get3A_441] {strides = array<i32>} : memref<10000xi32, #tpu.memory_space<vmem>>, vector<16xi32>,
      %get3A_443 = arith.index_cast %mul3A_438 : i32 to index
      %get3A_444 = tpu.vector_load %arg9[%get3A_443] {strides = array<i32>} : memref<10000xi32, #tpu.memory_space<vmem>>, vector<16xi32>,
      %ge3A_445 = arith.constant 8000 : i32
      %ge3A_446 = vector.broadcast %ge3A_445 : i32 to vector<16xi32>
      %ge3A_447 = arith.cmpi sge, %get3A_442, %ge3A_446 : vector<16xi32>
      %mul3A_448 = arith.constant 2000 : i32
      %mul3A_449 = vector.broadcast %mul3A_448 : i32 to vector<16xi32>
      %mul3A_450 = arith.muli %get3A_444, %mul3A_449 : vector<16xi32>
      %sub3A_451 = arith.constant 8000 : i32
      %sub3A_452 = vector.broadcast %sub3A_451 : i32 to vector<16xi32>
      %sub3A_453 = arith.subi %get3A_442, %sub3A_452 : vector<16xi32>
      %add3A_454 = arith.addi %mul3A_450, %sub3A_453 : vector<16xi32>
      tpu.vector_store_idx %arg27[%add3A_454], %broadcast_in_dim3A_90 masked %ge3A_447 {add = true} : memref<4000xi32, #tpu.memory_space<vmem>>[vector<16xi32>], vector<16xi32>, vector<16xi1>
      %lt3A_455 = arith.constant 8000 : i32
      %lt3A_456 = vector.broadcast %lt3A_455 : i32 to vector<16xi32>
      %lt3A_457 = arith.cmpi slt, %get3A_440, %lt3A_456 : vector<16xi32>
      %and3A_458 = arith.andi %ge3A_447, %lt3A_457 : vector<16xi1>
      %shift_left3A_459 = arith.constant 13 : i32
      %shift_left3A_460 = vector.broadcast %shift_left3A_459 : i32 to vector<16xi32>
      %shift_left3A_461 = arith.shli %add3A_454, %shift_left3A_460 : vector<16xi32>
      %or3A_462 = arith.ori %shift_left3A_461, %get3A_440 : vector<16xi32>
      %swap3A_463 = arith.index_cast %add3A_432 : i32 to index
      %swap3A_464 = tpu.vector_load %arg10[%swap3A_463] masked %and3A_458 {strides = array<i32>} : memref<10256xi32, #tpu.memory_space<vmem>>, vector<16xi32>, vector<16xi1>
      tpu.vector_store %arg10[%swap3A_463], %or3A_462 masked %and3A_458 {strides = array<i32>} : memref<10256xi32, #tpu.memory_space<vmem>>, vector<16xi32>, vector<16xi1>
      %convert_element_type3A_465 = arith.extui %and3A_458 : vector<16xi1> to vector<16xi32>
      %reduce_sum3A_466 = arith.constant true
      %reduce_sum3A_467 = vector.broadcast %reduce_sum3A_466 : i1 to vector<16xi1>
      %reduce_sum3A_468 = tpu.scan <sum>, %convert_element_type3A_465 masked %reduce_sum3A_467 : vector<16xi32>, vector<16xi1> -> vector<16xi32>
      %reduce_sum3A_469 = vector.extract %reduce_sum3A_468[15] : i32 from vector<16xi32>
      %add3A_470 = arith.addi %add3A_432, %reduce_sum3A_469 : i32
      scf.yield %add3A_470 : i32
    }
    %scan3A_97 = arith.constant 62 : i32
    %jit3A = arith.constant 128 : i32
    %div3A = arith.divsi %scan3A_96, %jit3A : i32
    %sign3A = arith.constant 0 : i32
    %sign3A_98 = arith.cmpi sgt, %scan3A_96, %sign3A : i32
    %sign3A_99 = arith.extui %sign3A_98 : i1 to i32
    %sign3A_100 = arith.constant 0 : i32
    %sign3A_101 = arith.cmpi slt, %scan3A_96, %sign3A_100 : i32
    %sign3A_102 = arith.extui %sign3A_101 : i1 to i32
    %sign3A_103 = arith.subi %sign3A_99, %sign3A_102 : i32
    %sign3A_104 = arith.constant 0 : i32
    %sign3A_105 = arith.cmpi sgt, %jit3A, %sign3A_104 : i32
    %sign3A_106 = arith.extui %sign3A_105 : i1 to i32
    %sign3A_107 = arith.constant 0 : i32
    %sign3A_108 = arith.cmpi slt, %jit3A, %sign3A_107 : i32
    %sign3A_109 = arith.extui %sign3A_108 : i1 to i32
    %sign3A_110 = arith.subi %sign3A_106, %sign3A_109 : i32
    %ne3A = arith.cmpi ne, %sign3A_103, %sign3A_110 : i32
    %rem3A = arith.remsi %scan3A_96, %jit3A : i32
    %ne3A_111 = arith.constant 0 : i32
    %ne3A_112 = arith.cmpi ne, %rem3A, %ne3A_111 : i32
    %and3A = arith.andi %ne3A, %ne3A_112 : i1
    %sub3A = arith.constant 1 : i32
    %sub3A_113 = arith.subi %div3A, %sub3A : i32
    %select_n3A = arith.select %and3A, %sub3A_113, %div3A : i32
    %gt3A = arith.constant 0 : i32
    %gt3A_114 = arith.cmpi sgt, %select_n3A, %gt3A : i32
    %convert_element_type3A = arith.extui %gt3A_114 : i1 to i32
    %cond3A = arith.constant 0 : i32
    %cond3A_115 = arith.cmpi ne, %convert_element_type3A, %cond3A : i32
    scf.if %cond3A_115 {
      %get3A = arith.constant 0 : index
      %get3A_284 = tpu.vector_load %arg10[%get3A] {strides = array<i32>} : memref<10256xi32, #tpu.memory_space<vmem>>, vector<16xi32>,
      %and3A_285 = arith.constant 8191 : i32
      %and3A_286 = vector.broadcast %and3A_285 : i32 to vector<16xi32>
      %and3A_287 = arith.andi %get3A_284, %and3A_286 : vector<16xi32>
      %swap3A = arith.constant 0 : index
      %swap3A_288 = tpu.vector_load %arg11[%swap3A] {strides = array<i32>} : memref<128xi32, #tpu.memory_space<vmem>>, vector<16xi32>,
      tpu.vector_store %arg11[%swap3A], %and3A_287 {strides = array<i32>} : memref<128xi32, #tpu.memory_space<vmem>>, vector<16xi32>,
      %shift_right_arithmetic3A = arith.constant 13 : i32
      %shift_right_arithmetic3A_289 = vector.broadcast %shift_right_arithmetic3A : i32 to vector<16xi32>
      %shift_right_arithmetic3A_290 = arith.shrsi %get3A_284, %shift_right_arithmetic3A_289 : vector<16xi32>
      %swap3A_291 = arith.constant 0 : index
      %swap3A_292 = tpu.vector_load %arg14[%swap3A_291] {strides = array<i32>} : memref<128xi32, #tpu.memory_space<vmem>>, vector<16xi32>,
      tpu.vector_store %arg14[%swap3A_291], %shift_right_arithmetic3A_290 {strides = array<i32>} : memref<128xi32, #tpu.memory_space<vmem>>, vector<16xi32>,
      %get3A_293 = arith.constant 16 : index
      %get3A_294 = tpu.vector_load %arg10[%get3A_293] {strides = array<i32>} : memref<10256xi32, #tpu.memory_space<vmem>>, vector<16xi32>,
      %and3A_295 = arith.constant 8191 : i32
      %and3A_296 = vector.broadcast %and3A_295 : i32 to vector<16xi32>
      %and3A_297 = arith.andi %get3A_294, %and3A_296 : vector<16xi32>
      %swap3A_298 = arith.constant 16 : index
      %swap3A_299 = tpu.vector_load %arg11[%swap3A_298] {strides = array<i32>} : memref<128xi32, #tpu.memory_space<vmem>>, vector<16xi32>,
      tpu.vector_store %arg11[%swap3A_298], %and3A_297 {strides = array<i32>} : memref<128xi32, #tpu.memory_space<vmem>>, vector<16xi32>,
      %shift_right_arithmetic3A_300 = arith.constant 13 : i32
      %shift_right_arithmetic3A_301 = vector.broadcast %shift_right_arithmetic3A_300 : i32 to vector<16xi32>
      %shift_right_arithmetic3A_302 = arith.shrsi %get3A_294, %shift_right_arithmetic3A_301 : vector<16xi32>
      %swap3A_303 = arith.constant 16 : index
      %swap3A_304 = tpu.vector_load %arg14[%swap3A_303] {strides = array<i32>} : memref<128xi32, #tpu.memory_space<vmem>>, vector<16xi32>,
      tpu.vector_store %arg14[%swap3A_303], %shift_right_arithmetic3A_302 {strides = array<i32>} : memref<128xi32, #tpu.memory_space<vmem>>, vector<16xi32>,
      %get3A_305 = arith.constant 32 : index
      %get3A_306 = tpu.vector_load %arg10[%get3A_305] {strides = array<i32>} : memref<10256xi32, #tpu.memory_space<vmem>>, vector<16xi32>,
      %and3A_307 = arith.constant 8191 : i32
      %and3A_308 = vector.broadcast %and3A_307 : i32 to vector<16xi32>
      %and3A_309 = arith.andi %get3A_306, %and3A_308 : vector<16xi32>
      %swap3A_310 = arith.constant 32 : index
      %swap3A_311 = tpu.vector_load %arg11[%swap3A_310] {strides = array<i32>} : memref<128xi32, #tpu.memory_space<vmem>>, vector<16xi32>,
      tpu.vector_store %arg11[%swap3A_310], %and3A_309 {strides = array<i32>} : memref<128xi32, #tpu.memory_space<vmem>>, vector<16xi32>,
      %shift_right_arithmetic3A_312 = arith.constant 13 : i32
      %shift_right_arithmetic3A_313 = vector.broadcast %shift_right_arithmetic3A_312 : i32 to vector<16xi32>
      %shift_right_arithmetic3A_314 = arith.shrsi %get3A_306, %shift_right_arithmetic3A_313 : vector<16xi32>
      %swap3A_315 = arith.constant 32 : index
      %swap3A_316 = tpu.vector_load %arg14[%swap3A_315] {strides = array<i32>} : memref<128xi32, #tpu.memory_space<vmem>>, vector<16xi32>,
      tpu.vector_store %arg14[%swap3A_315], %shift_right_arithmetic3A_314 {strides = array<i32>} : memref<128xi32, #tpu.memory_space<vmem>>, vector<16xi32>,
      %get3A_317 = arith.constant 48 : index
      %get3A_318 = tpu.vector_load %arg10[%get3A_317] {strides = array<i32>} : memref<10256xi32, #tpu.memory_space<vmem>>, vector<16xi32>,
      %and3A_319 = arith.constant 8191 : i32
      %and3A_320 = vector.broadcast %and3A_319 : i32 to vector<16xi32>
      %and3A_321 = arith.andi %get3A_318, %and3A_320 : vector<16xi32>
      %swap3A_322 = arith.constant 48 : index
      %swap3A_323 = tpu.vector_load %arg11[%swap3A_322] {strides = array<i32>} : memref<128xi32, #tpu.memory_space<vmem>>, vector<16xi32>,
      tpu.vector_store %arg11[%swap3A_322], %and3A_321 {strides = array<i32>} : memref<128xi32, #tpu.memory_space<vmem>>, vector<16xi32>,
      %shift_right_arithmetic3A_324 = arith.constant 13 : i32
      %shift_right_arithmetic3A_325 = vector.broadcast %shift_right_arithmetic3A_324 : i32 to vector<16xi32>
      %shift_right_arithmetic3A_326 = arith.shrsi %get3A_318, %shift_right_arithmetic3A_325 : vector<16xi32>
      %swap3A_327 = arith.constant 48 : index
      %swap3A_328 = tpu.vector_load %arg14[%swap3A_327] {strides = array<i32>} : memref<128xi32, #tpu.memory_space<vmem>>, vector<16xi32>,
      tpu.vector_store %arg14[%swap3A_327], %shift_right_arithmetic3A_326 {strides = array<i32>} : memref<128xi32, #tpu.memory_space<vmem>>, vector<16xi32>,
      %get3A_329 = arith.constant 64 : index
      %get3A_330 = tpu.vector_load %arg10[%get3A_329] {strides = array<i32>} : memref<10256xi32, #tpu.memory_space<vmem>>, vector<16xi32>,
      %and3A_331 = arith.constant 8191 : i32
      %and3A_332 = vector.broadcast %and3A_331 : i32 to vector<16xi32>
      %and3A_333 = arith.andi %get3A_330, %and3A_332 : vector<16xi32>
      %swap3A_334 = arith.constant 64 : index
      %swap3A_335 = tpu.vector_load %arg11[%swap3A_334] {strides = array<i32>} : memref<128xi32, #tpu.memory_space<vmem>>, vector<16xi32>,
      tpu.vector_store %arg11[%swap3A_334], %and3A_333 {strides = array<i32>} : memref<128xi32, #tpu.memory_space<vmem>>, vector<16xi32>,
      %shift_right_arithmetic3A_336 = arith.constant 13 : i32
      %shift_right_arithmetic3A_337 = vector.broadcast %shift_right_arithmetic3A_336 : i32 to vector<16xi32>
      %shift_right_arithmetic3A_338 = arith.shrsi %get3A_330, %shift_right_arithmetic3A_337 : vector<16xi32>
      %swap3A_339 = arith.constant 64 : index
      %swap3A_340 = tpu.vector_load %arg14[%swap3A_339] {strides = array<i32>} : memref<128xi32, #tpu.memory_space<vmem>>, vector<16xi32>,
      tpu.vector_store %arg14[%swap3A_339], %shift_right_arithmetic3A_338 {strides = array<i32>} : memref<128xi32, #tpu.memory_space<vmem>>, vector<16xi32>,
      %get3A_341 = arith.constant 80 : index
      %get3A_342 = tpu.vector_load %arg10[%get3A_341] {strides = array<i32>} : memref<10256xi32, #tpu.memory_space<vmem>>, vector<16xi32>,
      %and3A_343 = arith.constant 8191 : i32
      %and3A_344 = vector.broadcast %and3A_343 : i32 to vector<16xi32>
      %and3A_345 = arith.andi %get3A_342, %and3A_344 : vector<16xi32>
      %swap3A_346 = arith.constant 80 : index
      %swap3A_347 = tpu.vector_load %arg11[%swap3A_346] {strides = array<i32>} : memref<128xi32, #tpu.memory_space<vmem>>, vector<16xi32>,
      tpu.vector_store %arg11[%swap3A_346], %and3A_345 {strides = array<i32>} : memref<128xi32, #tpu.memory_space<vmem>>, vector<16xi32>,
      %shift_right_arithmetic3A_348 = arith.constant 13 : i32
      %shift_right_arithmetic3A_349 = vector.broadcast %shift_right_arithmetic3A_348 : i32 to vector<16xi32>
      %shift_right_arithmetic3A_350 = arith.shrsi %get3A_342, %shift_right_arithmetic3A_349 : vector<16xi32>
      %swap3A_351 = arith.constant 80 : index
      %swap3A_352 = tpu.vector_load %arg14[%swap3A_351] {strides = array<i32>} : memref<128xi32, #tpu.memory_space<vmem>>, vector<16xi32>,
      tpu.vector_store %arg14[%swap3A_351], %shift_right_arithmetic3A_350 {strides = array<i32>} : memref<128xi32, #tpu.memory_space<vmem>>, vector<16xi32>,
      %get3A_353 = arith.constant 96 : index
      %get3A_354 = tpu.vector_load %arg10[%get3A_353] {strides = array<i32>} : memref<10256xi32, #tpu.memory_space<vmem>>, vector<16xi32>,
      %and3A_355 = arith.constant 8191 : i32
      %and3A_356 = vector.broadcast %and3A_355 : i32 to vector<16xi32>
      %and3A_357 = arith.andi %get3A_354, %and3A_356 : vector<16xi32>
      %swap3A_358 = arith.constant 96 : index
      %swap3A_359 = tpu.vector_load %arg11[%swap3A_358] {strides = array<i32>} : memref<128xi32, #tpu.memory_space<vmem>>, vector<16xi32>,
      tpu.vector_store %arg11[%swap3A_358], %and3A_357 {strides = array<i32>} : memref<128xi32, #tpu.memory_space<vmem>>, vector<16xi32>,
      %shift_right_arithmetic3A_360 = arith.constant 13 : i32
      %shift_right_arithmetic3A_361 = vector.broadcast %shift_right_arithmetic3A_360 : i32 to vector<16xi32>
      %shift_right_arithmetic3A_362 = arith.shrsi %get3A_354, %shift_right_arithmetic3A_361 : vector<16xi32>
      %swap3A_363 = arith.constant 96 : index
      %swap3A_364 = tpu.vector_load %arg14[%swap3A_363] {strides = array<i32>} : memref<128xi32, #tpu.memory_space<vmem>>, vector<16xi32>,
      tpu.vector_store %arg14[%swap3A_363], %shift_right_arithmetic3A_362 {strides = array<i32>} : memref<128xi32, #tpu.memory_space<vmem>>, vector<16xi32>,
      %get3A_365 = arith.constant 112 : index
      %get3A_366 = tpu.vector_load %arg10[%get3A_365] {strides = array<i32>} : memref<10256xi32, #tpu.memory_space<vmem>>, vector<16xi32>,
      %and3A_367 = arith.constant 8191 : i32
      %and3A_368 = vector.broadcast %and3A_367 : i32 to vector<16xi32>
      %and3A_369 = arith.andi %get3A_366, %and3A_368 : vector<16xi32>
      %swap3A_370 = arith.constant 112 : index
      %swap3A_371 = tpu.vector_load %arg11[%swap3A_370] {strides = array<i32>} : memref<128xi32, #tpu.memory_space<vmem>>, vector<16xi32>,
      tpu.vector_store %arg11[%swap3A_370], %and3A_369 {strides = array<i32>} : memref<128xi32, #tpu.memory_space<vmem>>, vector<16xi32>,
      %shift_right_arithmetic3A_372 = arith.constant 13 : i32
      %shift_right_arithmetic3A_373 = vector.broadcast %shift_right_arithmetic3A_372 : i32 to vector<16xi32>
      %shift_right_arithmetic3A_374 = arith.shrsi %get3A_366, %shift_right_arithmetic3A_373 : vector<16xi32>
      %swap3A_375 = arith.constant 112 : index
      %swap3A_376 = tpu.vector_load %arg14[%swap3A_375] {strides = array<i32>} : memref<128xi32, #tpu.memory_space<vmem>>, vector<16xi32>,
      tpu.vector_store %arg14[%swap3A_375], %shift_right_arithmetic3A_374 {strides = array<i32>} : memref<128xi32, #tpu.memory_space<vmem>>, vector<16xi32>,
      %dma_start3A_377 = arith.constant 0 : i32
      %dma_start3A_378 = arith.constant 0 : i32
      %dma_start3A_379 = tpu.memref_slice %arg4[%dma_start3A_377, %dma_start3A_378] : memref<8000x128xf32, #tpu.memory_space<hbm>> -> memref<8000x128xf32, #tpu.memory_space<hbm>>
      tpu.enqueue_indirect_dma source(%dma_start3A_379 : memref<8000x128xf32, #tpu.memory_space<hbm>>) target(%arg17 : memref<128x128xf32, #tpu.memory_space<vmem>>) offsets(%arg11 : memref<128xi32, #tpu.memory_space<vmem>>) semaphore(%arg20 : memref<!tpu.dma_semaphore, #tpu.memory_space<semaphore_mem>>)
    } else {
    }
    %gt3A_116 = arith.constant 1 : i32
    %gt3A_117 = arith.cmpi sgt, %select_n3A, %gt3A_116 : i32
    %convert_element_type3A_118 = arith.extui %gt3A_117 : i1 to i32
    %cond3A_119 = arith.constant 0 : i32
    %cond3A_120 = arith.cmpi ne, %convert_element_type3A_118, %cond3A_119 : i32
    scf.if %cond3A_120 {
      %get3A = arith.constant 128 : index
      %get3A_284 = tpu.vector_load %arg10[%get3A] {strides = array<i32>} : memref<10256xi32, #tpu.memory_space<vmem>>, vector<16xi32>,
      %and3A_285 = arith.constant 8191 : i32
      %and3A_286 = vector.broadcast %and3A_285 : i32 to vector<16xi32>
      %and3A_287 = arith.andi %get3A_284, %and3A_286 : vector<16xi32>
      %swap3A = arith.constant 0 : index
      %swap3A_288 = tpu.vector_load %arg12[%swap3A] {strides = array<i32>} : memref<128xi32, #tpu.memory_space<vmem>>, vector<16xi32>,
      tpu.vector_store %arg12[%swap3A], %and3A_287 {strides = array<i32>} : memref<128xi32, #tpu.memory_space<vmem>>, vector<16xi32>,
      %shift_right_arithmetic3A = arith.constant 13 : i32
      %shift_right_arithmetic3A_289 = vector.broadcast %shift_right_arithmetic3A : i32 to vector<16xi32>
      %shift_right_arithmetic3A_290 = arith.shrsi %get3A_284, %shift_right_arithmetic3A_289 : vector<16xi32>
      %swap3A_291 = arith.constant 0 : index
      %swap3A_292 = tpu.vector_load %arg15[%swap3A_291] {strides = array<i32>} : memref<128xi32, #tpu.memory_space<vmem>>, vector<16xi32>,
      tpu.vector_store %arg15[%swap3A_291], %shift_right_arithmetic3A_290 {strides = array<i32>} : memref<128xi32, #tpu.memory_space<vmem>>, vector<16xi32>,
      %get3A_293 = arith.constant 144 : index
      %get3A_294 = tpu.vector_load %arg10[%get3A_293] {strides = array<i32>} : memref<10256xi32, #tpu.memory_space<vmem>>, vector<16xi32>,
      %and3A_295 = arith.constant 8191 : i32
      %and3A_296 = vector.broadcast %and3A_295 : i32 to vector<16xi32>
      %and3A_297 = arith.andi %get3A_294, %and3A_296 : vector<16xi32>
      %swap3A_298 = arith.constant 16 : index
      %swap3A_299 = tpu.vector_load %arg12[%swap3A_298] {strides = array<i32>} : memref<128xi32, #tpu.memory_space<vmem>>, vector<16xi32>,
      tpu.vector_store %arg12[%swap3A_298], %and3A_297 {strides = array<i32>} : memref<128xi32, #tpu.memory_space<vmem>>, vector<16xi32>,
      %shift_right_arithmetic3A_300 = arith.constant 13 : i32
      %shift_right_arithmetic3A_301 = vector.broadcast %shift_right_arithmetic3A_300 : i32 to vector<16xi32>
      %shift_right_arithmetic3A_302 = arith.shrsi %get3A_294, %shift_right_arithmetic3A_301 : vector<16xi32>
      %swap3A_303 = arith.constant 16 : index
      %swap3A_304 = tpu.vector_load %arg15[%swap3A_303] {strides = array<i32>} : memref<128xi32, #tpu.memory_space<vmem>>, vector<16xi32>,
      tpu.vector_store %arg15[%swap3A_303], %shift_right_arithmetic3A_302 {strides = array<i32>} : memref<128xi32, #tpu.memory_space<vmem>>, vector<16xi32>,
      %get3A_305 = arith.constant 160 : index
      %get3A_306 = tpu.vector_load %arg10[%get3A_305] {strides = array<i32>} : memref<10256xi32, #tpu.memory_space<vmem>>, vector<16xi32>,
      %and3A_307 = arith.constant 8191 : i32
      %and3A_308 = vector.broadcast %and3A_307 : i32 to vector<16xi32>
      %and3A_309 = arith.andi %get3A_306, %and3A_308 : vector<16xi32>
      %swap3A_310 = arith.constant 32 : index
      %swap3A_311 = tpu.vector_load %arg12[%swap3A_310] {strides = array<i32>} : memref<128xi32, #tpu.memory_space<vmem>>, vector<16xi32>,
      tpu.vector_store %arg12[%swap3A_310], %and3A_309 {strides = array<i32>} : memref<128xi32, #tpu.memory_space<vmem>>, vector<16xi32>,
      %shift_right_arithmetic3A_312 = arith.constant 13 : i32
      %shift_right_arithmetic3A_313 = vector.broadcast %shift_right_arithmetic3A_312 : i32 to vector<16xi32>
      %shift_right_arithmetic3A_314 = arith.shrsi %get3A_306, %shift_right_arithmetic3A_313 : vector<16xi32>
      %swap3A_315 = arith.constant 32 : index
      %swap3A_316 = tpu.vector_load %arg15[%swap3A_315] {strides = array<i32>} : memref<128xi32, #tpu.memory_space<vmem>>, vector<16xi32>,
      tpu.vector_store %arg15[%swap3A_315], %shift_right_arithmetic3A_314 {strides = array<i32>} : memref<128xi32, #tpu.memory_space<vmem>>, vector<16xi32>,
      %get3A_317 = arith.constant 176 : index
      %get3A_318 = tpu.vector_load %arg10[%get3A_317] {strides = array<i32>} : memref<10256xi32, #tpu.memory_space<vmem>>, vector<16xi32>,
      %and3A_319 = arith.constant 8191 : i32
      %and3A_320 = vector.broadcast %and3A_319 : i32 to vector<16xi32>
      %and3A_321 = arith.andi %get3A_318, %and3A_320 : vector<16xi32>
      %swap3A_322 = arith.constant 48 : index
      %swap3A_323 = tpu.vector_load %arg12[%swap3A_322] {strides = array<i32>} : memref<128xi32, #tpu.memory_space<vmem>>, vector<16xi32>,
      tpu.vector_store %arg12[%swap3A_322], %and3A_321 {strides = array<i32>} : memref<128xi32, #tpu.memory_space<vmem>>, vector<16xi32>,
      %shift_right_arithmetic3A_324 = arith.constant 13 : i32
      %shift_right_arithmetic3A_325 = vector.broadcast %shift_right_arithmetic3A_324 : i32 to vector<16xi32>
      %shift_right_arithmetic3A_326 = arith.shrsi %get3A_318, %shift_right_arithmetic3A_325 : vector<16xi32>
      %swap3A_327 = arith.constant 48 : index
      %swap3A_328 = tpu.vector_load %arg15[%swap3A_327] {strides = array<i32>} : memref<128xi32, #tpu.memory_space<vmem>>, vector<16xi32>,
      tpu.vector_store %arg15[%swap3A_327], %shift_right_arithmetic3A_326 {strides = array<i32>} : memref<128xi32, #tpu.memory_space<vmem>>, vector<16xi32>,
      %get3A_329 = arith.constant 192 : index
      %get3A_330 = tpu.vector_load %arg10[%get3A_329] {strides = array<i32>} : memref<10256xi32, #tpu.memory_space<vmem>>, vector<16xi32>,
      %and3A_331 = arith.constant 8191 : i32
      %and3A_332 = vector.broadcast %and3A_331 : i32 to vector<16xi32>
      %and3A_333 = arith.andi %get3A_330, %and3A_332 : vector<16xi32>
      %swap3A_334 = arith.constant 64 : index
      %swap3A_335 = tpu.vector_load %arg12[%swap3A_334] {strides = array<i32>} : memref<128xi32, #tpu.memory_space<vmem>>, vector<16xi32>,
      tpu.vector_store %arg12[%swap3A_334], %and3A_333 {strides = array<i32>} : memref<128xi32, #tpu.memory_space<vmem>>, vector<16xi32>,
      %shift_right_arithmetic3A_336 = arith.constant 13 : i32
      %shift_right_arithmetic3A_337 = vector.broadcast %shift_right_arithmetic3A_336 : i32 to vector<16xi32>
      %shift_right_arithmetic3A_338 = arith.shrsi %get3A_330, %shift_right_arithmetic3A_337 : vector<16xi32>
      %swap3A_339 = arith.constant 64 : index
      %swap3A_340 = tpu.vector_load %arg15[%swap3A_339] {strides = array<i32>} : memref<128xi32, #tpu.memory_space<vmem>>, vector<16xi32>,
      tpu.vector_store %arg15[%swap3A_339], %shift_right_arithmetic3A_338 {strides = array<i32>} : memref<128xi32, #tpu.memory_space<vmem>>, vector<16xi32>,
      %get3A_341 = arith.constant 208 : index
      %get3A_342 = tpu.vector_load %arg10[%get3A_341] {strides = array<i32>} : memref<10256xi32, #tpu.memory_space<vmem>>, vector<16xi32>,
      %and3A_343 = arith.constant 8191 : i32
      %and3A_344 = vector.broadcast %and3A_343 : i32 to vector<16xi32>
      %and3A_345 = arith.andi %get3A_342, %and3A_344 : vector<16xi32>
      %swap3A_346 = arith.constant 80 : index
      %swap3A_347 = tpu.vector_load %arg12[%swap3A_346] {strides = array<i32>} : memref<128xi32, #tpu.memory_space<vmem>>, vector<16xi32>,
      tpu.vector_store %arg12[%swap3A_346], %and3A_345 {strides = array<i32>} : memref<128xi32, #tpu.memory_space<vmem>>, vector<16xi32>,
      %shift_right_arithmetic3A_348 = arith.constant 13 : i32
      %shift_right_arithmetic3A_349 = vector.broadcast %shift_right_arithmetic3A_348 : i32 to vector<16xi32>
      %shift_right_arithmetic3A_350 = arith.shrsi %get3A_342, %shift_right_arithmetic3A_349 : vector<16xi32>
      %swap3A_351 = arith.constant 80 : index
      %swap3A_352 = tpu.vector_load %arg15[%swap3A_351] {strides = array<i32>} : memref<128xi32, #tpu.memory_space<vmem>>, vector<16xi32>,
      tpu.vector_store %arg15[%swap3A_351], %shift_right_arithmetic3A_350 {strides = array<i32>} : memref<128xi32, #tpu.memory_space<vmem>>, vector<16xi32>,
      %get3A_353 = arith.constant 224 : index
      %get3A_354 = tpu.vector_load %arg10[%get3A_353] {strides = array<i32>} : memref<10256xi32, #tpu.memory_space<vmem>>, vector<16xi32>,
      %and3A_355 = arith.constant 8191 : i32
      %and3A_356 = vector.broadcast %and3A_355 : i32 to vector<16xi32>
      %and3A_357 = arith.andi %get3A_354, %and3A_356 : vector<16xi32>
      %swap3A_358 = arith.constant 96 : index
      %swap3A_359 = tpu.vector_load %arg12[%swap3A_358] {strides = array<i32>} : memref<128xi32, #tpu.memory_space<vmem>>, vector<16xi32>,
      tpu.vector_store %arg12[%swap3A_358], %and3A_357 {strides = array<i32>} : memref<128xi32, #tpu.memory_space<vmem>>, vector<16xi32>,
      %shift_right_arithmetic3A_360 = arith.constant 13 : i32
      %shift_right_arithmetic3A_361 = vector.broadcast %shift_right_arithmetic3A_360 : i32 to vector<16xi32>
      %shift_right_arithmetic3A_362 = arith.shrsi %get3A_354, %shift_right_arithmetic3A_361 : vector<16xi32>
      %swap3A_363 = arith.constant 96 : index
      %swap3A_364 = tpu.vector_load %arg15[%swap3A_363] {strides = array<i32>} : memref<128xi32, #tpu.memory_space<vmem>>, vector<16xi32>,
      tpu.vector_store %arg15[%swap3A_363], %shift_right_arithmetic3A_362 {strides = array<i32>} : memref<128xi32, #tpu.memory_space<vmem>>, vector<16xi32>,
      %get3A_365 = arith.constant 240 : index
      %get3A_366 = tpu.vector_load %arg10[%get3A_365] {strides = array<i32>} : memref<10256xi32, #tpu.memory_space<vmem>>, vector<16xi32>,
      %and3A_367 = arith.constant 8191 : i32
      %and3A_368 = vector.broadcast %and3A_367 : i32 to vector<16xi32>
      %and3A_369 = arith.andi %get3A_366, %and3A_368 : vector<16xi32>
      %swap3A_370 = arith.constant 112 : index
      %swap3A_371 = tpu.vector_load %arg12[%swap3A_370] {strides = array<i32>} : memref<128xi32, #tpu.memory_space<vmem>>, vector<16xi32>,
      tpu.vector_store %arg12[%swap3A_370], %and3A_369 {strides = array<i32>} : memref<128xi32, #tpu.memory_space<vmem>>, vector<16xi32>,
      %shift_right_arithmetic3A_372 = arith.constant 13 : i32
      %shift_right_arithmetic3A_373 = vector.broadcast %shift_right_arithmetic3A_372 : i32 to vector<16xi32>
      %shift_right_arithmetic3A_374 = arith.shrsi %get3A_366, %shift_right_arithmetic3A_373 : vector<16xi32>
      %swap3A_375 = arith.constant 112 : index
      %swap3A_376 = tpu.vector_load %arg15[%swap3A_375] {strides = array<i32>} : memref<128xi32, #tpu.memory_space<vmem>>, vector<16xi32>,
      tpu.vector_store %arg15[%swap3A_375], %shift_right_arithmetic3A_374 {strides = array<i32>} : memref<128xi32, #tpu.memory_space<vmem>>, vector<16xi32>,
      %dma_start3A_377 = arith.constant 0 : i32
      %dma_start3A_378 = arith.constant 0 : i32
      %dma_start3A_379 = tpu.memref_slice %arg4[%dma_start3A_377, %dma_start3A_378] : memref<8000x128xf32, #tpu.memory_space<hbm>> -> memref<8000x128xf32, #tpu.memory_space<hbm>>
      tpu.enqueue_indirect_dma source(%dma_start3A_379 : memref<8000x128xf32, #tpu.memory_space<hbm>>) target(%arg18 : memref<128x128xf32, #tpu.memory_space<vmem>>) offsets(%arg12 : memref<128xi32, #tpu.memory_space<vmem>>) semaphore(%arg21 : memref<!tpu.dma_semaphore, #tpu.memory_space<semaphore_mem>>)
    } else {
    }
    %gt3A_121 = arith.constant 2 : i32
    %gt3A_122 = arith.cmpi sgt, %select_n3A, %gt3A_121 : i32
    %convert_element_type3A_123 = arith.extui %gt3A_122 : i1 to i32
    %cond3A_124 = arith.constant 0 : i32
    %cond3A_125 = arith.cmpi ne, %convert_element_type3A_123, %cond3A_124 : i32
    scf.if %cond3A_125 {
      %get3A = arith.constant 256 : index
      %get3A_284 = tpu.vector_load %arg10[%get3A] {strides = array<i32>} : memref<10256xi32, #tpu.memory_space<vmem>>, vector<16xi32>,
      %and3A_285 = arith.constant 8191 : i32
      %and3A_286 = vector.broadcast %and3A_285 : i32 to vector<16xi32>
      %and3A_287 = arith.andi %get3A_284, %and3A_286 : vector<16xi32>
      %swap3A = arith.constant 0 : index
      %swap3A_288 = tpu.vector_load %arg13[%swap3A] {strides = array<i32>} : memref<128xi32, #tpu.memory_space<vmem>>, vector<16xi32>,
      tpu.vector_store %arg13[%swap3A], %and3A_287 {strides = array<i32>} : memref<128xi32, #tpu.memory_space<vmem>>, vector<16xi32>,
      %shift_right_arithmetic3A = arith.constant 13 : i32
      %shift_right_arithmetic3A_289 = vector.broadcast %shift_right_arithmetic3A : i32 to vector<16xi32>
      %shift_right_arithmetic3A_290 = arith.shrsi %get3A_284, %shift_right_arithmetic3A_289 : vector<16xi32>
      %swap3A_291 = arith.constant 0 : index
      %swap3A_292 = tpu.vector_load %arg16[%swap3A_291] {strides = array<i32>} : memref<128xi32, #tpu.memory_space<vmem>>, vector<16xi32>,
      tpu.vector_store %arg16[%swap3A_291], %shift_right_arithmetic3A_290 {strides = array<i32>} : memref<128xi32, #tpu.memory_space<vmem>>, vector<16xi32>,
      %get3A_293 = arith.constant 272 : index
      %get3A_294 = tpu.vector_load %arg10[%get3A_293] {strides = array<i32>} : memref<10256xi32, #tpu.memory_space<vmem>>, vector<16xi32>,
      %and3A_295 = arith.constant 8191 : i32
      %and3A_296 = vector.broadcast %and3A_295 : i32 to vector<16xi32>
      %and3A_297 = arith.andi %get3A_294, %and3A_296 : vector<16xi32>
      %swap3A_298 = arith.constant 16 : index
      %swap3A_299 = tpu.vector_load %arg13[%swap3A_298] {strides = array<i32>} : memref<128xi32, #tpu.memory_space<vmem>>, vector<16xi32>,
      tpu.vector_store %arg13[%swap3A_298], %and3A_297 {strides = array<i32>} : memref<128xi32, #tpu.memory_space<vmem>>, vector<16xi32>,
      %shift_right_arithmetic3A_300 = arith.constant 13 : i32
      %shift_right_arithmetic3A_301 = vector.broadcast %shift_right_arithmetic3A_300 : i32 to vector<16xi32>
      %shift_right_arithmetic3A_302 = arith.shrsi %get3A_294, %shift_right_arithmetic3A_301 : vector<16xi32>
      %swap3A_303 = arith.constant 16 : index
      %swap3A_304 = tpu.vector_load %arg16[%swap3A_303] {strides = array<i32>} : memref<128xi32, #tpu.memory_space<vmem>>, vector<16xi32>,
      tpu.vector_store %arg16[%swap3A_303], %shift_right_arithmetic3A_302 {strides = array<i32>} : memref<128xi32, #tpu.memory_space<vmem>>, vector<16xi32>,
      %get3A_305 = arith.constant 288 : index
      %get3A_306 = tpu.vector_load %arg10[%get3A_305] {strides = array<i32>} : memref<10256xi32, #tpu.memory_space<vmem>>, vector<16xi32>,
      %and3A_307 = arith.constant 8191 : i32
      %and3A_308 = vector.broadcast %and3A_307 : i32 to vector<16xi32>
      %and3A_309 = arith.andi %get3A_306, %and3A_308 : vector<16xi32>
      %swap3A_310 = arith.constant 32 : index
      %swap3A_311 = tpu.vector_load %arg13[%swap3A_310] {strides = array<i32>} : memref<128xi32, #tpu.memory_space<vmem>>, vector<16xi32>,
      tpu.vector_store %arg13[%swap3A_310], %and3A_309 {strides = array<i32>} : memref<128xi32, #tpu.memory_space<vmem>>, vector<16xi32>,
      %shift_right_arithmetic3A_312 = arith.constant 13 : i32
      %shift_right_arithmetic3A_313 = vector.broadcast %shift_right_arithmetic3A_312 : i32 to vector<16xi32>
      %shift_right_arithmetic3A_314 = arith.shrsi %get3A_306, %shift_right_arithmetic3A_313 : vector<16xi32>
      %swap3A_315 = arith.constant 32 : index
      %swap3A_316 = tpu.vector_load %arg16[%swap3A_315] {strides = array<i32>} : memref<128xi32, #tpu.memory_space<vmem>>, vector<16xi32>,
      tpu.vector_store %arg16[%swap3A_315], %shift_right_arithmetic3A_314 {strides = array<i32>} : memref<128xi32, #tpu.memory_space<vmem>>, vector<16xi32>,
      %get3A_317 = arith.constant 304 : index
      %get3A_318 = tpu.vector_load %arg10[%get3A_317] {strides = array<i32>} : memref<10256xi32, #tpu.memory_space<vmem>>, vector<16xi32>,
      %and3A_319 = arith.constant 8191 : i32
      %and3A_320 = vector.broadcast %and3A_319 : i32 to vector<16xi32>
      %and3A_321 = arith.andi %get3A_318, %and3A_320 : vector<16xi32>
      %swap3A_322 = arith.constant 48 : index
      %swap3A_323 = tpu.vector_load %arg13[%swap3A_322] {strides = array<i32>} : memref<128xi32, #tpu.memory_space<vmem>>, vector<16xi32>,
      tpu.vector_store %arg13[%swap3A_322], %and3A_321 {strides = array<i32>} : memref<128xi32, #tpu.memory_space<vmem>>, vector<16xi32>,
      %shift_right_arithmetic3A_324 = arith.constant 13 : i32
      %shift_right_arithmetic3A_325 = vector.broadcast %shift_right_arithmetic3A_324 : i32 to vector<16xi32>
      %shift_right_arithmetic3A_326 = arith.shrsi %get3A_318, %shift_right_arithmetic3A_325 : vector<16xi32>
      %swap3A_327 = arith.constant 48 : index
      %swap3A_328 = tpu.vector_load %arg16[%swap3A_327] {strides = array<i32>} : memref<128xi32, #tpu.memory_space<vmem>>, vector<16xi32>,
      tpu.vector_store %arg16[%swap3A_327], %shift_right_arithmetic3A_326 {strides = array<i32>} : memref<128xi32, #tpu.memory_space<vmem>>, vector<16xi32>,
      %get3A_329 = arith.constant 320 : index
      %get3A_330 = tpu.vector_load %arg10[%get3A_329] {strides = array<i32>} : memref<10256xi32, #tpu.memory_space<vmem>>, vector<16xi32>,
      %and3A_331 = arith.constant 8191 : i32
      %and3A_332 = vector.broadcast %and3A_331 : i32 to vector<16xi32>
      %and3A_333 = arith.andi %get3A_330, %and3A_332 : vector<16xi32>
      %swap3A_334 = arith.constant 64 : index
      %swap3A_335 = tpu.vector_load %arg13[%swap3A_334] {strides = array<i32>} : memref<128xi32, #tpu.memory_space<vmem>>, vector<16xi32>,
      tpu.vector_store %arg13[%swap3A_334], %and3A_333 {strides = array<i32>} : memref<128xi32, #tpu.memory_space<vmem>>, vector<16xi32>,
      %shift_right_arithmetic3A_336 = arith.constant 13 : i32
      %shift_right_arithmetic3A_337 = vector.broadcast %shift_right_arithmetic3A_336 : i32 to vector<16xi32>
      %shift_right_arithmetic3A_338 = arith.shrsi %get3A_330, %shift_right_arithmetic3A_337 : vector<16xi32>
      %swap3A_339 = arith.constant 64 : index
      %swap3A_340 = tpu.vector_load %arg16[%swap3A_339] {strides = array<i32>} : memref<128xi32, #tpu.memory_space<vmem>>, vector<16xi32>,
      tpu.vector_store %arg16[%swap3A_339], %shift_right_arithmetic3A_338 {strides = array<i32>} : memref<128xi32, #tpu.memory_space<vmem>>, vector<16xi32>,
      %get3A_341 = arith.constant 336 : index
      %get3A_342 = tpu.vector_load %arg10[%get3A_341] {strides = array<i32>} : memref<10256xi32, #tpu.memory_space<vmem>>, vector<16xi32>,
      %and3A_343 = arith.constant 8191 : i32
      %and3A_344 = vector.broadcast %and3A_343 : i32 to vector<16xi32>
      %and3A_345 = arith.andi %get3A_342, %and3A_344 : vector<16xi32>
      %swap3A_346 = arith.constant 80 : index
      %swap3A_347 = tpu.vector_load %arg13[%swap3A_346] {strides = array<i32>} : memref<128xi32, #tpu.memory_space<vmem>>, vector<16xi32>,
      tpu.vector_store %arg13[%swap3A_346], %and3A_345 {strides = array<i32>} : memref<128xi32, #tpu.memory_space<vmem>>, vector<16xi32>,
      %shift_right_arithmetic3A_348 = arith.constant 13 : i32
      %shift_right_arithmetic3A_349 = vector.broadcast %shift_right_arithmetic3A_348 : i32 to vector<16xi32>
      %shift_right_arithmetic3A_350 = arith.shrsi %get3A_342, %shift_right_arithmetic3A_349 : vector<16xi32>
      %swap3A_351 = arith.constant 80 : index
      %swap3A_352 = tpu.vector_load %arg16[%swap3A_351] {strides = array<i32>} : memref<128xi32, #tpu.memory_space<vmem>>, vector<16xi32>,
      tpu.vector_store %arg16[%swap3A_351], %shift_right_arithmetic3A_350 {strides = array<i32>} : memref<128xi32, #tpu.memory_space<vmem>>, vector<16xi32>,
      %get3A_353 = arith.constant 352 : index
      %get3A_354 = tpu.vector_load %arg10[%get3A_353] {strides = array<i32>} : memref<10256xi32, #tpu.memory_space<vmem>>, vector<16xi32>,
      %and3A_355 = arith.constant 8191 : i32
      %and3A_356 = vector.broadcast %and3A_355 : i32 to vector<16xi32>
      %and3A_357 = arith.andi %get3A_354, %and3A_356 : vector<16xi32>
      %swap3A_358 = arith.constant 96 : index
      %swap3A_359 = tpu.vector_load %arg13[%swap3A_358] {strides = array<i32>} : memref<128xi32, #tpu.memory_space<vmem>>, vector<16xi32>,
      tpu.vector_store %arg13[%swap3A_358], %and3A_357 {strides = array<i32>} : memref<128xi32, #tpu.memory_space<vmem>>, vector<16xi32>,
      %shift_right_arithmetic3A_360 = arith.constant 13 : i32
      %shift_right_arithmetic3A_361 = vector.broadcast %shift_right_arithmetic3A_360 : i32 to vector<16xi32>
      %shift_right_arithmetic3A_362 = arith.shrsi %get3A_354, %shift_right_arithmetic3A_361 : vector<16xi32>
      %swap3A_363 = arith.constant 96 : index
      %swap3A_364 = tpu.vector_load %arg16[%swap3A_363] {strides = array<i32>} : memref<128xi32, #tpu.memory_space<vmem>>, vector<16xi32>,
      tpu.vector_store %arg16[%swap3A_363], %shift_right_arithmetic3A_362 {strides = array<i32>} : memref<128xi32, #tpu.memory_space<vmem>>, vector<16xi32>,
      %get3A_365 = arith.constant 368 : index
      %get3A_366 = tpu.vector_load %arg10[%get3A_365] {strides = array<i32>} : memref<10256xi32, #tpu.memory_space<vmem>>, vector<16xi32>,
      %and3A_367 = arith.constant 8191 : i32
      %and3A_368 = vector.broadcast %and3A_367 : i32 to vector<16xi32>
      %and3A_369 = arith.andi %get3A_366, %and3A_368 : vector<16xi32>
      %swap3A_370 = arith.constant 112 : index
      %swap3A_371 = tpu.vector_load %arg13[%swap3A_370] {strides = array<i32>} : memref<128xi32, #tpu.memory_space<vmem>>, vector<16xi32>,
      tpu.vector_store %arg13[%swap3A_370], %and3A_369 {strides = array<i32>} : memref<128xi32, #tpu.memory_space<vmem>>, vector<16xi32>,
      %shift_right_arithmetic3A_372 = arith.constant 13 : i32
      %shift_right_arithmetic3A_373 = vector.broadcast %shift_right_arithmetic3A_372 : i32 to vector<16xi32>
      %shift_right_arithmetic3A_374 = arith.shrsi %get3A_366, %shift_right_arithmetic3A_373 : vector<16xi32>
      %swap3A_375 = arith.constant 112 : index
      %swap3A_376 = tpu.vector_load %arg16[%swap3A_375] {strides = array<i32>} : memref<128xi32, #tpu.memory_space<vmem>>, vector<16xi32>,
      tpu.vector_store %arg16[%swap3A_375], %shift_right_arithmetic3A_374 {strides = array<i32>} : memref<128xi32, #tpu.memory_space<vmem>>, vector<16xi32>,
      %dma_start3A_377 = arith.constant 0 : i32
      %dma_start3A_378 = arith.constant 0 : i32
      %dma_start3A_379 = tpu.memref_slice %arg4[%dma_start3A_377, %dma_start3A_378] : memref<8000x128xf32, #tpu.memory_space<hbm>> -> memref<8000x128xf32, #tpu.memory_space<hbm>>
      tpu.enqueue_indirect_dma source(%dma_start3A_379 : memref<8000x128xf32, #tpu.memory_space<hbm>>) target(%arg19 : memref<128x128xf32, #tpu.memory_space<vmem>>) offsets(%arg13 : memref<128xi32, #tpu.memory_space<vmem>>) semaphore(%arg22 : memref<!tpu.dma_semaphore, #tpu.memory_space<semaphore_mem>>)
    } else {
    }
    %add3A_126 = arith.constant 5000 : i32
    %add3A_127 = arith.addi %mul3A_2, %add3A_126 : i32
    %dma_wait3A_128 = arith.constant 5000 : i32
    %dma_wait3A_129 = tpu.memref_slice %arg7[%dma_wait3A_128] : memref<10000xi32, #tpu.memory_space<vmem>> -> memref<5000xi32, #tpu.memory_space<vmem>>
    %dma_wait3A_130 = tpu.memref_slice %arg2[%add3A_127] : memref<640000xi32, #tpu.memory_space<hbm>> -> memref<5000xi32, #tpu.memory_space<hbm>>
    %dma_wait3A_131 = arith.constant 5000 : i32
    %dma_wait3A_132 = tpu.memref_slice %arg7[%dma_wait3A_131] : memref<10000xi32, #tpu.memory_space<vmem>> -> memref<5000xi32, #tpu.memory_space<vmem>>
    %dma_wait3A_133 = tpu.memref_slice %arg2[%add3A_127] : memref<640000xi32, #tpu.memory_space<hbm>> -> memref<5000xi32, #tpu.memory_space<hbm>>
    tpu.wait_dma2 semaphore(%arg23 : memref<!tpu.dma_semaphore, #tpu.memory_space<semaphore_mem>>) src(%dma_wait3A_133 : memref<5000xi32, #tpu.memory_space<hbm>>) dst(%dma_wait3A_132 : memref<5000xi32, #tpu.memory_space<vmem>>)
    %add3A_134 = arith.constant 320000 : i32
    %add3A_135 = arith.addi %add3A_134, %mul3A_2 : i32
    %add3A_136 = arith.constant 5000 : i32
    %add3A_137 = arith.addi %add3A_135, %add3A_136 : i32
    %dma_wait3A_138 = arith.constant 5000 : i32
    %dma_wait3A_139 = tpu.memref_slice %arg8[%dma_wait3A_138] : memref<10000xi32, #tpu.memory_space<vmem>> -> memref<5000xi32, #tpu.memory_space<vmem>>
    %dma_wait3A_140 = tpu.memref_slice %arg2[%add3A_137] : memref<640000xi32, #tpu.memory_space<hbm>> -> memref<5000xi32, #tpu.memory_space<hbm>>
    %dma_wait3A_141 = arith.constant 5000 : i32
    %dma_wait3A_142 = tpu.memref_slice %arg8[%dma_wait3A_141] : memref<10000xi32, #tpu.memory_space<vmem>> -> memref<5000xi32, #tpu.memory_space<vmem>>
    %dma_wait3A_143 = tpu.memref_slice %arg2[%add3A_137] : memref<640000xi32, #tpu.memory_space<hbm>> -> memref<5000xi32, #tpu.memory_space<hbm>>
    tpu.wait_dma2 semaphore(%arg24 : memref<!tpu.dma_semaphore, #tpu.memory_space<semaphore_mem>>) src(%dma_wait3A_143 : memref<5000xi32, #tpu.memory_space<hbm>>) dst(%dma_wait3A_142 : memref<5000xi32, #tpu.memory_space<vmem>>)
    %add3A_144 = arith.constant 5000 : i32
    %add3A_145 = arith.addi %mul3A_2, %add3A_144 : i32
    %dma_wait3A_146 = arith.constant 5000 : i32
    %dma_wait3A_147 = tpu.memref_slice %arg9[%dma_wait3A_146] : memref<10000xi32, #tpu.memory_space<vmem>> -> memref<5000xi32, #tpu.memory_space<vmem>>
    %dma_wait3A_148 = tpu.memref_slice %arg3[%add3A_145] : memref<320000xi32, #tpu.memory_space<hbm>> -> memref<5000xi32, #tpu.memory_space<hbm>>
    %dma_wait3A_149 = arith.constant 5000 : i32
    %dma_wait3A_150 = tpu.memref_slice %arg9[%dma_wait3A_149] : memref<10000xi32, #tpu.memory_space<vmem>> -> memref<5000xi32, #tpu.memory_space<vmem>>
    %dma_wait3A_151 = tpu.memref_slice %arg3[%add3A_145] : memref<320000xi32, #tpu.memory_space<hbm>> -> memref<5000xi32, #tpu.memory_space<hbm>>
    tpu.wait_dma2 semaphore(%arg25 : memref<!tpu.dma_semaphore, #tpu.memory_space<semaphore_mem>>) src(%dma_wait3A_151 : memref<5000xi32, #tpu.memory_space<hbm>>) dst(%dma_wait3A_150 : memref<5000xi32, #tpu.memory_space<vmem>>)
    %scan3A_152 = arith.constant 62 : i32
    %scan3A_153 = arith.constant 63 : i32
    %scan3A_154 = arith.addi %scan3A_152, %scan3A_153 : i32
    %scan3A_155 = arith.constant 1 : i32
    %scan3A_156 = scf.for %scan3A_284 = %scan3A_152 to %scan3A_154 step %scan3A_155 iter_args(%scan3A_285 = %scan3A_96) -> (i32)  : i32 {
      %mul3A_286 = arith.constant 5 : i32
      %mul3A_287 = arith.muli %scan3A_284, %mul3A_286 : i32
      %add3A_288 = arith.constant 0 : i32
      %add3A_289 = arith.addi %mul3A_287, %add3A_288 : i32
      %mul3A_290 = arith.constant 16 : i32
      %mul3A_291 = arith.muli %add3A_289, %mul3A_290 : i32
      %get3A = arith.index_cast %mul3A_291 : i32 to index
      %get3A_292 = tpu.vector_load %arg7[%get3A] {strides = array<i32>} : memref<10000xi32, #tpu.memory_space<vmem>>, vector<16xi32>,
      %get3A_293 = arith.index_cast %mul3A_291 : i32 to index
      %get3A_294 = tpu.vector_load %arg8[%get3A_293] {strides = array<i32>} : memref<10000xi32, #tpu.memory_space<vmem>>, vector<16xi32>,
      %get3A_295 = arith.index_cast %mul3A_291 : i32 to index
      %get3A_296 = tpu.vector_load %arg9[%get3A_295] {strides = array<i32>} : memref<10000xi32, #tpu.memory_space<vmem>>, vector<16xi32>,
      %ge3A = arith.constant 8000 : i32
      %ge3A_297 = vector.broadcast %ge3A : i32 to vector<16xi32>
      %ge3A_298 = arith.cmpi sge, %get3A_294, %ge3A_297 : vector<16xi32>
      %mul3A_299 = arith.constant 2000 : i32
      %mul3A_300 = vector.broadcast %mul3A_299 : i32 to vector<16xi32>
      %mul3A_301 = arith.muli %get3A_296, %mul3A_300 : vector<16xi32>
      %sub3A_302 = arith.constant 8000 : i32
      %sub3A_303 = vector.broadcast %sub3A_302 : i32 to vector<16xi32>
      %sub3A_304 = arith.subi %get3A_294, %sub3A_303 : vector<16xi32>
      %add3A_305 = arith.addi %mul3A_301, %sub3A_304 : vector<16xi32>
      tpu.vector_store_idx %arg27[%add3A_305], %broadcast_in_dim3A_90 masked %ge3A_298 {add = true} : memref<4000xi32, #tpu.memory_space<vmem>>[vector<16xi32>], vector<16xi32>, vector<16xi1>
      %lt3A = arith.constant 8000 : i32
      %lt3A_306 = vector.broadcast %lt3A : i32 to vector<16xi32>
      %lt3A_307 = arith.cmpi slt, %get3A_292, %lt3A_306 : vector<16xi32>
      %and3A_308 = arith.andi %ge3A_298, %lt3A_307 : vector<16xi1>
      %shift_left3A_309 = arith.constant 13 : i32
      %shift_left3A_310 = vector.broadcast %shift_left3A_309 : i32 to vector<16xi32>
      %shift_left3A_311 = arith.shli %add3A_305, %shift_left3A_310 : vector<16xi32>
      %or3A_312 = arith.ori %shift_left3A_311, %get3A_292 : vector<16xi32>
      %swap3A = arith.index_cast %scan3A_285 : i32 to index
      %swap3A_313 = tpu.vector_load %arg10[%swap3A] masked %and3A_308 {strides = array<i32>} : memref<10256xi32, #tpu.memory_space<vmem>>, vector<16xi32>, vector<16xi1>
      tpu.vector_store %arg10[%swap3A], %or3A_312 masked %and3A_308 {strides = array<i32>} : memref<10256xi32, #tpu.memory_space<vmem>>, vector<16xi32>, vector<16xi1>
      %convert_element_type3A_314 = arith.extui %and3A_308 : vector<16xi1> to vector<16xi32>
      %reduce_sum3A = arith.constant true
      %reduce_sum3A_315 = vector.broadcast %reduce_sum3A : i1 to vector<16xi1>
      %reduce_sum3A_316 = tpu.scan <sum>, %convert_element_type3A_314 masked %reduce_sum3A_315 : vector<16xi32>, vector<16xi1> -> vector<16xi32>
      %reduce_sum3A_317 = vector.extract %reduce_sum3A_316[15] : i32 from vector<16xi32>
      %add3A_318 = arith.addi %scan3A_285, %reduce_sum3A_317 : i32
      %mul3A_319 = arith.constant 5 : i32
      %mul3A_320 = arith.muli %scan3A_284, %mul3A_319 : i32
      %add3A_321 = arith.constant 1 : i32
      %add3A_322 = arith.addi %mul3A_320, %add3A_321 : i32
      %mul3A_323 = arith.constant 16 : i32
      %mul3A_324 = arith.muli %add3A_322, %mul3A_323 : i32
      %get3A_325 = arith.index_cast %mul3A_324 : i32 to index
      %get3A_326 = tpu.vector_load %arg7[%get3A_325] {strides = array<i32>} : memref<10000xi32, #tpu.memory_space<vmem>>, vector<16xi32>,
      %get3A_327 = arith.index_cast %mul3A_324 : i32 to index
      %get3A_328 = tpu.vector_load %arg8[%get3A_327] {strides = array<i32>} : memref<10000xi32, #tpu.memory_space<vmem>>, vector<16xi32>,
      %get3A_329 = arith.index_cast %mul3A_324 : i32 to index
      %get3A_330 = tpu.vector_load %arg9[%get3A_329] {strides = array<i32>} : memref<10000xi32, #tpu.memory_space<vmem>>, vector<16xi32>,
      %ge3A_331 = arith.constant 8000 : i32
      %ge3A_332 = vector.broadcast %ge3A_331 : i32 to vector<16xi32>
      %ge3A_333 = arith.cmpi sge, %get3A_328, %ge3A_332 : vector<16xi32>
      %mul3A_334 = arith.constant 2000 : i32
      %mul3A_335 = vector.broadcast %mul3A_334 : i32 to vector<16xi32>
      %mul3A_336 = arith.muli %get3A_330, %mul3A_335 : vector<16xi32>
      %sub3A_337 = arith.constant 8000 : i32
      %sub3A_338 = vector.broadcast %sub3A_337 : i32 to vector<16xi32>
      %sub3A_339 = arith.subi %get3A_328, %sub3A_338 : vector<16xi32>
      %add3A_340 = arith.addi %mul3A_336, %sub3A_339 : vector<16xi32>
      tpu.vector_store_idx %arg27[%add3A_340], %broadcast_in_dim3A_90 masked %ge3A_333 {add = true} : memref<4000xi32, #tpu.memory_space<vmem>>[vector<16xi32>], vector<16xi32>, vector<16xi1>
      %lt3A_341 = arith.constant 8000 : i32
      %lt3A_342 = vector.broadcast %lt3A_341 : i32 to vector<16xi32>
      %lt3A_343 = arith.cmpi slt, %get3A_326, %lt3A_342 : vector<16xi32>
      %and3A_344 = arith.andi %ge3A_333, %lt3A_343 : vector<16xi1>
      %shift_left3A_345 = arith.constant 13 : i32
      %shift_left3A_346 = vector.broadcast %shift_left3A_345 : i32 to vector<16xi32>
      %shift_left3A_347 = arith.shli %add3A_340, %shift_left3A_346 : vector<16xi32>
      %or3A_348 = arith.ori %shift_left3A_347, %get3A_326 : vector<16xi32>
      %swap3A_349 = arith.index_cast %add3A_318 : i32 to index
      %swap3A_350 = tpu.vector_load %arg10[%swap3A_349] masked %and3A_344 {strides = array<i32>} : memref<10256xi32, #tpu.memory_space<vmem>>, vector<16xi32>, vector<16xi1>
      tpu.vector_store %arg10[%swap3A_349], %or3A_348 masked %and3A_344 {strides = array<i32>} : memref<10256xi32, #tpu.memory_space<vmem>>, vector<16xi32>, vector<16xi1>
      %convert_element_type3A_351 = arith.extui %and3A_344 : vector<16xi1> to vector<16xi32>
      %reduce_sum3A_352 = arith.constant true
      %reduce_sum3A_353 = vector.broadcast %reduce_sum3A_352 : i1 to vector<16xi1>
      %reduce_sum3A_354 = tpu.scan <sum>, %convert_element_type3A_351 masked %reduce_sum3A_353 : vector<16xi32>, vector<16xi1> -> vector<16xi32>
      %reduce_sum3A_355 = vector.extract %reduce_sum3A_354[15] : i32 from vector<16xi32>
      %add3A_356 = arith.addi %add3A_318, %reduce_sum3A_355 : i32
      %mul3A_357 = arith.constant 5 : i32
      %mul3A_358 = arith.muli %scan3A_284, %mul3A_357 : i32
      %add3A_359 = arith.constant 2 : i32
      %add3A_360 = arith.addi %mul3A_358, %add3A_359 : i32
      %mul3A_361 = arith.constant 16 : i32
      %mul3A_362 = arith.muli %add3A_360, %mul3A_361 : i32
      %get3A_363 = arith.index_cast %mul3A_362 : i32 to index
      %get3A_364 = tpu.vector_load %arg7[%get3A_363] {strides = array<i32>} : memref<10000xi32, #tpu.memory_space<vmem>>, vector<16xi32>,
      %get3A_365 = arith.index_cast %mul3A_362 : i32 to index
      %get3A_366 = tpu.vector_load %arg8[%get3A_365] {strides = array<i32>} : memref<10000xi32, #tpu.memory_space<vmem>>, vector<16xi32>,
      %get3A_367 = arith.index_cast %mul3A_362 : i32 to index
      %get3A_368 = tpu.vector_load %arg9[%get3A_367] {strides = array<i32>} : memref<10000xi32, #tpu.memory_space<vmem>>, vector<16xi32>,
      %ge3A_369 = arith.constant 8000 : i32
      %ge3A_370 = vector.broadcast %ge3A_369 : i32 to vector<16xi32>
      %ge3A_371 = arith.cmpi sge, %get3A_366, %ge3A_370 : vector<16xi32>
      %mul3A_372 = arith.constant 2000 : i32
      %mul3A_373 = vector.broadcast %mul3A_372 : i32 to vector<16xi32>
      %mul3A_374 = arith.muli %get3A_368, %mul3A_373 : vector<16xi32>
      %sub3A_375 = arith.constant 8000 : i32
      %sub3A_376 = vector.broadcast %sub3A_375 : i32 to vector<16xi32>
      %sub3A_377 = arith.subi %get3A_366, %sub3A_376 : vector<16xi32>
      %add3A_378 = arith.addi %mul3A_374, %sub3A_377 : vector<16xi32>
      tpu.vector_store_idx %arg27[%add3A_378], %broadcast_in_dim3A_90 masked %ge3A_371 {add = true} : memref<4000xi32, #tpu.memory_space<vmem>>[vector<16xi32>], vector<16xi32>, vector<16xi1>
      %lt3A_379 = arith.constant 8000 : i32
      %lt3A_380 = vector.broadcast %lt3A_379 : i32 to vector<16xi32>
      %lt3A_381 = arith.cmpi slt, %get3A_364, %lt3A_380 : vector<16xi32>
      %and3A_382 = arith.andi %ge3A_371, %lt3A_381 : vector<16xi1>
      %shift_left3A_383 = arith.constant 13 : i32
      %shift_left3A_384 = vector.broadcast %shift_left3A_383 : i32 to vector<16xi32>
      %shift_left3A_385 = arith.shli %add3A_378, %shift_left3A_384 : vector<16xi32>
      %or3A_386 = arith.ori %shift_left3A_385, %get3A_364 : vector<16xi32>
      %swap3A_387 = arith.index_cast %add3A_356 : i32 to index
      %swap3A_388 = tpu.vector_load %arg10[%swap3A_387] masked %and3A_382 {strides = array<i32>} : memref<10256xi32, #tpu.memory_space<vmem>>, vector<16xi32>, vector<16xi1>
      tpu.vector_store %arg10[%swap3A_387], %or3A_386 masked %and3A_382 {strides = array<i32>} : memref<10256xi32, #tpu.memory_space<vmem>>, vector<16xi32>, vector<16xi1>
      %convert_element_type3A_389 = arith.extui %and3A_382 : vector<16xi1> to vector<16xi32>
      %reduce_sum3A_390 = arith.constant true
      %reduce_sum3A_391 = vector.broadcast %reduce_sum3A_390 : i1 to vector<16xi1>
      %reduce_sum3A_392 = tpu.scan <sum>, %convert_element_type3A_389 masked %reduce_sum3A_391 : vector<16xi32>, vector<16xi1> -> vector<16xi32>
      %reduce_sum3A_393 = vector.extract %reduce_sum3A_392[15] : i32 from vector<16xi32>
      %add3A_394 = arith.addi %add3A_356, %reduce_sum3A_393 : i32
      %mul3A_395 = arith.constant 5 : i32
      %mul3A_396 = arith.muli %scan3A_284, %mul3A_395 : i32
      %add3A_397 = arith.constant 3 : i32
      %add3A_398 = arith.addi %mul3A_396, %add3A_397 : i32
      %mul3A_399 = arith.constant 16 : i32
      %mul3A_400 = arith.muli %add3A_398, %mul3A_399 : i32
      %get3A_401 = arith.index_cast %mul3A_400 : i32 to index
      %get3A_402 = tpu.vector_load %arg7[%get3A_401] {strides = array<i32>} : memref<10000xi32, #tpu.memory_space<vmem>>, vector<16xi32>,
      %get3A_403 = arith.index_cast %mul3A_400 : i32 to index
      %get3A_404 = tpu.vector_load %arg8[%get3A_403] {strides = array<i32>} : memref<10000xi32, #tpu.memory_space<vmem>>, vector<16xi32>,
      %get3A_405 = arith.index_cast %mul3A_400 : i32 to index
      %get3A_406 = tpu.vector_load %arg9[%get3A_405] {strides = array<i32>} : memref<10000xi32, #tpu.memory_space<vmem>>, vector<16xi32>,
      %ge3A_407 = arith.constant 8000 : i32
      %ge3A_408 = vector.broadcast %ge3A_407 : i32 to vector<16xi32>
      %ge3A_409 = arith.cmpi sge, %get3A_404, %ge3A_408 : vector<16xi32>
      %mul3A_410 = arith.constant 2000 : i32
      %mul3A_411 = vector.broadcast %mul3A_410 : i32 to vector<16xi32>
      %mul3A_412 = arith.muli %get3A_406, %mul3A_411 : vector<16xi32>
      %sub3A_413 = arith.constant 8000 : i32
      %sub3A_414 = vector.broadcast %sub3A_413 : i32 to vector<16xi32>
      %sub3A_415 = arith.subi %get3A_404, %sub3A_414 : vector<16xi32>
      %add3A_416 = arith.addi %mul3A_412, %sub3A_415 : vector<16xi32>
      tpu.vector_store_idx %arg27[%add3A_416], %broadcast_in_dim3A_90 masked %ge3A_409 {add = true} : memref<4000xi32, #tpu.memory_space<vmem>>[vector<16xi32>], vector<16xi32>, vector<16xi1>
      %lt3A_417 = arith.constant 8000 : i32
      %lt3A_418 = vector.broadcast %lt3A_417 : i32 to vector<16xi32>
      %lt3A_419 = arith.cmpi slt, %get3A_402, %lt3A_418 : vector<16xi32>
      %and3A_420 = arith.andi %ge3A_409, %lt3A_419 : vector<16xi1>
      %shift_left3A_421 = arith.constant 13 : i32
      %shift_left3A_422 = vector.broadcast %shift_left3A_421 : i32 to vector<16xi32>
      %shift_left3A_423 = arith.shli %add3A_416, %shift_left3A_422 : vector<16xi32>
      %or3A_424 = arith.ori %shift_left3A_423, %get3A_402 : vector<16xi32>
      %swap3A_425 = arith.index_cast %add3A_394 : i32 to index
      %swap3A_426 = tpu.vector_load %arg10[%swap3A_425] masked %and3A_420 {strides = array<i32>} : memref<10256xi32, #tpu.memory_space<vmem>>, vector<16xi32>, vector<16xi1>
      tpu.vector_store %arg10[%swap3A_425], %or3A_424 masked %and3A_420 {strides = array<i32>} : memref<10256xi32, #tpu.memory_space<vmem>>, vector<16xi32>, vector<16xi1>
      %convert_element_type3A_427 = arith.extui %and3A_420 : vector<16xi1> to vector<16xi32>
      %reduce_sum3A_428 = arith.constant true
      %reduce_sum3A_429 = vector.broadcast %reduce_sum3A_428 : i1 to vector<16xi1>
      %reduce_sum3A_430 = tpu.scan <sum>, %convert_element_type3A_427 masked %reduce_sum3A_429 : vector<16xi32>, vector<16xi1> -> vector<16xi32>
      %reduce_sum3A_431 = vector.extract %reduce_sum3A_430[15] : i32 from vector<16xi32>
      %add3A_432 = arith.addi %add3A_394, %reduce_sum3A_431 : i32
      %mul3A_433 = arith.constant 5 : i32
      %mul3A_434 = arith.muli %scan3A_284, %mul3A_433 : i32
      %add3A_435 = arith.constant 4 : i32
      %add3A_436 = arith.addi %mul3A_434, %add3A_435 : i32
      %mul3A_437 = arith.constant 16 : i32
      %mul3A_438 = arith.muli %add3A_436, %mul3A_437 : i32
      %get3A_439 = arith.index_cast %mul3A_438 : i32 to index
      %get3A_440 = tpu.vector_load %arg7[%get3A_439] {strides = array<i32>} : memref<10000xi32, #tpu.memory_space<vmem>>, vector<16xi32>,
      %get3A_441 = arith.index_cast %mul3A_438 : i32 to index
      %get3A_442 = tpu.vector_load %arg8[%get3A_441] {strides = array<i32>} : memref<10000xi32, #tpu.memory_space<vmem>>, vector<16xi32>,
      %get3A_443 = arith.index_cast %mul3A_438 : i32 to index
      %get3A_444 = tpu.vector_load %arg9[%get3A_443] {strides = array<i32>} : memref<10000xi32, #tpu.memory_space<vmem>>, vector<16xi32>,
      %ge3A_445 = arith.constant 8000 : i32
      %ge3A_446 = vector.broadcast %ge3A_445 : i32 to vector<16xi32>
      %ge3A_447 = arith.cmpi sge, %get3A_442, %ge3A_446 : vector<16xi32>
      %mul3A_448 = arith.constant 2000 : i32
      %mul3A_449 = vector.broadcast %mul3A_448 : i32 to vector<16xi32>
      %mul3A_450 = arith.muli %get3A_444, %mul3A_449 : vector<16xi32>
      %sub3A_451 = arith.constant 8000 : i32
      %sub3A_452 = vector.broadcast %sub3A_451 : i32 to vector<16xi32>
      %sub3A_453 = arith.subi %get3A_442, %sub3A_452 : vector<16xi32>
      %add3A_454 = arith.addi %mul3A_450, %sub3A_453 : vector<16xi32>
      tpu.vector_store_idx %arg27[%add3A_454], %broadcast_in_dim3A_90 masked %ge3A_447 {add = true} : memref<4000xi32, #tpu.memory_space<vmem>>[vector<16xi32>], vector<16xi32>, vector<16xi1>
      %lt3A_455 = arith.constant 8000 : i32
      %lt3A_456 = vector.broadcast %lt3A_455 : i32 to vector<16xi32>
      %lt3A_457 = arith.cmpi slt, %get3A_440, %lt3A_456 : vector<16xi32>
      %and3A_458 = arith.andi %ge3A_447, %lt3A_457 : vector<16xi1>
      %shift_left3A_459 = arith.constant 13 : i32
      %shift_left3A_460 = vector.broadcast %shift_left3A_459 : i32 to vector<16xi32>
      %shift_left3A_461 = arith.shli %add3A_454, %shift_left3A_460 : vector<16xi32>
      %or3A_462 = arith.ori %shift_left3A_461, %get3A_440 : vector<16xi32>
      %swap3A_463 = arith.index_cast %add3A_432 : i32 to index
      %swap3A_464 = tpu.vector_load %arg10[%swap3A_463] masked %and3A_458 {strides = array<i32>} : memref<10256xi32, #tpu.memory_space<vmem>>, vector<16xi32>, vector<16xi1>
      tpu.vector_store %arg10[%swap3A_463], %or3A_462 masked %and3A_458 {strides = array<i32>} : memref<10256xi32, #tpu.memory_space<vmem>>, vector<16xi32>, vector<16xi1>
      %convert_element_type3A_465 = arith.extui %and3A_458 : vector<16xi1> to vector<16xi32>
      %reduce_sum3A_466 = arith.constant true
      %reduce_sum3A_467 = vector.broadcast %reduce_sum3A_466 : i1 to vector<16xi1>
      %reduce_sum3A_468 = tpu.scan <sum>, %convert_element_type3A_465 masked %reduce_sum3A_467 : vector<16xi32>, vector<16xi1> -> vector<16xi32>
      %reduce_sum3A_469 = vector.extract %reduce_sum3A_468[15] : i32 from vector<16xi32>
      %add3A_470 = arith.addi %add3A_432, %reduce_sum3A_469 : i32
      scf.yield %add3A_470 : i32
    }
    %scan3A_157 = arith.constant 63 : i32
    %mul3A_158 = arith.constant 4000 : i32
    %mul3A_159 = arith.muli %add3A, %mul3A_158 : i32
    %dma_start3A_160 = tpu.memref_slice %arg6[%mul3A_159] : memref<128000xi32, #tpu.memory_space<hbm>> -> memref<4000xi32, #tpu.memory_space<hbm>>
    %dma_start3A_161 = tpu.memref_slice %arg6[%mul3A_159] : memref<128000xi32, #tpu.memory_space<hbm>> -> memref<4000xi32, #tpu.memory_space<hbm>>
    tpu.enqueue_dma source(%arg27 : memref<4000xi32, #tpu.memory_space<vmem>>) target(%dma_start3A_161 : memref<4000xi32, #tpu.memory_space<hbm>>) target_semaphore(%arg26 : memref<!tpu.dma_semaphore, #tpu.memory_space<semaphore_mem>>)
    %add3A_162 = arith.constant 4000 : i32
    %add3A_163 = arith.addi %add3A_162, %add3A : i32
    %shift_left3A = arith.constant 13 : i32
    %shift_left3A_164 = arith.shli %add3A_163, %shift_left3A : i32
    %or3A = arith.ori %shift_left3A_164, %add3A : i32
    %broadcast_in_dim3A_165 = vector.broadcast %or3A : i32 to vector<16xi32>
    %scan3A_166 = arith.constant 0 : i32
    %scan3A_167 = arith.constant 0 : i32
    %scan3A_168 = arith.constant 8 : i32
    %scan3A_169 = arith.addi %scan3A_167, %scan3A_168 : i32
    %scan3A_170 = arith.constant 1 : i32
    scf.for %scan3A_284 = %scan3A_167 to %scan3A_169 step %scan3A_170  : i32 {
      %mul3A_285 = arith.constant 16 : i32
      %mul3A_286 = arith.muli %scan3A_284, %mul3A_285 : i32
      %add3A_287 = arith.addi %scan3A_156, %mul3A_286 : i32
      %swap3A = arith.index_cast %add3A_287 : i32 to index
      %swap3A_288 = tpu.vector_load %arg10[%swap3A] {strides = array<i32>} : memref<10256xi32, #tpu.memory_space<vmem>>, vector<16xi32>,
      tpu.vector_store %arg10[%swap3A], %broadcast_in_dim3A_165 {strides = array<i32>} : memref<10256xi32, #tpu.memory_space<vmem>>, vector<16xi32>,
    }
    %scan3A_171 = arith.constant 8 : i32
    %add3A_172 = arith.constant 128 : i32
    %add3A_173 = arith.addi %scan3A_156, %add3A_172 : i32
    %sub3A_174 = arith.constant 1 : i32
    %sub3A_175 = arith.subi %add3A_173, %sub3A_174 : i32
    %jit3A_176 = arith.constant 128 : i32
    %div3A_177 = arith.divsi %sub3A_175, %jit3A_176 : i32
    %sign3A_178 = arith.constant 0 : i32
    %sign3A_179 = arith.cmpi sgt, %sub3A_175, %sign3A_178 : i32
    %sign3A_180 = arith.extui %sign3A_179 : i1 to i32
    %sign3A_181 = arith.constant 0 : i32
    %sign3A_182 = arith.cmpi slt, %sub3A_175, %sign3A_181 : i32
    %sign3A_183 = arith.extui %sign3A_182 : i1 to i32
    %sign3A_184 = arith.subi %sign3A_180, %sign3A_183 : i32
    %sign3A_185 = arith.constant 0 : i32
    %sign3A_186 = arith.cmpi sgt, %jit3A_176, %sign3A_185 : i32
    %sign3A_187 = arith.extui %sign3A_186 : i1 to i32
    %sign3A_188 = arith.constant 0 : i32
    %sign3A_189 = arith.cmpi slt, %jit3A_176, %sign3A_188 : i32
    %sign3A_190 = arith.extui %sign3A_189 : i1 to i32
    %sign3A_191 = arith.subi %sign3A_187, %sign3A_190 : i32
    %ne3A_192 = arith.cmpi ne, %sign3A_184, %sign3A_191 : i32
    %rem3A_193 = arith.remsi %sub3A_175, %jit3A_176 : i32
    %ne3A_194 = arith.constant 0 : i32
    %ne3A_195 = arith.cmpi ne, %rem3A_193, %ne3A_194 : i32
    %and3A_196 = arith.andi %ne3A_192, %ne3A_195 : i1
    %sub3A_197 = arith.constant 1 : i32
    %sub3A_198 = arith.subi %div3A_177, %sub3A_197 : i32
    %select_n3A_199 = arith.select %and3A_196, %sub3A_198, %div3A_177 : i32
    %gt3A_200 = arith.constant 0 : i32
    %gt3A_201 = arith.cmpi sgt, %select_n3A_199, %gt3A_200 : i32
    %le3A = arith.constant 0 : i32
    %le3A_202 = arith.cmpi sle, %select_n3A, %le3A : i32
    %and3A_203 = arith.andi %gt3A_201, %le3A_202 : i1
    %convert_element_type3A_204 = arith.extui %and3A_203 : i1 to i32
    %cond3A_205 = arith.constant 0 : i32
    %cond3A_206 = arith.cmpi ne, %convert_element_type3A_204, %cond3A_205 : i32
    scf.if %cond3A_206 {
      %get3A = arith.constant 0 : index
      %get3A_284 = tpu.vector_load %arg10[%get3A] {strides = array<i32>} : memref<10256xi32, #tpu.memory_space<vmem>>, vector<16xi32>,
      %and3A_285 = arith.constant 8191 : i32
      %and3A_286 = vector.broadcast %and3A_285 : i32 to vector<16xi32>
      %and3A_287 = arith.andi %get3A_284, %and3A_286 : vector<16xi32>
      %swap3A = arith.constant 0 : index
      %swap3A_288 = tpu.vector_load %arg11[%swap3A] {strides = array<i32>} : memref<128xi32, #tpu.memory_space<vmem>>, vector<16xi32>,
      tpu.vector_store %arg11[%swap3A], %and3A_287 {strides = array<i32>} : memref<128xi32, #tpu.memory_space<vmem>>, vector<16xi32>,
      %shift_right_arithmetic3A = arith.constant 13 : i32
      %shift_right_arithmetic3A_289 = vector.broadcast %shift_right_arithmetic3A : i32 to vector<16xi32>
      %shift_right_arithmetic3A_290 = arith.shrsi %get3A_284, %shift_right_arithmetic3A_289 : vector<16xi32>
      %swap3A_291 = arith.constant 0 : index
      %swap3A_292 = tpu.vector_load %arg14[%swap3A_291] {strides = array<i32>} : memref<128xi32, #tpu.memory_space<vmem>>, vector<16xi32>,
      tpu.vector_store %arg14[%swap3A_291], %shift_right_arithmetic3A_290 {strides = array<i32>} : memref<128xi32, #tpu.memory_space<vmem>>, vector<16xi32>,
      %get3A_293 = arith.constant 16 : index
      %get3A_294 = tpu.vector_load %arg10[%get3A_293] {strides = array<i32>} : memref<10256xi32, #tpu.memory_space<vmem>>, vector<16xi32>,
      %and3A_295 = arith.constant 8191 : i32
      %and3A_296 = vector.broadcast %and3A_295 : i32 to vector<16xi32>
      %and3A_297 = arith.andi %get3A_294, %and3A_296 : vector<16xi32>
      %swap3A_298 = arith.constant 16 : index
      %swap3A_299 = tpu.vector_load %arg11[%swap3A_298] {strides = array<i32>} : memref<128xi32, #tpu.memory_space<vmem>>, vector<16xi32>,
      tpu.vector_store %arg11[%swap3A_298], %and3A_297 {strides = array<i32>} : memref<128xi32, #tpu.memory_space<vmem>>, vector<16xi32>,
      %shift_right_arithmetic3A_300 = arith.constant 13 : i32
      %shift_right_arithmetic3A_301 = vector.broadcast %shift_right_arithmetic3A_300 : i32 to vector<16xi32>
      %shift_right_arithmetic3A_302 = arith.shrsi %get3A_294, %shift_right_arithmetic3A_301 : vector<16xi32>
      %swap3A_303 = arith.constant 16 : index
      %swap3A_304 = tpu.vector_load %arg14[%swap3A_303] {strides = array<i32>} : memref<128xi32, #tpu.memory_space<vmem>>, vector<16xi32>,
      tpu.vector_store %arg14[%swap3A_303], %shift_right_arithmetic3A_302 {strides = array<i32>} : memref<128xi32, #tpu.memory_space<vmem>>, vector<16xi32>,
      %get3A_305 = arith.constant 32 : index
      %get3A_306 = tpu.vector_load %arg10[%get3A_305] {strides = array<i32>} : memref<10256xi32, #tpu.memory_space<vmem>>, vector<16xi32>,
      %and3A_307 = arith.constant 8191 : i32
      %and3A_308 = vector.broadcast %and3A_307 : i32 to vector<16xi32>
      %and3A_309 = arith.andi %get3A_306, %and3A_308 : vector<16xi32>
      %swap3A_310 = arith.constant 32 : index
      %swap3A_311 = tpu.vector_load %arg11[%swap3A_310] {strides = array<i32>} : memref<128xi32, #tpu.memory_space<vmem>>, vector<16xi32>,
      tpu.vector_store %arg11[%swap3A_310], %and3A_309 {strides = array<i32>} : memref<128xi32, #tpu.memory_space<vmem>>, vector<16xi32>,
      %shift_right_arithmetic3A_312 = arith.constant 13 : i32
      %shift_right_arithmetic3A_313 = vector.broadcast %shift_right_arithmetic3A_312 : i32 to vector<16xi32>
      %shift_right_arithmetic3A_314 = arith.shrsi %get3A_306, %shift_right_arithmetic3A_313 : vector<16xi32>
      %swap3A_315 = arith.constant 32 : index
      %swap3A_316 = tpu.vector_load %arg14[%swap3A_315] {strides = array<i32>} : memref<128xi32, #tpu.memory_space<vmem>>, vector<16xi32>,
      tpu.vector_store %arg14[%swap3A_315], %shift_right_arithmetic3A_314 {strides = array<i32>} : memref<128xi32, #tpu.memory_space<vmem>>, vector<16xi32>,
      %get3A_317 = arith.constant 48 : index
      %get3A_318 = tpu.vector_load %arg10[%get3A_317] {strides = array<i32>} : memref<10256xi32, #tpu.memory_space<vmem>>, vector<16xi32>,
      %and3A_319 = arith.constant 8191 : i32
      %and3A_320 = vector.broadcast %and3A_319 : i32 to vector<16xi32>
      %and3A_321 = arith.andi %get3A_318, %and3A_320 : vector<16xi32>
      %swap3A_322 = arith.constant 48 : index
      %swap3A_323 = tpu.vector_load %arg11[%swap3A_322] {strides = array<i32>} : memref<128xi32, #tpu.memory_space<vmem>>, vector<16xi32>,
      tpu.vector_store %arg11[%swap3A_322], %and3A_321 {strides = array<i32>} : memref<128xi32, #tpu.memory_space<vmem>>, vector<16xi32>,
      %shift_right_arithmetic3A_324 = arith.constant 13 : i32
      %shift_right_arithmetic3A_325 = vector.broadcast %shift_right_arithmetic3A_324 : i32 to vector<16xi32>
      %shift_right_arithmetic3A_326 = arith.shrsi %get3A_318, %shift_right_arithmetic3A_325 : vector<16xi32>
      %swap3A_327 = arith.constant 48 : index
      %swap3A_328 = tpu.vector_load %arg14[%swap3A_327] {strides = array<i32>} : memref<128xi32, #tpu.memory_space<vmem>>, vector<16xi32>,
      tpu.vector_store %arg14[%swap3A_327], %shift_right_arithmetic3A_326 {strides = array<i32>} : memref<128xi32, #tpu.memory_space<vmem>>, vector<16xi32>,
      %get3A_329 = arith.constant 64 : index
      %get3A_330 = tpu.vector_load %arg10[%get3A_329] {strides = array<i32>} : memref<10256xi32, #tpu.memory_space<vmem>>, vector<16xi32>,
      %and3A_331 = arith.constant 8191 : i32
      %and3A_332 = vector.broadcast %and3A_331 : i32 to vector<16xi32>
      %and3A_333 = arith.andi %get3A_330, %and3A_332 : vector<16xi32>
      %swap3A_334 = arith.constant 64 : index
      %swap3A_335 = tpu.vector_load %arg11[%swap3A_334] {strides = array<i32>} : memref<128xi32, #tpu.memory_space<vmem>>, vector<16xi32>,
      tpu.vector_store %arg11[%swap3A_334], %and3A_333 {strides = array<i32>} : memref<128xi32, #tpu.memory_space<vmem>>, vector<16xi32>,
      %shift_right_arithmetic3A_336 = arith.constant 13 : i32
      %shift_right_arithmetic3A_337 = vector.broadcast %shift_right_arithmetic3A_336 : i32 to vector<16xi32>
      %shift_right_arithmetic3A_338 = arith.shrsi %get3A_330, %shift_right_arithmetic3A_337 : vector<16xi32>
      %swap3A_339 = arith.constant 64 : index
      %swap3A_340 = tpu.vector_load %arg14[%swap3A_339] {strides = array<i32>} : memref<128xi32, #tpu.memory_space<vmem>>, vector<16xi32>,
      tpu.vector_store %arg14[%swap3A_339], %shift_right_arithmetic3A_338 {strides = array<i32>} : memref<128xi32, #tpu.memory_space<vmem>>, vector<16xi32>,
      %get3A_341 = arith.constant 80 : index
      %get3A_342 = tpu.vector_load %arg10[%get3A_341] {strides = array<i32>} : memref<10256xi32, #tpu.memory_space<vmem>>, vector<16xi32>,
      %and3A_343 = arith.constant 8191 : i32
      %and3A_344 = vector.broadcast %and3A_343 : i32 to vector<16xi32>
      %and3A_345 = arith.andi %get3A_342, %and3A_344 : vector<16xi32>
      %swap3A_346 = arith.constant 80 : index
      %swap3A_347 = tpu.vector_load %arg11[%swap3A_346] {strides = array<i32>} : memref<128xi32, #tpu.memory_space<vmem>>, vector<16xi32>,
      tpu.vector_store %arg11[%swap3A_346], %and3A_345 {strides = array<i32>} : memref<128xi32, #tpu.memory_space<vmem>>, vector<16xi32>,
      %shift_right_arithmetic3A_348 = arith.constant 13 : i32
      %shift_right_arithmetic3A_349 = vector.broadcast %shift_right_arithmetic3A_348 : i32 to vector<16xi32>
      %shift_right_arithmetic3A_350 = arith.shrsi %get3A_342, %shift_right_arithmetic3A_349 : vector<16xi32>
      %swap3A_351 = arith.constant 80 : index
      %swap3A_352 = tpu.vector_load %arg14[%swap3A_351] {strides = array<i32>} : memref<128xi32, #tpu.memory_space<vmem>>, vector<16xi32>,
      tpu.vector_store %arg14[%swap3A_351], %shift_right_arithmetic3A_350 {strides = array<i32>} : memref<128xi32, #tpu.memory_space<vmem>>, vector<16xi32>,
      %get3A_353 = arith.constant 96 : index
      %get3A_354 = tpu.vector_load %arg10[%get3A_353] {strides = array<i32>} : memref<10256xi32, #tpu.memory_space<vmem>>, vector<16xi32>,
      %and3A_355 = arith.constant 8191 : i32
      %and3A_356 = vector.broadcast %and3A_355 : i32 to vector<16xi32>
      %and3A_357 = arith.andi %get3A_354, %and3A_356 : vector<16xi32>
      %swap3A_358 = arith.constant 96 : index
      %swap3A_359 = tpu.vector_load %arg11[%swap3A_358] {strides = array<i32>} : memref<128xi32, #tpu.memory_space<vmem>>, vector<16xi32>,
      tpu.vector_store %arg11[%swap3A_358], %and3A_357 {strides = array<i32>} : memref<128xi32, #tpu.memory_space<vmem>>, vector<16xi32>,
      %shift_right_arithmetic3A_360 = arith.constant 13 : i32
      %shift_right_arithmetic3A_361 = vector.broadcast %shift_right_arithmetic3A_360 : i32 to vector<16xi32>
      %shift_right_arithmetic3A_362 = arith.shrsi %get3A_354, %shift_right_arithmetic3A_361 : vector<16xi32>
      %swap3A_363 = arith.constant 96 : index
      %swap3A_364 = tpu.vector_load %arg14[%swap3A_363] {strides = array<i32>} : memref<128xi32, #tpu.memory_space<vmem>>, vector<16xi32>,
      tpu.vector_store %arg14[%swap3A_363], %shift_right_arithmetic3A_362 {strides = array<i32>} : memref<128xi32, #tpu.memory_space<vmem>>, vector<16xi32>,
      %get3A_365 = arith.constant 112 : index
      %get3A_366 = tpu.vector_load %arg10[%get3A_365] {strides = array<i32>} : memref<10256xi32, #tpu.memory_space<vmem>>, vector<16xi32>,
      %and3A_367 = arith.constant 8191 : i32
      %and3A_368 = vector.broadcast %and3A_367 : i32 to vector<16xi32>
      %and3A_369 = arith.andi %get3A_366, %and3A_368 : vector<16xi32>
      %swap3A_370 = arith.constant 112 : index
      %swap3A_371 = tpu.vector_load %arg11[%swap3A_370] {strides = array<i32>} : memref<128xi32, #tpu.memory_space<vmem>>, vector<16xi32>,
      tpu.vector_store %arg11[%swap3A_370], %and3A_369 {strides = array<i32>} : memref<128xi32, #tpu.memory_space<vmem>>, vector<16xi32>,
      %shift_right_arithmetic3A_372 = arith.constant 13 : i32
      %shift_right_arithmetic3A_373 = vector.broadcast %shift_right_arithmetic3A_372 : i32 to vector<16xi32>
      %shift_right_arithmetic3A_374 = arith.shrsi %get3A_366, %shift_right_arithmetic3A_373 : vector<16xi32>
      %swap3A_375 = arith.constant 112 : index
      %swap3A_376 = tpu.vector_load %arg14[%swap3A_375] {strides = array<i32>} : memref<128xi32, #tpu.memory_space<vmem>>, vector<16xi32>,
      tpu.vector_store %arg14[%swap3A_375], %shift_right_arithmetic3A_374 {strides = array<i32>} : memref<128xi32, #tpu.memory_space<vmem>>, vector<16xi32>,
      %dma_start3A_377 = arith.constant 0 : i32
      %dma_start3A_378 = arith.constant 0 : i32
      %dma_start3A_379 = tpu.memref_slice %arg4[%dma_start3A_377, %dma_start3A_378] : memref<8000x128xf32, #tpu.memory_space<hbm>> -> memref<8000x128xf32, #tpu.memory_space<hbm>>
      tpu.enqueue_indirect_dma source(%dma_start3A_379 : memref<8000x128xf32, #tpu.memory_space<hbm>>) target(%arg17 : memref<128x128xf32, #tpu.memory_space<vmem>>) offsets(%arg11 : memref<128xi32, #tpu.memory_space<vmem>>) semaphore(%arg20 : memref<!tpu.dma_semaphore, #tpu.memory_space<semaphore_mem>>)
    } else {
    }
    %gt3A_207 = arith.constant 1 : i32
    %gt3A_208 = arith.cmpi sgt, %select_n3A_199, %gt3A_207 : i32
    %le3A_209 = arith.constant 1 : i32
    %le3A_210 = arith.cmpi sle, %select_n3A, %le3A_209 : i32
    %and3A_211 = arith.andi %gt3A_208, %le3A_210 : i1
    %convert_element_type3A_212 = arith.extui %and3A_211 : i1 to i32
    %cond3A_213 = arith.constant 0 : i32
    %cond3A_214 = arith.cmpi ne, %convert_element_type3A_212, %cond3A_213 : i32
    scf.if %cond3A_214 {
      %get3A = arith.constant 128 : index
      %get3A_284 = tpu.vector_load %arg10[%get3A] {strides = array<i32>} : memref<10256xi32, #tpu.memory_space<vmem>>, vector<16xi32>,
      %and3A_285 = arith.constant 8191 : i32
      %and3A_286 = vector.broadcast %and3A_285 : i32 to vector<16xi32>
      %and3A_287 = arith.andi %get3A_284, %and3A_286 : vector<16xi32>
      %swap3A = arith.constant 0 : index
      %swap3A_288 = tpu.vector_load %arg12[%swap3A] {strides = array<i32>} : memref<128xi32, #tpu.memory_space<vmem>>, vector<16xi32>,
      tpu.vector_store %arg12[%swap3A], %and3A_287 {strides = array<i32>} : memref<128xi32, #tpu.memory_space<vmem>>, vector<16xi32>,
      %shift_right_arithmetic3A = arith.constant 13 : i32
      %shift_right_arithmetic3A_289 = vector.broadcast %shift_right_arithmetic3A : i32 to vector<16xi32>
      %shift_right_arithmetic3A_290 = arith.shrsi %get3A_284, %shift_right_arithmetic3A_289 : vector<16xi32>
      %swap3A_291 = arith.constant 0 : index
      %swap3A_292 = tpu.vector_load %arg15[%swap3A_291] {strides = array<i32>} : memref<128xi32, #tpu.memory_space<vmem>>, vector<16xi32>,
      tpu.vector_store %arg15[%swap3A_291], %shift_right_arithmetic3A_290 {strides = array<i32>} : memref<128xi32, #tpu.memory_space<vmem>>, vector<16xi32>,
      %get3A_293 = arith.constant 144 : index
      %get3A_294 = tpu.vector_load %arg10[%get3A_293] {strides = array<i32>} : memref<10256xi32, #tpu.memory_space<vmem>>, vector<16xi32>,
      %and3A_295 = arith.constant 8191 : i32
      %and3A_296 = vector.broadcast %and3A_295 : i32 to vector<16xi32>
      %and3A_297 = arith.andi %get3A_294, %and3A_296 : vector<16xi32>
      %swap3A_298 = arith.constant 16 : index
      %swap3A_299 = tpu.vector_load %arg12[%swap3A_298] {strides = array<i32>} : memref<128xi32, #tpu.memory_space<vmem>>, vector<16xi32>,
      tpu.vector_store %arg12[%swap3A_298], %and3A_297 {strides = array<i32>} : memref<128xi32, #tpu.memory_space<vmem>>, vector<16xi32>,
      %shift_right_arithmetic3A_300 = arith.constant 13 : i32
      %shift_right_arithmetic3A_301 = vector.broadcast %shift_right_arithmetic3A_300 : i32 to vector<16xi32>
      %shift_right_arithmetic3A_302 = arith.shrsi %get3A_294, %shift_right_arithmetic3A_301 : vector<16xi32>
      %swap3A_303 = arith.constant 16 : index
      %swap3A_304 = tpu.vector_load %arg15[%swap3A_303] {strides = array<i32>} : memref<128xi32, #tpu.memory_space<vmem>>, vector<16xi32>,
      tpu.vector_store %arg15[%swap3A_303], %shift_right_arithmetic3A_302 {strides = array<i32>} : memref<128xi32, #tpu.memory_space<vmem>>, vector<16xi32>,
      %get3A_305 = arith.constant 160 : index
      %get3A_306 = tpu.vector_load %arg10[%get3A_305] {strides = array<i32>} : memref<10256xi32, #tpu.memory_space<vmem>>, vector<16xi32>,
      %and3A_307 = arith.constant 8191 : i32
      %and3A_308 = vector.broadcast %and3A_307 : i32 to vector<16xi32>
      %and3A_309 = arith.andi %get3A_306, %and3A_308 : vector<16xi32>
      %swap3A_310 = arith.constant 32 : index
      %swap3A_311 = tpu.vector_load %arg12[%swap3A_310] {strides = array<i32>} : memref<128xi32, #tpu.memory_space<vmem>>, vector<16xi32>,
      tpu.vector_store %arg12[%swap3A_310], %and3A_309 {strides = array<i32>} : memref<128xi32, #tpu.memory_space<vmem>>, vector<16xi32>,
      %shift_right_arithmetic3A_312 = arith.constant 13 : i32
      %shift_right_arithmetic3A_313 = vector.broadcast %shift_right_arithmetic3A_312 : i32 to vector<16xi32>
      %shift_right_arithmetic3A_314 = arith.shrsi %get3A_306, %shift_right_arithmetic3A_313 : vector<16xi32>
      %swap3A_315 = arith.constant 32 : index
      %swap3A_316 = tpu.vector_load %arg15[%swap3A_315] {strides = array<i32>} : memref<128xi32, #tpu.memory_space<vmem>>, vector<16xi32>,
      tpu.vector_store %arg15[%swap3A_315], %shift_right_arithmetic3A_314 {strides = array<i32>} : memref<128xi32, #tpu.memory_space<vmem>>, vector<16xi32>,
      %get3A_317 = arith.constant 176 : index
      %get3A_318 = tpu.vector_load %arg10[%get3A_317] {strides = array<i32>} : memref<10256xi32, #tpu.memory_space<vmem>>, vector<16xi32>,
      %and3A_319 = arith.constant 8191 : i32
      %and3A_320 = vector.broadcast %and3A_319 : i32 to vector<16xi32>
      %and3A_321 = arith.andi %get3A_318, %and3A_320 : vector<16xi32>
      %swap3A_322 = arith.constant 48 : index
      %swap3A_323 = tpu.vector_load %arg12[%swap3A_322] {strides = array<i32>} : memref<128xi32, #tpu.memory_space<vmem>>, vector<16xi32>,
      tpu.vector_store %arg12[%swap3A_322], %and3A_321 {strides = array<i32>} : memref<128xi32, #tpu.memory_space<vmem>>, vector<16xi32>,
      %shift_right_arithmetic3A_324 = arith.constant 13 : i32
      %shift_right_arithmetic3A_325 = vector.broadcast %shift_right_arithmetic3A_324 : i32 to vector<16xi32>
      %shift_right_arithmetic3A_326 = arith.shrsi %get3A_318, %shift_right_arithmetic3A_325 : vector<16xi32>
      %swap3A_327 = arith.constant 48 : index
      %swap3A_328 = tpu.vector_load %arg15[%swap3A_327] {strides = array<i32>} : memref<128xi32, #tpu.memory_space<vmem>>, vector<16xi32>,
      tpu.vector_store %arg15[%swap3A_327], %shift_right_arithmetic3A_326 {strides = array<i32>} : memref<128xi32, #tpu.memory_space<vmem>>, vector<16xi32>,
      %get3A_329 = arith.constant 192 : index
      %get3A_330 = tpu.vector_load %arg10[%get3A_329] {strides = array<i32>} : memref<10256xi32, #tpu.memory_space<vmem>>, vector<16xi32>,
      %and3A_331 = arith.constant 8191 : i32
      %and3A_332 = vector.broadcast %and3A_331 : i32 to vector<16xi32>
      %and3A_333 = arith.andi %get3A_330, %and3A_332 : vector<16xi32>
      %swap3A_334 = arith.constant 64 : index
      %swap3A_335 = tpu.vector_load %arg12[%swap3A_334] {strides = array<i32>} : memref<128xi32, #tpu.memory_space<vmem>>, vector<16xi32>,
      tpu.vector_store %arg12[%swap3A_334], %and3A_333 {strides = array<i32>} : memref<128xi32, #tpu.memory_space<vmem>>, vector<16xi32>,
      %shift_right_arithmetic3A_336 = arith.constant 13 : i32
      %shift_right_arithmetic3A_337 = vector.broadcast %shift_right_arithmetic3A_336 : i32 to vector<16xi32>
      %shift_right_arithmetic3A_338 = arith.shrsi %get3A_330, %shift_right_arithmetic3A_337 : vector<16xi32>
      %swap3A_339 = arith.constant 64 : index
      %swap3A_340 = tpu.vector_load %arg15[%swap3A_339] {strides = array<i32>} : memref<128xi32, #tpu.memory_space<vmem>>, vector<16xi32>,
      tpu.vector_store %arg15[%swap3A_339], %shift_right_arithmetic3A_338 {strides = array<i32>} : memref<128xi32, #tpu.memory_space<vmem>>, vector<16xi32>,
      %get3A_341 = arith.constant 208 : index
      %get3A_342 = tpu.vector_load %arg10[%get3A_341] {strides = array<i32>} : memref<10256xi32, #tpu.memory_space<vmem>>, vector<16xi32>,
      %and3A_343 = arith.constant 8191 : i32
      %and3A_344 = vector.broadcast %and3A_343 : i32 to vector<16xi32>
      %and3A_345 = arith.andi %get3A_342, %and3A_344 : vector<16xi32>
      %swap3A_346 = arith.constant 80 : index
      %swap3A_347 = tpu.vector_load %arg12[%swap3A_346] {strides = array<i32>} : memref<128xi32, #tpu.memory_space<vmem>>, vector<16xi32>,
      tpu.vector_store %arg12[%swap3A_346], %and3A_345 {strides = array<i32>} : memref<128xi32, #tpu.memory_space<vmem>>, vector<16xi32>,
      %shift_right_arithmetic3A_348 = arith.constant 13 : i32
      %shift_right_arithmetic3A_349 = vector.broadcast %shift_right_arithmetic3A_348 : i32 to vector<16xi32>
      %shift_right_arithmetic3A_350 = arith.shrsi %get3A_342, %shift_right_arithmetic3A_349 : vector<16xi32>
      %swap3A_351 = arith.constant 80 : index
      %swap3A_352 = tpu.vector_load %arg15[%swap3A_351] {strides = array<i32>} : memref<128xi32, #tpu.memory_space<vmem>>, vector<16xi32>,
      tpu.vector_store %arg15[%swap3A_351], %shift_right_arithmetic3A_350 {strides = array<i32>} : memref<128xi32, #tpu.memory_space<vmem>>, vector<16xi32>,
      %get3A_353 = arith.constant 224 : index
      %get3A_354 = tpu.vector_load %arg10[%get3A_353] {strides = array<i32>} : memref<10256xi32, #tpu.memory_space<vmem>>, vector<16xi32>,
      %and3A_355 = arith.constant 8191 : i32
      %and3A_356 = vector.broadcast %and3A_355 : i32 to vector<16xi32>
      %and3A_357 = arith.andi %get3A_354, %and3A_356 : vector<16xi32>
      %swap3A_358 = arith.constant 96 : index
      %swap3A_359 = tpu.vector_load %arg12[%swap3A_358] {strides = array<i32>} : memref<128xi32, #tpu.memory_space<vmem>>, vector<16xi32>,
      tpu.vector_store %arg12[%swap3A_358], %and3A_357 {strides = array<i32>} : memref<128xi32, #tpu.memory_space<vmem>>, vector<16xi32>,
      %shift_right_arithmetic3A_360 = arith.constant 13 : i32
      %shift_right_arithmetic3A_361 = vector.broadcast %shift_right_arithmetic3A_360 : i32 to vector<16xi32>
      %shift_right_arithmetic3A_362 = arith.shrsi %get3A_354, %shift_right_arithmetic3A_361 : vector<16xi32>
      %swap3A_363 = arith.constant 96 : index
      %swap3A_364 = tpu.vector_load %arg15[%swap3A_363] {strides = array<i32>} : memref<128xi32, #tpu.memory_space<vmem>>, vector<16xi32>,
      tpu.vector_store %arg15[%swap3A_363], %shift_right_arithmetic3A_362 {strides = array<i32>} : memref<128xi32, #tpu.memory_space<vmem>>, vector<16xi32>,
      %get3A_365 = arith.constant 240 : index
      %get3A_366 = tpu.vector_load %arg10[%get3A_365] {strides = array<i32>} : memref<10256xi32, #tpu.memory_space<vmem>>, vector<16xi32>,
      %and3A_367 = arith.constant 8191 : i32
      %and3A_368 = vector.broadcast %and3A_367 : i32 to vector<16xi32>
      %and3A_369 = arith.andi %get3A_366, %and3A_368 : vector<16xi32>
      %swap3A_370 = arith.constant 112 : index
      %swap3A_371 = tpu.vector_load %arg12[%swap3A_370] {strides = array<i32>} : memref<128xi32, #tpu.memory_space<vmem>>, vector<16xi32>,
      tpu.vector_store %arg12[%swap3A_370], %and3A_369 {strides = array<i32>} : memref<128xi32, #tpu.memory_space<vmem>>, vector<16xi32>,
      %shift_right_arithmetic3A_372 = arith.constant 13 : i32
      %shift_right_arithmetic3A_373 = vector.broadcast %shift_right_arithmetic3A_372 : i32 to vector<16xi32>
      %shift_right_arithmetic3A_374 = arith.shrsi %get3A_366, %shift_right_arithmetic3A_373 : vector<16xi32>
      %swap3A_375 = arith.constant 112 : index
      %swap3A_376 = tpu.vector_load %arg15[%swap3A_375] {strides = array<i32>} : memref<128xi32, #tpu.memory_space<vmem>>, vector<16xi32>,
      tpu.vector_store %arg15[%swap3A_375], %shift_right_arithmetic3A_374 {strides = array<i32>} : memref<128xi32, #tpu.memory_space<vmem>>, vector<16xi32>,
      %dma_start3A_377 = arith.constant 0 : i32
      %dma_start3A_378 = arith.constant 0 : i32
      %dma_start3A_379 = tpu.memref_slice %arg4[%dma_start3A_377, %dma_start3A_378] : memref<8000x128xf32, #tpu.memory_space<hbm>> -> memref<8000x128xf32, #tpu.memory_space<hbm>>
      tpu.enqueue_indirect_dma source(%dma_start3A_379 : memref<8000x128xf32, #tpu.memory_space<hbm>>) target(%arg18 : memref<128x128xf32, #tpu.memory_space<vmem>>) offsets(%arg12 : memref<128xi32, #tpu.memory_space<vmem>>) semaphore(%arg21 : memref<!tpu.dma_semaphore, #tpu.memory_space<semaphore_mem>>)
    } else {
    }
    %gt3A_215 = arith.constant 2 : i32
    %gt3A_216 = arith.cmpi sgt, %select_n3A_199, %gt3A_215 : i32
    %le3A_217 = arith.constant 2 : i32
    %le3A_218 = arith.cmpi sle, %select_n3A, %le3A_217 : i32
    %and3A_219 = arith.andi %gt3A_216, %le3A_218 : i1
    %convert_element_type3A_220 = arith.extui %and3A_219 : i1 to i32
    %cond3A_221 = arith.constant 0 : i32
    %cond3A_222 = arith.cmpi ne, %convert_element_type3A_220, %cond3A_221 : i32
    scf.if %cond3A_222 {
      %get3A = arith.constant 256 : index
      %get3A_284 = tpu.vector_load %arg10[%get3A] {strides = array<i32>} : memref<10256xi32, #tpu.memory_space<vmem>>, vector<16xi32>,
      %and3A_285 = arith.constant 8191 : i32
      %and3A_286 = vector.broadcast %and3A_285 : i32 to vector<16xi32>
      %and3A_287 = arith.andi %get3A_284, %and3A_286 : vector<16xi32>
      %swap3A = arith.constant 0 : index
      %swap3A_288 = tpu.vector_load %arg13[%swap3A] {strides = array<i32>} : memref<128xi32, #tpu.memory_space<vmem>>, vector<16xi32>,
      tpu.vector_store %arg13[%swap3A], %and3A_287 {strides = array<i32>} : memref<128xi32, #tpu.memory_space<vmem>>, vector<16xi32>,
      %shift_right_arithmetic3A = arith.constant 13 : i32
      %shift_right_arithmetic3A_289 = vector.broadcast %shift_right_arithmetic3A : i32 to vector<16xi32>
      %shift_right_arithmetic3A_290 = arith.shrsi %get3A_284, %shift_right_arithmetic3A_289 : vector<16xi32>
      %swap3A_291 = arith.constant 0 : index
      %swap3A_292 = tpu.vector_load %arg16[%swap3A_291] {strides = array<i32>} : memref<128xi32, #tpu.memory_space<vmem>>, vector<16xi32>,
      tpu.vector_store %arg16[%swap3A_291], %shift_right_arithmetic3A_290 {strides = array<i32>} : memref<128xi32, #tpu.memory_space<vmem>>, vector<16xi32>,
      %get3A_293 = arith.constant 272 : index
      %get3A_294 = tpu.vector_load %arg10[%get3A_293] {strides = array<i32>} : memref<10256xi32, #tpu.memory_space<vmem>>, vector<16xi32>,
      %and3A_295 = arith.constant 8191 : i32
      %and3A_296 = vector.broadcast %and3A_295 : i32 to vector<16xi32>
      %and3A_297 = arith.andi %get3A_294, %and3A_296 : vector<16xi32>
      %swap3A_298 = arith.constant 16 : index
      %swap3A_299 = tpu.vector_load %arg13[%swap3A_298] {strides = array<i32>} : memref<128xi32, #tpu.memory_space<vmem>>, vector<16xi32>,
      tpu.vector_store %arg13[%swap3A_298], %and3A_297 {strides = array<i32>} : memref<128xi32, #tpu.memory_space<vmem>>, vector<16xi32>,
      %shift_right_arithmetic3A_300 = arith.constant 13 : i32
      %shift_right_arithmetic3A_301 = vector.broadcast %shift_right_arithmetic3A_300 : i32 to vector<16xi32>
      %shift_right_arithmetic3A_302 = arith.shrsi %get3A_294, %shift_right_arithmetic3A_301 : vector<16xi32>
      %swap3A_303 = arith.constant 16 : index
      %swap3A_304 = tpu.vector_load %arg16[%swap3A_303] {strides = array<i32>} : memref<128xi32, #tpu.memory_space<vmem>>, vector<16xi32>,
      tpu.vector_store %arg16[%swap3A_303], %shift_right_arithmetic3A_302 {strides = array<i32>} : memref<128xi32, #tpu.memory_space<vmem>>, vector<16xi32>,
      %get3A_305 = arith.constant 288 : index
      %get3A_306 = tpu.vector_load %arg10[%get3A_305] {strides = array<i32>} : memref<10256xi32, #tpu.memory_space<vmem>>, vector<16xi32>,
      %and3A_307 = arith.constant 8191 : i32
      %and3A_308 = vector.broadcast %and3A_307 : i32 to vector<16xi32>
      %and3A_309 = arith.andi %get3A_306, %and3A_308 : vector<16xi32>
      %swap3A_310 = arith.constant 32 : index
      %swap3A_311 = tpu.vector_load %arg13[%swap3A_310] {strides = array<i32>} : memref<128xi32, #tpu.memory_space<vmem>>, vector<16xi32>,
      tpu.vector_store %arg13[%swap3A_310], %and3A_309 {strides = array<i32>} : memref<128xi32, #tpu.memory_space<vmem>>, vector<16xi32>,
      %shift_right_arithmetic3A_312 = arith.constant 13 : i32
      %shift_right_arithmetic3A_313 = vector.broadcast %shift_right_arithmetic3A_312 : i32 to vector<16xi32>
      %shift_right_arithmetic3A_314 = arith.shrsi %get3A_306, %shift_right_arithmetic3A_313 : vector<16xi32>
      %swap3A_315 = arith.constant 32 : index
      %swap3A_316 = tpu.vector_load %arg16[%swap3A_315] {strides = array<i32>} : memref<128xi32, #tpu.memory_space<vmem>>, vector<16xi32>,
      tpu.vector_store %arg16[%swap3A_315], %shift_right_arithmetic3A_314 {strides = array<i32>} : memref<128xi32, #tpu.memory_space<vmem>>, vector<16xi32>,
      %get3A_317 = arith.constant 304 : index
      %get3A_318 = tpu.vector_load %arg10[%get3A_317] {strides = array<i32>} : memref<10256xi32, #tpu.memory_space<vmem>>, vector<16xi32>,
      %and3A_319 = arith.constant 8191 : i32
      %and3A_320 = vector.broadcast %and3A_319 : i32 to vector<16xi32>
      %and3A_321 = arith.andi %get3A_318, %and3A_320 : vector<16xi32>
      %swap3A_322 = arith.constant 48 : index
      %swap3A_323 = tpu.vector_load %arg13[%swap3A_322] {strides = array<i32>} : memref<128xi32, #tpu.memory_space<vmem>>, vector<16xi32>,
      tpu.vector_store %arg13[%swap3A_322], %and3A_321 {strides = array<i32>} : memref<128xi32, #tpu.memory_space<vmem>>, vector<16xi32>,
      %shift_right_arithmetic3A_324 = arith.constant 13 : i32
      %shift_right_arithmetic3A_325 = vector.broadcast %shift_right_arithmetic3A_324 : i32 to vector<16xi32>
      %shift_right_arithmetic3A_326 = arith.shrsi %get3A_318, %shift_right_arithmetic3A_325 : vector<16xi32>
      %swap3A_327 = arith.constant 48 : index
      %swap3A_328 = tpu.vector_load %arg16[%swap3A_327] {strides = array<i32>} : memref<128xi32, #tpu.memory_space<vmem>>, vector<16xi32>,
      tpu.vector_store %arg16[%swap3A_327], %shift_right_arithmetic3A_326 {strides = array<i32>} : memref<128xi32, #tpu.memory_space<vmem>>, vector<16xi32>,
      %get3A_329 = arith.constant 320 : index
      %get3A_330 = tpu.vector_load %arg10[%get3A_329] {strides = array<i32>} : memref<10256xi32, #tpu.memory_space<vmem>>, vector<16xi32>,
      %and3A_331 = arith.constant 8191 : i32
      %and3A_332 = vector.broadcast %and3A_331 : i32 to vector<16xi32>
      %and3A_333 = arith.andi %get3A_330, %and3A_332 : vector<16xi32>
      %swap3A_334 = arith.constant 64 : index
      %swap3A_335 = tpu.vector_load %arg13[%swap3A_334] {strides = array<i32>} : memref<128xi32, #tpu.memory_space<vmem>>, vector<16xi32>,
      tpu.vector_store %arg13[%swap3A_334], %and3A_333 {strides = array<i32>} : memref<128xi32, #tpu.memory_space<vmem>>, vector<16xi32>,
      %shift_right_arithmetic3A_336 = arith.constant 13 : i32
      %shift_right_arithmetic3A_337 = vector.broadcast %shift_right_arithmetic3A_336 : i32 to vector<16xi32>
      %shift_right_arithmetic3A_338 = arith.shrsi %get3A_330, %shift_right_arithmetic3A_337 : vector<16xi32>
      %swap3A_339 = arith.constant 64 : index
      %swap3A_340 = tpu.vector_load %arg16[%swap3A_339] {strides = array<i32>} : memref<128xi32, #tpu.memory_space<vmem>>, vector<16xi32>,
      tpu.vector_store %arg16[%swap3A_339], %shift_right_arithmetic3A_338 {strides = array<i32>} : memref<128xi32, #tpu.memory_space<vmem>>, vector<16xi32>,
      %get3A_341 = arith.constant 336 : index
      %get3A_342 = tpu.vector_load %arg10[%get3A_341] {strides = array<i32>} : memref<10256xi32, #tpu.memory_space<vmem>>, vector<16xi32>,
      %and3A_343 = arith.constant 8191 : i32
      %and3A_344 = vector.broadcast %and3A_343 : i32 to vector<16xi32>
      %and3A_345 = arith.andi %get3A_342, %and3A_344 : vector<16xi32>
      %swap3A_346 = arith.constant 80 : index
      %swap3A_347 = tpu.vector_load %arg13[%swap3A_346] {strides = array<i32>} : memref<128xi32, #tpu.memory_space<vmem>>, vector<16xi32>,
      tpu.vector_store %arg13[%swap3A_346], %and3A_345 {strides = array<i32>} : memref<128xi32, #tpu.memory_space<vmem>>, vector<16xi32>,
      %shift_right_arithmetic3A_348 = arith.constant 13 : i32
      %shift_right_arithmetic3A_349 = vector.broadcast %shift_right_arithmetic3A_348 : i32 to vector<16xi32>
      %shift_right_arithmetic3A_350 = arith.shrsi %get3A_342, %shift_right_arithmetic3A_349 : vector<16xi32>
      %swap3A_351 = arith.constant 80 : index
      %swap3A_352 = tpu.vector_load %arg16[%swap3A_351] {strides = array<i32>} : memref<128xi32, #tpu.memory_space<vmem>>, vector<16xi32>,
      tpu.vector_store %arg16[%swap3A_351], %shift_right_arithmetic3A_350 {strides = array<i32>} : memref<128xi32, #tpu.memory_space<vmem>>, vector<16xi32>,
      %get3A_353 = arith.constant 352 : index
      %get3A_354 = tpu.vector_load %arg10[%get3A_353] {strides = array<i32>} : memref<10256xi32, #tpu.memory_space<vmem>>, vector<16xi32>,
      %and3A_355 = arith.constant 8191 : i32
      %and3A_356 = vector.broadcast %and3A_355 : i32 to vector<16xi32>
      %and3A_357 = arith.andi %get3A_354, %and3A_356 : vector<16xi32>
      %swap3A_358 = arith.constant 96 : index
      %swap3A_359 = tpu.vector_load %arg13[%swap3A_358] {strides = array<i32>} : memref<128xi32, #tpu.memory_space<vmem>>, vector<16xi32>,
      tpu.vector_store %arg13[%swap3A_358], %and3A_357 {strides = array<i32>} : memref<128xi32, #tpu.memory_space<vmem>>, vector<16xi32>,
      %shift_right_arithmetic3A_360 = arith.constant 13 : i32
      %shift_right_arithmetic3A_361 = vector.broadcast %shift_right_arithmetic3A_360 : i32 to vector<16xi32>
      %shift_right_arithmetic3A_362 = arith.shrsi %get3A_354, %shift_right_arithmetic3A_361 : vector<16xi32>
      %swap3A_363 = arith.constant 96 : index
      %swap3A_364 = tpu.vector_load %arg16[%swap3A_363] {strides = array<i32>} : memref<128xi32, #tpu.memory_space<vmem>>, vector<16xi32>,
      tpu.vector_store %arg16[%swap3A_363], %shift_right_arithmetic3A_362 {strides = array<i32>} : memref<128xi32, #tpu.memory_space<vmem>>, vector<16xi32>,
      %get3A_365 = arith.constant 368 : index
      %get3A_366 = tpu.vector_load %arg10[%get3A_365] {strides = array<i32>} : memref<10256xi32, #tpu.memory_space<vmem>>, vector<16xi32>,
      %and3A_367 = arith.constant 8191 : i32
      %and3A_368 = vector.broadcast %and3A_367 : i32 to vector<16xi32>
      %and3A_369 = arith.andi %get3A_366, %and3A_368 : vector<16xi32>
      %swap3A_370 = arith.constant 112 : index
      %swap3A_371 = tpu.vector_load %arg13[%swap3A_370] {strides = array<i32>} : memref<128xi32, #tpu.memory_space<vmem>>, vector<16xi32>,
      tpu.vector_store %arg13[%swap3A_370], %and3A_369 {strides = array<i32>} : memref<128xi32, #tpu.memory_space<vmem>>, vector<16xi32>,
      %shift_right_arithmetic3A_372 = arith.constant 13 : i32
      %shift_right_arithmetic3A_373 = vector.broadcast %shift_right_arithmetic3A_372 : i32 to vector<16xi32>
      %shift_right_arithmetic3A_374 = arith.shrsi %get3A_366, %shift_right_arithmetic3A_373 : vector<16xi32>
      %swap3A_375 = arith.constant 112 : index
      %swap3A_376 = tpu.vector_load %arg16[%swap3A_375] {strides = array<i32>} : memref<128xi32, #tpu.memory_space<vmem>>, vector<16xi32>,
      tpu.vector_store %arg16[%swap3A_375], %shift_right_arithmetic3A_374 {strides = array<i32>} : memref<128xi32, #tpu.memory_space<vmem>>, vector<16xi32>,
      %dma_start3A_377 = arith.constant 0 : i32
      %dma_start3A_378 = arith.constant 0 : i32
      %dma_start3A_379 = tpu.memref_slice %arg4[%dma_start3A_377, %dma_start3A_378] : memref<8000x128xf32, #tpu.memory_space<hbm>> -> memref<8000x128xf32, #tpu.memory_space<hbm>>
      tpu.enqueue_indirect_dma source(%dma_start3A_379 : memref<8000x128xf32, #tpu.memory_space<hbm>>) target(%arg19 : memref<128x128xf32, #tpu.memory_space<vmem>>) offsets(%arg13 : memref<128xi32, #tpu.memory_space<vmem>>) semaphore(%arg22 : memref<!tpu.dma_semaphore, #tpu.memory_space<semaphore_mem>>)
    } else {
    }
    %barrier3A = arith.constant 0 : index
    tpu.barrier barrier_id(%barrier3A)
    %add3A_223 = arith.constant 3 : i32
    %add3A_224 = arith.addi %select_n3A_199, %add3A_223 : i32
    %sub3A_225 = arith.constant 1 : i32
    %sub3A_226 = arith.subi %add3A_224, %sub3A_225 : i32
    %jit3A_227 = arith.constant 3 : i32
    %div3A_228 = arith.divsi %sub3A_226, %jit3A_227 : i32
    %sign3A_229 = arith.constant 0 : i32
    %sign3A_230 = arith.cmpi sgt, %sub3A_226, %sign3A_229 : i32
    %sign3A_231 = arith.extui %sign3A_230 : i1 to i32
    %sign3A_232 = arith.constant 0 : i32
    %sign3A_233 = arith.cmpi slt, %sub3A_226, %sign3A_232 : i32
    %sign3A_234 = arith.extui %sign3A_233 : i1 to i32
    %sign3A_235 = arith.subi %sign3A_231, %sign3A_234 : i32
    %sign3A_236 = arith.constant 0 : i32
    %sign3A_237 = arith.cmpi sgt, %jit3A_227, %sign3A_236 : i32
    %sign3A_238 = arith.extui %sign3A_237 : i1 to i32
    %sign3A_239 = arith.constant 0 : i32
    %sign3A_240 = arith.cmpi slt, %jit3A_227, %sign3A_239 : i32
    %sign3A_241 = arith.extui %sign3A_240 : i1 to i32
    %sign3A_242 = arith.subi %sign3A_238, %sign3A_241 : i32
    %ne3A_243 = arith.cmpi ne, %sign3A_235, %sign3A_242 : i32
    %rem3A_244 = arith.remsi %sub3A_226, %jit3A_227 : i32
    %ne3A_245 = arith.constant 0 : i32
    %ne3A_246 = arith.cmpi ne, %rem3A_244, %ne3A_245 : i32
    %and3A_247 = arith.andi %ne3A_243, %ne3A_246 : i1
    %sub3A_248 = arith.constant 1 : i32
    %sub3A_249 = arith.subi %div3A_228, %sub3A_248 : i32
    %select_n3A_250 = arith.select %and3A_247, %sub3A_249, %div3A_228 : i32
    %while3A = arith.constant 0 : i32
    %while3A_251 = arith.constant 0 : i32
    %while3A_252 = arith.subi %select_n3A_250, %while3A_251 : i32
    %while3A_253 = arith.addi %while3A_251, %while3A_252 : i32
    %while3A_254 = arith.constant 1 : i32
    %while3A_255 = arith.divsi %while3A_252, %while3A_254 : i32
    %while3A_256 = arith.muli %while3A_255, %while3A_254 : i32
    %while3A_257 = arith.addi %while3A_251, %while3A_256 : i32
    %while3A_258 = arith.constant 1 : i32
    scf.for %while3A_284 = %while3A_251 to %while3A_257 step %while3A_258  : i32 {
      %mul3A_285 = arith.constant 3 : i32
      %mul3A_286 = arith.muli %while3A_284, %mul3A_285 : i32
      %add3A_287 = arith.constant 0 : i32
      %add3A_288 = arith.addi %mul3A_286, %add3A_287 : i32
      %add3A_289 = arith.constant 3 : i32
      %add3A_290 = arith.addi %add3A_288, %add3A_289 : i32
      %lt3A = arith.cmpi slt, %add3A_288, %select_n3A_199 : i32
      %convert_element_type3A_291 = arith.extui %lt3A : i1 to i32
      %cond3A_292 = arith.constant 0 : i32
      %cond3A_293 = arith.cmpi ne, %convert_element_type3A_291, %cond3A_292 : i32
      scf.if %cond3A_293 {
        %dma_wait3A_326 = arith.constant 0 : i32
        %dma_wait3A_327 = arith.constant 0 : i32
        %dma_wait3A_328 = tpu.memref_slice %arg4[%dma_wait3A_326, %dma_wait3A_327] : memref<8000x128xf32, #tpu.memory_space<hbm>> -> memref<8000x128xf32, #tpu.memory_space<hbm>>
        tpu.wait_indirect_dma semaphore(%arg20 : memref<!tpu.dma_semaphore, #tpu.memory_space<semaphore_mem>>) src(%dma_wait3A_328 : memref<8000x128xf32, #tpu.memory_space<hbm>>) dst(%arg17 : memref<128x128xf32, #tpu.memory_space<vmem>>)
        %dma_start3A_329 = arith.constant 0 : i32
        %dma_start3A_330 = arith.constant 0 : i32
        %dma_start3A_331 = tpu.memref_slice %arg28[%dma_start3A_329, %dma_start3A_330] : memref<4096x128xf32, #tpu.memory_space<vmem_shared>> -> memref<4096x128xf32, #tpu.memory_space<vmem_shared>>
        tpu.enqueue_indirect_dma source(%arg17 : memref<128x128xf32, #tpu.memory_space<vmem>>) target(%dma_start3A_331 : memref<4096x128xf32, #tpu.memory_space<vmem_shared>>) offsets(%arg14 : memref<128xi32, #tpu.memory_space<vmem>>) semaphore(%arg23 : memref<!tpu.dma_semaphore, #tpu.memory_space<semaphore_mem>>) {add = true}
      } else {
      }
      %lt3A_294 = arith.cmpi slt, %add3A_290, %select_n3A_199 : i32
      %convert_element_type3A_295 = arith.extui %lt3A_294 : i1 to i32
      %cond3A_296 = arith.constant 0 : i32
      %cond3A_297 = arith.cmpi ne, %convert_element_type3A_295, %cond3A_296 : i32
      scf.if %cond3A_297 {
        %dma_wait3A_326 = arith.constant 0 : i32
        %dma_wait3A_327 = arith.constant 0 : i32
        %dma_wait3A_328 = tpu.memref_slice %arg28[%dma_wait3A_326, %dma_wait3A_327] : memref<4096x128xf32, #tpu.memory_space<vmem_shared>> -> memref<4096x128xf32, #tpu.memory_space<vmem_shared>>
        tpu.wait_indirect_dma semaphore(%arg23 : memref<!tpu.dma_semaphore, #tpu.memory_space<semaphore_mem>>) src(%arg17 : memref<128x128xf32, #tpu.memory_space<vmem>>) dst(%dma_wait3A_328 : memref<4096x128xf32, #tpu.memory_space<vmem_shared>>)
        %mul3A_329 = arith.constant 128 : i32
        %mul3A_330 = arith.muli %add3A_290, %mul3A_329 : i32
        %add3A_331 = arith.constant 0 : i32
        %add3A_332 = arith.addi %mul3A_330, %add3A_331 : i32
        %get3A = arith.index_cast %add3A_332 : i32 to index
        %get3A_333 = tpu.vector_load %arg10[%get3A] {strides = array<i32>} : memref<10256xi32, #tpu.memory_space<vmem>>, vector<16xi32>,
        %and3A_334 = arith.constant 8191 : i32
        %and3A_335 = vector.broadcast %and3A_334 : i32 to vector<16xi32>
        %and3A_336 = arith.andi %get3A_333, %and3A_335 : vector<16xi32>
        %swap3A = arith.constant 0 : index
        %swap3A_337 = tpu.vector_load %arg11[%swap3A] {strides = array<i32>} : memref<128xi32, #tpu.memory_space<vmem>>, vector<16xi32>,
        tpu.vector_store %arg11[%swap3A], %and3A_336 {strides = array<i32>} : memref<128xi32, #tpu.memory_space<vmem>>, vector<16xi32>,
        %shift_right_arithmetic3A = arith.constant 13 : i32
        %shift_right_arithmetic3A_338 = vector.broadcast %shift_right_arithmetic3A : i32 to vector<16xi32>
        %shift_right_arithmetic3A_339 = arith.shrsi %get3A_333, %shift_right_arithmetic3A_338 : vector<16xi32>
        %swap3A_340 = arith.constant 0 : index
        %swap3A_341 = tpu.vector_load %arg14[%swap3A_340] {strides = array<i32>} : memref<128xi32, #tpu.memory_space<vmem>>, vector<16xi32>,
        tpu.vector_store %arg14[%swap3A_340], %shift_right_arithmetic3A_339 {strides = array<i32>} : memref<128xi32, #tpu.memory_space<vmem>>, vector<16xi32>,
        %mul3A_342 = arith.constant 128 : i32
        %mul3A_343 = arith.muli %add3A_290, %mul3A_342 : i32
        %add3A_344 = arith.constant 16 : i32
        %add3A_345 = arith.addi %mul3A_343, %add3A_344 : i32
        %get3A_346 = arith.index_cast %add3A_345 : i32 to index
        %get3A_347 = tpu.vector_load %arg10[%get3A_346] {strides = array<i32>} : memref<10256xi32, #tpu.memory_space<vmem>>, vector<16xi32>,
        %and3A_348 = arith.constant 8191 : i32
        %and3A_349 = vector.broadcast %and3A_348 : i32 to vector<16xi32>
        %and3A_350 = arith.andi %get3A_347, %and3A_349 : vector<16xi32>
        %swap3A_351 = arith.constant 16 : index
        %swap3A_352 = tpu.vector_load %arg11[%swap3A_351] {strides = array<i32>} : memref<128xi32, #tpu.memory_space<vmem>>, vector<16xi32>,
        tpu.vector_store %arg11[%swap3A_351], %and3A_350 {strides = array<i32>} : memref<128xi32, #tpu.memory_space<vmem>>, vector<16xi32>,
        %shift_right_arithmetic3A_353 = arith.constant 13 : i32
        %shift_right_arithmetic3A_354 = vector.broadcast %shift_right_arithmetic3A_353 : i32 to vector<16xi32>
        %shift_right_arithmetic3A_355 = arith.shrsi %get3A_347, %shift_right_arithmetic3A_354 : vector<16xi32>
        %swap3A_356 = arith.constant 16 : index
        %swap3A_357 = tpu.vector_load %arg14[%swap3A_356] {strides = array<i32>} : memref<128xi32, #tpu.memory_space<vmem>>, vector<16xi32>,
        tpu.vector_store %arg14[%swap3A_356], %shift_right_arithmetic3A_355 {strides = array<i32>} : memref<128xi32, #tpu.memory_space<vmem>>, vector<16xi32>,
        %mul3A_358 = arith.constant 128 : i32
        %mul3A_359 = arith.muli %add3A_290, %mul3A_358 : i32
        %add3A_360 = arith.constant 32 : i32
        %add3A_361 = arith.addi %mul3A_359, %add3A_360 : i32
        %get3A_362 = arith.index_cast %add3A_361 : i32 to index
        %get3A_363 = tpu.vector_load %arg10[%get3A_362] {strides = array<i32>} : memref<10256xi32, #tpu.memory_space<vmem>>, vector<16xi32>,
        %and3A_364 = arith.constant 8191 : i32
        %and3A_365 = vector.broadcast %and3A_364 : i32 to vector<16xi32>
        %and3A_366 = arith.andi %get3A_363, %and3A_365 : vector<16xi32>
        %swap3A_367 = arith.constant 32 : index
        %swap3A_368 = tpu.vector_load %arg11[%swap3A_367] {strides = array<i32>} : memref<128xi32, #tpu.memory_space<vmem>>, vector<16xi32>,
        tpu.vector_store %arg11[%swap3A_367], %and3A_366 {strides = array<i32>} : memref<128xi32, #tpu.memory_space<vmem>>, vector<16xi32>,
        %shift_right_arithmetic3A_369 = arith.constant 13 : i32
        %shift_right_arithmetic3A_370 = vector.broadcast %shift_right_arithmetic3A_369 : i32 to vector<16xi32>
        %shift_right_arithmetic3A_371 = arith.shrsi %get3A_363, %shift_right_arithmetic3A_370 : vector<16xi32>
        %swap3A_372 = arith.constant 32 : index
        %swap3A_373 = tpu.vector_load %arg14[%swap3A_372] {strides = array<i32>} : memref<128xi32, #tpu.memory_space<vmem>>, vector<16xi32>,
        tpu.vector_store %arg14[%swap3A_372], %shift_right_arithmetic3A_371 {strides = array<i32>} : memref<128xi32, #tpu.memory_space<vmem>>, vector<16xi32>,
        %mul3A_374 = arith.constant 128 : i32
        %mul3A_375 = arith.muli %add3A_290, %mul3A_374 : i32
        %add3A_376 = arith.constant 48 : i32
        %add3A_377 = arith.addi %mul3A_375, %add3A_376 : i32
        %get3A_378 = arith.index_cast %add3A_377 : i32 to index
        %get3A_379 = tpu.vector_load %arg10[%get3A_378] {strides = array<i32>} : memref<10256xi32, #tpu.memory_space<vmem>>, vector<16xi32>,
        %and3A_380 = arith.constant 8191 : i32
        %and3A_381 = vector.broadcast %and3A_380 : i32 to vector<16xi32>
        %and3A_382 = arith.andi %get3A_379, %and3A_381 : vector<16xi32>
        %swap3A_383 = arith.constant 48 : index
        %swap3A_384 = tpu.vector_load %arg11[%swap3A_383] {strides = array<i32>} : memref<128xi32, #tpu.memory_space<vmem>>, vector<16xi32>,
        tpu.vector_store %arg11[%swap3A_383], %and3A_382 {strides = array<i32>} : memref<128xi32, #tpu.memory_space<vmem>>, vector<16xi32>,
        %shift_right_arithmetic3A_385 = arith.constant 13 : i32
        %shift_right_arithmetic3A_386 = vector.broadcast %shift_right_arithmetic3A_385 : i32 to vector<16xi32>
        %shift_right_arithmetic3A_387 = arith.shrsi %get3A_379, %shift_right_arithmetic3A_386 : vector<16xi32>
        %swap3A_388 = arith.constant 48 : index
        %swap3A_389 = tpu.vector_load %arg14[%swap3A_388] {strides = array<i32>} : memref<128xi32, #tpu.memory_space<vmem>>, vector<16xi32>,
        tpu.vector_store %arg14[%swap3A_388], %shift_right_arithmetic3A_387 {strides = array<i32>} : memref<128xi32, #tpu.memory_space<vmem>>, vector<16xi32>,
        %mul3A_390 = arith.constant 128 : i32
        %mul3A_391 = arith.muli %add3A_290, %mul3A_390 : i32
        %add3A_392 = arith.constant 64 : i32
        %add3A_393 = arith.addi %mul3A_391, %add3A_392 : i32
        %get3A_394 = arith.index_cast %add3A_393 : i32 to index
        %get3A_395 = tpu.vector_load %arg10[%get3A_394] {strides = array<i32>} : memref<10256xi32, #tpu.memory_space<vmem>>, vector<16xi32>,
        %and3A_396 = arith.constant 8191 : i32
        %and3A_397 = vector.broadcast %and3A_396 : i32 to vector<16xi32>
        %and3A_398 = arith.andi %get3A_395, %and3A_397 : vector<16xi32>
        %swap3A_399 = arith.constant 64 : index
        %swap3A_400 = tpu.vector_load %arg11[%swap3A_399] {strides = array<i32>} : memref<128xi32, #tpu.memory_space<vmem>>, vector<16xi32>,
        tpu.vector_store %arg11[%swap3A_399], %and3A_398 {strides = array<i32>} : memref<128xi32, #tpu.memory_space<vmem>>, vector<16xi32>,
        %shift_right_arithmetic3A_401 = arith.constant 13 : i32
        %shift_right_arithmetic3A_402 = vector.broadcast %shift_right_arithmetic3A_401 : i32 to vector<16xi32>
        %shift_right_arithmetic3A_403 = arith.shrsi %get3A_395, %shift_right_arithmetic3A_402 : vector<16xi32>
        %swap3A_404 = arith.constant 64 : index
        %swap3A_405 = tpu.vector_load %arg14[%swap3A_404] {strides = array<i32>} : memref<128xi32, #tpu.memory_space<vmem>>, vector<16xi32>,
        tpu.vector_store %arg14[%swap3A_404], %shift_right_arithmetic3A_403 {strides = array<i32>} : memref<128xi32, #tpu.memory_space<vmem>>, vector<16xi32>,
        %mul3A_406 = arith.constant 128 : i32
        %mul3A_407 = arith.muli %add3A_290, %mul3A_406 : i32
        %add3A_408 = arith.constant 80 : i32
        %add3A_409 = arith.addi %mul3A_407, %add3A_408 : i32
        %get3A_410 = arith.index_cast %add3A_409 : i32 to index
        %get3A_411 = tpu.vector_load %arg10[%get3A_410] {strides = array<i32>} : memref<10256xi32, #tpu.memory_space<vmem>>, vector<16xi32>,
        %and3A_412 = arith.constant 8191 : i32
        %and3A_413 = vector.broadcast %and3A_412 : i32 to vector<16xi32>
        %and3A_414 = arith.andi %get3A_411, %and3A_413 : vector<16xi32>
        %swap3A_415 = arith.constant 80 : index
        %swap3A_416 = tpu.vector_load %arg11[%swap3A_415] {strides = array<i32>} : memref<128xi32, #tpu.memory_space<vmem>>, vector<16xi32>,
        tpu.vector_store %arg11[%swap3A_415], %and3A_414 {strides = array<i32>} : memref<128xi32, #tpu.memory_space<vmem>>, vector<16xi32>,
        %shift_right_arithmetic3A_417 = arith.constant 13 : i32
        %shift_right_arithmetic3A_418 = vector.broadcast %shift_right_arithmetic3A_417 : i32 to vector<16xi32>
        %shift_right_arithmetic3A_419 = arith.shrsi %get3A_411, %shift_right_arithmetic3A_418 : vector<16xi32>
        %swap3A_420 = arith.constant 80 : index
        %swap3A_421 = tpu.vector_load %arg14[%swap3A_420] {strides = array<i32>} : memref<128xi32, #tpu.memory_space<vmem>>, vector<16xi32>,
        tpu.vector_store %arg14[%swap3A_420], %shift_right_arithmetic3A_419 {strides = array<i32>} : memref<128xi32, #tpu.memory_space<vmem>>, vector<16xi32>,
        %mul3A_422 = arith.constant 128 : i32
        %mul3A_423 = arith.muli %add3A_290, %mul3A_422 : i32
        %add3A_424 = arith.constant 96 : i32
        %add3A_425 = arith.addi %mul3A_423, %add3A_424 : i32
        %get3A_426 = arith.index_cast %add3A_425 : i32 to index
        %get3A_427 = tpu.vector_load %arg10[%get3A_426] {strides = array<i32>} : memref<10256xi32, #tpu.memory_space<vmem>>, vector<16xi32>,
        %and3A_428 = arith.constant 8191 : i32
        %and3A_429 = vector.broadcast %and3A_428 : i32 to vector<16xi32>
        %and3A_430 = arith.andi %get3A_427, %and3A_429 : vector<16xi32>
        %swap3A_431 = arith.constant 96 : index
        %swap3A_432 = tpu.vector_load %arg11[%swap3A_431] {strides = array<i32>} : memref<128xi32, #tpu.memory_space<vmem>>, vector<16xi32>,
        tpu.vector_store %arg11[%swap3A_431], %and3A_430 {strides = array<i32>} : memref<128xi32, #tpu.memory_space<vmem>>, vector<16xi32>,
        %shift_right_arithmetic3A_433 = arith.constant 13 : i32
        %shift_right_arithmetic3A_434 = vector.broadcast %shift_right_arithmetic3A_433 : i32 to vector<16xi32>
        %shift_right_arithmetic3A_435 = arith.shrsi %get3A_427, %shift_right_arithmetic3A_434 : vector<16xi32>
        %swap3A_436 = arith.constant 96 : index
        %swap3A_437 = tpu.vector_load %arg14[%swap3A_436] {strides = array<i32>} : memref<128xi32, #tpu.memory_space<vmem>>, vector<16xi32>,
        tpu.vector_store %arg14[%swap3A_436], %shift_right_arithmetic3A_435 {strides = array<i32>} : memref<128xi32, #tpu.memory_space<vmem>>, vector<16xi32>,
        %mul3A_438 = arith.constant 128 : i32
        %mul3A_439 = arith.muli %add3A_290, %mul3A_438 : i32
        %add3A_440 = arith.constant 112 : i32
        %add3A_441 = arith.addi %mul3A_439, %add3A_440 : i32
        %get3A_442 = arith.index_cast %add3A_441 : i32 to index
        %get3A_443 = tpu.vector_load %arg10[%get3A_442] {strides = array<i32>} : memref<10256xi32, #tpu.memory_space<vmem>>, vector<16xi32>,
        %and3A_444 = arith.constant 8191 : i32
        %and3A_445 = vector.broadcast %and3A_444 : i32 to vector<16xi32>
        %and3A_446 = arith.andi %get3A_443, %and3A_445 : vector<16xi32>
        %swap3A_447 = arith.constant 112 : index
        %swap3A_448 = tpu.vector_load %arg11[%swap3A_447] {strides = array<i32>} : memref<128xi32, #tpu.memory_space<vmem>>, vector<16xi32>,
        tpu.vector_store %arg11[%swap3A_447], %and3A_446 {strides = array<i32>} : memref<128xi32, #tpu.memory_space<vmem>>, vector<16xi32>,
        %shift_right_arithmetic3A_449 = arith.constant 13 : i32
        %shift_right_arithmetic3A_450 = vector.broadcast %shift_right_arithmetic3A_449 : i32 to vector<16xi32>
        %shift_right_arithmetic3A_451 = arith.shrsi %get3A_443, %shift_right_arithmetic3A_450 : vector<16xi32>
        %swap3A_452 = arith.constant 112 : index
        %swap3A_453 = tpu.vector_load %arg14[%swap3A_452] {strides = array<i32>} : memref<128xi32, #tpu.memory_space<vmem>>, vector<16xi32>,
        tpu.vector_store %arg14[%swap3A_452], %shift_right_arithmetic3A_451 {strides = array<i32>} : memref<128xi32, #tpu.memory_space<vmem>>, vector<16xi32>,
        %dma_start3A_454 = arith.constant 0 : i32
        %dma_start3A_455 = arith.constant 0 : i32
        %dma_start3A_456 = tpu.memref_slice %arg4[%dma_start3A_454, %dma_start3A_455] : memref<8000x128xf32, #tpu.memory_space<hbm>> -> memref<8000x128xf32, #tpu.memory_space<hbm>>
        tpu.enqueue_indirect_dma source(%dma_start3A_456 : memref<8000x128xf32, #tpu.memory_space<hbm>>) target(%arg17 : memref<128x128xf32, #tpu.memory_space<vmem>>) offsets(%arg11 : memref<128xi32, #tpu.memory_space<vmem>>) semaphore(%arg20 : memref<!tpu.dma_semaphore, #tpu.memory_space<semaphore_mem>>)
      } else {
      }
      %mul3A_298 = arith.constant 3 : i32
      %mul3A_299 = arith.muli %while3A_284, %mul3A_298 : i32
      %add3A_300 = arith.constant 1 : i32
      %add3A_301 = arith.addi %mul3A_299, %add3A_300 : i32
      %add3A_302 = arith.constant 3 : i32
      %add3A_303 = arith.addi %add3A_301, %add3A_302 : i32
      %lt3A_304 = arith.cmpi slt, %add3A_301, %select_n3A_199 : i32
      %convert_element_type3A_305 = arith.extui %lt3A_304 : i1 to i32
      %cond3A_306 = arith.constant 0 : i32
      %cond3A_307 = arith.cmpi ne, %convert_element_type3A_305, %cond3A_306 : i32
      scf.if %cond3A_307 {
        %dma_wait3A_326 = arith.constant 0 : i32
        %dma_wait3A_327 = arith.constant 0 : i32
        %dma_wait3A_328 = tpu.memref_slice %arg4[%dma_wait3A_326, %dma_wait3A_327] : memref<8000x128xf32, #tpu.memory_space<hbm>> -> memref<8000x128xf32, #tpu.memory_space<hbm>>
        tpu.wait_indirect_dma semaphore(%arg21 : memref<!tpu.dma_semaphore, #tpu.memory_space<semaphore_mem>>) src(%dma_wait3A_328 : memref<8000x128xf32, #tpu.memory_space<hbm>>) dst(%arg18 : memref<128x128xf32, #tpu.memory_space<vmem>>)
        %dma_start3A_329 = arith.constant 0 : i32
        %dma_start3A_330 = arith.constant 0 : i32
        %dma_start3A_331 = tpu.memref_slice %arg28[%dma_start3A_329, %dma_start3A_330] : memref<4096x128xf32, #tpu.memory_space<vmem_shared>> -> memref<4096x128xf32, #tpu.memory_space<vmem_shared>>
        tpu.enqueue_indirect_dma source(%arg18 : memref<128x128xf32, #tpu.memory_space<vmem>>) target(%dma_start3A_331 : memref<4096x128xf32, #tpu.memory_space<vmem_shared>>) offsets(%arg15 : memref<128xi32, #tpu.memory_space<vmem>>) semaphore(%arg24 : memref<!tpu.dma_semaphore, #tpu.memory_space<semaphore_mem>>) {add = true}
      } else {
      }
      %lt3A_308 = arith.cmpi slt, %add3A_303, %select_n3A_199 : i32
      %convert_element_type3A_309 = arith.extui %lt3A_308 : i1 to i32
      %cond3A_310 = arith.constant 0 : i32
      %cond3A_311 = arith.cmpi ne, %convert_element_type3A_309, %cond3A_310 : i32
      scf.if %cond3A_311 {
        %dma_wait3A_326 = arith.constant 0 : i32
        %dma_wait3A_327 = arith.constant 0 : i32
        %dma_wait3A_328 = tpu.memref_slice %arg28[%dma_wait3A_326, %dma_wait3A_327] : memref<4096x128xf32, #tpu.memory_space<vmem_shared>> -> memref<4096x128xf32, #tpu.memory_space<vmem_shared>>
        tpu.wait_indirect_dma semaphore(%arg24 : memref<!tpu.dma_semaphore, #tpu.memory_space<semaphore_mem>>) src(%arg18 : memref<128x128xf32, #tpu.memory_space<vmem>>) dst(%dma_wait3A_328 : memref<4096x128xf32, #tpu.memory_space<vmem_shared>>)
        %mul3A_329 = arith.constant 128 : i32
        %mul3A_330 = arith.muli %add3A_303, %mul3A_329 : i32
        %add3A_331 = arith.constant 0 : i32
        %add3A_332 = arith.addi %mul3A_330, %add3A_331 : i32
        %get3A = arith.index_cast %add3A_332 : i32 to index
        %get3A_333 = tpu.vector_load %arg10[%get3A] {strides = array<i32>} : memref<10256xi32, #tpu.memory_space<vmem>>, vector<16xi32>,
        %and3A_334 = arith.constant 8191 : i32
        %and3A_335 = vector.broadcast %and3A_334 : i32 to vector<16xi32>
        %and3A_336 = arith.andi %get3A_333, %and3A_335 : vector<16xi32>
        %swap3A = arith.constant 0 : index
        %swap3A_337 = tpu.vector_load %arg12[%swap3A] {strides = array<i32>} : memref<128xi32, #tpu.memory_space<vmem>>, vector<16xi32>,
        tpu.vector_store %arg12[%swap3A], %and3A_336 {strides = array<i32>} : memref<128xi32, #tpu.memory_space<vmem>>, vector<16xi32>,
        %shift_right_arithmetic3A = arith.constant 13 : i32
        %shift_right_arithmetic3A_338 = vector.broadcast %shift_right_arithmetic3A : i32 to vector<16xi32>
        %shift_right_arithmetic3A_339 = arith.shrsi %get3A_333, %shift_right_arithmetic3A_338 : vector<16xi32>
        %swap3A_340 = arith.constant 0 : index
        %swap3A_341 = tpu.vector_load %arg15[%swap3A_340] {strides = array<i32>} : memref<128xi32, #tpu.memory_space<vmem>>, vector<16xi32>,
        tpu.vector_store %arg15[%swap3A_340], %shift_right_arithmetic3A_339 {strides = array<i32>} : memref<128xi32, #tpu.memory_space<vmem>>, vector<16xi32>,
        %mul3A_342 = arith.constant 128 : i32
        %mul3A_343 = arith.muli %add3A_303, %mul3A_342 : i32
        %add3A_344 = arith.constant 16 : i32
        %add3A_345 = arith.addi %mul3A_343, %add3A_344 : i32
        %get3A_346 = arith.index_cast %add3A_345 : i32 to index
        %get3A_347 = tpu.vector_load %arg10[%get3A_346] {strides = array<i32>} : memref<10256xi32, #tpu.memory_space<vmem>>, vector<16xi32>,
        %and3A_348 = arith.constant 8191 : i32
        %and3A_349 = vector.broadcast %and3A_348 : i32 to vector<16xi32>
        %and3A_350 = arith.andi %get3A_347, %and3A_349 : vector<16xi32>
        %swap3A_351 = arith.constant 16 : index
        %swap3A_352 = tpu.vector_load %arg12[%swap3A_351] {strides = array<i32>} : memref<128xi32, #tpu.memory_space<vmem>>, vector<16xi32>,
        tpu.vector_store %arg12[%swap3A_351], %and3A_350 {strides = array<i32>} : memref<128xi32, #tpu.memory_space<vmem>>, vector<16xi32>,
        %shift_right_arithmetic3A_353 = arith.constant 13 : i32
        %shift_right_arithmetic3A_354 = vector.broadcast %shift_right_arithmetic3A_353 : i32 to vector<16xi32>
        %shift_right_arithmetic3A_355 = arith.shrsi %get3A_347, %shift_right_arithmetic3A_354 : vector<16xi32>
        %swap3A_356 = arith.constant 16 : index
        %swap3A_357 = tpu.vector_load %arg15[%swap3A_356] {strides = array<i32>} : memref<128xi32, #tpu.memory_space<vmem>>, vector<16xi32>,
        tpu.vector_store %arg15[%swap3A_356], %shift_right_arithmetic3A_355 {strides = array<i32>} : memref<128xi32, #tpu.memory_space<vmem>>, vector<16xi32>,
        %mul3A_358 = arith.constant 128 : i32
        %mul3A_359 = arith.muli %add3A_303, %mul3A_358 : i32
        %add3A_360 = arith.constant 32 : i32
        %add3A_361 = arith.addi %mul3A_359, %add3A_360 : i32
        %get3A_362 = arith.index_cast %add3A_361 : i32 to index
        %get3A_363 = tpu.vector_load %arg10[%get3A_362] {strides = array<i32>} : memref<10256xi32, #tpu.memory_space<vmem>>, vector<16xi32>,
        %and3A_364 = arith.constant 8191 : i32
        %and3A_365 = vector.broadcast %and3A_364 : i32 to vector<16xi32>
        %and3A_366 = arith.andi %get3A_363, %and3A_365 : vector<16xi32>
        %swap3A_367 = arith.constant 32 : index
        %swap3A_368 = tpu.vector_load %arg12[%swap3A_367] {strides = array<i32>} : memref<128xi32, #tpu.memory_space<vmem>>, vector<16xi32>,
        tpu.vector_store %arg12[%swap3A_367], %and3A_366 {strides = array<i32>} : memref<128xi32, #tpu.memory_space<vmem>>, vector<16xi32>,
        %shift_right_arithmetic3A_369 = arith.constant 13 : i32
        %shift_right_arithmetic3A_370 = vector.broadcast %shift_right_arithmetic3A_369 : i32 to vector<16xi32>
        %shift_right_arithmetic3A_371 = arith.shrsi %get3A_363, %shift_right_arithmetic3A_370 : vector<16xi32>
        %swap3A_372 = arith.constant 32 : index
        %swap3A_373 = tpu.vector_load %arg15[%swap3A_372] {strides = array<i32>} : memref<128xi32, #tpu.memory_space<vmem>>, vector<16xi32>,
        tpu.vector_store %arg15[%swap3A_372], %shift_right_arithmetic3A_371 {strides = array<i32>} : memref<128xi32, #tpu.memory_space<vmem>>, vector<16xi32>,
        %mul3A_374 = arith.constant 128 : i32
        %mul3A_375 = arith.muli %add3A_303, %mul3A_374 : i32
        %add3A_376 = arith.constant 48 : i32
        %add3A_377 = arith.addi %mul3A_375, %add3A_376 : i32
        %get3A_378 = arith.index_cast %add3A_377 : i32 to index
        %get3A_379 = tpu.vector_load %arg10[%get3A_378] {strides = array<i32>} : memref<10256xi32, #tpu.memory_space<vmem>>, vector<16xi32>,
        %and3A_380 = arith.constant 8191 : i32
        %and3A_381 = vector.broadcast %and3A_380 : i32 to vector<16xi32>
        %and3A_382 = arith.andi %get3A_379, %and3A_381 : vector<16xi32>
        %swap3A_383 = arith.constant 48 : index
        %swap3A_384 = tpu.vector_load %arg12[%swap3A_383] {strides = array<i32>} : memref<128xi32, #tpu.memory_space<vmem>>, vector<16xi32>,
        tpu.vector_store %arg12[%swap3A_383], %and3A_382 {strides = array<i32>} : memref<128xi32, #tpu.memory_space<vmem>>, vector<16xi32>,
        %shift_right_arithmetic3A_385 = arith.constant 13 : i32
        %shift_right_arithmetic3A_386 = vector.broadcast %shift_right_arithmetic3A_385 : i32 to vector<16xi32>
        %shift_right_arithmetic3A_387 = arith.shrsi %get3A_379, %shift_right_arithmetic3A_386 : vector<16xi32>
        %swap3A_388 = arith.constant 48 : index
        %swap3A_389 = tpu.vector_load %arg15[%swap3A_388] {strides = array<i32>} : memref<128xi32, #tpu.memory_space<vmem>>, vector<16xi32>,
        tpu.vector_store %arg15[%swap3A_388], %shift_right_arithmetic3A_387 {strides = array<i32>} : memref<128xi32, #tpu.memory_space<vmem>>, vector<16xi32>,
        %mul3A_390 = arith.constant 128 : i32
        %mul3A_391 = arith.muli %add3A_303, %mul3A_390 : i32
        %add3A_392 = arith.constant 64 : i32
        %add3A_393 = arith.addi %mul3A_391, %add3A_392 : i32
        %get3A_394 = arith.index_cast %add3A_393 : i32 to index
        %get3A_395 = tpu.vector_load %arg10[%get3A_394] {strides = array<i32>} : memref<10256xi32, #tpu.memory_space<vmem>>, vector<16xi32>,
        %and3A_396 = arith.constant 8191 : i32
        %and3A_397 = vector.broadcast %and3A_396 : i32 to vector<16xi32>
        %and3A_398 = arith.andi %get3A_395, %and3A_397 : vector<16xi32>
        %swap3A_399 = arith.constant 64 : index
        %swap3A_400 = tpu.vector_load %arg12[%swap3A_399] {strides = array<i32>} : memref<128xi32, #tpu.memory_space<vmem>>, vector<16xi32>,
        tpu.vector_store %arg12[%swap3A_399], %and3A_398 {strides = array<i32>} : memref<128xi32, #tpu.memory_space<vmem>>, vector<16xi32>,
        %shift_right_arithmetic3A_401 = arith.constant 13 : i32
        %shift_right_arithmetic3A_402 = vector.broadcast %shift_right_arithmetic3A_401 : i32 to vector<16xi32>
        %shift_right_arithmetic3A_403 = arith.shrsi %get3A_395, %shift_right_arithmetic3A_402 : vector<16xi32>
        %swap3A_404 = arith.constant 64 : index
        %swap3A_405 = tpu.vector_load %arg15[%swap3A_404] {strides = array<i32>} : memref<128xi32, #tpu.memory_space<vmem>>, vector<16xi32>,
        tpu.vector_store %arg15[%swap3A_404], %shift_right_arithmetic3A_403 {strides = array<i32>} : memref<128xi32, #tpu.memory_space<vmem>>, vector<16xi32>,
        %mul3A_406 = arith.constant 128 : i32
        %mul3A_407 = arith.muli %add3A_303, %mul3A_406 : i32
        %add3A_408 = arith.constant 80 : i32
        %add3A_409 = arith.addi %mul3A_407, %add3A_408 : i32
        %get3A_410 = arith.index_cast %add3A_409 : i32 to index
        %get3A_411 = tpu.vector_load %arg10[%get3A_410] {strides = array<i32>} : memref<10256xi32, #tpu.memory_space<vmem>>, vector<16xi32>,
        %and3A_412 = arith.constant 8191 : i32
        %and3A_413 = vector.broadcast %and3A_412 : i32 to vector<16xi32>
        %and3A_414 = arith.andi %get3A_411, %and3A_413 : vector<16xi32>
        %swap3A_415 = arith.constant 80 : index
        %swap3A_416 = tpu.vector_load %arg12[%swap3A_415] {strides = array<i32>} : memref<128xi32, #tpu.memory_space<vmem>>, vector<16xi32>,
        tpu.vector_store %arg12[%swap3A_415], %and3A_414 {strides = array<i32>} : memref<128xi32, #tpu.memory_space<vmem>>, vector<16xi32>,
        %shift_right_arithmetic3A_417 = arith.constant 13 : i32
        %shift_right_arithmetic3A_418 = vector.broadcast %shift_right_arithmetic3A_417 : i32 to vector<16xi32>
        %shift_right_arithmetic3A_419 = arith.shrsi %get3A_411, %shift_right_arithmetic3A_418 : vector<16xi32>
        %swap3A_420 = arith.constant 80 : index
        %swap3A_421 = tpu.vector_load %arg15[%swap3A_420] {strides = array<i32>} : memref<128xi32, #tpu.memory_space<vmem>>, vector<16xi32>,
        tpu.vector_store %arg15[%swap3A_420], %shift_right_arithmetic3A_419 {strides = array<i32>} : memref<128xi32, #tpu.memory_space<vmem>>, vector<16xi32>,
        %mul3A_422 = arith.constant 128 : i32
        %mul3A_423 = arith.muli %add3A_303, %mul3A_422 : i32
        %add3A_424 = arith.constant 96 : i32
        %add3A_425 = arith.addi %mul3A_423, %add3A_424 : i32
        %get3A_426 = arith.index_cast %add3A_425 : i32 to index
        %get3A_427 = tpu.vector_load %arg10[%get3A_426] {strides = array<i32>} : memref<10256xi32, #tpu.memory_space<vmem>>, vector<16xi32>,
        %and3A_428 = arith.constant 8191 : i32
        %and3A_429 = vector.broadcast %and3A_428 : i32 to vector<16xi32>
        %and3A_430 = arith.andi %get3A_427, %and3A_429 : vector<16xi32>
        %swap3A_431 = arith.constant 96 : index
        %swap3A_432 = tpu.vector_load %arg12[%swap3A_431] {strides = array<i32>} : memref<128xi32, #tpu.memory_space<vmem>>, vector<16xi32>,
        tpu.vector_store %arg12[%swap3A_431], %and3A_430 {strides = array<i32>} : memref<128xi32, #tpu.memory_space<vmem>>, vector<16xi32>,
        %shift_right_arithmetic3A_433 = arith.constant 13 : i32
        %shift_right_arithmetic3A_434 = vector.broadcast %shift_right_arithmetic3A_433 : i32 to vector<16xi32>
        %shift_right_arithmetic3A_435 = arith.shrsi %get3A_427, %shift_right_arithmetic3A_434 : vector<16xi32>
        %swap3A_436 = arith.constant 96 : index
        %swap3A_437 = tpu.vector_load %arg15[%swap3A_436] {strides = array<i32>} : memref<128xi32, #tpu.memory_space<vmem>>, vector<16xi32>,
        tpu.vector_store %arg15[%swap3A_436], %shift_right_arithmetic3A_435 {strides = array<i32>} : memref<128xi32, #tpu.memory_space<vmem>>, vector<16xi32>,
        %mul3A_438 = arith.constant 128 : i32
        %mul3A_439 = arith.muli %add3A_303, %mul3A_438 : i32
        %add3A_440 = arith.constant 112 : i32
        %add3A_441 = arith.addi %mul3A_439, %add3A_440 : i32
        %get3A_442 = arith.index_cast %add3A_441 : i32 to index
        %get3A_443 = tpu.vector_load %arg10[%get3A_442] {strides = array<i32>} : memref<10256xi32, #tpu.memory_space<vmem>>, vector<16xi32>,
        %and3A_444 = arith.constant 8191 : i32
        %and3A_445 = vector.broadcast %and3A_444 : i32 to vector<16xi32>
        %and3A_446 = arith.andi %get3A_443, %and3A_445 : vector<16xi32>
        %swap3A_447 = arith.constant 112 : index
        %swap3A_448 = tpu.vector_load %arg12[%swap3A_447] {strides = array<i32>} : memref<128xi32, #tpu.memory_space<vmem>>, vector<16xi32>,
        tpu.vector_store %arg12[%swap3A_447], %and3A_446 {strides = array<i32>} : memref<128xi32, #tpu.memory_space<vmem>>, vector<16xi32>,
        %shift_right_arithmetic3A_449 = arith.constant 13 : i32
        %shift_right_arithmetic3A_450 = vector.broadcast %shift_right_arithmetic3A_449 : i32 to vector<16xi32>
        %shift_right_arithmetic3A_451 = arith.shrsi %get3A_443, %shift_right_arithmetic3A_450 : vector<16xi32>
        %swap3A_452 = arith.constant 112 : index
        %swap3A_453 = tpu.vector_load %arg15[%swap3A_452] {strides = array<i32>} : memref<128xi32, #tpu.memory_space<vmem>>, vector<16xi32>,
        tpu.vector_store %arg15[%swap3A_452], %shift_right_arithmetic3A_451 {strides = array<i32>} : memref<128xi32, #tpu.memory_space<vmem>>, vector<16xi32>,
        %dma_start3A_454 = arith.constant 0 : i32
        %dma_start3A_455 = arith.constant 0 : i32
        %dma_start3A_456 = tpu.memref_slice %arg4[%dma_start3A_454, %dma_start3A_455] : memref<8000x128xf32, #tpu.memory_space<hbm>> -> memref<8000x128xf32, #tpu.memory_space<hbm>>
        tpu.enqueue_indirect_dma source(%dma_start3A_456 : memref<8000x128xf32, #tpu.memory_space<hbm>>) target(%arg18 : memref<128x128xf32, #tpu.memory_space<vmem>>) offsets(%arg12 : memref<128xi32, #tpu.memory_space<vmem>>) semaphore(%arg21 : memref<!tpu.dma_semaphore, #tpu.memory_space<semaphore_mem>>)
      } else {
      }
      %mul3A_312 = arith.constant 3 : i32
      %mul3A_313 = arith.muli %while3A_284, %mul3A_312 : i32
      %add3A_314 = arith.constant 2 : i32
      %add3A_315 = arith.addi %mul3A_313, %add3A_314 : i32
      %add3A_316 = arith.constant 3 : i32
      %add3A_317 = arith.addi %add3A_315, %add3A_316 : i32
      %lt3A_318 = arith.cmpi slt, %add3A_315, %select_n3A_199 : i32
      %convert_element_type3A_319 = arith.extui %lt3A_318 : i1 to i32
      %cond3A_320 = arith.constant 0 : i32
      %cond3A_321 = arith.cmpi ne, %convert_element_type3A_319, %cond3A_320 : i32
      scf.if %cond3A_321 {
        %dma_wait3A_326 = arith.constant 0 : i32
        %dma_wait3A_327 = arith.constant 0 : i32
        %dma_wait3A_328 = tpu.memref_slice %arg4[%dma_wait3A_326, %dma_wait3A_327] : memref<8000x128xf32, #tpu.memory_space<hbm>> -> memref<8000x128xf32, #tpu.memory_space<hbm>>
        tpu.wait_indirect_dma semaphore(%arg22 : memref<!tpu.dma_semaphore, #tpu.memory_space<semaphore_mem>>) src(%dma_wait3A_328 : memref<8000x128xf32, #tpu.memory_space<hbm>>) dst(%arg19 : memref<128x128xf32, #tpu.memory_space<vmem>>)
        %dma_start3A_329 = arith.constant 0 : i32
        %dma_start3A_330 = arith.constant 0 : i32
        %dma_start3A_331 = tpu.memref_slice %arg28[%dma_start3A_329, %dma_start3A_330] : memref<4096x128xf32, #tpu.memory_space<vmem_shared>> -> memref<4096x128xf32, #tpu.memory_space<vmem_shared>>
        tpu.enqueue_indirect_dma source(%arg19 : memref<128x128xf32, #tpu.memory_space<vmem>>) target(%dma_start3A_331 : memref<4096x128xf32, #tpu.memory_space<vmem_shared>>) offsets(%arg16 : memref<128xi32, #tpu.memory_space<vmem>>) semaphore(%arg25 : memref<!tpu.dma_semaphore, #tpu.memory_space<semaphore_mem>>) {add = true}
      } else {
      }
      %lt3A_322 = arith.cmpi slt, %add3A_317, %select_n3A_199 : i32
      %convert_element_type3A_323 = arith.extui %lt3A_322 : i1 to i32
      %cond3A_324 = arith.constant 0 : i32
      %cond3A_325 = arith.cmpi ne, %convert_element_type3A_323, %cond3A_324 : i32
      scf.if %cond3A_325 {
        %dma_wait3A_326 = arith.constant 0 : i32
        %dma_wait3A_327 = arith.constant 0 : i32
        %dma_wait3A_328 = tpu.memref_slice %arg28[%dma_wait3A_326, %dma_wait3A_327] : memref<4096x128xf32, #tpu.memory_space<vmem_shared>> -> memref<4096x128xf32, #tpu.memory_space<vmem_shared>>
        tpu.wait_indirect_dma semaphore(%arg25 : memref<!tpu.dma_semaphore, #tpu.memory_space<semaphore_mem>>) src(%arg19 : memref<128x128xf32, #tpu.memory_space<vmem>>) dst(%dma_wait3A_328 : memref<4096x128xf32, #tpu.memory_space<vmem_shared>>)
        %mul3A_329 = arith.constant 128 : i32
        %mul3A_330 = arith.muli %add3A_317, %mul3A_329 : i32
        %add3A_331 = arith.constant 0 : i32
        %add3A_332 = arith.addi %mul3A_330, %add3A_331 : i32
        %get3A = arith.index_cast %add3A_332 : i32 to index
        %get3A_333 = tpu.vector_load %arg10[%get3A] {strides = array<i32>} : memref<10256xi32, #tpu.memory_space<vmem>>, vector<16xi32>,
        %and3A_334 = arith.constant 8191 : i32
        %and3A_335 = vector.broadcast %and3A_334 : i32 to vector<16xi32>
        %and3A_336 = arith.andi %get3A_333, %and3A_335 : vector<16xi32>
        %swap3A = arith.constant 0 : index
        %swap3A_337 = tpu.vector_load %arg13[%swap3A] {strides = array<i32>} : memref<128xi32, #tpu.memory_space<vmem>>, vector<16xi32>,
        tpu.vector_store %arg13[%swap3A], %and3A_336 {strides = array<i32>} : memref<128xi32, #tpu.memory_space<vmem>>, vector<16xi32>,
        %shift_right_arithmetic3A = arith.constant 13 : i32
        %shift_right_arithmetic3A_338 = vector.broadcast %shift_right_arithmetic3A : i32 to vector<16xi32>
        %shift_right_arithmetic3A_339 = arith.shrsi %get3A_333, %shift_right_arithmetic3A_338 : vector<16xi32>
        %swap3A_340 = arith.constant 0 : index
        %swap3A_341 = tpu.vector_load %arg16[%swap3A_340] {strides = array<i32>} : memref<128xi32, #tpu.memory_space<vmem>>, vector<16xi32>,
        tpu.vector_store %arg16[%swap3A_340], %shift_right_arithmetic3A_339 {strides = array<i32>} : memref<128xi32, #tpu.memory_space<vmem>>, vector<16xi32>,
        %mul3A_342 = arith.constant 128 : i32
        %mul3A_343 = arith.muli %add3A_317, %mul3A_342 : i32
        %add3A_344 = arith.constant 16 : i32
        %add3A_345 = arith.addi %mul3A_343, %add3A_344 : i32
        %get3A_346 = arith.index_cast %add3A_345 : i32 to index
        %get3A_347 = tpu.vector_load %arg10[%get3A_346] {strides = array<i32>} : memref<10256xi32, #tpu.memory_space<vmem>>, vector<16xi32>,
        %and3A_348 = arith.constant 8191 : i32
        %and3A_349 = vector.broadcast %and3A_348 : i32 to vector<16xi32>
        %and3A_350 = arith.andi %get3A_347, %and3A_349 : vector<16xi32>
        %swap3A_351 = arith.constant 16 : index
        %swap3A_352 = tpu.vector_load %arg13[%swap3A_351] {strides = array<i32>} : memref<128xi32, #tpu.memory_space<vmem>>, vector<16xi32>,
        tpu.vector_store %arg13[%swap3A_351], %and3A_350 {strides = array<i32>} : memref<128xi32, #tpu.memory_space<vmem>>, vector<16xi32>,
        %shift_right_arithmetic3A_353 = arith.constant 13 : i32
        %shift_right_arithmetic3A_354 = vector.broadcast %shift_right_arithmetic3A_353 : i32 to vector<16xi32>
        %shift_right_arithmetic3A_355 = arith.shrsi %get3A_347, %shift_right_arithmetic3A_354 : vector<16xi32>
        %swap3A_356 = arith.constant 16 : index
        %swap3A_357 = tpu.vector_load %arg16[%swap3A_356] {strides = array<i32>} : memref<128xi32, #tpu.memory_space<vmem>>, vector<16xi32>,
        tpu.vector_store %arg16[%swap3A_356], %shift_right_arithmetic3A_355 {strides = array<i32>} : memref<128xi32, #tpu.memory_space<vmem>>, vector<16xi32>,
        %mul3A_358 = arith.constant 128 : i32
        %mul3A_359 = arith.muli %add3A_317, %mul3A_358 : i32
        %add3A_360 = arith.constant 32 : i32
        %add3A_361 = arith.addi %mul3A_359, %add3A_360 : i32
        %get3A_362 = arith.index_cast %add3A_361 : i32 to index
        %get3A_363 = tpu.vector_load %arg10[%get3A_362] {strides = array<i32>} : memref<10256xi32, #tpu.memory_space<vmem>>, vector<16xi32>,
        %and3A_364 = arith.constant 8191 : i32
        %and3A_365 = vector.broadcast %and3A_364 : i32 to vector<16xi32>
        %and3A_366 = arith.andi %get3A_363, %and3A_365 : vector<16xi32>
        %swap3A_367 = arith.constant 32 : index
        %swap3A_368 = tpu.vector_load %arg13[%swap3A_367] {strides = array<i32>} : memref<128xi32, #tpu.memory_space<vmem>>, vector<16xi32>,
        tpu.vector_store %arg13[%swap3A_367], %and3A_366 {strides = array<i32>} : memref<128xi32, #tpu.memory_space<vmem>>, vector<16xi32>,
        %shift_right_arithmetic3A_369 = arith.constant 13 : i32
        %shift_right_arithmetic3A_370 = vector.broadcast %shift_right_arithmetic3A_369 : i32 to vector<16xi32>
        %shift_right_arithmetic3A_371 = arith.shrsi %get3A_363, %shift_right_arithmetic3A_370 : vector<16xi32>
        %swap3A_372 = arith.constant 32 : index
        %swap3A_373 = tpu.vector_load %arg16[%swap3A_372] {strides = array<i32>} : memref<128xi32, #tpu.memory_space<vmem>>, vector<16xi32>,
        tpu.vector_store %arg16[%swap3A_372], %shift_right_arithmetic3A_371 {strides = array<i32>} : memref<128xi32, #tpu.memory_space<vmem>>, vector<16xi32>,
        %mul3A_374 = arith.constant 128 : i32
        %mul3A_375 = arith.muli %add3A_317, %mul3A_374 : i32
        %add3A_376 = arith.constant 48 : i32
        %add3A_377 = arith.addi %mul3A_375, %add3A_376 : i32
        %get3A_378 = arith.index_cast %add3A_377 : i32 to index
        %get3A_379 = tpu.vector_load %arg10[%get3A_378] {strides = array<i32>} : memref<10256xi32, #tpu.memory_space<vmem>>, vector<16xi32>,
        %and3A_380 = arith.constant 8191 : i32
        %and3A_381 = vector.broadcast %and3A_380 : i32 to vector<16xi32>
        %and3A_382 = arith.andi %get3A_379, %and3A_381 : vector<16xi32>
        %swap3A_383 = arith.constant 48 : index
        %swap3A_384 = tpu.vector_load %arg13[%swap3A_383] {strides = array<i32>} : memref<128xi32, #tpu.memory_space<vmem>>, vector<16xi32>,
        tpu.vector_store %arg13[%swap3A_383], %and3A_382 {strides = array<i32>} : memref<128xi32, #tpu.memory_space<vmem>>, vector<16xi32>,
        %shift_right_arithmetic3A_385 = arith.constant 13 : i32
        %shift_right_arithmetic3A_386 = vector.broadcast %shift_right_arithmetic3A_385 : i32 to vector<16xi32>
        %shift_right_arithmetic3A_387 = arith.shrsi %get3A_379, %shift_right_arithmetic3A_386 : vector<16xi32>
        %swap3A_388 = arith.constant 48 : index
        %swap3A_389 = tpu.vector_load %arg16[%swap3A_388] {strides = array<i32>} : memref<128xi32, #tpu.memory_space<vmem>>, vector<16xi32>,
        tpu.vector_store %arg16[%swap3A_388], %shift_right_arithmetic3A_387 {strides = array<i32>} : memref<128xi32, #tpu.memory_space<vmem>>, vector<16xi32>,
        %mul3A_390 = arith.constant 128 : i32
        %mul3A_391 = arith.muli %add3A_317, %mul3A_390 : i32
        %add3A_392 = arith.constant 64 : i32
        %add3A_393 = arith.addi %mul3A_391, %add3A_392 : i32
        %get3A_394 = arith.index_cast %add3A_393 : i32 to index
        %get3A_395 = tpu.vector_load %arg10[%get3A_394] {strides = array<i32>} : memref<10256xi32, #tpu.memory_space<vmem>>, vector<16xi32>,
        %and3A_396 = arith.constant 8191 : i32
        %and3A_397 = vector.broadcast %and3A_396 : i32 to vector<16xi32>
        %and3A_398 = arith.andi %get3A_395, %and3A_397 : vector<16xi32>
        %swap3A_399 = arith.constant 64 : index
        %swap3A_400 = tpu.vector_load %arg13[%swap3A_399] {strides = array<i32>} : memref<128xi32, #tpu.memory_space<vmem>>, vector<16xi32>,
        tpu.vector_store %arg13[%swap3A_399], %and3A_398 {strides = array<i32>} : memref<128xi32, #tpu.memory_space<vmem>>, vector<16xi32>,
        %shift_right_arithmetic3A_401 = arith.constant 13 : i32
        %shift_right_arithmetic3A_402 = vector.broadcast %shift_right_arithmetic3A_401 : i32 to vector<16xi32>
        %shift_right_arithmetic3A_403 = arith.shrsi %get3A_395, %shift_right_arithmetic3A_402 : vector<16xi32>
        %swap3A_404 = arith.constant 64 : index
        %swap3A_405 = tpu.vector_load %arg16[%swap3A_404] {strides = array<i32>} : memref<128xi32, #tpu.memory_space<vmem>>, vector<16xi32>,
        tpu.vector_store %arg16[%swap3A_404], %shift_right_arithmetic3A_403 {strides = array<i32>} : memref<128xi32, #tpu.memory_space<vmem>>, vector<16xi32>,
        %mul3A_406 = arith.constant 128 : i32
        %mul3A_407 = arith.muli %add3A_317, %mul3A_406 : i32
        %add3A_408 = arith.constant 80 : i32
        %add3A_409 = arith.addi %mul3A_407, %add3A_408 : i32
        %get3A_410 = arith.index_cast %add3A_409 : i32 to index
        %get3A_411 = tpu.vector_load %arg10[%get3A_410] {strides = array<i32>} : memref<10256xi32, #tpu.memory_space<vmem>>, vector<16xi32>,
        %and3A_412 = arith.constant 8191 : i32
        %and3A_413 = vector.broadcast %and3A_412 : i32 to vector<16xi32>
        %and3A_414 = arith.andi %get3A_411, %and3A_413 : vector<16xi32>
        %swap3A_415 = arith.constant 80 : index
        %swap3A_416 = tpu.vector_load %arg13[%swap3A_415] {strides = array<i32>} : memref<128xi32, #tpu.memory_space<vmem>>, vector<16xi32>,
        tpu.vector_store %arg13[%swap3A_415], %and3A_414 {strides = array<i32>} : memref<128xi32, #tpu.memory_space<vmem>>, vector<16xi32>,
        %shift_right_arithmetic3A_417 = arith.constant 13 : i32
        %shift_right_arithmetic3A_418 = vector.broadcast %shift_right_arithmetic3A_417 : i32 to vector<16xi32>
        %shift_right_arithmetic3A_419 = arith.shrsi %get3A_411, %shift_right_arithmetic3A_418 : vector<16xi32>
        %swap3A_420 = arith.constant 80 : index
        %swap3A_421 = tpu.vector_load %arg16[%swap3A_420] {strides = array<i32>} : memref<128xi32, #tpu.memory_space<vmem>>, vector<16xi32>,
        tpu.vector_store %arg16[%swap3A_420], %shift_right_arithmetic3A_419 {strides = array<i32>} : memref<128xi32, #tpu.memory_space<vmem>>, vector<16xi32>,
        %mul3A_422 = arith.constant 128 : i32
        %mul3A_423 = arith.muli %add3A_317, %mul3A_422 : i32
        %add3A_424 = arith.constant 96 : i32
        %add3A_425 = arith.addi %mul3A_423, %add3A_424 : i32
        %get3A_426 = arith.index_cast %add3A_425 : i32 to index
        %get3A_427 = tpu.vector_load %arg10[%get3A_426] {strides = array<i32>} : memref<10256xi32, #tpu.memory_space<vmem>>, vector<16xi32>,
        %and3A_428 = arith.constant 8191 : i32
        %and3A_429 = vector.broadcast %and3A_428 : i32 to vector<16xi32>
        %and3A_430 = arith.andi %get3A_427, %and3A_429 : vector<16xi32>
        %swap3A_431 = arith.constant 96 : index
        %swap3A_432 = tpu.vector_load %arg13[%swap3A_431] {strides = array<i32>} : memref<128xi32, #tpu.memory_space<vmem>>, vector<16xi32>,
        tpu.vector_store %arg13[%swap3A_431], %and3A_430 {strides = array<i32>} : memref<128xi32, #tpu.memory_space<vmem>>, vector<16xi32>,
        %shift_right_arithmetic3A_433 = arith.constant 13 : i32
        %shift_right_arithmetic3A_434 = vector.broadcast %shift_right_arithmetic3A_433 : i32 to vector<16xi32>
        %shift_right_arithmetic3A_435 = arith.shrsi %get3A_427, %shift_right_arithmetic3A_434 : vector<16xi32>
        %swap3A_436 = arith.constant 96 : index
        %swap3A_437 = tpu.vector_load %arg16[%swap3A_436] {strides = array<i32>} : memref<128xi32, #tpu.memory_space<vmem>>, vector<16xi32>,
        tpu.vector_store %arg16[%swap3A_436], %shift_right_arithmetic3A_435 {strides = array<i32>} : memref<128xi32, #tpu.memory_space<vmem>>, vector<16xi32>,
        %mul3A_438 = arith.constant 128 : i32
        %mul3A_439 = arith.muli %add3A_317, %mul3A_438 : i32
        %add3A_440 = arith.constant 112 : i32
        %add3A_441 = arith.addi %mul3A_439, %add3A_440 : i32
        %get3A_442 = arith.index_cast %add3A_441 : i32 to index
        %get3A_443 = tpu.vector_load %arg10[%get3A_442] {strides = array<i32>} : memref<10256xi32, #tpu.memory_space<vmem>>, vector<16xi32>,
        %and3A_444 = arith.constant 8191 : i32
        %and3A_445 = vector.broadcast %and3A_444 : i32 to vector<16xi32>
        %and3A_446 = arith.andi %get3A_443, %and3A_445 : vector<16xi32>
        %swap3A_447 = arith.constant 112 : index
        %swap3A_448 = tpu.vector_load %arg13[%swap3A_447] {strides = array<i32>} : memref<128xi32, #tpu.memory_space<vmem>>, vector<16xi32>,
        tpu.vector_store %arg13[%swap3A_447], %and3A_446 {strides = array<i32>} : memref<128xi32, #tpu.memory_space<vmem>>, vector<16xi32>,
        %shift_right_arithmetic3A_449 = arith.constant 13 : i32
        %shift_right_arithmetic3A_450 = vector.broadcast %shift_right_arithmetic3A_449 : i32 to vector<16xi32>
        %shift_right_arithmetic3A_451 = arith.shrsi %get3A_443, %shift_right_arithmetic3A_450 : vector<16xi32>
        %swap3A_452 = arith.constant 112 : index
        %swap3A_453 = tpu.vector_load %arg16[%swap3A_452] {strides = array<i32>} : memref<128xi32, #tpu.memory_space<vmem>>, vector<16xi32>,
        tpu.vector_store %arg16[%swap3A_452], %shift_right_arithmetic3A_451 {strides = array<i32>} : memref<128xi32, #tpu.memory_space<vmem>>, vector<16xi32>,
        %dma_start3A_454 = arith.constant 0 : i32
        %dma_start3A_455 = arith.constant 0 : i32
        %dma_start3A_456 = tpu.memref_slice %arg4[%dma_start3A_454, %dma_start3A_455] : memref<8000x128xf32, #tpu.memory_space<hbm>> -> memref<8000x128xf32, #tpu.memory_space<hbm>>
        tpu.enqueue_indirect_dma source(%dma_start3A_456 : memref<8000x128xf32, #tpu.memory_space<hbm>>) target(%arg19 : memref<128x128xf32, #tpu.memory_space<vmem>>) offsets(%arg13 : memref<128xi32, #tpu.memory_space<vmem>>) semaphore(%arg22 : memref<!tpu.dma_semaphore, #tpu.memory_space<semaphore_mem>>)
      } else {
      }
    }
    %while3A_259 = arith.constant 1 : i32
    scf.for %while3A_284 = %while3A_257 to %while3A_253 step %while3A_259  : i32 {
      %mul3A_285 = arith.constant 3 : i32
      %mul3A_286 = arith.muli %while3A_284, %mul3A_285 : i32
      %add3A_287 = arith.constant 0 : i32
      %add3A_288 = arith.addi %mul3A_286, %add3A_287 : i32
      %add3A_289 = arith.constant 3 : i32
      %add3A_290 = arith.addi %add3A_288, %add3A_289 : i32
      %lt3A = arith.cmpi slt, %add3A_288, %select_n3A_199 : i32
      %convert_element_type3A_291 = arith.extui %lt3A : i1 to i32
      %cond3A_292 = arith.constant 0 : i32
      %cond3A_293 = arith.cmpi ne, %convert_element_type3A_291, %cond3A_292 : i32
      scf.if %cond3A_293 {
        %dma_wait3A_326 = arith.constant 0 : i32
        %dma_wait3A_327 = arith.constant 0 : i32
        %dma_wait3A_328 = tpu.memref_slice %arg4[%dma_wait3A_326, %dma_wait3A_327] : memref<8000x128xf32, #tpu.memory_space<hbm>> -> memref<8000x128xf32, #tpu.memory_space<hbm>>
        tpu.wait_indirect_dma semaphore(%arg20 : memref<!tpu.dma_semaphore, #tpu.memory_space<semaphore_mem>>) src(%dma_wait3A_328 : memref<8000x128xf32, #tpu.memory_space<hbm>>) dst(%arg17 : memref<128x128xf32, #tpu.memory_space<vmem>>)
        %dma_start3A_329 = arith.constant 0 : i32
        %dma_start3A_330 = arith.constant 0 : i32
        %dma_start3A_331 = tpu.memref_slice %arg28[%dma_start3A_329, %dma_start3A_330] : memref<4096x128xf32, #tpu.memory_space<vmem_shared>> -> memref<4096x128xf32, #tpu.memory_space<vmem_shared>>
        tpu.enqueue_indirect_dma source(%arg17 : memref<128x128xf32, #tpu.memory_space<vmem>>) target(%dma_start3A_331 : memref<4096x128xf32, #tpu.memory_space<vmem_shared>>) offsets(%arg14 : memref<128xi32, #tpu.memory_space<vmem>>) semaphore(%arg23 : memref<!tpu.dma_semaphore, #tpu.memory_space<semaphore_mem>>) {add = true}
      } else {
      }
      %lt3A_294 = arith.cmpi slt, %add3A_290, %select_n3A_199 : i32
      %convert_element_type3A_295 = arith.extui %lt3A_294 : i1 to i32
      %cond3A_296 = arith.constant 0 : i32
      %cond3A_297 = arith.cmpi ne, %convert_element_type3A_295, %cond3A_296 : i32
      scf.if %cond3A_297 {
        %dma_wait3A_326 = arith.constant 0 : i32
        %dma_wait3A_327 = arith.constant 0 : i32
        %dma_wait3A_328 = tpu.memref_slice %arg28[%dma_wait3A_326, %dma_wait3A_327] : memref<4096x128xf32, #tpu.memory_space<vmem_shared>> -> memref<4096x128xf32, #tpu.memory_space<vmem_shared>>
        tpu.wait_indirect_dma semaphore(%arg23 : memref<!tpu.dma_semaphore, #tpu.memory_space<semaphore_mem>>) src(%arg17 : memref<128x128xf32, #tpu.memory_space<vmem>>) dst(%dma_wait3A_328 : memref<4096x128xf32, #tpu.memory_space<vmem_shared>>)
        %mul3A_329 = arith.constant 128 : i32
        %mul3A_330 = arith.muli %add3A_290, %mul3A_329 : i32
        %add3A_331 = arith.constant 0 : i32
        %add3A_332 = arith.addi %mul3A_330, %add3A_331 : i32
        %get3A = arith.index_cast %add3A_332 : i32 to index
        %get3A_333 = tpu.vector_load %arg10[%get3A] {strides = array<i32>} : memref<10256xi32, #tpu.memory_space<vmem>>, vector<16xi32>,
        %and3A_334 = arith.constant 8191 : i32
        %and3A_335 = vector.broadcast %and3A_334 : i32 to vector<16xi32>
        %and3A_336 = arith.andi %get3A_333, %and3A_335 : vector<16xi32>
        %swap3A = arith.constant 0 : index
        %swap3A_337 = tpu.vector_load %arg11[%swap3A] {strides = array<i32>} : memref<128xi32, #tpu.memory_space<vmem>>, vector<16xi32>,
        tpu.vector_store %arg11[%swap3A], %and3A_336 {strides = array<i32>} : memref<128xi32, #tpu.memory_space<vmem>>, vector<16xi32>,
        %shift_right_arithmetic3A = arith.constant 13 : i32
        %shift_right_arithmetic3A_338 = vector.broadcast %shift_right_arithmetic3A : i32 to vector<16xi32>
        %shift_right_arithmetic3A_339 = arith.shrsi %get3A_333, %shift_right_arithmetic3A_338 : vector<16xi32>
        %swap3A_340 = arith.constant 0 : index
        %swap3A_341 = tpu.vector_load %arg14[%swap3A_340] {strides = array<i32>} : memref<128xi32, #tpu.memory_space<vmem>>, vector<16xi32>,
        tpu.vector_store %arg14[%swap3A_340], %shift_right_arithmetic3A_339 {strides = array<i32>} : memref<128xi32, #tpu.memory_space<vmem>>, vector<16xi32>,
        %mul3A_342 = arith.constant 128 : i32
        %mul3A_343 = arith.muli %add3A_290, %mul3A_342 : i32
        %add3A_344 = arith.constant 16 : i32
        %add3A_345 = arith.addi %mul3A_343, %add3A_344 : i32
        %get3A_346 = arith.index_cast %add3A_345 : i32 to index
        %get3A_347 = tpu.vector_load %arg10[%get3A_346] {strides = array<i32>} : memref<10256xi32, #tpu.memory_space<vmem>>, vector<16xi32>,
        %and3A_348 = arith.constant 8191 : i32
        %and3A_349 = vector.broadcast %and3A_348 : i32 to vector<16xi32>
        %and3A_350 = arith.andi %get3A_347, %and3A_349 : vector<16xi32>
        %swap3A_351 = arith.constant 16 : index
        %swap3A_352 = tpu.vector_load %arg11[%swap3A_351] {strides = array<i32>} : memref<128xi32, #tpu.memory_space<vmem>>, vector<16xi32>,
        tpu.vector_store %arg11[%swap3A_351], %and3A_350 {strides = array<i32>} : memref<128xi32, #tpu.memory_space<vmem>>, vector<16xi32>,
        %shift_right_arithmetic3A_353 = arith.constant 13 : i32
        %shift_right_arithmetic3A_354 = vector.broadcast %shift_right_arithmetic3A_353 : i32 to vector<16xi32>
        %shift_right_arithmetic3A_355 = arith.shrsi %get3A_347, %shift_right_arithmetic3A_354 : vector<16xi32>
        %swap3A_356 = arith.constant 16 : index
        %swap3A_357 = tpu.vector_load %arg14[%swap3A_356] {strides = array<i32>} : memref<128xi32, #tpu.memory_space<vmem>>, vector<16xi32>,
        tpu.vector_store %arg14[%swap3A_356], %shift_right_arithmetic3A_355 {strides = array<i32>} : memref<128xi32, #tpu.memory_space<vmem>>, vector<16xi32>,
        %mul3A_358 = arith.constant 128 : i32
        %mul3A_359 = arith.muli %add3A_290, %mul3A_358 : i32
        %add3A_360 = arith.constant 32 : i32
        %add3A_361 = arith.addi %mul3A_359, %add3A_360 : i32
        %get3A_362 = arith.index_cast %add3A_361 : i32 to index
        %get3A_363 = tpu.vector_load %arg10[%get3A_362] {strides = array<i32>} : memref<10256xi32, #tpu.memory_space<vmem>>, vector<16xi32>,
        %and3A_364 = arith.constant 8191 : i32
        %and3A_365 = vector.broadcast %and3A_364 : i32 to vector<16xi32>
        %and3A_366 = arith.andi %get3A_363, %and3A_365 : vector<16xi32>
        %swap3A_367 = arith.constant 32 : index
        %swap3A_368 = tpu.vector_load %arg11[%swap3A_367] {strides = array<i32>} : memref<128xi32, #tpu.memory_space<vmem>>, vector<16xi32>,
        tpu.vector_store %arg11[%swap3A_367], %and3A_366 {strides = array<i32>} : memref<128xi32, #tpu.memory_space<vmem>>, vector<16xi32>,
        %shift_right_arithmetic3A_369 = arith.constant 13 : i32
        %shift_right_arithmetic3A_370 = vector.broadcast %shift_right_arithmetic3A_369 : i32 to vector<16xi32>
        %shift_right_arithmetic3A_371 = arith.shrsi %get3A_363, %shift_right_arithmetic3A_370 : vector<16xi32>
        %swap3A_372 = arith.constant 32 : index
        %swap3A_373 = tpu.vector_load %arg14[%swap3A_372] {strides = array<i32>} : memref<128xi32, #tpu.memory_space<vmem>>, vector<16xi32>,
        tpu.vector_store %arg14[%swap3A_372], %shift_right_arithmetic3A_371 {strides = array<i32>} : memref<128xi32, #tpu.memory_space<vmem>>, vector<16xi32>,
        %mul3A_374 = arith.constant 128 : i32
        %mul3A_375 = arith.muli %add3A_290, %mul3A_374 : i32
        %add3A_376 = arith.constant 48 : i32
        %add3A_377 = arith.addi %mul3A_375, %add3A_376 : i32
        %get3A_378 = arith.index_cast %add3A_377 : i32 to index
        %get3A_379 = tpu.vector_load %arg10[%get3A_378] {strides = array<i32>} : memref<10256xi32, #tpu.memory_space<vmem>>, vector<16xi32>,
        %and3A_380 = arith.constant 8191 : i32
        %and3A_381 = vector.broadcast %and3A_380 : i32 to vector<16xi32>
        %and3A_382 = arith.andi %get3A_379, %and3A_381 : vector<16xi32>
        %swap3A_383 = arith.constant 48 : index
        %swap3A_384 = tpu.vector_load %arg11[%swap3A_383] {strides = array<i32>} : memref<128xi32, #tpu.memory_space<vmem>>, vector<16xi32>,
        tpu.vector_store %arg11[%swap3A_383], %and3A_382 {strides = array<i32>} : memref<128xi32, #tpu.memory_space<vmem>>, vector<16xi32>,
        %shift_right_arithmetic3A_385 = arith.constant 13 : i32
        %shift_right_arithmetic3A_386 = vector.broadcast %shift_right_arithmetic3A_385 : i32 to vector<16xi32>
        %shift_right_arithmetic3A_387 = arith.shrsi %get3A_379, %shift_right_arithmetic3A_386 : vector<16xi32>
        %swap3A_388 = arith.constant 48 : index
        %swap3A_389 = tpu.vector_load %arg14[%swap3A_388] {strides = array<i32>} : memref<128xi32, #tpu.memory_space<vmem>>, vector<16xi32>,
        tpu.vector_store %arg14[%swap3A_388], %shift_right_arithmetic3A_387 {strides = array<i32>} : memref<128xi32, #tpu.memory_space<vmem>>, vector<16xi32>,
        %mul3A_390 = arith.constant 128 : i32
        %mul3A_391 = arith.muli %add3A_290, %mul3A_390 : i32
        %add3A_392 = arith.constant 64 : i32
        %add3A_393 = arith.addi %mul3A_391, %add3A_392 : i32
        %get3A_394 = arith.index_cast %add3A_393 : i32 to index
        %get3A_395 = tpu.vector_load %arg10[%get3A_394] {strides = array<i32>} : memref<10256xi32, #tpu.memory_space<vmem>>, vector<16xi32>,
        %and3A_396 = arith.constant 8191 : i32
        %and3A_397 = vector.broadcast %and3A_396 : i32 to vector<16xi32>
        %and3A_398 = arith.andi %get3A_395, %and3A_397 : vector<16xi32>
        %swap3A_399 = arith.constant 64 : index
        %swap3A_400 = tpu.vector_load %arg11[%swap3A_399] {strides = array<i32>} : memref<128xi32, #tpu.memory_space<vmem>>, vector<16xi32>,
        tpu.vector_store %arg11[%swap3A_399], %and3A_398 {strides = array<i32>} : memref<128xi32, #tpu.memory_space<vmem>>, vector<16xi32>,
        %shift_right_arithmetic3A_401 = arith.constant 13 : i32
        %shift_right_arithmetic3A_402 = vector.broadcast %shift_right_arithmetic3A_401 : i32 to vector<16xi32>
        %shift_right_arithmetic3A_403 = arith.shrsi %get3A_395, %shift_right_arithmetic3A_402 : vector<16xi32>
        %swap3A_404 = arith.constant 64 : index
        %swap3A_405 = tpu.vector_load %arg14[%swap3A_404] {strides = array<i32>} : memref<128xi32, #tpu.memory_space<vmem>>, vector<16xi32>,
        tpu.vector_store %arg14[%swap3A_404], %shift_right_arithmetic3A_403 {strides = array<i32>} : memref<128xi32, #tpu.memory_space<vmem>>, vector<16xi32>,
        %mul3A_406 = arith.constant 128 : i32
        %mul3A_407 = arith.muli %add3A_290, %mul3A_406 : i32
        %add3A_408 = arith.constant 80 : i32
        %add3A_409 = arith.addi %mul3A_407, %add3A_408 : i32
        %get3A_410 = arith.index_cast %add3A_409 : i32 to index
        %get3A_411 = tpu.vector_load %arg10[%get3A_410] {strides = array<i32>} : memref<10256xi32, #tpu.memory_space<vmem>>, vector<16xi32>,
        %and3A_412 = arith.constant 8191 : i32
        %and3A_413 = vector.broadcast %and3A_412 : i32 to vector<16xi32>
        %and3A_414 = arith.andi %get3A_411, %and3A_413 : vector<16xi32>
        %swap3A_415 = arith.constant 80 : index
        %swap3A_416 = tpu.vector_load %arg11[%swap3A_415] {strides = array<i32>} : memref<128xi32, #tpu.memory_space<vmem>>, vector<16xi32>,
        tpu.vector_store %arg11[%swap3A_415], %and3A_414 {strides = array<i32>} : memref<128xi32, #tpu.memory_space<vmem>>, vector<16xi32>,
        %shift_right_arithmetic3A_417 = arith.constant 13 : i32
        %shift_right_arithmetic3A_418 = vector.broadcast %shift_right_arithmetic3A_417 : i32 to vector<16xi32>
        %shift_right_arithmetic3A_419 = arith.shrsi %get3A_411, %shift_right_arithmetic3A_418 : vector<16xi32>
        %swap3A_420 = arith.constant 80 : index
        %swap3A_421 = tpu.vector_load %arg14[%swap3A_420] {strides = array<i32>} : memref<128xi32, #tpu.memory_space<vmem>>, vector<16xi32>,
        tpu.vector_store %arg14[%swap3A_420], %shift_right_arithmetic3A_419 {strides = array<i32>} : memref<128xi32, #tpu.memory_space<vmem>>, vector<16xi32>,
        %mul3A_422 = arith.constant 128 : i32
        %mul3A_423 = arith.muli %add3A_290, %mul3A_422 : i32
        %add3A_424 = arith.constant 96 : i32
        %add3A_425 = arith.addi %mul3A_423, %add3A_424 : i32
        %get3A_426 = arith.index_cast %add3A_425 : i32 to index
        %get3A_427 = tpu.vector_load %arg10[%get3A_426] {strides = array<i32>} : memref<10256xi32, #tpu.memory_space<vmem>>, vector<16xi32>,
        %and3A_428 = arith.constant 8191 : i32
        %and3A_429 = vector.broadcast %and3A_428 : i32 to vector<16xi32>
        %and3A_430 = arith.andi %get3A_427, %and3A_429 : vector<16xi32>
        %swap3A_431 = arith.constant 96 : index
        %swap3A_432 = tpu.vector_load %arg11[%swap3A_431] {strides = array<i32>} : memref<128xi32, #tpu.memory_space<vmem>>, vector<16xi32>,
        tpu.vector_store %arg11[%swap3A_431], %and3A_430 {strides = array<i32>} : memref<128xi32, #tpu.memory_space<vmem>>, vector<16xi32>,
        %shift_right_arithmetic3A_433 = arith.constant 13 : i32
        %shift_right_arithmetic3A_434 = vector.broadcast %shift_right_arithmetic3A_433 : i32 to vector<16xi32>
        %shift_right_arithmetic3A_435 = arith.shrsi %get3A_427, %shift_right_arithmetic3A_434 : vector<16xi32>
        %swap3A_436 = arith.constant 96 : index
        %swap3A_437 = tpu.vector_load %arg14[%swap3A_436] {strides = array<i32>} : memref<128xi32, #tpu.memory_space<vmem>>, vector<16xi32>,
        tpu.vector_store %arg14[%swap3A_436], %shift_right_arithmetic3A_435 {strides = array<i32>} : memref<128xi32, #tpu.memory_space<vmem>>, vector<16xi32>,
        %mul3A_438 = arith.constant 128 : i32
        %mul3A_439 = arith.muli %add3A_290, %mul3A_438 : i32
        %add3A_440 = arith.constant 112 : i32
        %add3A_441 = arith.addi %mul3A_439, %add3A_440 : i32
        %get3A_442 = arith.index_cast %add3A_441 : i32 to index
        %get3A_443 = tpu.vector_load %arg10[%get3A_442] {strides = array<i32>} : memref<10256xi32, #tpu.memory_space<vmem>>, vector<16xi32>,
        %and3A_444 = arith.constant 8191 : i32
        %and3A_445 = vector.broadcast %and3A_444 : i32 to vector<16xi32>
        %and3A_446 = arith.andi %get3A_443, %and3A_445 : vector<16xi32>
        %swap3A_447 = arith.constant 112 : index
        %swap3A_448 = tpu.vector_load %arg11[%swap3A_447] {strides = array<i32>} : memref<128xi32, #tpu.memory_space<vmem>>, vector<16xi32>,
        tpu.vector_store %arg11[%swap3A_447], %and3A_446 {strides = array<i32>} : memref<128xi32, #tpu.memory_space<vmem>>, vector<16xi32>,
        %shift_right_arithmetic3A_449 = arith.constant 13 : i32
        %shift_right_arithmetic3A_450 = vector.broadcast %shift_right_arithmetic3A_449 : i32 to vector<16xi32>
        %shift_right_arithmetic3A_451 = arith.shrsi %get3A_443, %shift_right_arithmetic3A_450 : vector<16xi32>
        %swap3A_452 = arith.constant 112 : index
        %swap3A_453 = tpu.vector_load %arg14[%swap3A_452] {strides = array<i32>} : memref<128xi32, #tpu.memory_space<vmem>>, vector<16xi32>,
        tpu.vector_store %arg14[%swap3A_452], %shift_right_arithmetic3A_451 {strides = array<i32>} : memref<128xi32, #tpu.memory_space<vmem>>, vector<16xi32>,
        %dma_start3A_454 = arith.constant 0 : i32
        %dma_start3A_455 = arith.constant 0 : i32
        %dma_start3A_456 = tpu.memref_slice %arg4[%dma_start3A_454, %dma_start3A_455] : memref<8000x128xf32, #tpu.memory_space<hbm>> -> memref<8000x128xf32, #tpu.memory_space<hbm>>
        tpu.enqueue_indirect_dma source(%dma_start3A_456 : memref<8000x128xf32, #tpu.memory_space<hbm>>) target(%arg17 : memref<128x128xf32, #tpu.memory_space<vmem>>) offsets(%arg11 : memref<128xi32, #tpu.memory_space<vmem>>) semaphore(%arg20 : memref<!tpu.dma_semaphore, #tpu.memory_space<semaphore_mem>>)
      } else {
      }
      %mul3A_298 = arith.constant 3 : i32
      %mul3A_299 = arith.muli %while3A_284, %mul3A_298 : i32
      %add3A_300 = arith.constant 1 : i32
      %add3A_301 = arith.addi %mul3A_299, %add3A_300 : i32
      %add3A_302 = arith.constant 3 : i32
      %add3A_303 = arith.addi %add3A_301, %add3A_302 : i32
      %lt3A_304 = arith.cmpi slt, %add3A_301, %select_n3A_199 : i32
      %convert_element_type3A_305 = arith.extui %lt3A_304 : i1 to i32
      %cond3A_306 = arith.constant 0 : i32
      %cond3A_307 = arith.cmpi ne, %convert_element_type3A_305, %cond3A_306 : i32
      scf.if %cond3A_307 {
        %dma_wait3A_326 = arith.constant 0 : i32
        %dma_wait3A_327 = arith.constant 0 : i32
        %dma_wait3A_328 = tpu.memref_slice %arg4[%dma_wait3A_326, %dma_wait3A_327] : memref<8000x128xf32, #tpu.memory_space<hbm>> -> memref<8000x128xf32, #tpu.memory_space<hbm>>
        tpu.wait_indirect_dma semaphore(%arg21 : memref<!tpu.dma_semaphore, #tpu.memory_space<semaphore_mem>>) src(%dma_wait3A_328 : memref<8000x128xf32, #tpu.memory_space<hbm>>) dst(%arg18 : memref<128x128xf32, #tpu.memory_space<vmem>>)
        %dma_start3A_329 = arith.constant 0 : i32
        %dma_start3A_330 = arith.constant 0 : i32
        %dma_start3A_331 = tpu.memref_slice %arg28[%dma_start3A_329, %dma_start3A_330] : memref<4096x128xf32, #tpu.memory_space<vmem_shared>> -> memref<4096x128xf32, #tpu.memory_space<vmem_shared>>
        tpu.enqueue_indirect_dma source(%arg18 : memref<128x128xf32, #tpu.memory_space<vmem>>) target(%dma_start3A_331 : memref<4096x128xf32, #tpu.memory_space<vmem_shared>>) offsets(%arg15 : memref<128xi32, #tpu.memory_space<vmem>>) semaphore(%arg24 : memref<!tpu.dma_semaphore, #tpu.memory_space<semaphore_mem>>) {add = true}
      } else {
      }
      %lt3A_308 = arith.cmpi slt, %add3A_303, %select_n3A_199 : i32
      %convert_element_type3A_309 = arith.extui %lt3A_308 : i1 to i32
      %cond3A_310 = arith.constant 0 : i32
      %cond3A_311 = arith.cmpi ne, %convert_element_type3A_309, %cond3A_310 : i32
      scf.if %cond3A_311 {
        %dma_wait3A_326 = arith.constant 0 : i32
        %dma_wait3A_327 = arith.constant 0 : i32
        %dma_wait3A_328 = tpu.memref_slice %arg28[%dma_wait3A_326, %dma_wait3A_327] : memref<4096x128xf32, #tpu.memory_space<vmem_shared>> -> memref<4096x128xf32, #tpu.memory_space<vmem_shared>>
        tpu.wait_indirect_dma semaphore(%arg24 : memref<!tpu.dma_semaphore, #tpu.memory_space<semaphore_mem>>) src(%arg18 : memref<128x128xf32, #tpu.memory_space<vmem>>) dst(%dma_wait3A_328 : memref<4096x128xf32, #tpu.memory_space<vmem_shared>>)
        %mul3A_329 = arith.constant 128 : i32
        %mul3A_330 = arith.muli %add3A_303, %mul3A_329 : i32
        %add3A_331 = arith.constant 0 : i32
        %add3A_332 = arith.addi %mul3A_330, %add3A_331 : i32
        %get3A = arith.index_cast %add3A_332 : i32 to index
        %get3A_333 = tpu.vector_load %arg10[%get3A] {strides = array<i32>} : memref<10256xi32, #tpu.memory_space<vmem>>, vector<16xi32>,
        %and3A_334 = arith.constant 8191 : i32
        %and3A_335 = vector.broadcast %and3A_334 : i32 to vector<16xi32>
        %and3A_336 = arith.andi %get3A_333, %and3A_335 : vector<16xi32>
        %swap3A = arith.constant 0 : index
        %swap3A_337 = tpu.vector_load %arg12[%swap3A] {strides = array<i32>} : memref<128xi32, #tpu.memory_space<vmem>>, vector<16xi32>,
        tpu.vector_store %arg12[%swap3A], %and3A_336 {strides = array<i32>} : memref<128xi32, #tpu.memory_space<vmem>>, vector<16xi32>,
        %shift_right_arithmetic3A = arith.constant 13 : i32
        %shift_right_arithmetic3A_338 = vector.broadcast %shift_right_arithmetic3A : i32 to vector<16xi32>
        %shift_right_arithmetic3A_339 = arith.shrsi %get3A_333, %shift_right_arithmetic3A_338 : vector<16xi32>
        %swap3A_340 = arith.constant 0 : index
        %swap3A_341 = tpu.vector_load %arg15[%swap3A_340] {strides = array<i32>} : memref<128xi32, #tpu.memory_space<vmem>>, vector<16xi32>,
        tpu.vector_store %arg15[%swap3A_340], %shift_right_arithmetic3A_339 {strides = array<i32>} : memref<128xi32, #tpu.memory_space<vmem>>, vector<16xi32>,
        %mul3A_342 = arith.constant 128 : i32
        %mul3A_343 = arith.muli %add3A_303, %mul3A_342 : i32
        %add3A_344 = arith.constant 16 : i32
        %add3A_345 = arith.addi %mul3A_343, %add3A_344 : i32
        %get3A_346 = arith.index_cast %add3A_345 : i32 to index
        %get3A_347 = tpu.vector_load %arg10[%get3A_346] {strides = array<i32>} : memref<10256xi32, #tpu.memory_space<vmem>>, vector<16xi32>,
        %and3A_348 = arith.constant 8191 : i32
        %and3A_349 = vector.broadcast %and3A_348 : i32 to vector<16xi32>
        %and3A_350 = arith.andi %get3A_347, %and3A_349 : vector<16xi32>
        %swap3A_351 = arith.constant 16 : index
        %swap3A_352 = tpu.vector_load %arg12[%swap3A_351] {strides = array<i32>} : memref<128xi32, #tpu.memory_space<vmem>>, vector<16xi32>,
        tpu.vector_store %arg12[%swap3A_351], %and3A_350 {strides = array<i32>} : memref<128xi32, #tpu.memory_space<vmem>>, vector<16xi32>,
        %shift_right_arithmetic3A_353 = arith.constant 13 : i32
        %shift_right_arithmetic3A_354 = vector.broadcast %shift_right_arithmetic3A_353 : i32 to vector<16xi32>
        %shift_right_arithmetic3A_355 = arith.shrsi %get3A_347, %shift_right_arithmetic3A_354 : vector<16xi32>
        %swap3A_356 = arith.constant 16 : index
        %swap3A_357 = tpu.vector_load %arg15[%swap3A_356] {strides = array<i32>} : memref<128xi32, #tpu.memory_space<vmem>>, vector<16xi32>,
        tpu.vector_store %arg15[%swap3A_356], %shift_right_arithmetic3A_355 {strides = array<i32>} : memref<128xi32, #tpu.memory_space<vmem>>, vector<16xi32>,
        %mul3A_358 = arith.constant 128 : i32
        %mul3A_359 = arith.muli %add3A_303, %mul3A_358 : i32
        %add3A_360 = arith.constant 32 : i32
        %add3A_361 = arith.addi %mul3A_359, %add3A_360 : i32
        %get3A_362 = arith.index_cast %add3A_361 : i32 to index
        %get3A_363 = tpu.vector_load %arg10[%get3A_362] {strides = array<i32>} : memref<10256xi32, #tpu.memory_space<vmem>>, vector<16xi32>,
        %and3A_364 = arith.constant 8191 : i32
        %and3A_365 = vector.broadcast %and3A_364 : i32 to vector<16xi32>
        %and3A_366 = arith.andi %get3A_363, %and3A_365 : vector<16xi32>
        %swap3A_367 = arith.constant 32 : index
        %swap3A_368 = tpu.vector_load %arg12[%swap3A_367] {strides = array<i32>} : memref<128xi32, #tpu.memory_space<vmem>>, vector<16xi32>,
        tpu.vector_store %arg12[%swap3A_367], %and3A_366 {strides = array<i32>} : memref<128xi32, #tpu.memory_space<vmem>>, vector<16xi32>,
        %shift_right_arithmetic3A_369 = arith.constant 13 : i32
        %shift_right_arithmetic3A_370 = vector.broadcast %shift_right_arithmetic3A_369 : i32 to vector<16xi32>
        %shift_right_arithmetic3A_371 = arith.shrsi %get3A_363, %shift_right_arithmetic3A_370 : vector<16xi32>
        %swap3A_372 = arith.constant 32 : index
        %swap3A_373 = tpu.vector_load %arg15[%swap3A_372] {strides = array<i32>} : memref<128xi32, #tpu.memory_space<vmem>>, vector<16xi32>,
        tpu.vector_store %arg15[%swap3A_372], %shift_right_arithmetic3A_371 {strides = array<i32>} : memref<128xi32, #tpu.memory_space<vmem>>, vector<16xi32>,
        %mul3A_374 = arith.constant 128 : i32
        %mul3A_375 = arith.muli %add3A_303, %mul3A_374 : i32
        %add3A_376 = arith.constant 48 : i32
        %add3A_377 = arith.addi %mul3A_375, %add3A_376 : i32
        %get3A_378 = arith.index_cast %add3A_377 : i32 to index
        %get3A_379 = tpu.vector_load %arg10[%get3A_378] {strides = array<i32>} : memref<10256xi32, #tpu.memory_space<vmem>>, vector<16xi32>,
        %and3A_380 = arith.constant 8191 : i32
        %and3A_381 = vector.broadcast %and3A_380 : i32 to vector<16xi32>
        %and3A_382 = arith.andi %get3A_379, %and3A_381 : vector<16xi32>
        %swap3A_383 = arith.constant 48 : index
        %swap3A_384 = tpu.vector_load %arg12[%swap3A_383] {strides = array<i32>} : memref<128xi32, #tpu.memory_space<vmem>>, vector<16xi32>,
        tpu.vector_store %arg12[%swap3A_383], %and3A_382 {strides = array<i32>} : memref<128xi32, #tpu.memory_space<vmem>>, vector<16xi32>,
        %shift_right_arithmetic3A_385 = arith.constant 13 : i32
        %shift_right_arithmetic3A_386 = vector.broadcast %shift_right_arithmetic3A_385 : i32 to vector<16xi32>
        %shift_right_arithmetic3A_387 = arith.shrsi %get3A_379, %shift_right_arithmetic3A_386 : vector<16xi32>
        %swap3A_388 = arith.constant 48 : index
        %swap3A_389 = tpu.vector_load %arg15[%swap3A_388] {strides = array<i32>} : memref<128xi32, #tpu.memory_space<vmem>>, vector<16xi32>,
        tpu.vector_store %arg15[%swap3A_388], %shift_right_arithmetic3A_387 {strides = array<i32>} : memref<128xi32, #tpu.memory_space<vmem>>, vector<16xi32>,
        %mul3A_390 = arith.constant 128 : i32
        %mul3A_391 = arith.muli %add3A_303, %mul3A_390 : i32
        %add3A_392 = arith.constant 64 : i32
        %add3A_393 = arith.addi %mul3A_391, %add3A_392 : i32
        %get3A_394 = arith.index_cast %add3A_393 : i32 to index
        %get3A_395 = tpu.vector_load %arg10[%get3A_394] {strides = array<i32>} : memref<10256xi32, #tpu.memory_space<vmem>>, vector<16xi32>,
        %and3A_396 = arith.constant 8191 : i32
        %and3A_397 = vector.broadcast %and3A_396 : i32 to vector<16xi32>
        %and3A_398 = arith.andi %get3A_395, %and3A_397 : vector<16xi32>
        %swap3A_399 = arith.constant 64 : index
        %swap3A_400 = tpu.vector_load %arg12[%swap3A_399] {strides = array<i32>} : memref<128xi32, #tpu.memory_space<vmem>>, vector<16xi32>,
        tpu.vector_store %arg12[%swap3A_399], %and3A_398 {strides = array<i32>} : memref<128xi32, #tpu.memory_space<vmem>>, vector<16xi32>,
        %shift_right_arithmetic3A_401 = arith.constant 13 : i32
        %shift_right_arithmetic3A_402 = vector.broadcast %shift_right_arithmetic3A_401 : i32 to vector<16xi32>
        %shift_right_arithmetic3A_403 = arith.shrsi %get3A_395, %shift_right_arithmetic3A_402 : vector<16xi32>
        %swap3A_404 = arith.constant 64 : index
        %swap3A_405 = tpu.vector_load %arg15[%swap3A_404] {strides = array<i32>} : memref<128xi32, #tpu.memory_space<vmem>>, vector<16xi32>,
        tpu.vector_store %arg15[%swap3A_404], %shift_right_arithmetic3A_403 {strides = array<i32>} : memref<128xi32, #tpu.memory_space<vmem>>, vector<16xi32>,
        %mul3A_406 = arith.constant 128 : i32
        %mul3A_407 = arith.muli %add3A_303, %mul3A_406 : i32
        %add3A_408 = arith.constant 80 : i32
        %add3A_409 = arith.addi %mul3A_407, %add3A_408 : i32
        %get3A_410 = arith.index_cast %add3A_409 : i32 to index
        %get3A_411 = tpu.vector_load %arg10[%get3A_410] {strides = array<i32>} : memref<10256xi32, #tpu.memory_space<vmem>>, vector<16xi32>,
        %and3A_412 = arith.constant 8191 : i32
        %and3A_413 = vector.broadcast %and3A_412 : i32 to vector<16xi32>
        %and3A_414 = arith.andi %get3A_411, %and3A_413 : vector<16xi32>
        %swap3A_415 = arith.constant 80 : index
        %swap3A_416 = tpu.vector_load %arg12[%swap3A_415] {strides = array<i32>} : memref<128xi32, #tpu.memory_space<vmem>>, vector<16xi32>,
        tpu.vector_store %arg12[%swap3A_415], %and3A_414 {strides = array<i32>} : memref<128xi32, #tpu.memory_space<vmem>>, vector<16xi32>,
        %shift_right_arithmetic3A_417 = arith.constant 13 : i32
        %shift_right_arithmetic3A_418 = vector.broadcast %shift_right_arithmetic3A_417 : i32 to vector<16xi32>
        %shift_right_arithmetic3A_419 = arith.shrsi %get3A_411, %shift_right_arithmetic3A_418 : vector<16xi32>
        %swap3A_420 = arith.constant 80 : index
        %swap3A_421 = tpu.vector_load %arg15[%swap3A_420] {strides = array<i32>} : memref<128xi32, #tpu.memory_space<vmem>>, vector<16xi32>,
        tpu.vector_store %arg15[%swap3A_420], %shift_right_arithmetic3A_419 {strides = array<i32>} : memref<128xi32, #tpu.memory_space<vmem>>, vector<16xi32>,
        %mul3A_422 = arith.constant 128 : i32
        %mul3A_423 = arith.muli %add3A_303, %mul3A_422 : i32
        %add3A_424 = arith.constant 96 : i32
        %add3A_425 = arith.addi %mul3A_423, %add3A_424 : i32
        %get3A_426 = arith.index_cast %add3A_425 : i32 to index
        %get3A_427 = tpu.vector_load %arg10[%get3A_426] {strides = array<i32>} : memref<10256xi32, #tpu.memory_space<vmem>>, vector<16xi32>,
        %and3A_428 = arith.constant 8191 : i32
        %and3A_429 = vector.broadcast %and3A_428 : i32 to vector<16xi32>
        %and3A_430 = arith.andi %get3A_427, %and3A_429 : vector<16xi32>
        %swap3A_431 = arith.constant 96 : index
        %swap3A_432 = tpu.vector_load %arg12[%swap3A_431] {strides = array<i32>} : memref<128xi32, #tpu.memory_space<vmem>>, vector<16xi32>,
        tpu.vector_store %arg12[%swap3A_431], %and3A_430 {strides = array<i32>} : memref<128xi32, #tpu.memory_space<vmem>>, vector<16xi32>,
        %shift_right_arithmetic3A_433 = arith.constant 13 : i32
        %shift_right_arithmetic3A_434 = vector.broadcast %shift_right_arithmetic3A_433 : i32 to vector<16xi32>
        %shift_right_arithmetic3A_435 = arith.shrsi %get3A_427, %shift_right_arithmetic3A_434 : vector<16xi32>
        %swap3A_436 = arith.constant 96 : index
        %swap3A_437 = tpu.vector_load %arg15[%swap3A_436] {strides = array<i32>} : memref<128xi32, #tpu.memory_space<vmem>>, vector<16xi32>,
        tpu.vector_store %arg15[%swap3A_436], %shift_right_arithmetic3A_435 {strides = array<i32>} : memref<128xi32, #tpu.memory_space<vmem>>, vector<16xi32>,
        %mul3A_438 = arith.constant 128 : i32
        %mul3A_439 = arith.muli %add3A_303, %mul3A_438 : i32
        %add3A_440 = arith.constant 112 : i32
        %add3A_441 = arith.addi %mul3A_439, %add3A_440 : i32
        %get3A_442 = arith.index_cast %add3A_441 : i32 to index
        %get3A_443 = tpu.vector_load %arg10[%get3A_442] {strides = array<i32>} : memref<10256xi32, #tpu.memory_space<vmem>>, vector<16xi32>,
        %and3A_444 = arith.constant 8191 : i32
        %and3A_445 = vector.broadcast %and3A_444 : i32 to vector<16xi32>
        %and3A_446 = arith.andi %get3A_443, %and3A_445 : vector<16xi32>
        %swap3A_447 = arith.constant 112 : index
        %swap3A_448 = tpu.vector_load %arg12[%swap3A_447] {strides = array<i32>} : memref<128xi32, #tpu.memory_space<vmem>>, vector<16xi32>,
        tpu.vector_store %arg12[%swap3A_447], %and3A_446 {strides = array<i32>} : memref<128xi32, #tpu.memory_space<vmem>>, vector<16xi32>,
        %shift_right_arithmetic3A_449 = arith.constant 13 : i32
        %shift_right_arithmetic3A_450 = vector.broadcast %shift_right_arithmetic3A_449 : i32 to vector<16xi32>
        %shift_right_arithmetic3A_451 = arith.shrsi %get3A_443, %shift_right_arithmetic3A_450 : vector<16xi32>
        %swap3A_452 = arith.constant 112 : index
        %swap3A_453 = tpu.vector_load %arg15[%swap3A_452] {strides = array<i32>} : memref<128xi32, #tpu.memory_space<vmem>>, vector<16xi32>,
        tpu.vector_store %arg15[%swap3A_452], %shift_right_arithmetic3A_451 {strides = array<i32>} : memref<128xi32, #tpu.memory_space<vmem>>, vector<16xi32>,
        %dma_start3A_454 = arith.constant 0 : i32
        %dma_start3A_455 = arith.constant 0 : i32
        %dma_start3A_456 = tpu.memref_slice %arg4[%dma_start3A_454, %dma_start3A_455] : memref<8000x128xf32, #tpu.memory_space<hbm>> -> memref<8000x128xf32, #tpu.memory_space<hbm>>
        tpu.enqueue_indirect_dma source(%dma_start3A_456 : memref<8000x128xf32, #tpu.memory_space<hbm>>) target(%arg18 : memref<128x128xf32, #tpu.memory_space<vmem>>) offsets(%arg12 : memref<128xi32, #tpu.memory_space<vmem>>) semaphore(%arg21 : memref<!tpu.dma_semaphore, #tpu.memory_space<semaphore_mem>>)
      } else {
      }
      %mul3A_312 = arith.constant 3 : i32
      %mul3A_313 = arith.muli %while3A_284, %mul3A_312 : i32
      %add3A_314 = arith.constant 2 : i32
      %add3A_315 = arith.addi %mul3A_313, %add3A_314 : i32
      %add3A_316 = arith.constant 3 : i32
      %add3A_317 = arith.addi %add3A_315, %add3A_316 : i32
      %lt3A_318 = arith.cmpi slt, %add3A_315, %select_n3A_199 : i32
      %convert_element_type3A_319 = arith.extui %lt3A_318 : i1 to i32
      %cond3A_320 = arith.constant 0 : i32
      %cond3A_321 = arith.cmpi ne, %convert_element_type3A_319, %cond3A_320 : i32
      scf.if %cond3A_321 {
        %dma_wait3A_326 = arith.constant 0 : i32
        %dma_wait3A_327 = arith.constant 0 : i32
        %dma_wait3A_328 = tpu.memref_slice %arg4[%dma_wait3A_326, %dma_wait3A_327] : memref<8000x128xf32, #tpu.memory_space<hbm>> -> memref<8000x128xf32, #tpu.memory_space<hbm>>
        tpu.wait_indirect_dma semaphore(%arg22 : memref<!tpu.dma_semaphore, #tpu.memory_space<semaphore_mem>>) src(%dma_wait3A_328 : memref<8000x128xf32, #tpu.memory_space<hbm>>) dst(%arg19 : memref<128x128xf32, #tpu.memory_space<vmem>>)
        %dma_start3A_329 = arith.constant 0 : i32
        %dma_start3A_330 = arith.constant 0 : i32
        %dma_start3A_331 = tpu.memref_slice %arg28[%dma_start3A_329, %dma_start3A_330] : memref<4096x128xf32, #tpu.memory_space<vmem_shared>> -> memref<4096x128xf32, #tpu.memory_space<vmem_shared>>
        tpu.enqueue_indirect_dma source(%arg19 : memref<128x128xf32, #tpu.memory_space<vmem>>) target(%dma_start3A_331 : memref<4096x128xf32, #tpu.memory_space<vmem_shared>>) offsets(%arg16 : memref<128xi32, #tpu.memory_space<vmem>>) semaphore(%arg25 : memref<!tpu.dma_semaphore, #tpu.memory_space<semaphore_mem>>) {add = true}
      } else {
      }
      %lt3A_322 = arith.cmpi slt, %add3A_317, %select_n3A_199 : i32
      %convert_element_type3A_323 = arith.extui %lt3A_322 : i1 to i32
      %cond3A_324 = arith.constant 0 : i32
      %cond3A_325 = arith.cmpi ne, %convert_element_type3A_323, %cond3A_324 : i32
      scf.if %cond3A_325 {
        %dma_wait3A_326 = arith.constant 0 : i32
        %dma_wait3A_327 = arith.constant 0 : i32
        %dma_wait3A_328 = tpu.memref_slice %arg28[%dma_wait3A_326, %dma_wait3A_327] : memref<4096x128xf32, #tpu.memory_space<vmem_shared>> -> memref<4096x128xf32, #tpu.memory_space<vmem_shared>>
        tpu.wait_indirect_dma semaphore(%arg25 : memref<!tpu.dma_semaphore, #tpu.memory_space<semaphore_mem>>) src(%arg19 : memref<128x128xf32, #tpu.memory_space<vmem>>) dst(%dma_wait3A_328 : memref<4096x128xf32, #tpu.memory_space<vmem_shared>>)
        %mul3A_329 = arith.constant 128 : i32
        %mul3A_330 = arith.muli %add3A_317, %mul3A_329 : i32
        %add3A_331 = arith.constant 0 : i32
        %add3A_332 = arith.addi %mul3A_330, %add3A_331 : i32
        %get3A = arith.index_cast %add3A_332 : i32 to index
        %get3A_333 = tpu.vector_load %arg10[%get3A] {strides = array<i32>} : memref<10256xi32, #tpu.memory_space<vmem>>, vector<16xi32>,
        %and3A_334 = arith.constant 8191 : i32
        %and3A_335 = vector.broadcast %and3A_334 : i32 to vector<16xi32>
        %and3A_336 = arith.andi %get3A_333, %and3A_335 : vector<16xi32>
        %swap3A = arith.constant 0 : index
        %swap3A_337 = tpu.vector_load %arg13[%swap3A] {strides = array<i32>} : memref<128xi32, #tpu.memory_space<vmem>>, vector<16xi32>,
        tpu.vector_store %arg13[%swap3A], %and3A_336 {strides = array<i32>} : memref<128xi32, #tpu.memory_space<vmem>>, vector<16xi32>,
        %shift_right_arithmetic3A = arith.constant 13 : i32
        %shift_right_arithmetic3A_338 = vector.broadcast %shift_right_arithmetic3A : i32 to vector<16xi32>
        %shift_right_arithmetic3A_339 = arith.shrsi %get3A_333, %shift_right_arithmetic3A_338 : vector<16xi32>
        %swap3A_340 = arith.constant 0 : index
        %swap3A_341 = tpu.vector_load %arg16[%swap3A_340] {strides = array<i32>} : memref<128xi32, #tpu.memory_space<vmem>>, vector<16xi32>,
        tpu.vector_store %arg16[%swap3A_340], %shift_right_arithmetic3A_339 {strides = array<i32>} : memref<128xi32, #tpu.memory_space<vmem>>, vector<16xi32>,
        %mul3A_342 = arith.constant 128 : i32
        %mul3A_343 = arith.muli %add3A_317, %mul3A_342 : i32
        %add3A_344 = arith.constant 16 : i32
        %add3A_345 = arith.addi %mul3A_343, %add3A_344 : i32
        %get3A_346 = arith.index_cast %add3A_345 : i32 to index
        %get3A_347 = tpu.vector_load %arg10[%get3A_346] {strides = array<i32>} : memref<10256xi32, #tpu.memory_space<vmem>>, vector<16xi32>,
        %and3A_348 = arith.constant 8191 : i32
        %and3A_349 = vector.broadcast %and3A_348 : i32 to vector<16xi32>
        %and3A_350 = arith.andi %get3A_347, %and3A_349 : vector<16xi32>
        %swap3A_351 = arith.constant 16 : index
        %swap3A_352 = tpu.vector_load %arg13[%swap3A_351] {strides = array<i32>} : memref<128xi32, #tpu.memory_space<vmem>>, vector<16xi32>,
        tpu.vector_store %arg13[%swap3A_351], %and3A_350 {strides = array<i32>} : memref<128xi32, #tpu.memory_space<vmem>>, vector<16xi32>,
        %shift_right_arithmetic3A_353 = arith.constant 13 : i32
        %shift_right_arithmetic3A_354 = vector.broadcast %shift_right_arithmetic3A_353 : i32 to vector<16xi32>
        %shift_right_arithmetic3A_355 = arith.shrsi %get3A_347, %shift_right_arithmetic3A_354 : vector<16xi32>
        %swap3A_356 = arith.constant 16 : index
        %swap3A_357 = tpu.vector_load %arg16[%swap3A_356] {strides = array<i32>} : memref<128xi32, #tpu.memory_space<vmem>>, vector<16xi32>,
        tpu.vector_store %arg16[%swap3A_356], %shift_right_arithmetic3A_355 {strides = array<i32>} : memref<128xi32, #tpu.memory_space<vmem>>, vector<16xi32>,
        %mul3A_358 = arith.constant 128 : i32
        %mul3A_359 = arith.muli %add3A_317, %mul3A_358 : i32
        %add3A_360 = arith.constant 32 : i32
        %add3A_361 = arith.addi %mul3A_359, %add3A_360 : i32
        %get3A_362 = arith.index_cast %add3A_361 : i32 to index
        %get3A_363 = tpu.vector_load %arg10[%get3A_362] {strides = array<i32>} : memref<10256xi32, #tpu.memory_space<vmem>>, vector<16xi32>,
        %and3A_364 = arith.constant 8191 : i32
        %and3A_365 = vector.broadcast %and3A_364 : i32 to vector<16xi32>
        %and3A_366 = arith.andi %get3A_363, %and3A_365 : vector<16xi32>
        %swap3A_367 = arith.constant 32 : index
        %swap3A_368 = tpu.vector_load %arg13[%swap3A_367] {strides = array<i32>} : memref<128xi32, #tpu.memory_space<vmem>>, vector<16xi32>,
        tpu.vector_store %arg13[%swap3A_367], %and3A_366 {strides = array<i32>} : memref<128xi32, #tpu.memory_space<vmem>>, vector<16xi32>,
        %shift_right_arithmetic3A_369 = arith.constant 13 : i32
        %shift_right_arithmetic3A_370 = vector.broadcast %shift_right_arithmetic3A_369 : i32 to vector<16xi32>
        %shift_right_arithmetic3A_371 = arith.shrsi %get3A_363, %shift_right_arithmetic3A_370 : vector<16xi32>
        %swap3A_372 = arith.constant 32 : index
        %swap3A_373 = tpu.vector_load %arg16[%swap3A_372] {strides = array<i32>} : memref<128xi32, #tpu.memory_space<vmem>>, vector<16xi32>,
        tpu.vector_store %arg16[%swap3A_372], %shift_right_arithmetic3A_371 {strides = array<i32>} : memref<128xi32, #tpu.memory_space<vmem>>, vector<16xi32>,
        %mul3A_374 = arith.constant 128 : i32
        %mul3A_375 = arith.muli %add3A_317, %mul3A_374 : i32
        %add3A_376 = arith.constant 48 : i32
        %add3A_377 = arith.addi %mul3A_375, %add3A_376 : i32
        %get3A_378 = arith.index_cast %add3A_377 : i32 to index
        %get3A_379 = tpu.vector_load %arg10[%get3A_378] {strides = array<i32>} : memref<10256xi32, #tpu.memory_space<vmem>>, vector<16xi32>,
        %and3A_380 = arith.constant 8191 : i32
        %and3A_381 = vector.broadcast %and3A_380 : i32 to vector<16xi32>
        %and3A_382 = arith.andi %get3A_379, %and3A_381 : vector<16xi32>
        %swap3A_383 = arith.constant 48 : index
        %swap3A_384 = tpu.vector_load %arg13[%swap3A_383] {strides = array<i32>} : memref<128xi32, #tpu.memory_space<vmem>>, vector<16xi32>,
        tpu.vector_store %arg13[%swap3A_383], %and3A_382 {strides = array<i32>} : memref<128xi32, #tpu.memory_space<vmem>>, vector<16xi32>,
        %shift_right_arithmetic3A_385 = arith.constant 13 : i32
        %shift_right_arithmetic3A_386 = vector.broadcast %shift_right_arithmetic3A_385 : i32 to vector<16xi32>
        %shift_right_arithmetic3A_387 = arith.shrsi %get3A_379, %shift_right_arithmetic3A_386 : vector<16xi32>
        %swap3A_388 = arith.constant 48 : index
        %swap3A_389 = tpu.vector_load %arg16[%swap3A_388] {strides = array<i32>} : memref<128xi32, #tpu.memory_space<vmem>>, vector<16xi32>,
        tpu.vector_store %arg16[%swap3A_388], %shift_right_arithmetic3A_387 {strides = array<i32>} : memref<128xi32, #tpu.memory_space<vmem>>, vector<16xi32>,
        %mul3A_390 = arith.constant 128 : i32
        %mul3A_391 = arith.muli %add3A_317, %mul3A_390 : i32
        %add3A_392 = arith.constant 64 : i32
        %add3A_393 = arith.addi %mul3A_391, %add3A_392 : i32
        %get3A_394 = arith.index_cast %add3A_393 : i32 to index
        %get3A_395 = tpu.vector_load %arg10[%get3A_394] {strides = array<i32>} : memref<10256xi32, #tpu.memory_space<vmem>>, vector<16xi32>,
        %and3A_396 = arith.constant 8191 : i32
        %and3A_397 = vector.broadcast %and3A_396 : i32 to vector<16xi32>
        %and3A_398 = arith.andi %get3A_395, %and3A_397 : vector<16xi32>
        %swap3A_399 = arith.constant 64 : index
        %swap3A_400 = tpu.vector_load %arg13[%swap3A_399] {strides = array<i32>} : memref<128xi32, #tpu.memory_space<vmem>>, vector<16xi32>,
        tpu.vector_store %arg13[%swap3A_399], %and3A_398 {strides = array<i32>} : memref<128xi32, #tpu.memory_space<vmem>>, vector<16xi32>,
        %shift_right_arithmetic3A_401 = arith.constant 13 : i32
        %shift_right_arithmetic3A_402 = vector.broadcast %shift_right_arithmetic3A_401 : i32 to vector<16xi32>
        %shift_right_arithmetic3A_403 = arith.shrsi %get3A_395, %shift_right_arithmetic3A_402 : vector<16xi32>
        %swap3A_404 = arith.constant 64 : index
        %swap3A_405 = tpu.vector_load %arg16[%swap3A_404] {strides = array<i32>} : memref<128xi32, #tpu.memory_space<vmem>>, vector<16xi32>,
        tpu.vector_store %arg16[%swap3A_404], %shift_right_arithmetic3A_403 {strides = array<i32>} : memref<128xi32, #tpu.memory_space<vmem>>, vector<16xi32>,
        %mul3A_406 = arith.constant 128 : i32
        %mul3A_407 = arith.muli %add3A_317, %mul3A_406 : i32
        %add3A_408 = arith.constant 80 : i32
        %add3A_409 = arith.addi %mul3A_407, %add3A_408 : i32
        %get3A_410 = arith.index_cast %add3A_409 : i32 to index
        %get3A_411 = tpu.vector_load %arg10[%get3A_410] {strides = array<i32>} : memref<10256xi32, #tpu.memory_space<vmem>>, vector<16xi32>,
        %and3A_412 = arith.constant 8191 : i32
        %and3A_413 = vector.broadcast %and3A_412 : i32 to vector<16xi32>
        %and3A_414 = arith.andi %get3A_411, %and3A_413 : vector<16xi32>
        %swap3A_415 = arith.constant 80 : index
        %swap3A_416 = tpu.vector_load %arg13[%swap3A_415] {strides = array<i32>} : memref<128xi32, #tpu.memory_space<vmem>>, vector<16xi32>,
        tpu.vector_store %arg13[%swap3A_415], %and3A_414 {strides = array<i32>} : memref<128xi32, #tpu.memory_space<vmem>>, vector<16xi32>,
        %shift_right_arithmetic3A_417 = arith.constant 13 : i32
        %shift_right_arithmetic3A_418 = vector.broadcast %shift_right_arithmetic3A_417 : i32 to vector<16xi32>
        %shift_right_arithmetic3A_419 = arith.shrsi %get3A_411, %shift_right_arithmetic3A_418 : vector<16xi32>
        %swap3A_420 = arith.constant 80 : index
        %swap3A_421 = tpu.vector_load %arg16[%swap3A_420] {strides = array<i32>} : memref<128xi32, #tpu.memory_space<vmem>>, vector<16xi32>,
        tpu.vector_store %arg16[%swap3A_420], %shift_right_arithmetic3A_419 {strides = array<i32>} : memref<128xi32, #tpu.memory_space<vmem>>, vector<16xi32>,
        %mul3A_422 = arith.constant 128 : i32
        %mul3A_423 = arith.muli %add3A_317, %mul3A_422 : i32
        %add3A_424 = arith.constant 96 : i32
        %add3A_425 = arith.addi %mul3A_423, %add3A_424 : i32
        %get3A_426 = arith.index_cast %add3A_425 : i32 to index
        %get3A_427 = tpu.vector_load %arg10[%get3A_426] {strides = array<i32>} : memref<10256xi32, #tpu.memory_space<vmem>>, vector<16xi32>,
        %and3A_428 = arith.constant 8191 : i32
        %and3A_429 = vector.broadcast %and3A_428 : i32 to vector<16xi32>
        %and3A_430 = arith.andi %get3A_427, %and3A_429 : vector<16xi32>
        %swap3A_431 = arith.constant 96 : index
        %swap3A_432 = tpu.vector_load %arg13[%swap3A_431] {strides = array<i32>} : memref<128xi32, #tpu.memory_space<vmem>>, vector<16xi32>,
        tpu.vector_store %arg13[%swap3A_431], %and3A_430 {strides = array<i32>} : memref<128xi32, #tpu.memory_space<vmem>>, vector<16xi32>,
        %shift_right_arithmetic3A_433 = arith.constant 13 : i32
        %shift_right_arithmetic3A_434 = vector.broadcast %shift_right_arithmetic3A_433 : i32 to vector<16xi32>
        %shift_right_arithmetic3A_435 = arith.shrsi %get3A_427, %shift_right_arithmetic3A_434 : vector<16xi32>
        %swap3A_436 = arith.constant 96 : index
        %swap3A_437 = tpu.vector_load %arg16[%swap3A_436] {strides = array<i32>} : memref<128xi32, #tpu.memory_space<vmem>>, vector<16xi32>,
        tpu.vector_store %arg16[%swap3A_436], %shift_right_arithmetic3A_435 {strides = array<i32>} : memref<128xi32, #tpu.memory_space<vmem>>, vector<16xi32>,
        %mul3A_438 = arith.constant 128 : i32
        %mul3A_439 = arith.muli %add3A_317, %mul3A_438 : i32
        %add3A_440 = arith.constant 112 : i32
        %add3A_441 = arith.addi %mul3A_439, %add3A_440 : i32
        %get3A_442 = arith.index_cast %add3A_441 : i32 to index
        %get3A_443 = tpu.vector_load %arg10[%get3A_442] {strides = array<i32>} : memref<10256xi32, #tpu.memory_space<vmem>>, vector<16xi32>,
        %and3A_444 = arith.constant 8191 : i32
        %and3A_445 = vector.broadcast %and3A_444 : i32 to vector<16xi32>
        %and3A_446 = arith.andi %get3A_443, %and3A_445 : vector<16xi32>
        %swap3A_447 = arith.constant 112 : index
        %swap3A_448 = tpu.vector_load %arg13[%swap3A_447] {strides = array<i32>} : memref<128xi32, #tpu.memory_space<vmem>>, vector<16xi32>,
        tpu.vector_store %arg13[%swap3A_447], %and3A_446 {strides = array<i32>} : memref<128xi32, #tpu.memory_space<vmem>>, vector<16xi32>,
        %shift_right_arithmetic3A_449 = arith.constant 13 : i32
        %shift_right_arithmetic3A_450 = vector.broadcast %shift_right_arithmetic3A_449 : i32 to vector<16xi32>
        %shift_right_arithmetic3A_451 = arith.shrsi %get3A_443, %shift_right_arithmetic3A_450 : vector<16xi32>
        %swap3A_452 = arith.constant 112 : index
        %swap3A_453 = tpu.vector_load %arg16[%swap3A_452] {strides = array<i32>} : memref<128xi32, #tpu.memory_space<vmem>>, vector<16xi32>,
        tpu.vector_store %arg16[%swap3A_452], %shift_right_arithmetic3A_451 {strides = array<i32>} : memref<128xi32, #tpu.memory_space<vmem>>, vector<16xi32>,
        %dma_start3A_454 = arith.constant 0 : i32
        %dma_start3A_455 = arith.constant 0 : i32
        %dma_start3A_456 = tpu.memref_slice %arg4[%dma_start3A_454, %dma_start3A_455] : memref<8000x128xf32, #tpu.memory_space<hbm>> -> memref<8000x128xf32, #tpu.memory_space<hbm>>
        tpu.enqueue_indirect_dma source(%dma_start3A_456 : memref<8000x128xf32, #tpu.memory_space<hbm>>) target(%arg19 : memref<128x128xf32, #tpu.memory_space<vmem>>) offsets(%arg13 : memref<128xi32, #tpu.memory_space<vmem>>) semaphore(%arg22 : memref<!tpu.dma_semaphore, #tpu.memory_space<semaphore_mem>>)
      } else {
      }
    }
    %gt3A_260 = arith.constant 0 : i32
    %gt3A_261 = arith.cmpi sgt, %select_n3A_199, %gt3A_260 : i32
    %convert_element_type3A_262 = arith.extui %gt3A_261 : i1 to i32
    %cond3A_263 = arith.constant 0 : i32
    %cond3A_264 = arith.cmpi ne, %convert_element_type3A_262, %cond3A_263 : i32
    scf.if %cond3A_264 {
      %dma_wait3A_284 = arith.constant 0 : i32
      %dma_wait3A_285 = arith.constant 0 : i32
      %dma_wait3A_286 = tpu.memref_slice %arg28[%dma_wait3A_284, %dma_wait3A_285] : memref<4096x128xf32, #tpu.memory_space<vmem_shared>> -> memref<4096x128xf32, #tpu.memory_space<vmem_shared>>
      tpu.wait_indirect_dma semaphore(%arg23 : memref<!tpu.dma_semaphore, #tpu.memory_space<semaphore_mem>>) src(%arg17 : memref<128x128xf32, #tpu.memory_space<vmem>>) dst(%dma_wait3A_286 : memref<4096x128xf32, #tpu.memory_space<vmem_shared>>)
    } else {
    }
    %gt3A_265 = arith.constant 1 : i32
    %gt3A_266 = arith.cmpi sgt, %select_n3A_199, %gt3A_265 : i32
    %convert_element_type3A_267 = arith.extui %gt3A_266 : i1 to i32
    %cond3A_268 = arith.constant 0 : i32
    %cond3A_269 = arith.cmpi ne, %convert_element_type3A_267, %cond3A_268 : i32
    scf.if %cond3A_269 {
      %dma_wait3A_284 = arith.constant 0 : i32
      %dma_wait3A_285 = arith.constant 0 : i32
      %dma_wait3A_286 = tpu.memref_slice %arg28[%dma_wait3A_284, %dma_wait3A_285] : memref<4096x128xf32, #tpu.memory_space<vmem_shared>> -> memref<4096x128xf32, #tpu.memory_space<vmem_shared>>
      tpu.wait_indirect_dma semaphore(%arg24 : memref<!tpu.dma_semaphore, #tpu.memory_space<semaphore_mem>>) src(%arg18 : memref<128x128xf32, #tpu.memory_space<vmem>>) dst(%dma_wait3A_286 : memref<4096x128xf32, #tpu.memory_space<vmem_shared>>)
    } else {
    }
    %gt3A_270 = arith.constant 2 : i32
    %gt3A_271 = arith.cmpi sgt, %select_n3A_199, %gt3A_270 : i32
    %convert_element_type3A_272 = arith.extui %gt3A_271 : i1 to i32
    %cond3A_273 = arith.constant 0 : i32
    %cond3A_274 = arith.cmpi ne, %convert_element_type3A_272, %cond3A_273 : i32
    scf.if %cond3A_274 {
      %dma_wait3A_284 = arith.constant 0 : i32
      %dma_wait3A_285 = arith.constant 0 : i32
      %dma_wait3A_286 = tpu.memref_slice %arg28[%dma_wait3A_284, %dma_wait3A_285] : memref<4096x128xf32, #tpu.memory_space<vmem_shared>> -> memref<4096x128xf32, #tpu.memory_space<vmem_shared>>
      tpu.wait_indirect_dma semaphore(%arg25 : memref<!tpu.dma_semaphore, #tpu.memory_space<semaphore_mem>>) src(%arg19 : memref<128x128xf32, #tpu.memory_space<vmem>>) dst(%dma_wait3A_286 : memref<4096x128xf32, #tpu.memory_space<vmem_shared>>)
    } else {
    }
    %barrier3A_275 = arith.constant 0 : index
    tpu.barrier barrier_id(%barrier3A_275)
    %mul3A_276 = arith.constant 256 : i32
    %mul3A_277 = arith.muli %arg1, %mul3A_276 : i32
    %mul3A_278 = arith.constant 256 : i32
    %mul3A_279 = arith.muli %arg1, %mul3A_278 : i32
    "tpu.region"() ({
      %run_scoped3A = tpu.sem_alloc : memref<!tpu.dma_semaphore, #tpu.memory_space<semaphore_mem>>
      %dma_start3A_284 = arith.constant 0 : i32
      %dma_start3A_285 = tpu.memref_slice %arg5[%arg0, %mul3A_279, %dma_start3A_284] : memref<2x4096x128xf32, #tpu.memory_space<hbm>> -> memref<1x256x128xf32, #tpu.memory_space<hbm>>
      %dma_start3A_286 = tpu.memref_squeeze %dma_start3A_285 : memref<1x256x128xf32, #tpu.memory_space<hbm>> -> memref<256x128xf32, #tpu.memory_space<hbm>>
      %dma_start3A_287 = arith.constant 0 : i32
      %dma_start3A_288 = tpu.memref_slice %arg28[%mul3A_277, %dma_start3A_287] : memref<4096x128xf32, #tpu.memory_space<vmem_shared>> -> memref<256x128xf32, #tpu.memory_space<vmem_shared>>
      tpu.enqueue_dma source(%dma_start3A_288 : memref<256x128xf32, #tpu.memory_space<vmem_shared>>) target(%dma_start3A_286 : memref<256x128xf32, #tpu.memory_space<hbm>>) target_semaphore(%run_scoped3A : memref<!tpu.dma_semaphore, #tpu.memory_space<semaphore_mem>>)
      %dma_wait3A_289 = arith.constant 0 : i32
      %dma_wait3A_290 = tpu.memref_slice %arg5[%arg0, %mul3A_279, %dma_wait3A_289] : memref<2x4096x128xf32, #tpu.memory_space<hbm>> -> memref<1x256x128xf32, #tpu.memory_space<hbm>>
      %dma_wait3A_291 = tpu.memref_squeeze %dma_wait3A_290 : memref<1x256x128xf32, #tpu.memory_space<hbm>> -> memref<256x128xf32, #tpu.memory_space<hbm>>
      %dma_wait3A_292 = arith.constant 0 : i32
      %dma_wait3A_293 = tpu.memref_slice %arg28[%mul3A_277, %dma_wait3A_292] : memref<4096x128xf32, #tpu.memory_space<vmem_shared>> -> memref<256x128xf32, #tpu.memory_space<vmem_shared>>
      tpu.wait_dma2 semaphore(%run_scoped3A : memref<!tpu.dma_semaphore, #tpu.memory_space<semaphore_mem>>) src(%dma_wait3A_293 : memref<256x128xf32, #tpu.memory_space<vmem_shared>>) dst(%dma_wait3A_291 : memref<256x128xf32, #tpu.memory_space<hbm>>)
      tpu.yield
    }) : () -> ()
    %mul3A_280 = arith.constant 4000 : i32
    %mul3A_281 = arith.muli %add3A, %mul3A_280 : i32
    %dma_wait3A_282 = tpu.memref_slice %arg6[%mul3A_281] : memref<128000xi32, #tpu.memory_space<hbm>> -> memref<4000xi32, #tpu.memory_space<hbm>>
    %dma_wait3A_283 = tpu.memref_slice %arg6[%mul3A_281] : memref<128000xi32, #tpu.memory_space<hbm>> -> memref<4000xi32, #tpu.memory_space<hbm>>
    tpu.wait_dma2 semaphore(%arg26 : memref<!tpu.dma_semaphore, #tpu.memory_space<semaphore_mem>>) src(%arg27 : memref<4000xi32, #tpu.memory_space<vmem>>) dst(%dma_wait3A_283 : memref<4000xi32, #tpu.memory_space<hbm>>)
    return
  }
}

module attributes {stable_mosaic.version = 14 : i64} {
  func.func @_tc_body(%arg0: memref<2x4096x128xf32, #tpu.memory_space<vmem>>, %arg1: memref<32x4000xi32, #tpu.memory_space<vmem>>, %arg2: memref<2x128x128xf32, #tpu.memory_space<vmem>>, %arg3: memref<1x128xf32, #tpu.memory_space<vmem>>, %arg4: memref<1x1xf32, #tpu.memory_space<vmem>>, %arg5: memref<2000x128xf32, #tpu.memory_space<vmem>>) attributes {dimension_semantics = [], scalar_prefetch = 0 : i64, scratch_operands = 0 : i64, tpu.core_type = #tpu.core_type<tc>} {
    %get3A = arith.constant 0 : index
    %get3A_0 = arith.constant 0 : index
    %get3A_1 = arith.constant 0 : index
    %get3A_2 = vector.load %arg0[%get3A, %get3A_0, %get3A_1] : memref<2x4096x128xf32, #tpu.memory_space<vmem>>, vector<1x4000x128xf32>
    %get3A_3 = vector.shape_cast %get3A_2 : vector<1x4000x128xf32> to vector<4000x128xf32>
    %get3A_4 = arith.constant 1 : index
    %get3A_5 = arith.constant 0 : index
    %get3A_6 = arith.constant 0 : index
    %get3A_7 = vector.load %arg0[%get3A_4, %get3A_5, %get3A_6] : memref<2x4096x128xf32, #tpu.memory_space<vmem>>, vector<1x4000x128xf32>
    %get3A_8 = vector.shape_cast %get3A_7 : vector<1x4000x128xf32> to vector<4000x128xf32>
    %add3A = arith.addf %get3A_3, %get3A_8 : vector<4000x128xf32>
    %get3A_9 = arith.constant 0 : index
    %get3A_10 = arith.constant 0 : index
    %get3A_11 = vector.load %arg1[%get3A_9, %get3A_10] : memref<32x4000xi32, #tpu.memory_space<vmem>>, vector<32x4000xi32>
    %reduce_sum3A = arith.constant dense<0> : vector<4000xi32>
    %reduce_sum3A_12 = vector.multi_reduction <add>, %get3A_11, %reduce_sum3A [0] : vector<32x4000xi32> to vector<4000xi32>
    %convert_element_type3A = arith.sitofp %reduce_sum3A_12 : vector<4000xi32> to vector<4000xf32>
    %max3A = arith.constant 1.000000e+00 : f32
    %max3A_13 = vector.broadcast %max3A : f32 to vector<4000xf32>
    %max3A_14 = arith.maximumf %convert_element_type3A, %max3A_13 : vector<4000xf32>
    %div3A = arith.constant 1.000000e+00 : f32
    %div3A_15 = vector.broadcast %div3A : f32 to vector<4000xf32>
    %div3A_16 = arith.divf %div3A_15, %max3A_14 : vector<4000xf32>
    %broadcast_in_dim3A = vector.shape_cast %div3A_16 : vector<4000xf32> to vector<4000x1xf32>
    %mul3A = vector.broadcast %broadcast_in_dim3A : vector<4000x1xf32> to vector<4000x128xf32>
    %mul3A_17 = arith.mulf %add3A, %mul3A : vector<4000x128xf32>
    %slice3A = vector.extract_strided_slice %mul3A_17 {offsets = [0, 0], sizes = [2000, 128], strides = [1, 1]} : vector<4000x128xf32> to vector<2000x128xf32>
    %get3A_18 = arith.constant 0 : index
    %get3A_19 = arith.constant 0 : index
    %get3A_20 = arith.constant 0 : index
    %get3A_21 = vector.load %arg2[%get3A_18, %get3A_19, %get3A_20] : memref<2x128x128xf32, #tpu.memory_space<vmem>>, vector<1x128x128xf32>
    %get3A_22 = vector.shape_cast %get3A_21 : vector<1x128x128xf32> to vector<128x128xf32>
    %dot_general3A = arith.constant dense<0.000000e+00> : vector<2000x128xf32>
    %dot_general3A_23 = tpu.matmul %slice3A, %get3A_22, %dot_general3A {dimension_numbers = #tpu.dot_dimension_numbers<[1], [0], [0], [1], [0, 0, 1, 1], [], []>, transpose_lhs_hint = false} : vector<2000x128xf32>, vector<128x128xf32>, vector<2000x128xf32> -> vector<2000x128xf32>
    %slice3A_24 = vector.extract_strided_slice %mul3A_17 {offsets = [2000, 0], sizes = [2000, 128], strides = [1, 1]} : vector<4000x128xf32> to vector<2000x128xf32>
    %get3A_25 = arith.constant 1 : index
    %get3A_26 = arith.constant 0 : index
    %get3A_27 = arith.constant 0 : index
    %get3A_28 = vector.load %arg2[%get3A_25, %get3A_26, %get3A_27] : memref<2x128x128xf32, #tpu.memory_space<vmem>>, vector<1x128x128xf32>
    %get3A_29 = vector.shape_cast %get3A_28 : vector<1x128x128xf32> to vector<128x128xf32>
    %dot_general3A_30 = arith.constant dense<0.000000e+00> : vector<2000x128xf32>
    %dot_general3A_31 = tpu.matmul %slice3A_24, %get3A_29, %dot_general3A_30 {dimension_numbers = #tpu.dot_dimension_numbers<[1], [0], [0], [1], [0, 0, 1, 1], [], []>, transpose_lhs_hint = false} : vector<2000x128xf32>, vector<128x128xf32>, vector<2000x128xf32> -> vector<2000x128xf32>
    %add3A_32 = arith.addf %dot_general3A_23, %dot_general3A_31 : vector<2000x128xf32>
    %get3A_33 = arith.constant 0 : index
    %get3A_34 = arith.constant 0 : index
    %get3A_35 = vector.load %arg3[%get3A_33, %get3A_34] : memref<1x128xf32, #tpu.memory_space<vmem>>, vector<1x128xf32>
    %add3A_36 = vector.broadcast %get3A_35 : vector<1x128xf32> to vector<2000x128xf32>
    %add3A_37 = arith.addf %add3A_32, %add3A_36 : vector<2000x128xf32>
    %get3A_38 = arith.constant 0 : index
    %get3A_39 = arith.constant 0 : index
    %get3A_40 = vector.load %arg4[%get3A_38, %get3A_39] : memref<1x1xf32, #tpu.memory_space<vmem>>, vector<1x1xf32>
    %get3A_41 = vector.extract %get3A_40[0, 0] : f32 from vector<1x1xf32>
    %add3A_42 = vector.broadcast %get3A_41 : f32 to vector<2000x128xf32>
    %add3A_43 = arith.addf %add3A_37, %add3A_42 : vector<2000x128xf32>
    %swap3A = arith.constant 0 : index
    %swap3A_44 = arith.constant 0 : index
    %swap3A_45 = vector.load %arg5[%swap3A, %swap3A_44] : memref<2000x128xf32, #tpu.memory_space<vmem>>, vector<2000x128xf32>
    tpu.vector_store %arg5[%swap3A, %swap3A_44], %add3A_43 {strides = array<i32>} : memref<2000x128xf32, #tpu.memory_space<vmem>>, vector<2000x128xf32>,
    return
  }
}

</mosaic_0001>

<sc_bundles>
// kernel: kernel.4.cloned.1.call-start
scs
__scs_entry_jumppad:
0x0: {  	(pc) =	sbr.rel $0x88, $3  }
0x1: {  	(tag) =	ssettag $0x0;
	lr =	simm.s32 $0x1  }
0x2: {  	[smem:$0x3F9A] =	sst lr;
	_ =	strace $0xD0000000  }
0x3: {  	_ = 	snop  }
0x4: {  	_ = 	snop  }
0x5: {  	_ = 	snop  }
0x6: {  	_ = 	snop  }
0x7: {  	_ = 	snop  }
__scs_overlays_trampoline_lowered:
0x8: {  	[smem:$0x3FA9] =	sst s0  }
0x9: {  	[smem:$0x3FAA] =	sst s1  }
0xa: {  	[smem:$0x3FAB] =	sst s2  }
0xb: {  	[smem:$0x3FAC] =	sst s3  }
0xc: {  	[smem:$0x3FAD] =	sst s4  }
0xd: {  	[smem:$0x3FAE] =	sst s5  }
0xe: {  	[smem:$0x3FAF] =	sst s6  }
0xf: {  	[smem:$0x3FB0] =	sst s7  }
0x10: {  	[smem:$0x3FB1] =	sst s8  }
0x11: {  	[smem:$0x3FB2] =	sst s9;
	s0 =	simm.s32 @!p0 $0x0  }
0x12: {  	s1 =	sld [smem:$0x3F98];
	s0 =	simm.s32 @p0 $0x1  }
0x13: {  	[smem:$0x3FB3] =	sst s0;
	s0 =	simm.s32 @!p1 $0x0  }
0x14: {  	s2 =	sld [smem:$0x3F97];
	s0 =	simm.s32 @p1 $0x1  }
0x15: {  	[smem:$0x3FB4] =	sst s0;
	s0 =	simm.s32 @!p2 $0x0  }
0x16: {  	s3 =	sld [smem:$0x3FDB];
	s0 =	simm.s32 @p2 $0x1  }
0x17: {  	s4 =	simm.s32 $0x1BF5;
	[smem:$0x3FB6] =	sst s0  }
0x18: {  	s0 =	sld [smem:$0x3F99];
	_ =	swait.ge [sflag:s4], $0x0  }
0x19: {  	s7 =	sld [smem:$0x3F9A]  }
0x1a: {  	s8 =	sadd.s32 $0xFFFFE003, lr  }
0x1b: {  	s9 =	sadd.s32 $0xFFFFFEF7, lr;
	s5 =	simm.s32 $0xFFFFFFFF;
	p2 =	slt.u32 s8, $0xFFFFF086  }
0x1c: {  	p1 =	slt.u32 s9, $0xF7A;
	s5 =	simm.s32 @!p2 $0x0  }
0x1d: {  	s5 =	simm.s32 @p1 $0x1;
	p0 =	seq.s32 s7, s2  }
0x1e: {  	s7 =	smul.u32 @!p0 $0xF7A, s2;
	p2 =	seq.s32 @!p0 s5, $0x0  }
0x1f: {  	s9 =	smul.u32 $0xF7A, s1;
	s8 =	simm.s32 @!p0 $0x1BF5;
	p2 =	por !p2, p0  }
0x20: {  	[sflag:s8] =	ssyncset.s32 @!p0 $0xFFFFF086;
	s6 =	sadd.s32 @!p0 s3, s7;
	s7 =	simm.s32 @!p0 $0x108  }
0x21: {  	s3 =	sadd.s32 s3, s9;
	s6 =	sadd.s32 @!p0 $0x88, s6;
	s7 =	simm.s32 @p2 $0x1082  }
0x22: {  	[simem:s7], [sflag:s8] =	dma.local @!p0 [hbm:s6], $0xF7A  }
0x23: {  	s9 =	sor.u32 $0xD0000000, s2;
	s6 =	simm.s32 $0x108;
	_ =	swait.ge @!p0 [sflag:s8], $0x0  }
0x24: {  	s3 =	sadd.s32 $0x88, s3;
	s6 =	simm.s32 @!p1 $0x1082;
	[sflag:s4] =	ssyncset.s32 $0xFFFFF086  }
0x25: {  	[simem:s6], [sflag:s4] =	dma.local [hbm:s3], $0xF7A  }
0x26: {  	[smem:$0x3F9A] =	sst s1;
	(tag) =	ssettag s2;
	_ =	strace s9  }
0x27: {  	s1 =	sld [smem:$0x3FAA]  }
0x28: {  	s2 =	sld [smem:$0x3FAB]  }
0x29: {  	s4 =	sld [smem:$0x3FAD]  }
0x2a: {  	p0 =	seq.s32 s5, $0x0;
	s5 =	sld [smem:$0x3FAE]  }
0x2b: {  	s6 =	sld [smem:$0x3FAF]  }
0x2c: {  	s7 =	sld [smem:$0x3FB0]  }
0x2d: {  	s3 =	simm.s32 $0x108;
	s8 =	sld [smem:$0x3FB1]  }
0x2e: {  	s3 =	simm.s32 @!p0 $0x1082;
	s9 =	sld [smem:$0x3FB2]  }
0x2f: {  	lr =	sadd.s32 s0, s3;
	s0 =	sld [smem:$0x3FA9]  }
0x30: {  	s3 =	sld [smem:$0x3FAC]  }
0x31: {  	[smem:$0x3FB5] =	sst s10  }
0x32: {  	s10 =	sld [smem:$0x3FB3];
	_ =	sdelay $0x3  }
0x33: {  	p0 =	seq.s32 s10, $0x1;
	s10 =	sld [smem:$0x3FB5];
	_ =	sdelay $0x3  }
0x34: {  	[smem:$0x3FB5] =	sst s10  }
0x35: {  	s10 =	sld [smem:$0x3FB4];
	_ =	sdelay $0x3  }
0x36: {  	p1 =	seq.s32 s10, $0x1;
	s10 =	sld [smem:$0x3FB5];
	_ =	sdelay $0x3  }
0x37: {  	[smem:$0x3FB5] =	sst s10  }
0x38: {  	s10 =	sld [smem:$0x3FB6]  }
0x39: {  	_ = 	snop;
	(pc) =	sbr.ind lr, $3  }
0x3a: {  	_ = 	snop  }
0x3b: {  	_ = 	snop  }
0x3c: {  	p2 =	seq.s32 s10, $0x1;
	s10 =	sld [smem:$0x3FB5]  }
0x3d: {  	_ =	shalt  }
0x3e: {  	_ =	shalt  }
0x3f: {  	_ =	shalt  }
0x40: {  	_ =	shalt  }
0x41: {  	_ =	shalt  }
0x42: {  	_ =	shalt  }
0x43: {  	_ =	shalt  }
0x44: {  	_ =	shalt  }
0x45: {  	_ =	shalt  }
0x46: {  	_ =	shalt  }
0x47: {  	_ =	shalt  }
0x48: {  	_ =	shalt  }
0x49: {  	_ =	shalt  }
0x4a: {  	_ =	shalt  }
0x4b: {  	_ =	shalt  }
0x4c: {  	_ =	shalt  }
0x4d: {  	_ =	shalt  }
0x4e: {  	_ =	shalt  }
0x4f: {  	_ =	shalt  }
0x50: {  	_ =	shalt  }
0x51: {  	_ =	shalt  }
0x52: {  	_ =	shalt  }
0x53: {  	_ =	shalt  }
0x54: {  	_ =	shalt  }
0x55: {  	_ =	shalt  }
0x56: {  	_ =	shalt  }
0x57: {  	_ =	shalt  }
0x58: {  	_ =	shalt  }
0x59: {  	_ =	shalt  }
0x5a: {  	_ =	shalt  }
0x5b: {  	_ =	shalt  }
0x5c: {  	_ =	shalt  }
0x5d: {  	_ =	shalt  }
0x5e: {  	_ =	shalt  }
0x5f: {  	_ =	shalt  }
0x60: {  	_ =	shalt  }
0x61: {  	_ =	shalt  }
0x62: {  	_ =	shalt  }
0x63: {  	_ =	shalt  }
0x64: {  	_ =	shalt  }
0x65: {  	_ =	shalt  }
0x66: {  	_ =	shalt  }
0x67: {  	_ =	shalt  }
0x68: {  	_ =	shalt  }
0x69: {  	_ =	shalt  }
0x6a: {  	_ =	shalt  }
0x6b: {  	_ =	shalt  }
0x6c: {  	_ =	shalt  }
0x6d: {  	_ =	shalt  }
0x6e: {  	_ =	shalt  }
0x6f: {  	_ =	shalt  }
0x70: {  	_ =	shalt  }
0x71: {  	_ =	shalt  }
0x72: {  	_ =	shalt  }
0x73: {  	_ =	shalt  }
0x74: {  	_ =	shalt  }
0x75: {  	_ =	shalt  }
0x76: {  	_ =	shalt  }
0x77: {  	_ =	shalt  }
0x78: {  	_ =	shalt  }
0x79: {  	_ =	shalt  }
0x7a: {  	_ =	shalt  }
0x7b: {  	_ =	shalt  }
0x7c: {  	_ =	shalt  }
0x7d: {  	_ =	shalt  }
0x7e: {  	_ =	shalt  }
0x7f: {  	_ =	shalt  }
0x80: {  	_ =	shalt  }
0x81: {  	_ =	shalt  }
0x82: {  	_ =	shalt  }
0x83: {  	_ =	shalt  }
0x84: {  	_ =	shalt  }
0x85: {  	_ =	shalt  }
0x86: {  	_ =	shalt  }
0x87: {  	_ =	shalt  }
.Lfunc_end0:
.L_simem_size_0:
called_computation_lowered:
.L_overlay_start_0:
0x88: {  	s2 =	sld [smem:$0x3FD9]  }
0x89: {  	s3 =	sld [smem:$0x3FFE];
	_ =	sdelay $0x1  }
0x8a: {  	s1 =	srdreg.scid  }
0x8b: {  	s0 =	sand.u32 $0x1, s1  }
0x8c: {  	s14 =	sshll.u32 s0, $0xA;
	s2 =	sadd.s32 s3, s2  }
0x8d: {  	s2 =	sadd.s32 s2, s14  }
0x8e: {  	[smem:$0x3FC1] =	sst s2  }
0x8f: {  	_ = 	snop  }
0x90: {  	s2 =	sld [smem:$0x3FD0];
	_ =	sdelay $0x1  }
0x91: {  	s15 =	sld [smem:$0x3FC8]  }
0x92: {  	s5 =	simm.s32 $0xA;
	s6 =	simm.s32 $0x10;
	s4 =	sld [smem:$0x3FC5]  }
0x93: {  	[smem:s6], [sflag:s5] =	dma.local [hbm:s2], $0x1  }
0x94: {  	_ =	swait.eq [sflag:s5], $0x1  }
0x95: {  	[sflag:s5] =	ssyncset.done $0x0  }
0x96: {  	s16 =	sld [smem:$0x10];
	[sflag:s5] =	ssyncadd.s32 $0xFFFFFFFF  }
0x97: {  	s17 =	sld [smem:$0x11];
	(tm) =	ssettm $0x1  }
0x98: {  	s18 =	sld [smem:$0x3FFB];
	_ =	sdelay $0x3  }
0x99: {  	_ =	strace s18  }
0x9a: {  	s6 =	sld [smem:$0x3FFC];
	_ =	sdelay $0x3  }
0x9b: {  	_ =	strace s6  }
0x9c: {  	s6 =	sld [smem:$0x3FFD];
	_ =	sdelay $0x3  }
0x9d: {  	_ =	strace s6  }
0x9e: {  	_ =	strace $0x8FFFFFFF  }
0x9f: {  	s19 =	sld [smem:$0x3FDB];
	_ =	sdelay $0x1  }
0xa0: {  	s7 =	simm.s32 $_scs_section_size  }
0xa1: {  	s8 =	simm.s32 $_size__tile_overlayer_lowered;
	s9 =	simm.s32 $_tile_overlayer_lowered  }
0xa2: {  	s22 =	simm.s32 $0x1BFF;
	s21 =	sshll.u32 s9, $0x1;
	s6 =	sadd.s32 s7, s19  }
0xa3: {  	s10 =	simm.s32 $0x0;
	s20 =	sshll.u32 s8, $0x1;
	s8 =	sadd.s32 s21, s6  }
0xa4: {  	[timem:s10], [sflag:s22] =	dma.local [hbm:s8], s20  }
0xa5: {  	_ =	swait.ge [sflag:s22], s20  }
0xa6: {  	s7 =	ssub.s32 $0x0, s20;
	[sflag:s22] =	ssyncset.done $0x0  }
0xa7: {  	[sflag:s22] =	ssyncadd.s32 s7;
	_ =	sdelay $0x1  }
0xa8: {  	s23 =	simm.s32 $0x1B8B  }
0xa9: {  	_ =	swait.ge [sflag:s23], $0x1  }
0xaa: {  	[sflag:s23] =	ssyncset.done $0x0  }
0xab: {  	s25 =	simm.s32 $0x1B8E;
	s24 =	sld [smem:$0x3FFE];
	[sflag:s23] =	ssyncadd.s32 $0xFFFFFFFF  }
0xac: {  	s26 =	simm.s32 $execute0_lowered;
	[smem:$0x3FD2] =	sst s25  }
0xad: {  	s8 =	sshll.u32 s26, $0x1;
	_ =	strace $0x80000046;
	[dreg:$0x1] =	wrdreg $0xFFFFFFFF  }
0xae: {  	s28 =	simm.s32 $_size_execute0_lowered;
	s6 =	sadd.s32 s6, s8;
	[dreg:$0x0] =	wrdreg $0x0  }
0xaf: {  	s8 =	sshll.u32 s28, $0x1;
	[dreg:$0x2] =	wrdreg s6  }
0xb0: {  	[dreg:$0x3] =	wrdreg s8  }
0xb1: {  	[dreg:$0x4] =	wrdreg $0xC0  }
0xb2: {  	_ =	task [dreg:s10], $0x5FFFF  }
0xb3: {  	[dreg:$0x1] =	wrdreg $0xFFFFFFFF  }
0xb4: {  	[dreg:$0x0] =	wrdreg $0x60  }
0xb5: {  	[dreg:$0x2] =	wrdreg s16  }
0xb6: {  	[dreg:$0x3] =	wrdreg s15  }
0xb7: {  	[dreg:$0x4] =	wrdreg s4  }
0xb8: {  	[dreg:$0x5] =	wrdreg s24  }
0xb9: {  	[dreg:$0x6] =	wrdreg s17  }
0xba: {  	[dreg:$0x7] =	wrdreg $0x172000  }
0xbb: {  	[dreg:$0x8] =	wrdreg $0x9  }
0xbc: {  	_ =	task.clear_ibuf [dreg:s10], $0x9FFFF;
	_ =	strace $0x90000046  }
0xbd: {  	s29 =	simm.s32 $0x9;
	_ =	strace $0x80000048  }
0xbe: {  	_ =	swait.ge [sflag:s29], $0x1  }
0xbf: {  	[sflag:s29] =	ssyncadd.s32 $0xFFFFFFFF  }
0xc0: {  	_ =	strace $0x90000048  }
0xc1: {  	_ =	sfence  }
0xc2: {  	s30 =	sld [smem:$0x0];
	_ =	sdelay $0x2  }
0xc3: {  	s31 =	sshll.u32 s1, $0xD;
	s1 =	sshrl.u32 s1, $0x2  }
0xc4: {  	s3 =	sand.u32 $0x4000, s31;
	s1 =	sadd.s32 s1, s30  }
0xc5: {  	s0 =	sor.u32 s3, s0;
	s1 =	sshll.u32 s1, $0x11  }
0xc6: {  	s0 =	sor.u32 s1, s0  }
0xc7: {  	s0 =	sadd.s32 $0x8F2B, s0  }
0xc8: {  	[sflag:s0] =	ssyncadd.remote.s32 $0x1  }
0xc9: {  	_ =	sfence.sel $0xFFFF  }
0xca: {  	[dreg:$0x0] =	wrdreg $0xFFFFFFFF;
	(pc) =	sbr.abs _section_cstart, $3  }
0xcb: {  	[dreg:$0x1] =	wrdreg $0xFFFFFFFF  }
0xcc: {  	_ =	task.clear_ibuf [dreg:s10], $0x2FFFF;
	_ =	strace $0x9FFFFFFF  }
0xcd: {  	(tm) =	ssettm $0x7FFFFFFF  }
tec
execute0_lowered:
.L_overlay_start_1:
0x0: {  	(tag) =	ssettag $0x1  }
0x1: {  	s1 =	rddreg [dreg:$0x0]  }
0x2: {  	s2 =	rddreg [dreg:$0x1]  }
0x3: {  	s0 =	rddreg [dreg:$0x2]  }
0x4: {  	s5 =	rddreg [dreg:$0x3];
	s3 =	srdreg.scid  }
0x5: {  	s13 =	rddreg [dreg:$0x4];
	s17 =	stileid.u32  }
0x6: {  	s4 =	simm.s32 $0x0;
	s28 =	simm.s32 $0x4;
	s29 =	simm.s32 $0x5  }
0x7: {  	s30 =	simm.s32 $0x6;
	s14 =	sand.u32 $0x1, s3;
	s3 =	rddreg [dreg:$0x5]  }
0x8: {  	s31 =	simm.s32 $0x7;
	[smem:$0x7FF] =	sst s4;
	s6 =	sshll.u32 s14, $0x4  }
0x9: {  	s15 =	sshll.u32 s17, $0xC;
	s21 =	sshll.u32 s17, $0xF;
	s11 =	sor.u32 s17, s6  }
0xa: {  	_ =	strace $0x80000047;
	s16 =	ssub.s32 $0x2, s14;
	s9 =	smul.u32 $0x2710, s11  }
0xb: {  	s15 =	sadd.s32 s15, s5;
	s8 =	sshrl.u32 s16, $0x1;
	s22 =	smul.u32 $0x1F4, s11  }
0xc: {  	s25 =	sshll.u32 s14, $0x10;
	s16 =	ssub.s32 s16, s8;
	s7 =	sshrl.u32 s9, $0x3  }
0xd: {  	s10 =	sadd.s32 $0x1388, s9;
	s9 =	sadd.s32 $0x4F588, s9;
	s26 =	sadd.s32 s13, s22  }
0xe: {  	s5 =	sadd.s32 s1, s7;
	s19 =	sadd.s32 s2, s7;
	[dreg:$0xe] =	wrdreg s26  }
0xf: {  	s12 =	sshrl.u32 s10, $0x3;
	s18 =	sadd.s32 $0x9C40, s5;
	[dreg:$0x9] =	wrdreg s19  }
0x10: {  	s9 =	sshrl.u32 s9, $0x3;
	s20 =	sadd.s32 s1, s12;
	[dreg:$0x8] =	wrdreg s18  }
0x11: {  	s23 =	smul.u32 $0x2001, s11;
	s1 =	sadd.s32 s1, s9;
	[dreg:$0xa] =	wrdreg s20  }
0x12: {  	s10 =	sadd.s32 s21, s3;
	s2 =	sadd.s32 s2, s12;
	[dreg:$0xb] =	wrdreg s1  }
.Ltmp0:
0x13: {  	s24 =	sadd.s32 $0x4000, s10;
	[dreg:$0xc] =	wrdreg s2;
	(pc) =	sbr.rel .LBB2_1-.Ltmp0, $4  }
0x14: {  	s22 =	simm.s32 $0x8;
	s26 =	simm.s32 $0x16200;
	[dreg:$0xd] =	wrdreg s24  }
0x15: {  	s1 =	sor.u32 $0x1F40000, s23;
	s2 =	sadd.s32 s25, s15;
	s15 =	smax.u32 s16, $0x1  }
0x16: {  	v1 =	vimm.s32 $0x0;
	s23 =	simm.s32 $0x1;
	s24 =	simm.s32 $0x2;
	s2 =	sadd.s32 $0x1000, s2  }
0x17: {  	v2 =	vimm.f32 $0.0e+00;
	v3 =	vimm.s32 $0x1;
	s25 =	simm.s32 $0x3;
	v0 =	vmov s1;
	s1 =	simm.s32 $0x0;
	[dreg:$0xf] =	wrdreg s2  }
.LBB2_14:
0x18: {  	v5 =	vand.u32 @!p1 $0x1FFF, v4  }
0x19: {  	v4 =	vshra.s32 @!p1 v4, $0xD;
	[tilespmem:$0xA020] =	vst @!p1 v5  }
0x1a: {  	[tilespmem:$0xA1A0] =	vst @!p1 v4  }
0x1b: {  	v4 =	vld @!p1 [tilespmem:s17+$0xFFFFFFC0];
	_ =	sdelay $0x4  }
0x1c: {  	v5 =	vand.u32 @!p1 $0x1FFF, v4  }
0x1d: {  	v4 =	vshra.s32 @!p1 v4, $0xD;
	[tilespmem:$0xA030] =	vst @!p1 v5  }
0x1e: {  	[tilespmem:$0xA1B0] =	vst @!p1 v4  }
0x1f: {  	v4 =	vld @!p1 [tilespmem:s17+$0xFFFFFFD0];
	_ =	sdelay $0x4  }
0x20: {  	v5 =	vand.u32 @!p1 $0x1FFF, v4  }
0x21: {  	v4 =	vshra.s32 @!p1 v4, $0xD;
	[tilespmem:$0xA040] =	vst @!p1 v5  }
0x22: {  	[tilespmem:$0xA1C0] =	vst @!p1 v4  }
0x23: {  	v4 =	vld @!p1 [tilespmem:s17+$0xFFFFFFE0];
	_ =	sdelay $0x4  }
0x24: {  	v5 =	vand.u32 @!p1 $0x1FFF, v4  }
0x25: {  	v4 =	vshra.s32 @!p1 v4, $0xD;
	[tilespmem:$0xA050] =	vst @!p1 v5  }
0x26: {  	[tilespmem:$0xA1D0] =	vst @!p1 v4  }
0x27: {  	v4 =	vld @!p1 [tilespmem:s17+$0xFFFFFFF0];
	_ =	sdelay $0x4  }
0x28: {  	v5 =	vand.u32 @!p1 $0x1FFF, v4  }
0x29: {  	v4 =	vshra.s32 @!p1 v4, $0xD;
	[tilespmem:$0xA060] =	vst @!p1 v5  }
0x2a: {  	[tilespmem:$0xA1E0] =	vst @!p1 v4  }
0x2b: {  	v4 =	vld @!p1 [tilespmem:s17+$0x0];
	_ =	sdelay $0x4  }
0x2c: {  	v5 =	vand.u32 @!p1 $0x1FFF, v4  }
0x2d: {  	v4 =	vshra.s32 @!p1 v4, $0xD;
	[tilespmem:$0xA070] =	vst @!p1 v5  }
0x2e: {  	s2 =	simm.s32 @!p1 $0x80;
	s6 =	simm.s32 @!p1 $0xA000;
	s7 =	simm.s32 @!p1 $0x12200;
	[tilespmem:$0xA1F0] =	vst @!p1 v4  }
0x2f: {  	[tilespmem:s7], [sflag:$0x3] =	stream.indirect.gather @!p1 [hbm4b:s0+s2], $0x80, s6, s2, $0xb8;
	[tilespmem:$0x1F200] =	vst v63  }
.LBB2_15:
0x30: {  	p0 =	slt.s32 s16, $0x1  }
0x31: {  	s2 =	simm.s32 @!p0 $0x4  }
0x32: {  	p1 =	slt.s32 @!p0 s16, $0x2;
	_ =	swait.ge @!p0 [sflag:s2], $0x4000  }
0x33: {  	p2 =	por p1, p0;
	[sflag:s2] =	ssyncset.done @!p0 $0x0  }
0x34: {  	p3 =	slt.s32 @!p2 s16, $0x3;
	[sflag:s2] =	ssyncadd.s32 @!p0 $0xFFFFC000;
	s2 =	simm.s32 @!p2 $0x5  }
0x35: {  	p1 =	por @!p0 p3, p1;
	_ =	swait.ge @!p2 [sflag:s2], $0x4000  }
0x36: {  	p0 =	por p1, p0;
	[sflag:s2] =	ssyncset.done @!p2 $0x0  }
0x37: {  	[sflag:s2] =	ssyncadd.s32 @!p2 $0xFFFFC000;
	s2 =	simm.s32 @!p0 $0x6  }
0x38: {  	_ =	swait.ge @!p0 [sflag:s2], $0x4000  }
0x39: {  	[sflag:s2] =	ssyncset.done @!p0 $0x0  }
0x3a: {  	s21 =	stileid.u32;
	[sflag:s2] =	ssyncadd.s32 @!p0 $0xFFFFC000  }
0x3b: {  	s6 =	sshrl.u32 s10, $0x3;
	s2 =	sshll.u32 s21, $0x6;
	[bflag:$0x0] =	sbarrier.arrive $0xFFFF  }
0x3c: {  	s1 =	sadd.s32 $0x1, s1;
	s2 =	sor.u32 $0x1C08, s2;
	s7 =	rddreg [dreg:$0xf]  }
0x3d: {  	[hbm:s7], [sflag:s2] =	dma.local [spmem:s6], $0x1000  }
0x3e: {  	p0 =	sne.s32 s1, s15;
	_ =	swait.ge [sflag:s22], $0x1000  }
.Ltmp1:
0x3f: {  	[sflag:s22] =	ssyncset.done $0x0;
	(pc) =	sbr.rel @!p0 .LBB2_16-.Ltmp1, $4  }
0x40: {  	[sflag:s22] =	ssyncadd.s32 $0xFFFFF000  }
0x41: {  	_ =	swait.ge [sflag:s31], $0xFA0  }
0x42: {  	[sflag:s31] =	ssyncset.done $0x0  }
0x43: {  	[sflag:s31] =	ssyncadd.s32 $0xFFFFF060  }
.LBB2_1:
0x44: {  	[tilespmem:s4], [sflag:$0x1] =	stream.linear.gather [hbm4b:s5+s4], $0x1388, $0x38;
	[tilespmem:$0x1F200] =	vst v63  }
0x45: {  	s2 =	rddreg [dreg:$0x8];
	s6 =	simm.s32 $0x2780  }
0x46: {  	[tilespmem:s6], [sflag:$0x2] =	stream.linear.gather [hbm4b:s2+s4], $0x1388, $0x38;
	[tilespmem:$0x1F200] =	vst v63  }
0x47: {  	s13 =	rddreg [dreg:$0x9];
	s14 =	simm.s32 $0x4F00  }
0x48: {  	[tilespmem:s14], [sflag:$0x3] =	stream.linear.gather [hbm4b:s13+s4], $0x1388, $0x38;
	[tilespmem:$0x1F200] =	vst v63  }
0x49: {  	s16 =	rddreg [dreg:$0xa];
	s17 =	simm.s32 $0x1388  }
0x4a: {  	[tilespmem:s17], [sflag:$0x4] =	stream.linear.gather [hbm4b:s16+s4], $0x1388, $0x38;
	[tilespmem:$0x1F200] =	vst v63  }
0x4b: {  	s18 =	rddreg [dreg:$0xb];
	s19 =	simm.s32 $0x3B08  }
0x4c: {  	[tilespmem:s19], [sflag:$0x5] =	stream.linear.gather [hbm4b:s18+s4], $0x1388, $0x38;
	[tilespmem:$0x1F200] =	vst v63  }
0x4d: {  	s20 =	rddreg [dreg:$0xc];
	s21 =	simm.s32 $0x6288;
	s2 =	simm.s32 $0x0  }
0x4e: {  	[tilespmem:s21], [sflag:$0x6] =	stream.linear.gather [hbm4b:s20+s4], $0x1388, $0x38;
	[tilespmem:$0x1F200] =	vst v63  }
.LBB2_2:
0x4f: {  	p0 =	sne.s32 s2, $0x3E40  }
.Ltmp2:
0x50: {  	_ = 	snop;
	(pc) =	sbr.rel @p0 .LBB2_2-.Ltmp2, $3  }
0x51: {  	_ =	sdelay $0x1  }
0x52: {  	s16 =	sshra.s32 s2, $0x2  }
0x53: {  	s2 =	sadd.s32 $0x40, s2;
	[tilespmem:s16+$0x16200] =	vst v1  }
0x54: {  	s2 =	simm.s32 $0x0;
	s16 =	simm.s32 $0x200  }
.LBB2_4:
0x55: {  	p0 =	sne.s32 s16, $0xFE00;
	[tilespmem:s2+$0xA270] =	vst v2  }
0x56: {  	[tilespmem:s2+$0xA200] =	vst v2  }
0x57: {  	[tilespmem:s2+$0xA210] =	vst v2  }
.Ltmp3:
0x58: {  	[tilespmem:s2+$0xA220] =	vst v2;
	(pc) =	sbr.rel @p0 .LBB2_4-.Ltmp3, $4  }
0x59: {  	[tilespmem:s2+$0xA230] =	vst v2  }
0x5a: {  	[tilespmem:s2+$0xA240] =	vst v2  }
0x5b: {  	[tilespmem:s2+$0xA250] =	vst v2  }
0x5c: {  	[tilespmem:s2+$0xA260] =	vst v2;
	s2 =	sshra.s32 s16, $0x2;
	s16 =	sadd.s32 $0x200, s16  }
0x5d: {  	[tilespmem:s2+$0xA270] =	vst v2  }
0x5e: {  	[tilespmem:s2+$0xA200] =	vst v2  }
0x5f: {  	[tilespmem:s2+$0xA210] =	vst v2  }
0x60: {  	[tilespmem:s2+$0xA220] =	vst v2  }
0x61: {  	[tilespmem:s2+$0xA230] =	vst v2  }
0x62: {  	[tilespmem:s2+$0xA240] =	vst v2  }
0x63: {  	[tilespmem:s2+$0xA250] =	vst v2  }
0x64: {  	[tilespmem:s2+$0xA260] =	vst v2;
	s6 =	simm.s32 $0xA200  }
0x65: {  	[spmem:s10] =	stream.linear.scatter [tilespmem:s6], [sflag:$0x8], $0x4000, $0x38;
	[tilespmem:$0x1F200] =	vst v63  }
0x66: {  	_ =	swait.ge [sflag:s22], $0x4000  }
0x67: {  	[sflag:s22] =	ssyncset.done $0x0  }
0x68: {  	s17 =	rddreg [dreg:$0xd];
	[sflag:s22] =	ssyncadd.s32 $0xFFFFC000  }
0x69: {  	[spmem:s17] =	stream.linear.scatter [tilespmem:s6], [sflag:$0x8], $0x4000, $0x38;
	[tilespmem:$0x1F200] =	vst v63  }
0x6a: {  	_ =	swait.ge [sflag:s22], $0x4000  }
0x6b: {  	[sflag:s22] =	ssyncset.done $0x0  }
0x6c: {  	[sflag:s22] =	ssyncadd.s32 $0xFFFFC000  }
0x6d: {  	_ =	swait.ge [sflag:s23], $0x1388  }
0x6e: {  	[sflag:s23] =	ssyncset.done $0x0  }
0x6f: {  	[sflag:s23] =	ssyncadd.s32 $0xFFFFEC78  }
0x70: {  	_ =	swait.ge [sflag:s24], $0x1388  }
0x71: {  	[sflag:s24] =	ssyncset.done $0x0  }
0x72: {  	[sflag:s24] =	ssyncadd.s32 $0xFFFFEC78  }
0x73: {  	_ =	swait.ge [sflag:s25], $0x1388  }
0x74: {  	[sflag:s25] =	ssyncset.done $0x0  }
0x75: {  	s18 =	simm.s32 $0x0;
	[sflag:s25] =	ssyncadd.s32 $0xFFFFEC78  }
0x76: {  	v4 =	vld [tilespmem:s18+$0x4F00]  }
0x77: {  	v5 =	vld [tilespmem:s18+$0x2780]  }
0x78: {  	v6 =	vld [tilespmem:s18+$0x0];
	_ =	sdelay $0x4  }
0x79: {  	v4 =	vmul.u32 $0x7D0, v4;
	vm0 =	vgt.s32 v5, $0x1F3F;
	vm1 =	vlt.s32 v6, $0x1F40  }
0x7a: {  	vm1 =	vmand vm1, vm0  }
0x7b: {  	v4 =	vadd.s32 v4, v5;
	v5 =	vsel vm1, $0x1, v1  }
0x7c: {  	(xrf0) =	vadd.scan.msk.s32 $0xffff, v5  }
0x7d: {  	v4 =	vadd.s32 $0xFFFFE0C0, v4;
	_ =	sdelay $0x3  }
0x7e: {  	v5 =	vshll.u32 v4, $0xD  }
0x7f: {  	s16 =	simm.s32 $0x0;
	v5 =	vor.u32 v6, v5;
	[tilespmem:v4+s26+$0x0] =	vst.idx.add.s32.msk vm0, v3;
	v4, _, _ =	vpop (xrf0)  }
0x80: {  	[tilespmem:s16+$0x7680] =	vst.msk vm1, v5;
	(v2sf) =	vpush v4, $0xF  }
0x81: {  	v4 =	vld [tilespmem:s18+$0x10]  }
0x82: {  	v5 =	vld [tilespmem:s18+$0x2790]  }
0x83: {  	v6 =	vld [tilespmem:s18+$0x4F10];
	_ =	sdelay $0x3  }
0x84: {  	vm8 =	vlt.s32 v4, $0x1F40;
	vm9 =	vgt.s32 v5, $0x1F3F  }
0x85: {  	v6 =	vmul.u32 $0x7D0, v6;
	vm0 =	vmand vm8, vm9  }
0x86: {  	v7 =	vsel vm0, $0x1, v1  }
0x87: {  	v5 =	vadd.s32 v6, v5;
	(xrf0) =	vadd.scan.msk.s32 $0xffff, v7  }
0x88: {  	v5 =	vadd.s32 $0xFFFFE0C0, v5;
	_ =	sdelay $0x3  }
0x89: {  	v6 =	vshll.u32 v5, $0xD;
	s19 =	spop (v2sf)  }
0x8a: {  	v4 =	vor.u32 v4, v6;
	[tilespmem:v5+s26+$0x0] =	vst.idx.add.s32.msk vm9, v3;
	v7, _, _ =	vpop (xrf0);
	s16 =	sadd.s32 $0x0, s19  }
0x8b: {  	(v2sf) =	vpush v7, $0xF;
	[tilespmem:s16+$0x7680] =	vst.msk vm0, v4  }
0x8c: {  	v4 =	vld [tilespmem:s18+$0x20]  }
0x8d: {  	v5 =	vld [tilespmem:s18+$0x4F20]  }
0x8e: {  	v6 =	vld [tilespmem:s18+$0x27A0];
	_ =	sdelay $0x4  }
0x8f: {  	v5 =	vmul.u32 $0x7D0, v5;
	vm10 =	vlt.s32 v4, $0x1F40;
	vm11 =	vgt.s32 v6, $0x1F3F  }
0x90: {  	vm0 =	vmand vm10, vm11  }
0x91: {  	v5 =	vadd.s32 v5, v6;
	v6 =	vsel vm0, $0x1, v1  }
0x92: {  	v5 =	vadd.s32 $0xFFFFE0C0, v5;
	(xrf0) =	vadd.scan.msk.s32 $0xffff, v6;
	_ =	sdelay $0x1  }
0x93: {  	v6 =	vshll.u32 v5, $0xD  }
0x94: {  	v4 =	vor.u32 v4, v6  }
0x95: {  	s17 =	spop (v2sf)  }
0x96: {  	s16 =	sadd.s32 s16, s17;
	[tilespmem:v5+s26+$0x0] =	vst.idx.add.s32.msk vm11, v3  }
0x97: {  	[tilespmem:s16+$0x7680] =	vst.msk vm0, v4;
	v4, _, _ =	vpop (xrf0)  }
0x98: {  	(v2sf) =	vpush v4, $0xF  }
0x99: {  	v5 =	vld [tilespmem:s18+$0x30]  }
0x9a: {  	v4 =	vld [tilespmem:s18+$0x27B0]  }
0x9b: {  	v6 =	vld [tilespmem:s18+$0x4F30];
	_ =	sdelay $0x3  }
0x9c: {  	vm12 =	vlt.s32 v5, $0x1F40;
	vm13 =	vgt.s32 v4, $0x1F3F  }
0x9d: {  	v6 =	vmul.u32 $0x7D0, v6;
	vm0 =	vmand vm12, vm13  }
0x9e: {  	v7 =	vsel vm0, $0x1, v1  }
0x9f: {  	v4 =	vadd.s32 v6, v4;
	(xrf0) =	vadd.scan.msk.s32 $0xffff, v7  }
0xa0: {  	v4 =	vadd.s32 $0xFFFFE0C0, v4;
	_ =	sdelay $0x3  }
0xa1: {  	v7 =	vshll.u32 v4, $0xD;
	s20 =	spop (v2sf)  }
0xa2: {  	v5 =	vor.u32 v5, v7;
	[tilespmem:v4+s26+$0x0] =	vst.idx.add.s32.msk vm13, v3;
	v6, _, _ =	vpop (xrf0);
	s16 =	sadd.s32 s16, s20  }
0xa3: {  	(v2sf) =	vpush v6, $0xF;
	[tilespmem:s16+$0x7680] =	vst.msk vm0, v5  }
0xa4: {  	v4 =	vld [tilespmem:s18+$0x4F40]  }
0xa5: {  	v5 =	vld [tilespmem:s18+$0x40]  }
0xa6: {  	v6 =	vld [tilespmem:s18+$0x27C0];
	_ =	sdelay $0x4  }
0xa7: {  	v4 =	vmul.u32 $0x7D0, v4;
	vm14 =	vlt.s32 v5, $0x1F40;
	vm15 =	vgt.s32 v6, $0x1F3F  }
0xa8: {  	vm0 =	vmand vm14, vm15  }
0xa9: {  	v4 =	vadd.s32 v4, v6;
	v6 =	vsel vm0, $0x1, v1  }
0xaa: {  	v4 =	vadd.s32 $0xFFFFE0C0, v4;
	(xrf0) =	vadd.scan.msk.s32 $0xffff, v6;
	_ =	sdelay $0x3  }
0xab: {  	v6 =	vshll.u32 v4, $0xD;
	s21 =	spop (v2sf)  }
0xac: {  	v5 =	vor.u32 v5, v6;
	[tilespmem:v4+s26+$0x0] =	vst.idx.add.s32.msk vm15, v3;
	s18 =	sadd.s32 s16, s21  }
0xad: {  	s2 =	simm.s32 $0x50;
	[tilespmem:s18+$0x7680] =	vst.msk vm0, v5;
	v4, _, _ =	vpop (xrf0)  }
0xae: {  	v6 =	vld [tilespmem:s2+$0x4F00];
	(v2sf) =	vpush v4, $0xF  }
0xaf: {  	v5 =	vld [tilespmem:s2+$0x2780]  }
0xb0: {  	s16 =	simm.s32 $0x280;
	v4 =	vld [tilespmem:s2+$0x0]  }
.LBB2_6:
0xb1: {  	_ = 	snop  }
0xb2: {  	p0 =	sne.s32 s16, $0x4C40;
	s17 =	smov.u32 s16;
	s16 =	sadd.s32 $0x140, s16  }
0xb3: {  	v6 =	vmul.u32 $0x7D0, v6;
	_ =	sdelay $0x1  }
0xb4: {  	vm0 =	vgt.s32 v5, $0x1F3F;
	v5 =	vadd.s32 v6, v5;
	vm1 =	vlt.s32 v4, $0x1F40  }
0xb5: {  	v5 =	vadd.s32 $0xFFFFE0C0, v5;
	vm1 =	vmand vm1, vm0  }
0xb6: {  	v6 =	vshll.u32 v5, $0xD;
	v7 =	vsel vm1, $0x1, v1  }
0xb7: {  	v4 =	vor.u32 v4, v6;
	(xrf0) =	vadd.scan.msk.s32 $0xffff, v7;
	_ =	sdelay $0x2  }
0xb8: {  	[tilespmem:v5+s26+$0x0] =	vst.idx.add.s32.msk vm0, v3;
	_ =	sdelay $0x1  }
0xb9: {  	s19 =	spop (v2sf)  }
0xba: {  	v5, _, _ =	vpop (xrf0);
	s18 =	sadd.s32 s18, s19  }
0xbb: {  	[tilespmem:s18+$0x7680] =	vst.msk vm1, v4;
	(v2sf) =	vpush v5, $0xF  }
0xbc: {  	v4 =	vld [tilespmem:s2+$0x10]  }
0xbd: {  	v5 =	vld [tilespmem:s2+$0x2790]  }
0xbe: {  	v6 =	vld [tilespmem:s2+$0x4F10];
	_ =	sdelay $0x2  }
0xbf: {  	vm0 =	vlt.s32 v4, $0x1F40  }
0xc0: {  	vm1 =	vgt.s32 v5, $0x1F3F  }
0xc1: {  	v6 =	vmul.u32 $0x7D0, v6;
	vm0 =	vmand vm0, vm1  }
0xc2: {  	v7 =	vsel vm0, $0x1, v1  }
0xc3: {  	v5 =	vadd.s32 v6, v5;
	(xrf0) =	vadd.scan.msk.s32 $0xffff, v7  }
0xc4: {  	v5 =	vadd.s32 $0xFFFFE0C0, v5  }
0xc5: {  	v6 =	vshll.u32 v5, $0xD  }
0xc6: {  	v4 =	vor.u32 v4, v6;
	_ =	sdelay $0x1  }
0xc7: {  	s19 =	spop (v2sf)  }
0xc8: {  	s18 =	sadd.s32 s18, s19;
	[tilespmem:v5+s26+$0x0] =	vst.idx.add.s32.msk vm1, v3;
	v5, _, _ =	vpop (xrf0)  }
0xc9: {  	[tilespmem:s18+$0x7680] =	vst.msk vm0, v4;
	(v2sf) =	vpush v5, $0xF  }
0xca: {  	v4 =	vld [tilespmem:s2+$0x20]  }
0xcb: {  	v5 =	vld [tilespmem:s2+$0x27A0]  }
0xcc: {  	v6 =	vld [tilespmem:s2+$0x4F20];
	_ =	sdelay $0x2  }
0xcd: {  	vm0 =	vlt.s32 v4, $0x1F40  }
0xce: {  	vm1 =	vgt.s32 v5, $0x1F3F  }
0xcf: {  	v6 =	vmul.u32 $0x7D0, v6;
	vm0 =	vmand vm0, vm1  }
0xd0: {  	v7 =	vsel vm0, $0x1, v1  }
0xd1: {  	v5 =	vadd.s32 v6, v5;
	(xrf0) =	vadd.scan.msk.s32 $0xffff, v7  }
0xd2: {  	v5 =	vadd.s32 $0xFFFFE0C0, v5  }
0xd3: {  	v6 =	vshll.u32 v5, $0xD  }
0xd4: {  	v4 =	vor.u32 v4, v6;
	_ =	sdelay $0x1  }
0xd5: {  	s19 =	spop (v2sf)  }
0xd6: {  	s18 =	sadd.s32 s18, s19;
	[tilespmem:v5+s26+$0x0] =	vst.idx.add.s32.msk vm1, v3;
	v5, _, _ =	vpop (xrf0)  }
0xd7: {  	[tilespmem:s18+$0x7680] =	vst.msk vm0, v4;
	(v2sf) =	vpush v5, $0xF  }
0xd8: {  	v4 =	vld [tilespmem:s2+$0x30]  }
0xd9: {  	v5 =	vld [tilespmem:s2+$0x27B0]  }
0xda: {  	v6 =	vld [tilespmem:s2+$0x4F30];
	_ =	sdelay $0x2  }
0xdb: {  	vm0 =	vlt.s32 v4, $0x1F40  }
0xdc: {  	vm1 =	vgt.s32 v5, $0x1F3F  }
0xdd: {  	v6 =	vmul.u32 $0x7D0, v6;
	vm0 =	vmand vm0, vm1  }
0xde: {  	v7 =	vsel vm0, $0x1, v1  }
0xdf: {  	v5 =	vadd.s32 v6, v5;
	(xrf0) =	vadd.scan.msk.s32 $0xffff, v7  }
0xe0: {  	v5 =	vadd.s32 $0xFFFFE0C0, v5  }
0xe1: {  	v6 =	vshll.u32 v5, $0xD  }
0xe2: {  	v4 =	vor.u32 v4, v6;
	_ =	sdelay $0x1  }
0xe3: {  	s19 =	spop (v2sf)  }
0xe4: {  	s18 =	sadd.s32 s18, s19;
	[tilespmem:v5+s26+$0x0] =	vst.idx.add.s32.msk vm1, v3;
	v5, _, _ =	vpop (xrf0)  }
0xe5: {  	[tilespmem:s18+$0x7680] =	vst.msk vm0, v4;
	(v2sf) =	vpush v5, $0xF  }
0xe6: {  	v4 =	vld [tilespmem:s2+$0x4F40]  }
0xe7: {  	v5 =	vld [tilespmem:s2+$0x40]  }
0xe8: {  	v6 =	vld [tilespmem:s2+$0x27C0];
	_ =	sdelay $0x2  }
0xe9: {  	v4 =	vmul.u32 $0x7D0, v4  }
0xea: {  	vm0 =	vlt.s32 v5, $0x1F40  }
0xeb: {  	vm1 =	vgt.s32 v6, $0x1F3F;
	v4 =	vadd.s32 v4, v6  }
0xec: {  	v4 =	vadd.s32 $0xFFFFE0C0, v4;
	vm0 =	vmand vm0, vm1  }
0xed: {  	s2 =	sshra.s32 s17, $0x2;
	v6 =	vshll.u32 v4, $0xD;
	v7 =	vsel vm0, $0x1, v1  }
0xee: {  	v5 =	vor.u32 v5, v6;
	(xrf0) =	vadd.scan.msk.s32 $0xffff, v7;
	_ =	sdelay $0x2  }
0xef: {  	[tilespmem:v4+s26+$0x0] =	vst.idx.add.s32.msk vm1, v3  }
0xf0: {  	s17 =	spop (v2sf)  }
.Ltmp4:
0xf1: {  	s18 =	sadd.s32 s18, s17;
	(pc) =	sbr.rel @p0 .LBB2_6-.Ltmp4, $4  }
0xf2: {  	[tilespmem:s18+$0x7680] =	vst.msk vm0, v5;
	v4, _, _ =	vpop (xrf0)  }
0xf3: {  	v6 =	vld [tilespmem:s2+$0x4F00];
	(v2sf) =	vpush v4, $0xF  }
0xf4: {  	v5 =	vld [tilespmem:s2+$0x2780]  }
0xf5: {  	v4 =	vld [tilespmem:s2+$0x0]  }
0xf6: {  	_ =	sdelay $0x3  }
0xf7: {  	vm0 =	vgt.s32 v5, $0x1F3F;
	vm1 =	vlt.s32 v4, $0x1F40  }
0xf8: {  	vm1 =	vmand vm1, vm0  }
0xf9: {  	v6 =	vmul.u32 $0x7D0, v6;
	v7 =	vsel vm1, $0x1, v1  }
0xfa: {  	(xrf0) =	vadd.scan.msk.s32 $0xffff, v7  }
0xfb: {  	v5 =	vadd.s32 v6, v5  }
0xfc: {  	v5 =	vadd.s32 $0xFFFFE0C0, v5;
	_ =	sdelay $0x3  }
0xfd: {  	v49 =	vshll.u32 v5, $0xD;
	s16 =	spop (v2sf);
	v7, _, _ =	vpop (xrf0)  }
0xfe: {  	v4 =	vor.u32 v4, v49;
	[tilespmem:v5+s26+$0x0] =	vst.idx.add.s32.msk vm0, v3;
	s16 =	sadd.s32 s18, s16;
	(v2sf) =	vpush v7, $0xF  }
0xff: {  	[tilespmem:s16+$0x7680] =	vst.msk vm1, v4  }
0x100: {  	v4 =	vld [tilespmem:s2+$0x10]  }
0x101: {  	v5 =	vld [tilespmem:s2+$0x4F10]  }
0x102: {  	v50 =	vld [tilespmem:s2+$0x2790];
	_ =	sdelay $0x3  }
0x103: {  	v5 =	vmul.u32 $0x7D0, v5  }
0x104: {  	vm9 =	vlt.s32 v4, $0x1F40;
	vm10 =	vgt.s32 v50, $0x1F3F  }
0x105: {  	vm0 =	vmand vm9, vm10;
	v5 =	vadd.s32 v5, v50  }
0x106: {  	v51 =	vsel vm0, $0x1, v1;
	v5 =	vadd.s32 $0xFFFFE0C0, v5  }
0x107: {  	(xrf0) =	vadd.scan.msk.s32 $0xffff, v51;
	_ =	sdelay $0x1  }
0x108: {  	v52 =	vshll.u32 v5, $0xD  }
0x109: {  	v4 =	vor.u32 v4, v52;
	s17 =	spop (v2sf)  }
0x10a: {  	[tilespmem:v5+s26+$0x0] =	vst.idx.add.s32.msk vm10, v3;
	s16 =	sadd.s32 s16, s17  }
0x10b: {  	[tilespmem:s16+$0x7680] =	vst.msk vm0, v4  }
0x10c: {  	v4, _, _ =	vpop (xrf0);
	v5 =	vld [tilespmem:s2+$0x20]  }
0x10d: {  	(v2sf) =	vpush v4, $0xF;
	v4 =	vld [tilespmem:s2+$0x27A0];
	_ =	sdelay $0x2  }
0x10e: {  	v53 =	vld [tilespmem:s2+$0x4F20];
	_ =	sdelay $0x1  }
0x10f: {  	vm11 =	vlt.s32 v5, $0x1F40;
	vm12 =	vgt.s32 v4, $0x1F3F  }
0x110: {  	vm0 =	vmand vm11, vm12  }
0x111: {  	v54 =	vsel vm0, $0x1, v1  }
0x112: {  	v6 =	vmul.u32 $0x7D0, v53;
	(xrf0) =	vadd.scan.msk.s32 $0xffff, v54;
	_ =	sdelay $0x1  }
0x113: {  	v4 =	vadd.s32 v6, v4  }
0x114: {  	v4 =	vadd.s32 $0xFFFFE0C0, v4;
	_ =	sdelay $0x2  }
0x115: {  	v55, _, _ =	vpop (xrf0)  }
0x116: {  	v56 =	vshll.u32 v4, $0xD;
	s13 =	spop (v2sf);
	(v2sf) =	vpush v55, $0xF  }
0x117: {  	v5 =	vor.u32 v5, v56;
	[tilespmem:v4+s26+$0x0] =	vst.idx.add.s32.msk vm12, v3;
	s16 =	sadd.s32 s16, s13  }
0x118: {  	[tilespmem:s16+$0x7680] =	vst.msk vm0, v5  }
0x119: {  	v4 =	vld [tilespmem:s2+$0x4F30];
	_ =	sdelay $0x1  }
0x11a: {  	v5 =	vld [tilespmem:s2+$0x27B0];
	_ =	sdelay $0x2  }
0x11b: {  	v4 =	vmul.u32 $0x7D0, v4;
	_ =	sdelay $0x1  }
0x11c: {  	v57 =	vld [tilespmem:s2+$0x30];
	vm13 =	vgt.s32 v5, $0x1F3F;
	v4 =	vadd.s32 v4, v5  }
0x11d: {  	v4 =	vadd.s32 $0xFFFFE0C0, v4;
	_ =	sdelay $0x3  }
0x11e: {  	vm14 =	vlt.s32 v57, $0x1F40;
	v5 =	vshll.u32 v4, $0xD;
	s14 =	spop (v2sf)  }
0x11f: {  	vm1 =	vmand vm14, vm13;
	v5 =	vor.u32 v57, v5;
	s16 =	sadd.s32 s16, s14;
	[tilespmem:v4+s26+$0x0] =	vst.idx.add.s32.msk vm13, v3  }
0x120: {  	[tilespmem:s16+$0x7680] =	vst.msk vm1, v5  }
0x121: {  	v4 =	vld [tilespmem:s2+$0x40]  }
0x122: {  	v5 =	vld [tilespmem:s2+$0x27C0];
	_ =	sdelay $0x4  }
0x123: {  	vm15 =	vlt.s32 v4, $0x1F40;
	vm2 =	vgt.s32 v5, $0x1F3F  }
0x124: {  	v58 =	vsel vm1, $0x1, v1;
	vm0 =	vmand vm15, vm2  }
0x125: {  	(xrf0) =	vadd.scan.msk.s32 $0xffff, v58;
	v59 =	vsel vm0, $0x1, v1  }
0x126: {  	(xrf0) =	vadd.scan.msk.s32 $0xffff, v59;
	_ =	sdelay $0x4  }
0x127: {  	v60, _, _ =	vpop (xrf0)  }
0x128: {  	(v2sf) =	vpush v60, $0xF;
	v61, _, _ =	vpop (xrf0)  }
0x129: {  	(v2sf) =	vpush v61, $0xF;
	_ =	sdelay $0x8  }
0x12a: {  	v62 =	vld [tilespmem:s2+$0x4F40];
	_ =	sdelay $0x4  }
0x12b: {  	v6 =	vmul.u32 $0x7D0, v62;
	s17 =	spop (v2sf)  }
0x12c: {  	s16 =	sadd.s32 s16, s17;
	s18 =	spop (v2sf)  }
0x12d: {  	v5 =	vadd.s32 v6, v5;
	s2 =	sadd.s32 s16, s18  }
0x12e: {  	v5 =	vadd.s32 $0xFFFFE0C0, v5;
	s19 =	sand.u32 $0x7F, s2  }
0x12f: {  	s20 =	sshra.s32 s2, $0x1F;
	p0 =	slt.s32 s2, $0x1;
	p1 =	sne.s32 s19, $0x0  }
0x130: {  	s21 =	sshrl.u32 s20, $0x19;
	p0 =	por !p0, !p1  }
0x131: {  	s18 =	simm.s32 $0x1;
	s17 =	sadd.s32 s21, s2;
	p0 =	por !p0, !p0  }
0x132: {  	v63 =	vshll.u32 v5, $0xD;
	s17 =	sshra.s32 s17, $0x7;
	s18 =	simm.s32 @!p0 $0x0  }
0x133: {  	v4 =	vor.u32 v4, v63;
	[tilespmem:v5+s26+$0x0] =	vst.idx.add.s32.msk vm2, v3;
	s17 =	ssub.s32 s17, s18  }
0x134: {  	[tilespmem:s16+$0x7680] =	vst.msk vm0, v4;
	p0 =	slt.s32 s17, $0x1  }
0x135: {  	v4 =	vld @!p0 [tilespmem:$0x7680];
	_ =	sdelay $0x1  }
0x136: {  	v5 =	vld @!p0 [tilespmem:$0x7690];
	_ =	sdelay $0x1  }
0x137: {  	v6 =	vld @!p0 [tilespmem:$0x76A0]  }
0x138: {  	v7 =	vand.u32 @!p0 $0x1FFF, v4  }
0x139: {  	v4 =	vshra.s32 @!p0 v4, $0xD;
	[tilespmem:$0x9F00] =	vst @!p0 v7;
	v7 =	vld @!p0 [tilespmem:$0x76B0]  }
0x13a: {  	[tilespmem:$0xA080] =	vst @!p0 v4;
	v4 =	vand.u32 @!p0 $0x1FFF, v5  }
0x13b: {  	[tilespmem:$0x9F10] =	vst @!p0 v4;
	v4 =	vshra.s32 @!p0 v5, $0xD;
	v5 =	vld @!p0 [tilespmem:$0x76C0]  }
0x13c: {  	[tilespmem:$0xA090] =	vst @!p0 v4;
	v4 =	vand.u32 @!p0 $0x1FFF, v6  }
0x13d: {  	[tilespmem:$0x9F20] =	vst @!p0 v4;
	v4 =	vshra.s32 @!p0 v6, $0xD;
	v6 =	vld @!p0 [tilespmem:$0x76D0]  }
0x13e: {  	[tilespmem:$0xA0A0] =	vst @!p0 v4;
	v4 =	vand.u32 @!p0 $0x1FFF, v7  }
0x13f: {  	[tilespmem:$0x9F30] =	vst @!p0 v4;
	v4 =	vshra.s32 @!p0 v7, $0xD;
	v7 =	vld @!p0 [tilespmem:$0x76E0]  }
0x140: {  	[tilespmem:$0xA0B0] =	vst @!p0 v4;
	v4 =	vand.u32 @!p0 $0x1FFF, v5  }
0x141: {  	[tilespmem:$0x9F40] =	vst @!p0 v4;
	v4 =	vshra.s32 @!p0 v5, $0xD;
	v5 =	vld @!p0 [tilespmem:$0x76F0]  }
0x142: {  	[tilespmem:$0xA0C0] =	vst @!p0 v4;
	v4 =	vand.u32 @!p0 $0x1FFF, v6  }
0x143: {  	[tilespmem:$0x9F50] =	vst @!p0 v4;
	v4 =	vshra.s32 @!p0 v6, $0xD  }
0x144: {  	[tilespmem:$0xA0D0] =	vst @!p0 v4;
	v4 =	vand.u32 @!p0 $0x1FFF, v7  }
0x145: {  	[tilespmem:$0x9F60] =	vst @!p0 v4;
	v4 =	vshra.s32 @!p0 v7, $0xD  }
0x146: {  	[tilespmem:$0xA0E0] =	vst @!p0 v4;
	v4 =	vand.u32 @!p0 $0x1FFF, v5  }
0x147: {  	s16 =	simm.s32 @!p0 $0x80;
	[tilespmem:$0x9F70] =	vst @!p0 v4;
	v4 =	vshra.s32 @!p0 v5, $0xD  }
0x148: {  	s18 =	simm.s32 @!p0 $0x9F00;
	s19 =	simm.s32 @!p0 $0xA200;
	p1 =	seq.s32 @!p0 s17, $0x1;
	[tilespmem:$0xA0F0] =	vst @!p0 v4  }
0x149: {  	[tilespmem:s19], [sflag:$0x1] =	stream.indirect.gather @!p0 [hbm4b:s0+s16], $0x80, s18, s16, $0xb8;
	[tilespmem:$0x1F200] =	vst v63  }
0x14a: {  	p0 =	por p0, p1  }
.Ltmp5:
0x14b: {  	_ = 	snop;
	(pc) =	sbr.rel @p0 .LBB2_9-.Ltmp5, $1  }
0x14c: {  	_ =	sdelay $0x3  }
0x14d: {  	v4 =	vld [tilespmem:$0x7700];
	_ =	sdelay $0x1  }
0x14e: {  	v5 =	vld [tilespmem:$0x7710];
	_ =	sdelay $0x1  }
0x14f: {  	v6 =	vld [tilespmem:$0x7720]  }
0x150: {  	v7 =	vand.u32 $0x1FFF, v4  }
0x151: {  	v61 =	vld [tilespmem:$0x7730];
	v4 =	vshra.s32 v4, $0xD;
	[tilespmem:$0x9F80] =	vst v7  }
0x152: {  	[tilespmem:$0xA100] =	vst v4;
	v4 =	vand.u32 $0x1FFF, v5  }
0x153: {  	[tilespmem:$0x9F90] =	vst v4;
	v4 =	vshra.s32 v5, $0xD;
	v5 =	vld [tilespmem:$0x7740]  }
0x154: {  	[tilespmem:$0xA110] =	vst v4;
	v4 =	vand.u32 $0x1FFF, v6  }
0x155: {  	v62 =	vld [tilespmem:$0x7750];
	[tilespmem:$0x9FA0] =	vst v4;
	v4 =	vshra.s32 v6, $0xD  }
0x156: {  	[tilespmem:$0xA120] =	vst v4;
	v4 =	vand.u32 $0x1FFF, v61  }
0x157: {  	v63 =	vld [tilespmem:$0x7760];
	[tilespmem:$0x9FB0] =	vst v4;
	v4 =	vshra.s32 v61, $0xD  }
0x158: {  	[tilespmem:$0xA130] =	vst v4;
	v4 =	vand.u32 $0x1FFF, v5  }
0x159: {  	[tilespmem:$0x9FC0] =	vst v4;
	v4 =	vshra.s32 v5, $0xD;
	v5 =	vld [tilespmem:$0x7770]  }
0x15a: {  	[tilespmem:$0xA140] =	vst v4;
	v4 =	vand.u32 $0x1FFF, v62  }
0x15b: {  	[tilespmem:$0x9FD0] =	vst v4;
	v4 =	vshra.s32 v62, $0xD  }
0x15c: {  	[tilespmem:$0xA150] =	vst v4;
	v4 =	vand.u32 $0x1FFF, v63  }
0x15d: {  	[tilespmem:$0x9FE0] =	vst v4;
	v4 =	vshra.s32 v63, $0xD  }
0x15e: {  	[tilespmem:$0xA160] =	vst v4;
	v4 =	vand.u32 $0x1FFF, v5  }
0x15f: {  	s6 =	simm.s32 $0x80;
	[tilespmem:$0x9FF0] =	vst v4;
	v4 =	vshra.s32 v5, $0xD  }
0x160: {  	s7 =	simm.s32 $0x9F80;
	s8 =	simm.s32 $0xE200;
	p0 =	slt.u32 s17, $0x3;
	[tilespmem:$0xA170] =	vst v4  }
0x161: {  	[tilespmem:s8], [sflag:$0x2] =	stream.indirect.gather [hbm4b:s0+s6], $0x80, s7, s6, $0xb8;
	[tilespmem:$0x1F200] =	vst v63  }
0x162: {  	v4 =	vld @!p0 [tilespmem:$0x7780];
	_ =	sdelay $0x1  }
0x163: {  	v5 =	vld @!p0 [tilespmem:$0x7790];
	_ =	sdelay $0x1  }
0x164: {  	v6 =	vld @!p0 [tilespmem:$0x77A0]  }
0x165: {  	v7 =	vand.u32 @!p0 $0x1FFF, v4  }
0x166: {  	v4 =	vshra.s32 @!p0 v4, $0xD;
	[tilespmem:$0xA000] =	vst @!p0 v7;
	v7 =	vld @!p0 [tilespmem:$0x77B0]  }
0x167: {  	[tilespmem:$0xA180] =	vst @!p0 v4;
	v4 =	vand.u32 @!p0 $0x1FFF, v5  }
0x168: {  	[tilespmem:$0xA010] =	vst @!p0 v4;
	v4 =	vshra.s32 @!p0 v5, $0xD;
	v5 =	vld @!p0 [tilespmem:$0x77C0]  }
0x169: {  	[tilespmem:$0xA190] =	vst @!p0 v4;
	v4 =	vand.u32 @!p0 $0x1FFF, v6  }
0x16a: {  	[tilespmem:$0xA020] =	vst @!p0 v4;
	v4 =	vshra.s32 @!p0 v6, $0xD;
	v6 =	vld @!p0 [tilespmem:$0x77D0]  }
0x16b: {  	[tilespmem:$0xA1A0] =	vst @!p0 v4;
	v4 =	vand.u32 @!p0 $0x1FFF, v7  }
0x16c: {  	[tilespmem:$0xA030] =	vst @!p0 v4;
	v4 =	vshra.s32 @!p0 v7, $0xD;
	v7 =	vld @!p0 [tilespmem:$0x77E0]  }
0x16d: {  	[tilespmem:$0xA1B0] =	vst @!p0 v4;
	v4 =	vand.u32 @!p0 $0x1FFF, v5  }
0x16e: {  	[tilespmem:$0xA040] =	vst @!p0 v4;
	v4 =	vshra.s32 @!p0 v5, $0xD;
	v5 =	vld @!p0 [tilespmem:$0x77F0]  }
0x16f: {  	[tilespmem:$0xA1C0] =	vst @!p0 v4;
	v4 =	vand.u32 @!p0 $0x1FFF, v6  }
0x170: {  	[tilespmem:$0xA050] =	vst @!p0 v4;
	v4 =	vshra.s32 @!p0 v6, $0xD  }
0x171: {  	[tilespmem:$0xA1D0] =	vst @!p0 v4;
	v4 =	vand.u32 @!p0 $0x1FFF, v7  }
0x172: {  	[tilespmem:$0xA060] =	vst @!p0 v4;
	v4 =	vshra.s32 @!p0 v7, $0xD  }
0x173: {  	[tilespmem:$0xA1E0] =	vst @!p0 v4;
	v4 =	vand.u32 @!p0 $0x1FFF, v5  }
0x174: {  	[tilespmem:$0xA070] =	vst @!p0 v4;
	v4 =	vshra.s32 @!p0 v5, $0xD  }
0x175: {  	s16 =	simm.s32 @!p0 $0x80;
	s18 =	simm.s32 @!p0 $0xA000;
	s19 =	simm.s32 @!p0 $0x12200;
	[tilespmem:$0xA1F0] =	vst @!p0 v4  }
0x176: {  	[tilespmem:s19], [sflag:$0x3] =	stream.indirect.gather @!p0 [hbm4b:s0+s16], $0x80, s18, s16, $0xb8;
	[tilespmem:$0x1F200] =	vst v63  }
.LBB2_9:
0x177: {  	_ =	swait.ge [sflag:s28], $0x1388  }
0x178: {  	[sflag:s28] =	ssyncset.done $0x0  }
0x179: {  	[sflag:s28] =	ssyncadd.s32 $0xFFFFEC78  }
0x17a: {  	_ =	swait.ge [sflag:s29], $0x1388  }
0x17b: {  	[sflag:s29] =	ssyncset.done $0x0  }
0x17c: {  	[sflag:s29] =	ssyncadd.s32 $0xFFFFEC78  }
0x17d: {  	_ =	swait.ge [sflag:s30], $0x1388  }
0x17e: {  	[sflag:s30] =	ssyncset.done $0x0  }
0x17f: {  	s16 =	simm.s32 $0x0;
	[sflag:s30] =	ssyncadd.s32 $0xFFFFEC78  }
0x180: {  	v4 =	vld [tilespmem:s16+$0x6260]  }
0x181: {  	v5 =	vld [tilespmem:s16+$0x3AE0]  }
0x182: {  	v6 =	vld [tilespmem:s16+$0x1360];
	_ =	sdelay $0x4  }
0x183: {  	v4 =	vmul.u32 $0x7D0, v4;
	vm0 =	vgt.s32 v5, $0x1F3F;
	vm1 =	vlt.s32 v6, $0x1F40  }
0x184: {  	vm1 =	vmand vm1, vm0  }
0x185: {  	v4 =	vadd.s32 v4, v5;
	v5 =	vsel vm1, $0x1, v1  }
0x186: {  	(xrf0) =	vadd.scan.msk.s32 $0xffff, v5  }
0x187: {  	v4 =	vadd.s32 $0xFFFFE0C0, v4;
	_ =	sdelay $0x3  }
0x188: {  	v5 =	vshll.u32 v4, $0xD  }
0x189: {  	v5 =	vor.u32 v6, v5;
	[tilespmem:v4+s26+$0x0] =	vst.idx.add.s32.msk vm0, v3;
	v4, _, _ =	vpop (xrf0)  }
0x18a: {  	[tilespmem:s2+$0x7680] =	vst.msk vm1, v5;
	(v2sf) =	vpush v4, $0xF  }
0x18b: {  	v4 =	vld [tilespmem:s16+$0x1370]  }
0x18c: {  	v5 =	vld [tilespmem:s16+$0x3AF0]  }
0x18d: {  	v6 =	vld [tilespmem:s16+$0x6270];
	_ =	sdelay $0x3  }
0x18e: {  	vm8 =	vlt.s32 v4, $0x1F40;
	vm9 =	vgt.s32 v5, $0x1F3F  }
0x18f: {  	v6 =	vmul.u32 $0x7D0, v6;
	vm0 =	vmand vm8, vm9  }
0x190: {  	v7 =	vsel vm0, $0x1, v1  }
0x191: {  	v5 =	vadd.s32 v6, v5;
	(xrf0) =	vadd.scan.msk.s32 $0xffff, v7  }
0x192: {  	v5 =	vadd.s32 $0xFFFFE0C0, v5;
	_ =	sdelay $0x3  }
0x193: {  	v6 =	vshll.u32 v5, $0xD;
	s18 =	spop (v2sf)  }
0x194: {  	v4 =	vor.u32 v4, v6;
	[tilespmem:v5+s26+$0x0] =	vst.idx.add.s32.msk vm9, v3;
	v7, _, _ =	vpop (xrf0);
	s18 =	sadd.s32 s2, s18  }
0x195: {  	(v2sf) =	vpush v7, $0xF;
	[tilespmem:s18+$0x7680] =	vst.msk vm0, v4  }
0x196: {  	v4 =	vld [tilespmem:s16+$0x1380]  }
0x197: {  	v5 =	vld [tilespmem:s16+$0x6280]  }
0x198: {  	v6 =	vld [tilespmem:s16+$0x3B00];
	_ =	sdelay $0x4  }
0x199: {  	v5 =	vmul.u32 $0x7D0, v5;
	vm10 =	vlt.s32 v4, $0x1F40;
	vm11 =	vgt.s32 v6, $0x1F3F  }
0x19a: {  	vm0 =	vmand vm10, vm11  }
0x19b: {  	v5 =	vadd.s32 v5, v6;
	v6 =	vsel vm0, $0x1, v1  }
0x19c: {  	v5 =	vadd.s32 $0xFFFFE0C0, v5;
	(xrf0) =	vadd.scan.msk.s32 $0xffff, v6;
	_ =	sdelay $0x1  }
0x19d: {  	v6 =	vshll.u32 v5, $0xD  }
0x19e: {  	v4 =	vor.u32 v4, v6  }
0x19f: {  	s19 =	spop (v2sf)  }
0x1a0: {  	s2 =	sadd.s32 s18, s19;
	[tilespmem:v5+s26+$0x0] =	vst.idx.add.s32.msk vm11, v3  }
0x1a1: {  	[tilespmem:s2+$0x7680] =	vst.msk vm0, v4;
	v4, _, _ =	vpop (xrf0)  }
0x1a2: {  	(v2sf) =	vpush v4, $0xF  }
0x1a3: {  	v5 =	vld [tilespmem:s16+$0x1390]  }
0x1a4: {  	v4 =	vld [tilespmem:s16+$0x3B10]  }
0x1a5: {  	v6 =	vld [tilespmem:s16+$0x6290];
	_ =	sdelay $0x3  }
0x1a6: {  	vm12 =	vlt.s32 v5, $0x1F40;
	vm13 =	vgt.s32 v4, $0x1F3F  }
0x1a7: {  	v6 =	vmul.u32 $0x7D0, v6;
	vm0 =	vmand vm12, vm13  }
0x1a8: {  	v7 =	vsel vm0, $0x1, v1  }
0x1a9: {  	v4 =	vadd.s32 v6, v4;
	(xrf0) =	vadd.scan.msk.s32 $0xffff, v7  }
0x1aa: {  	v4 =	vadd.s32 $0xFFFFE0C0, v4;
	_ =	sdelay $0x3  }
0x1ab: {  	v7 =	vshll.u32 v4, $0xD;
	s20 =	spop (v2sf)  }
0x1ac: {  	v5 =	vor.u32 v5, v7;
	[tilespmem:v4+s26+$0x0] =	vst.idx.add.s32.msk vm13, v3;
	v6, _, _ =	vpop (xrf0);
	s2 =	sadd.s32 s2, s20  }
0x1ad: {  	(v2sf) =	vpush v6, $0xF;
	[tilespmem:s2+$0x7680] =	vst.msk vm0, v5  }
0x1ae: {  	v4 =	vld [tilespmem:s16+$0x62A0]  }
0x1af: {  	v5 =	vld [tilespmem:s16+$0x13A0]  }
0x1b0: {  	v6 =	vld [tilespmem:s16+$0x3B20];
	_ =	sdelay $0x4  }
0x1b1: {  	v4 =	vmul.u32 $0x7D0, v4;
	vm14 =	vlt.s32 v5, $0x1F40;
	vm15 =	vgt.s32 v6, $0x1F3F  }
0x1b2: {  	vm0 =	vmand vm14, vm15  }
0x1b3: {  	v4 =	vadd.s32 v4, v6;
	v6 =	vsel vm0, $0x1, v1  }
0x1b4: {  	v4 =	vadd.s32 $0xFFFFE0C0, v4;
	(xrf0) =	vadd.scan.msk.s32 $0xffff, v6;
	_ =	sdelay $0x3  }
0x1b5: {  	v6 =	vshll.u32 v4, $0xD;
	s21 =	spop (v2sf)  }
0x1b6: {  	v5 =	vor.u32 v5, v6;
	[tilespmem:v4+s26+$0x0] =	vst.idx.add.s32.msk vm15, v3;
	s19 =	sadd.s32 s2, s21  }
0x1b7: {  	s2 =	simm.s32 $0x50;
	[tilespmem:s19+$0x7680] =	vst.msk vm0, v5;
	v4, _, _ =	vpop (xrf0)  }
0x1b8: {  	v6 =	vld [tilespmem:s2+$0x6260];
	(v2sf) =	vpush v4, $0xF  }
0x1b9: {  	v5 =	vld [tilespmem:s2+$0x3AE0]  }
0x1ba: {  	s16 =	simm.s32 $0x280;
	v4 =	vld [tilespmem:s2+$0x1360]  }
.LBB2_10:
0x1bb: {  	_ = 	snop  }
0x1bc: {  	p0 =	sne.s32 s16, $0x4D80;
	s18 =	smov.u32 s16;
	s16 =	sadd.s32 $0x140, s16  }
0x1bd: {  	v6 =	vmul.u32 $0x7D0, v6;
	_ =	sdelay $0x1  }
0x1be: {  	vm0 =	vgt.s32 v5, $0x1F3F;
	v5 =	vadd.s32 v6, v5;
	vm1 =	vlt.s32 v4, $0x1F40  }
0x1bf: {  	v5 =	vadd.s32 $0xFFFFE0C0, v5;
	vm1 =	vmand vm1, vm0  }
0x1c0: {  	v6 =	vshll.u32 v5, $0xD;
	v7 =	vsel vm1, $0x1, v1  }
0x1c1: {  	v4 =	vor.u32 v4, v6;
	(xrf0) =	vadd.scan.msk.s32 $0xffff, v7;
	_ =	sdelay $0x2  }
0x1c2: {  	[tilespmem:v5+s26+$0x0] =	vst.idx.add.s32.msk vm0, v3;
	_ =	sdelay $0x1  }
0x1c3: {  	s20 =	spop (v2sf)  }
0x1c4: {  	v5, _, _ =	vpop (xrf0);
	s19 =	sadd.s32 s19, s20  }
0x1c5: {  	[tilespmem:s19+$0x7680] =	vst.msk vm1, v4;
	(v2sf) =	vpush v5, $0xF  }
0x1c6: {  	v4 =	vld [tilespmem:s2+$0x1370]  }
0x1c7: {  	v5 =	vld [tilespmem:s2+$0x3AF0]  }
0x1c8: {  	v6 =	vld [tilespmem:s2+$0x6270];
	_ =	sdelay $0x2  }
0x1c9: {  	vm0 =	vlt.s32 v4, $0x1F40  }
0x1ca: {  	vm1 =	vgt.s32 v5, $0x1F3F  }
0x1cb: {  	v6 =	vmul.u32 $0x7D0, v6;
	vm0 =	vmand vm0, vm1  }
0x1cc: {  	v7 =	vsel vm0, $0x1, v1  }
0x1cd: {  	v5 =	vadd.s32 v6, v5;
	(xrf0) =	vadd.scan.msk.s32 $0xffff, v7  }
0x1ce: {  	v5 =	vadd.s32 $0xFFFFE0C0, v5  }
0x1cf: {  	v6 =	vshll.u32 v5, $0xD  }
0x1d0: {  	v4 =	vor.u32 v4, v6;
	_ =	sdelay $0x1  }
0x1d1: {  	s20 =	spop (v2sf)  }
0x1d2: {  	s19 =	sadd.s32 s19, s20;
	[tilespmem:v5+s26+$0x0] =	vst.idx.add.s32.msk vm1, v3;
	v5, _, _ =	vpop (xrf0)  }
0x1d3: {  	[tilespmem:s19+$0x7680] =	vst.msk vm0, v4;
	(v2sf) =	vpush v5, $0xF  }
0x1d4: {  	v4 =	vld [tilespmem:s2+$0x1380]  }
0x1d5: {  	v5 =	vld [tilespmem:s2+$0x3B00]  }
0x1d6: {  	v6 =	vld [tilespmem:s2+$0x6280];
	_ =	sdelay $0x2  }
0x1d7: {  	vm0 =	vlt.s32 v4, $0x1F40  }
0x1d8: {  	vm1 =	vgt.s32 v5, $0x1F3F  }
0x1d9: {  	v6 =	vmul.u32 $0x7D0, v6;
	vm0 =	vmand vm0, vm1  }
0x1da: {  	v7 =	vsel vm0, $0x1, v1  }
0x1db: {  	v5 =	vadd.s32 v6, v5;
	(xrf0) =	vadd.scan.msk.s32 $0xffff, v7  }
0x1dc: {  	v5 =	vadd.s32 $0xFFFFE0C0, v5  }
0x1dd: {  	v6 =	vshll.u32 v5, $0xD  }
0x1de: {  	v4 =	vor.u32 v4, v6;
	_ =	sdelay $0x1  }
0x1df: {  	s20 =	spop (v2sf)  }
0x1e0: {  	s19 =	sadd.s32 s19, s20;
	[tilespmem:v5+s26+$0x0] =	vst.idx.add.s32.msk vm1, v3;
	v5, _, _ =	vpop (xrf0)  }
0x1e1: {  	[tilespmem:s19+$0x7680] =	vst.msk vm0, v4;
	(v2sf) =	vpush v5, $0xF  }
0x1e2: {  	v4 =	vld [tilespmem:s2+$0x1390]  }
0x1e3: {  	v5 =	vld [tilespmem:s2+$0x3B10]  }
0x1e4: {  	v6 =	vld [tilespmem:s2+$0x6290];
	_ =	sdelay $0x2  }
0x1e5: {  	vm0 =	vlt.s32 v4, $0x1F40  }
0x1e6: {  	vm1 =	vgt.s32 v5, $0x1F3F  }
0x1e7: {  	v6 =	vmul.u32 $0x7D0, v6;
	vm0 =	vmand vm0, vm1  }
0x1e8: {  	v7 =	vsel vm0, $0x1, v1  }
0x1e9: {  	v5 =	vadd.s32 v6, v5;
	(xrf0) =	vadd.scan.msk.s32 $0xffff, v7  }
0x1ea: {  	v5 =	vadd.s32 $0xFFFFE0C0, v5  }
0x1eb: {  	v6 =	vshll.u32 v5, $0xD  }
0x1ec: {  	v4 =	vor.u32 v4, v6;
	_ =	sdelay $0x1  }
0x1ed: {  	s20 =	spop (v2sf)  }
0x1ee: {  	s19 =	sadd.s32 s19, s20;
	[tilespmem:v5+s26+$0x0] =	vst.idx.add.s32.msk vm1, v3;
	v5, _, _ =	vpop (xrf0)  }
0x1ef: {  	[tilespmem:s19+$0x7680] =	vst.msk vm0, v4;
	(v2sf) =	vpush v5, $0xF  }
0x1f0: {  	v4 =	vld [tilespmem:s2+$0x62A0]  }
0x1f1: {  	v5 =	vld [tilespmem:s2+$0x13A0]  }
0x1f2: {  	v6 =	vld [tilespmem:s2+$0x3B20];
	_ =	sdelay $0x2  }
0x1f3: {  	v4 =	vmul.u32 $0x7D0, v4  }
0x1f4: {  	vm0 =	vlt.s32 v5, $0x1F40  }
0x1f5: {  	vm1 =	vgt.s32 v6, $0x1F3F;
	v4 =	vadd.s32 v4, v6  }
0x1f6: {  	v4 =	vadd.s32 $0xFFFFE0C0, v4;
	vm0 =	vmand vm0, vm1  }
0x1f7: {  	s2 =	sshra.s32 s18, $0x2;
	v6 =	vshll.u32 v4, $0xD;
	v7 =	vsel vm0, $0x1, v1  }
0x1f8: {  	v5 =	vor.u32 v5, v6;
	(xrf0) =	vadd.scan.msk.s32 $0xffff, v7;
	_ =	sdelay $0x2  }
0x1f9: {  	[tilespmem:v4+s26+$0x0] =	vst.idx.add.s32.msk vm1, v3  }
0x1fa: {  	s18 =	spop (v2sf)  }
.Ltmp6:
0x1fb: {  	s19 =	sadd.s32 s19, s18;
	(pc) =	sbr.rel @p0 .LBB2_10-.Ltmp6, $4  }
0x1fc: {  	[tilespmem:s19+$0x7680] =	vst.msk vm0, v5;
	v4, _, _ =	vpop (xrf0)  }
0x1fd: {  	v6 =	vld [tilespmem:s2+$0x6260];
	(v2sf) =	vpush v4, $0xF  }
0x1fe: {  	v5 =	vld [tilespmem:s2+$0x3AE0]  }
0x1ff: {  	v4 =	vld [tilespmem:s2+$0x1360]  }
0x200: {  	_ =	sdelay $0x3  }
0x201: {  	vm0 =	vgt.s32 v5, $0x1F3F;
	vm1 =	vlt.s32 v4, $0x1F40  }
0x202: {  	vm1 =	vmand vm1, vm0  }
0x203: {  	v6 =	vmul.u32 $0x7D0, v6;
	v7 =	vsel vm1, $0x1, v1  }
0x204: {  	(xrf0) =	vadd.scan.msk.s32 $0xffff, v7  }
0x205: {  	v5 =	vadd.s32 v6, v5  }
0x206: {  	v5 =	vadd.s32 $0xFFFFE0C0, v5;
	_ =	sdelay $0x3  }
0x207: {  	v49 =	vshll.u32 v5, $0xD;
	s16 =	spop (v2sf);
	v7, _, _ =	vpop (xrf0)  }
0x208: {  	v4 =	vor.u32 v4, v49;
	[tilespmem:v5+s26+$0x0] =	vst.idx.add.s32.msk vm0, v3;
	s16 =	sadd.s32 s19, s16;
	(v2sf) =	vpush v7, $0xF  }
0x209: {  	[tilespmem:s16+$0x7680] =	vst.msk vm1, v4  }
0x20a: {  	v4 =	vld [tilespmem:s2+$0x1370]  }
0x20b: {  	v5 =	vld [tilespmem:s2+$0x6270]  }
0x20c: {  	v50 =	vld [tilespmem:s2+$0x3AF0];
	_ =	sdelay $0x3  }
0x20d: {  	v5 =	vmul.u32 $0x7D0, v5  }
0x20e: {  	vm9 =	vlt.s32 v4, $0x1F40;
	vm10 =	vgt.s32 v50, $0x1F3F  }
0x20f: {  	vm0 =	vmand vm9, vm10;
	v5 =	vadd.s32 v5, v50  }
0x210: {  	v51 =	vsel vm0, $0x1, v1;
	v5 =	vadd.s32 $0xFFFFE0C0, v5  }
0x211: {  	(xrf0) =	vadd.scan.msk.s32 $0xffff, v51;
	_ =	sdelay $0x1  }
0x212: {  	v52 =	vshll.u32 v5, $0xD  }
0x213: {  	v4 =	vor.u32 v4, v52;
	s18 =	spop (v2sf)  }
0x214: {  	[tilespmem:v5+s26+$0x0] =	vst.idx.add.s32.msk vm10, v3;
	s16 =	sadd.s32 s16, s18  }
0x215: {  	[tilespmem:s16+$0x7680] =	vst.msk vm0, v4  }
0x216: {  	v4, _, _ =	vpop (xrf0);
	v5 =	vld [tilespmem:s2+$0x1380]  }
0x217: {  	(v2sf) =	vpush v4, $0xF;
	v4 =	vld [tilespmem:s2+$0x3B00];
	_ =	sdelay $0x2  }
0x218: {  	v53 =	vld [tilespmem:s2+$0x6280];
	_ =	sdelay $0x1  }
0x219: {  	vm11 =	vlt.s32 v5, $0x1F40;
	vm12 =	vgt.s32 v4, $0x1F3F  }
0x21a: {  	vm0 =	vmand vm11, vm12  }
0x21b: {  	v54 =	vsel vm0, $0x1, v1  }
0x21c: {  	v6 =	vmul.u32 $0x7D0, v53;
	(xrf0) =	vadd.scan.msk.s32 $0xffff, v54;
	_ =	sdelay $0x1  }
0x21d: {  	v4 =	vadd.s32 v6, v4  }
0x21e: {  	v4 =	vadd.s32 $0xFFFFE0C0, v4;
	_ =	sdelay $0x2  }
0x21f: {  	v55, _, _ =	vpop (xrf0)  }
0x220: {  	v56 =	vshll.u32 v4, $0xD;
	s21 =	spop (v2sf);
	(v2sf) =	vpush v55, $0xF  }
0x221: {  	v5 =	vor.u32 v5, v56;
	[tilespmem:v4+s26+$0x0] =	vst.idx.add.s32.msk vm12, v3;
	s16 =	sadd.s32 s16, s21  }
0x222: {  	[tilespmem:s16+$0x7680] =	vst.msk vm0, v5  }
0x223: {  	v4 =	vld [tilespmem:s2+$0x6290];
	_ =	sdelay $0x1  }
0x224: {  	v5 =	vld [tilespmem:s2+$0x3B10];
	_ =	sdelay $0x2  }
0x225: {  	v4 =	vmul.u32 $0x7D0, v4;
	_ =	sdelay $0x1  }
0x226: {  	v57 =	vld [tilespmem:s2+$0x1390];
	vm13 =	vgt.s32 v5, $0x1F3F;
	v4 =	vadd.s32 v4, v5  }
0x227: {  	v4 =	vadd.s32 $0xFFFFE0C0, v4;
	_ =	sdelay $0x3  }
0x228: {  	vm14 =	vlt.s32 v57, $0x1F40;
	v5 =	vshll.u32 v4, $0xD;
	s6 =	spop (v2sf)  }
0x229: {  	vm1 =	vmand vm14, vm13;
	v5 =	vor.u32 v57, v5;
	s16 =	sadd.s32 s16, s6;
	[tilespmem:v4+s26+$0x0] =	vst.idx.add.s32.msk vm13, v3  }
0x22a: {  	[tilespmem:s16+$0x7680] =	vst.msk vm1, v5  }
0x22b: {  	v4 =	vld [tilespmem:s2+$0x13A0]  }
0x22c: {  	v5 =	vld [tilespmem:s2+$0x3B20];
	_ =	sdelay $0x2  }
0x22d: {  	v58 =	vsel vm1, $0x1, v1  }
0x22e: {  	(xrf0) =	vadd.scan.msk.s32 $0xffff, v58  }
0x22f: {  	vm15 =	vlt.s32 v4, $0x1F40;
	vm2 =	vgt.s32 v5, $0x1F3F  }
0x230: {  	vm0 =	vmand vm15, vm2  }
0x231: {  	v59 =	vsel vm0, $0x1, v1  }
0x232: {  	(xrf0) =	vadd.scan.msk.s32 $0xffff, v59;
	_ =	sdelay $0x1  }
0x233: {  	v60, _, _ =	vpop (xrf0)  }
0x234: {  	(v2sf) =	vpush v60, $0xF;
	_ =	sdelay $0x2  }
0x235: {  	v62 =	vld [tilespmem:s2+$0x62A0];
	v61, _, _ =	vpop (xrf0)  }
0x236: {  	(v2sf) =	vpush v61, $0xF;
	_ =	sdelay $0x3  }
0x237: {  	v6 =	vmul.u32 $0x7D0, v62;
	_ =	sdelay $0x1  }
0x238: {  	v5 =	vadd.s32 v6, v5  }
0x239: {  	v5 =	vadd.s32 $0xFFFFE0C0, v5;
	_ =	sdelay $0x3  }
0x23a: {  	v63 =	vshll.u32 v5, $0xD;
	s7 =	spop (v2sf)  }
0x23b: {  	v4 =	vor.u32 v4, v63;
	[tilespmem:v5+s26+$0x0] =	vst.idx.add.s32.msk vm2, v3;
	s2 =	sadd.s32 s16, s7  }
0x23c: {  	s6 =	rddreg [dreg:$0xe];
	[tilespmem:s2+$0x7680] =	vst.msk vm0, v4  }
0x23d: {  	[hbm4b:s6+s4] =	stream.linear.scatter [tilespmem:s26], [sflag:$0x7], $0xFA0, $0x38;
	[tilespmem:$0x1F200] =	vst v63  }
0x23e: {  	s8 =	spop (v2sf)  }
0x23f: {  	s2 =	sadd.s32 s2, s8  }
0x240: {  	s16 =	sadd.s32 $0x7F, s2  }
0x241: {  	[tilespmem:s2+$0x7680] =	vst v0;
	s9 =	sand.u32 $0x7F, s16  }
0x242: {  	[tilespmem:s2+$0x7690] =	vst v0;
	s11 =	sshra.s32 s16, $0x1F;
	p0 =	slt.s32 s16, $0x1;
	p1 =	sne.s32 s9, $0x0  }
0x243: {  	[tilespmem:s2+$0x76A0] =	vst v0;
	s12 =	sshrl.u32 s11, $0x19;
	p0 =	por !p0, !p1  }
0x244: {  	s18 =	simm.s32 $0x1;
	[tilespmem:s2+$0x76B0] =	vst v0;
	s16 =	sadd.s32 s12, s16;
	p0 =	por !p0, !p0  }
0x245: {  	[tilespmem:s2+$0x76C0] =	vst v0;
	s16 =	sshra.s32 s16, $0x7;
	s18 =	simm.s32 @!p0 $0x0  }
0x246: {  	[tilespmem:s2+$0x76D0] =	vst v0;
	p0 =	sgt.s32 s17, $0x0;
	s16 =	ssub.s32 s16, s18  }
0x247: {  	[tilespmem:s2+$0x76E0] =	vst v0;
	p1 =	slt.s32 @!p0 s16, $0x1  }
0x248: {  	[tilespmem:s2+$0x76F0] =	vst v0;
	p0 =	por p1, p0  }
0x249: {  	v4 =	vld @!p0 [tilespmem:$0x7680];
	_ =	sdelay $0x1  }
0x24a: {  	v5 =	vld @!p0 [tilespmem:$0x7690];
	_ =	sdelay $0x1  }
0x24b: {  	v6 =	vld @!p0 [tilespmem:$0x76A0]  }
0x24c: {  	v7 =	vand.u32 @!p0 $0x1FFF, v4  }
0x24d: {  	v4 =	vshra.s32 @!p0 v4, $0xD;
	[tilespmem:$0x9F00] =	vst @!p0 v7;
	v7 =	vld @!p0 [tilespmem:$0x76B0]  }
0x24e: {  	[tilespmem:$0xA080] =	vst @!p0 v4;
	v4 =	vand.u32 @!p0 $0x1FFF, v5  }
0x24f: {  	[tilespmem:$0x9F10] =	vst @!p0 v4;
	v4 =	vshra.s32 @!p0 v5, $0xD;
	v5 =	vld @!p0 [tilespmem:$0x76C0]  }
0x250: {  	[tilespmem:$0xA090] =	vst @!p0 v4;
	v4 =	vand.u32 @!p0 $0x1FFF, v6  }
0x251: {  	[tilespmem:$0x9F20] =	vst @!p0 v4;
	v4 =	vshra.s32 @!p0 v6, $0xD;
	v6 =	vld @!p0 [tilespmem:$0x76D0]  }
0x252: {  	[tilespmem:$0xA0A0] =	vst @!p0 v4;
	v4 =	vand.u32 @!p0 $0x1FFF, v7  }
0x253: {  	[tilespmem:$0x9F30] =	vst @!p0 v4;
	v4 =	vshra.s32 @!p0 v7, $0xD;
	v7 =	vld @!p0 [tilespmem:$0x76E0]  }
0x254: {  	[tilespmem:$0xA0B0] =	vst @!p0 v4;
	v4 =	vand.u32 @!p0 $0x1FFF, v5  }
0x255: {  	[tilespmem:$0x9F40] =	vst @!p0 v4;
	v4 =	vshra.s32 @!p0 v5, $0xD;
	v5 =	vld @!p0 [tilespmem:$0x76F0]  }
0x256: {  	[tilespmem:$0xA0C0] =	vst @!p0 v4;
	v4 =	vand.u32 @!p0 $0x1FFF, v6  }
0x257: {  	[tilespmem:$0x9F50] =	vst @!p0 v4;
	v4 =	vshra.s32 @!p0 v6, $0xD  }
0x258: {  	[tilespmem:$0xA0D0] =	vst @!p0 v4;
	v4 =	vand.u32 @!p0 $0x1FFF, v7  }
0x259: {  	[tilespmem:$0x9F60] =	vst @!p0 v4;
	v4 =	vshra.s32 @!p0 v7, $0xD  }
0x25a: {  	[tilespmem:$0xA0E0] =	vst @!p0 v4;
	v4 =	vand.u32 @!p0 $0x1FFF, v5  }
0x25b: {  	[tilespmem:$0x9F70] =	vst @!p0 v4;
	v4 =	vshra.s32 @!p0 v5, $0xD  }
0x25c: {  	s2 =	simm.s32 @!p0 $0x80;
	s18 =	simm.s32 @!p0 $0x9F00;
	s19 =	simm.s32 @!p0 $0xA200;
	[tilespmem:$0xA0F0] =	vst @!p0 v4  }
0x25d: {  	[tilespmem:s19], [sflag:$0x1] =	stream.indirect.gather @!p0 [hbm4b:s0+s2], $0x80, s18, s2, $0xb8;
	[tilespmem:$0x1F200] =	vst v63  }
0x25e: {  	p0 =	sgt.s32 s17, $0x1  }
0x25f: {  	p1 =	slt.s32 @!p0 s16, $0x2  }
0x260: {  	p0 =	por p1, p0  }
0x261: {  	v4 =	vld @!p0 [tilespmem:$0x7700];
	_ =	sdelay $0x1  }
0x262: {  	v5 =	vld @!p0 [tilespmem:$0x7710];
	_ =	sdelay $0x1  }
0x263: {  	v6 =	vld @!p0 [tilespmem:$0x7720]  }
0x264: {  	v7 =	vand.u32 @!p0 $0x1FFF, v4  }
0x265: {  	v4 =	vshra.s32 @!p0 v4, $0xD;
	[tilespmem:$0x9F80] =	vst @!p0 v7;
	v7 =	vld @!p0 [tilespmem:$0x7730]  }
0x266: {  	[tilespmem:$0xA100] =	vst @!p0 v4;
	v4 =	vand.u32 @!p0 $0x1FFF, v5  }
0x267: {  	[tilespmem:$0x9F90] =	vst @!p0 v4;
	v4 =	vshra.s32 @!p0 v5, $0xD;
	v5 =	vld @!p0 [tilespmem:$0x7740]  }
0x268: {  	[tilespmem:$0xA110] =	vst @!p0 v4;
	v4 =	vand.u32 @!p0 $0x1FFF, v6  }
0x269: {  	[tilespmem:$0x9FA0] =	vst @!p0 v4;
	v4 =	vshra.s32 @!p0 v6, $0xD;
	v6 =	vld @!p0 [tilespmem:$0x7750]  }
0x26a: {  	[tilespmem:$0xA120] =	vst @!p0 v4;
	v4 =	vand.u32 @!p0 $0x1FFF, v7  }
0x26b: {  	[tilespmem:$0x9FB0] =	vst @!p0 v4;
	v4 =	vshra.s32 @!p0 v7, $0xD;
	v7 =	vld @!p0 [tilespmem:$0x7760]  }
0x26c: {  	[tilespmem:$0xA130] =	vst @!p0 v4;
	v4 =	vand.u32 @!p0 $0x1FFF, v5  }
0x26d: {  	[tilespmem:$0x9FC0] =	vst @!p0 v4;
	v4 =	vshra.s32 @!p0 v5, $0xD;
	v5 =	vld @!p0 [tilespmem:$0x7770]  }
0x26e: {  	[tilespmem:$0xA140] =	vst @!p0 v4;
	v4 =	vand.u32 @!p0 $0x1FFF, v6  }
0x26f: {  	[tilespmem:$0x9FD0] =	vst @!p0 v4;
	v4 =	vshra.s32 @!p0 v6, $0xD  }
0x270: {  	[tilespmem:$0xA150] =	vst @!p0 v4;
	v4 =	vand.u32 @!p0 $0x1FFF, v7  }
0x271: {  	[tilespmem:$0x9FE0] =	vst @!p0 v4;
	v4 =	vshra.s32 @!p0 v7, $0xD  }
0x272: {  	[tilespmem:$0xA160] =	vst @!p0 v4;
	v4 =	vand.u32 @!p0 $0x1FFF, v5  }
0x273: {  	[tilespmem:$0x9FF0] =	vst @!p0 v4;
	v4 =	vshra.s32 @!p0 v5, $0xD  }
0x274: {  	s2 =	simm.s32 @!p0 $0x80;
	s18 =	simm.s32 @!p0 $0x9F80;
	s19 =	simm.s32 @!p0 $0xE200;
	[tilespmem:$0xA170] =	vst @!p0 v4  }
0x275: {  	[tilespmem:s19], [sflag:$0x2] =	stream.indirect.gather @!p0 [hbm4b:s0+s2], $0x80, s18, s2, $0xb8;
	[tilespmem:$0x1F200] =	vst v63  }
0x276: {  	p0 =	sgt.s32 s17, $0x2  }
0x277: {  	p1 =	slt.s32 @!p0 s16, $0x3  }
0x278: {  	p0 =	por p1, p0  }
0x279: {  	v4 =	vld @!p0 [tilespmem:$0x7780];
	_ =	sdelay $0x1  }
0x27a: {  	v5 =	vld @!p0 [tilespmem:$0x7790];
	_ =	sdelay $0x1  }
0x27b: {  	v6 =	vld @!p0 [tilespmem:$0x77A0]  }
0x27c: {  	v7 =	vand.u32 @!p0 $0x1FFF, v4  }
0x27d: {  	v4 =	vshra.s32 @!p0 v4, $0xD;
	[tilespmem:$0xA000] =	vst @!p0 v7;
	v7 =	vld @!p0 [tilespmem:$0x77B0]  }
0x27e: {  	[tilespmem:$0xA180] =	vst @!p0 v4;
	v4 =	vand.u32 @!p0 $0x1FFF, v5  }
0x27f: {  	[tilespmem:$0xA010] =	vst @!p0 v4;
	v4 =	vshra.s32 @!p0 v5, $0xD;
	v5 =	vld @!p0 [tilespmem:$0x77C0]  }
0x280: {  	[tilespmem:$0xA190] =	vst @!p0 v4;
	v4 =	vand.u32 @!p0 $0x1FFF, v6  }
0x281: {  	[tilespmem:$0xA020] =	vst @!p0 v4;
	v4 =	vshra.s32 @!p0 v6, $0xD;
	v6 =	vld @!p0 [tilespmem:$0x77D0]  }
0x282: {  	[tilespmem:$0xA1A0] =	vst @!p0 v4;
	v4 =	vand.u32 @!p0 $0x1FFF, v7  }
0x283: {  	[tilespmem:$0xA030] =	vst @!p0 v4;
	v4 =	vshra.s32 @!p0 v7, $0xD;
	v7 =	vld @!p0 [tilespmem:$0x77E0]  }
0x284: {  	[tilespmem:$0xA1B0] =	vst @!p0 v4;
	v4 =	vand.u32 @!p0 $0x1FFF, v5  }
0x285: {  	[tilespmem:$0xA040] =	vst @!p0 v4;
	v4 =	vshra.s32 @!p0 v5, $0xD;
	v5 =	vld @!p0 [tilespmem:$0x77F0]  }
0x286: {  	[tilespmem:$0xA1C0] =	vst @!p0 v4;
	v4 =	vand.u32 @!p0 $0x1FFF, v6  }
0x287: {  	[tilespmem:$0xA050] =	vst @!p0 v4;
	v4 =	vshra.s32 @!p0 v6, $0xD  }
0x288: {  	s13 =	sadd.s32 $0x2, s16;
	[tilespmem:$0xA1D0] =	vst @!p0 v4;
	v4 =	vand.u32 @!p0 $0x1FFF, v7  }
0x289: {  	s14 =	smulhi.u32 $0x55555556, s13;
	s2 =	sshra.s32 s13, $0x1F;
	[tilespmem:$0xA060] =	vst @!p0 v4;
	v4 =	vshra.s32 @!p0 v7, $0xD  }
0x28a: {  	s2 =	smul.u32 $0x55555556, s2;
	[tilespmem:$0xA1E0] =	vst @!p0 v4;
	v4 =	vand.u32 @!p0 $0x1FFF, v5  }
0x28b: {  	s17 =	simm.s32 @!p0 $0x80;
	[tilespmem:$0xA070] =	vst @!p0 v4;
	v4 =	vshra.s32 @!p0 v5, $0xD  }
0x28c: {  	s19 =	simm.s32 @!p0 $0xA000;
	s20 =	simm.s32 @!p0 $0x12200;
	s2 =	sadd.s32 s2, s14;
	[tilespmem:$0xA1F0] =	vst @!p0 v4  }
0x28d: {  	[tilespmem:s20], [sflag:$0x3] =	stream.indirect.gather @!p0 [hbm4b:s0+s17], $0x80, s19, s17, $0xb8;
	[tilespmem:$0x1F200] =	vst v63  }
0x28e: {  	s20 =	sshrl.u32 s2, $0x1F  }
0x28f: {  	s2 =	sadd.s32 s20, s2  }
0x290: {  	s17 =	smul.u32 $0xFFFFFFFD, s2  }
0x291: {  	s21 =	ssub.s32 $0xFFFFFFFE, s16  }
0x292: {  	p5 =	slt.s32 s16, $0xFFFFFFFF;
	p6 =	sne.s32 s17, s21  }
0x293: {  	p0 =	por !p5, !p6  }
0x294: {  	s17 =	simm.s32 $0x1;
	p0 =	por !p0, !p0  }
0x295: {  	s17 =	simm.s32 @!p0 $0x0  }
0x296: {  	s2 =	ssub.s32 s2, s17  }
0x297: {  	p0 =	slt.s32 s2, $0x1  }
.Ltmp7:
0x298: {  	_ = 	snop;
	(pc) =	sbr.rel @p0 .LBB2_15-.Ltmp7, $2  }
0x299: {  	_ =	sdelay $0x1  }
0x29a: {  	[bflag:$0x0] =	sbarrier.arrive $0xFFFF;
	_ =	sdelay $0x1  }
0x29b: {  	s17 =	sadd.s32 $0xFFFFFFFF, s16;
	p1 =	sle.s32 s16, $0x0  }
0x29c: {  	[dreg:$0x7] =	wrdreg s17;
	s17 =	simm.s32 @!p1 $0x1  }
0x29d: {  	p0 =	sle.s32 s16, $0x3;
	_ =	swait.ge @!p1 [sflag:s17], $0x4000  }
0x29e: {  	s18 =	simm.s32 @!p1 $0xA080;
	s19 =	simm.s32 @!p1 $0xA200;
	[sflag:s17] =	ssyncset.done @!p1 $0x0  }
0x29f: {  	s20 =	simm.s32 @!p0 $0x4;
	s21 =	simm.s32 @!p1 $0x80;
	[sflag:s17] =	ssyncadd.s32 @!p1 $0xFFFFC000  }
0x2a0: {  	[spmem:s3] =	stream.indirect.scatter.add.f32 @!p1 [tilespmem:s19], [sflag:$0x4], $0x80, s18, s21, $0xb8;
	[tilespmem:$0x1F200] =	vst v63  }
0x2a1: {  	_ =	swait.ge @!p0 [sflag:s20], $0x4000  }
0x2a2: {  	[sflag:s20] =	ssyncset.done @!p0 $0x0  }
0x2a3: {  	s17 =	simm.s32 $0x7970;
	[sflag:s20] =	ssyncadd.s32 @!p0 $0xFFFFC000  }
0x2a4: {  	v4 =	vld @!p0 [tilespmem:s17+$0xFFFFFE90];
	_ =	sdelay $0x4  }
0x2a5: {  	v5 =	vand.u32 @!p0 $0x1FFF, v4  }
0x2a6: {  	v4 =	vshra.s32 @!p0 v4, $0xD;
	[tilespmem:$0x9F00] =	vst @!p0 v5  }
0x2a7: {  	[tilespmem:$0xA080] =	vst @!p0 v4  }
0x2a8: {  	v4 =	vld @!p0 [tilespmem:s17+$0xFFFFFEA0];
	_ =	sdelay $0x4  }
0x2a9: {  	v5 =	vand.u32 @!p0 $0x1FFF, v4  }
0x2aa: {  	v4 =	vshra.s32 @!p0 v4, $0xD;
	[tilespmem:$0x9F10] =	vst @!p0 v5  }
0x2ab: {  	[tilespmem:$0xA090] =	vst @!p0 v4  }
0x2ac: {  	v4 =	vld @!p0 [tilespmem:s17+$0xFFFFFEB0];
	_ =	sdelay $0x4  }
0x2ad: {  	v5 =	vand.u32 @!p0 $0x1FFF, v4  }
0x2ae: {  	v4 =	vshra.s32 @!p0 v4, $0xD;
	[tilespmem:$0x9F20] =	vst @!p0 v5  }
0x2af: {  	[tilespmem:$0xA0A0] =	vst @!p0 v4  }
0x2b0: {  	v4 =	vld @!p0 [tilespmem:s17+$0xFFFFFEC0];
	_ =	sdelay $0x4  }
0x2b1: {  	v5 =	vand.u32 @!p0 $0x1FFF, v4  }
0x2b2: {  	v4 =	vshra.s32 @!p0 v4, $0xD;
	[tilespmem:$0x9F30] =	vst @!p0 v5  }
0x2b3: {  	[tilespmem:$0xA0B0] =	vst @!p0 v4  }
0x2b4: {  	v4 =	vld @!p0 [tilespmem:s17+$0xFFFFFED0];
	_ =	sdelay $0x4  }
0x2b5: {  	v5 =	vand.u32 @!p0 $0x1FFF, v4  }
0x2b6: {  	v4 =	vshra.s32 @!p0 v4, $0xD;
	[tilespmem:$0x9F40] =	vst @!p0 v5  }
0x2b7: {  	[tilespmem:$0xA0C0] =	vst @!p0 v4  }
0x2b8: {  	v4 =	vld @!p0 [tilespmem:s17+$0xFFFFFEE0];
	_ =	sdelay $0x4  }
0x2b9: {  	v5 =	vand.u32 @!p0 $0x1FFF, v4  }
0x2ba: {  	v4 =	vshra.s32 @!p0 v4, $0xD;
	[tilespmem:$0x9F50] =	vst @!p0 v5  }
0x2bb: {  	[tilespmem:$0xA0D0] =	vst @!p0 v4  }
0x2bc: {  	v4 =	vld @!p0 [tilespmem:s17+$0xFFFFFEF0];
	_ =	sdelay $0x4  }
0x2bd: {  	v5 =	vand.u32 @!p0 $0x1FFF, v4  }
0x2be: {  	v4 =	vshra.s32 @!p0 v4, $0xD;
	[tilespmem:$0x9F60] =	vst @!p0 v5  }
0x2bf: {  	[tilespmem:$0xA0E0] =	vst @!p0 v4  }
0x2c0: {  	v4 =	vld @!p0 [tilespmem:s17+$0xFFFFFF00];
	_ =	sdelay $0x4  }
0x2c1: {  	s21 =	rddreg [dreg:$0x7];
	v5 =	vand.u32 @!p0 $0x1FFF, v4  }
0x2c2: {  	s19 =	simm.s32 @!p0 $0x9F00;
	p1 =	sle.s32 s21, $0x0;
	v4 =	vshra.s32 @!p0 v4, $0xD;
	[tilespmem:$0x9F70] =	vst @!p0 v5  }
0x2c3: {  	s20 =	simm.s32 @!p0 $0xA200;
	s21 =	simm.s32 @!p0 $0x80;
	s18 =	simm.s32 @!p1 $0x2;
	[tilespmem:$0xA0F0] =	vst @!p0 v4  }
0x2c4: {  	[tilespmem:s20], [sflag:$0x1] =	stream.indirect.gather @!p0 [hbm4b:s0+s21], $0x80, s19, s21, $0xb8;
	[tilespmem:$0x1F200] =	vst v63  }
0x2c5: {  	s19 =	simm.s32 @!p1 $0xE200;
	_ =	swait.ge @!p1 [sflag:s18], $0x4000  }
0x2c6: {  	s20 =	simm.s32 @!p1 $0x80;
	p0 =	sle.s32 s16, $0x4;
	[sflag:s18] =	ssyncset.done @!p1 $0x0  }
0x2c7: {  	s21 =	simm.s32 @!p1 $0xA100;
	s6 =	simm.s32 @!p0 $0x5;
	[sflag:s18] =	ssyncadd.s32 @!p1 $0xFFFFC000  }
0x2c8: {  	[spmem:s3] =	stream.indirect.scatter.add.f32 @!p1 [tilespmem:s19], [sflag:$0x5], $0x80, s21, s20, $0xb8;
	[tilespmem:$0x1F200] =	vst v63  }
0x2c9: {  	_ =	swait.ge @!p0 [sflag:s6], $0x4000  }
0x2ca: {  	[sflag:s6] =	ssyncset.done @!p0 $0x0  }
0x2cb: {  	[sflag:s6] =	ssyncadd.s32 @!p0 $0xFFFFC000  }
0x2cc: {  	v4 =	vld @!p0 [tilespmem:s17+$0xFFFFFF10];
	_ =	sdelay $0x4  }
0x2cd: {  	v5 =	vand.u32 @!p0 $0x1FFF, v4  }
0x2ce: {  	v4 =	vshra.s32 @!p0 v4, $0xD;
	[tilespmem:$0x9F80] =	vst @!p0 v5  }
0x2cf: {  	[tilespmem:$0xA100] =	vst @!p0 v4  }
0x2d0: {  	v4 =	vld @!p0 [tilespmem:s17+$0xFFFFFF20];
	_ =	sdelay $0x4  }
0x2d1: {  	v5 =	vand.u32 @!p0 $0x1FFF, v4  }
0x2d2: {  	v4 =	vshra.s32 @!p0 v4, $0xD;
	[tilespmem:$0x9F90] =	vst @!p0 v5  }
0x2d3: {  	[tilespmem:$0xA110] =	vst @!p0 v4  }
0x2d4: {  	v4 =	vld @!p0 [tilespmem:s17+$0xFFFFFF30];
	_ =	sdelay $0x4  }
0x2d5: {  	v5 =	vand.u32 @!p0 $0x1FFF, v4  }
0x2d6: {  	v4 =	vshra.s32 @!p0 v4, $0xD;
	[tilespmem:$0x9FA0] =	vst @!p0 v5  }
0x2d7: {  	[tilespmem:$0xA120] =	vst @!p0 v4  }
0x2d8: {  	v4 =	vld @!p0 [tilespmem:s17+$0xFFFFFF40];
	_ =	sdelay $0x4  }
0x2d9: {  	v5 =	vand.u32 @!p0 $0x1FFF, v4  }
0x2da: {  	v4 =	vshra.s32 @!p0 v4, $0xD;
	[tilespmem:$0x9FB0] =	vst @!p0 v5  }
0x2db: {  	[tilespmem:$0xA130] =	vst @!p0 v4  }
0x2dc: {  	v4 =	vld @!p0 [tilespmem:s17+$0xFFFFFF50];
	_ =	sdelay $0x4  }
0x2dd: {  	v5 =	vand.u32 @!p0 $0x1FFF, v4  }
0x2de: {  	v4 =	vshra.s32 @!p0 v4, $0xD;
	[tilespmem:$0x9FC0] =	vst @!p0 v5  }
0x2df: {  	[tilespmem:$0xA140] =	vst @!p0 v4  }
0x2e0: {  	v4 =	vld @!p0 [tilespmem:s17+$0xFFFFFF60];
	_ =	sdelay $0x4  }
0x2e1: {  	v5 =	vand.u32 @!p0 $0x1FFF, v4  }
0x2e2: {  	v4 =	vshra.s32 @!p0 v4, $0xD;
	[tilespmem:$0x9FD0] =	vst @!p0 v5  }
0x2e3: {  	[tilespmem:$0xA150] =	vst @!p0 v4  }
0x2e4: {  	v4 =	vld @!p0 [tilespmem:s17+$0xFFFFFF70];
	_ =	sdelay $0x4  }
0x2e5: {  	v5 =	vand.u32 @!p0 $0x1FFF, v4  }
0x2e6: {  	v4 =	vshra.s32 @!p0 v4, $0xD;
	[tilespmem:$0x9FE0] =	vst @!p0 v5  }
0x2e7: {  	[tilespmem:$0xA160] =	vst @!p0 v4  }
0x2e8: {  	v4 =	vld @!p0 [tilespmem:s17+$0xFFFFFF80];
	_ =	sdelay $0x4  }
0x2e9: {  	s18 =	sadd.s32 $0xFFFFFFFE, s16;
	v5 =	vand.u32 @!p0 $0x1FFF, v4  }
0x2ea: {  	p2 =	sle.s32 s18, $0x0;
	s19 =	simm.s32 @!p0 $0x80;
	v4 =	vshra.s32 @!p0 v4, $0xD;
	[tilespmem:$0x9FF0] =	vst @!p0 v5  }
0x2eb: {  	s20 =	simm.s32 @!p0 $0x9F80;
	s21 =	simm.s32 @!p2 $0x3;
	s6 =	simm.s32 @!p0 $0xE200;
	[tilespmem:$0xA170] =	vst @!p0 v4  }
0x2ec: {  	[tilespmem:s6], [sflag:$0x2] =	stream.indirect.gather @!p0 [hbm4b:s0+s19], $0x80, s20, s19, $0xb8;
	[tilespmem:$0x1F200] =	vst v63  }
0x2ed: {  	p1 =	sle.s32 s16, $0x5;
	_ =	swait.ge @!p2 [sflag:s21], $0x4000  }
0x2ee: {  	s7 =	simm.s32 @!p1 $0x6;
	s6 =	simm.s32 @!p2 $0xA180;
	[sflag:s21] =	ssyncset.done @!p2 $0x0  }
0x2ef: {  	s19 =	simm.s32 @!p2 $0x12200;
	s20 =	simm.s32 @!p2 $0x80;
	[sflag:s21] =	ssyncadd.s32 @!p2 $0xFFFFC000  }
0x2f0: {  	[spmem:s3] =	stream.indirect.scatter.add.f32 @!p2 [tilespmem:s19], [sflag:$0x6], $0x80, s6, s20, $0xb8;
	[tilespmem:$0x1F200] =	vst v63  }
0x2f1: {  	_ =	swait.ge @!p1 [sflag:s7], $0x4000  }
0x2f2: {  	[sflag:s7] =	ssyncset.done @!p1 $0x0  }
0x2f3: {  	[sflag:s7] =	ssyncadd.s32 @!p1 $0xFFFFC000  }
0x2f4: {  	v4 =	vld @!p1 [tilespmem:s17+$0xFFFFFF90];
	_ =	sdelay $0x4  }
0x2f5: {  	v5 =	vand.u32 @!p1 $0x1FFF, v4  }
0x2f6: {  	v4 =	vshra.s32 @!p1 v4, $0xD;
	[tilespmem:$0xA000] =	vst @!p1 v5  }
0x2f7: {  	[tilespmem:$0xA180] =	vst @!p1 v4  }
0x2f8: {  	v4 =	vld @!p1 [tilespmem:s17+$0xFFFFFFA0];
	_ =	sdelay $0x4  }
0x2f9: {  	v5 =	vand.u32 @!p1 $0x1FFF, v4  }
0x2fa: {  	s19 =	sadd.s32 $0xFFFFFFFF, s2;
	v4 =	vshra.s32 @!p1 v4, $0xD;
	[tilespmem:$0xA010] =	vst @!p1 v5  }
0x2fb: {  	p0 =	sne.s32 s19, $0x0;
	[tilespmem:$0xA190] =	vst @!p1 v4  }
.Ltmp8:
0x2fc: {  	v4 =	vld @!p1 [tilespmem:s17+$0xFFFFFFB0];
	(pc) =	sbr.rel @!p0 .LBB2_14-.Ltmp8, $2  }
0x2fd: {  	_ =	sdelay $0x2  }
0x2fe: {  	s20 =	simm.s32 $0x3;
	s2 =	simm.s32 $0x7970  }
.LBB2_13:
0x2ff: {  	v5 =	vand.u32 @!p1 $0x1FFF, v4  }
0x300: {  	v4 =	vshra.s32 @!p1 v4, $0xD;
	[tilespmem:$0xA020] =	vst @!p1 v5  }
0x301: {  	[tilespmem:$0xA1A0] =	vst @!p1 v4  }
0x302: {  	v4 =	vld @!p1 [tilespmem:s17+$0xFFFFFFC0];
	_ =	sdelay $0x4  }
0x303: {  	v5 =	vand.u32 @!p1 $0x1FFF, v4  }
0x304: {  	v4 =	vshra.s32 @!p1 v4, $0xD;
	[tilespmem:$0xA030] =	vst @!p1 v5  }
0x305: {  	[tilespmem:$0xA1B0] =	vst @!p1 v4  }
0x306: {  	v4 =	vld @!p1 [tilespmem:s17+$0xFFFFFFD0];
	_ =	sdelay $0x4  }
0x307: {  	v5 =	vand.u32 @!p1 $0x1FFF, v4  }
0x308: {  	v4 =	vshra.s32 @!p1 v4, $0xD;
	[tilespmem:$0xA040] =	vst @!p1 v5  }
0x309: {  	[tilespmem:$0xA1C0] =	vst @!p1 v4  }
0x30a: {  	v4 =	vld @!p1 [tilespmem:s17+$0xFFFFFFE0];
	_ =	sdelay $0x4  }
0x30b: {  	v5 =	vand.u32 @!p1 $0x1FFF, v4  }
0x30c: {  	v4 =	vshra.s32 @!p1 v4, $0xD;
	[tilespmem:$0xA050] =	vst @!p1 v5  }
0x30d: {  	[tilespmem:$0xA1D0] =	vst @!p1 v4  }
0x30e: {  	v4 =	vld @!p1 [tilespmem:s17+$0xFFFFFFF0];
	_ =	sdelay $0x4  }
0x30f: {  	v5 =	vand.u32 @!p1 $0x1FFF, v4  }
0x310: {  	v4 =	vshra.s32 @!p1 v4, $0xD;
	[tilespmem:$0xA060] =	vst @!p1 v5  }
0x311: {  	[tilespmem:$0xA1E0] =	vst @!p1 v4  }
0x312: {  	v4 =	vld @!p1 [tilespmem:s17+$0x0];
	_ =	sdelay $0x4  }
0x313: {  	v5 =	vand.u32 @!p1 $0x1FFF, v4  }
0x314: {  	s21 =	smov.u32 s20;
	p3 =	sge.s32 s20, s16;
	s12 =	simm.s32 @!p1 $0x80;
	v4 =	vshra.s32 @!p1 v4, $0xD;
	[tilespmem:$0xA070] =	vst @!p1 v5  }
0x315: {  	s13 =	simm.s32 @!p1 $0xA000;
	s14 =	simm.s32 @!p1 $0x12200;
	s6 =	simm.s32 @!p3 $0x1;
	[tilespmem:$0xA1F0] =	vst @!p1 v4  }
0x316: {  	[tilespmem:s14], [sflag:$0x3] =	stream.indirect.gather @!p1 [hbm4b:s0+s12], $0x80, s13, s12, $0xb8;
	[tilespmem:$0x1F200] =	vst v63  }
0x317: {  	s20 =	sadd.s32 $0x3, s20;
	s7 =	simm.s32 @!p3 $0xA080;
	_ =	swait.ge @!p3 [sflag:s6], $0x4000  }
0x318: {  	s8 =	simm.s32 @!p3 $0xA200;
	p2 =	sge.s32 s20, s16;
	[sflag:s6] =	ssyncset.done @!p3 $0x0  }
0x319: {  	s11 =	simm.s32 @!p3 $0x80;
	s9 =	simm.s32 @!p2 $0x4;
	[sflag:s6] =	ssyncadd.s32 @!p3 $0xFFFFC000  }
0x31a: {  	[spmem:s3] =	stream.indirect.scatter.add.f32 @!p3 [tilespmem:s8], [sflag:$0x4], $0x80, s7, s11, $0xb8;
	[tilespmem:$0x1F200] =	vst v63  }
0x31b: {  	_ =	swait.ge @!p2 [sflag:s9], $0x4000  }
0x31c: {  	[sflag:s9] =	ssyncset.done @!p2 $0x0  }
0x31d: {  	s2 =	sadd.s32 $0x180, s2;
	[sflag:s9] =	ssyncadd.s32 @!p2 $0xFFFFC000  }
0x31e: {  	v4 =	vld @!p2 [tilespmem:s2+$0xFFFFFE90];
	_ =	sdelay $0x4  }
0x31f: {  	v5 =	vand.u32 @!p2 $0x1FFF, v4  }
0x320: {  	v4 =	vshra.s32 @!p2 v4, $0xD;
	[tilespmem:$0x9F00] =	vst @!p2 v5  }
0x321: {  	[tilespmem:$0xA080] =	vst @!p2 v4  }
0x322: {  	v4 =	vld @!p2 [tilespmem:s2+$0xFFFFFEA0];
	_ =	sdelay $0x4  }
0x323: {  	v5 =	vand.u32 @!p2 $0x1FFF, v4  }
0x324: {  	v4 =	vshra.s32 @!p2 v4, $0xD;
	[tilespmem:$0x9F10] =	vst @!p2 v5  }
0x325: {  	[tilespmem:$0xA090] =	vst @!p2 v4  }
0x326: {  	v4 =	vld @!p2 [tilespmem:s2+$0xFFFFFEB0];
	_ =	sdelay $0x4  }
0x327: {  	v5 =	vand.u32 @!p2 $0x1FFF, v4  }
0x328: {  	v4 =	vshra.s32 @!p2 v4, $0xD;
	[tilespmem:$0x9F20] =	vst @!p2 v5  }
0x329: {  	[tilespmem:$0xA0A0] =	vst @!p2 v4  }
0x32a: {  	v4 =	vld @!p2 [tilespmem:s2+$0xFFFFFEC0];
	_ =	sdelay $0x4  }
0x32b: {  	v5 =	vand.u32 @!p2 $0x1FFF, v4  }
0x32c: {  	v4 =	vshra.s32 @!p2 v4, $0xD;
	[tilespmem:$0x9F30] =	vst @!p2 v5  }
0x32d: {  	[tilespmem:$0xA0B0] =	vst @!p2 v4  }
0x32e: {  	v4 =	vld @!p2 [tilespmem:s2+$0xFFFFFED0];
	_ =	sdelay $0x4  }
0x32f: {  	v5 =	vand.u32 @!p2 $0x1FFF, v4  }
0x330: {  	v4 =	vshra.s32 @!p2 v4, $0xD;
	[tilespmem:$0x9F40] =	vst @!p2 v5  }
0x331: {  	[tilespmem:$0xA0C0] =	vst @!p2 v4  }
0x332: {  	v4 =	vld @!p2 [tilespmem:s2+$0xFFFFFEE0];
	_ =	sdelay $0x4  }
0x333: {  	v5 =	vand.u32 @!p2 $0x1FFF, v4  }
0x334: {  	v4 =	vshra.s32 @!p2 v4, $0xD;
	[tilespmem:$0x9F50] =	vst @!p2 v5  }
0x335: {  	[tilespmem:$0xA0D0] =	vst @!p2 v4  }
0x336: {  	v4 =	vld @!p2 [tilespmem:s2+$0xFFFFFEF0];
	_ =	sdelay $0x4  }
0x337: {  	v5 =	vand.u32 @!p2 $0x1FFF, v4  }
0x338: {  	v4 =	vshra.s32 @!p2 v4, $0xD;
	[tilespmem:$0x9F60] =	vst @!p2 v5  }
0x339: {  	[tilespmem:$0xA0E0] =	vst @!p2 v4  }
0x33a: {  	v4 =	vld @!p2 [tilespmem:s2+$0xFFFFFF00];
	_ =	sdelay $0x4  }
0x33b: {  	s14 =	rddreg [dreg:$0x7];
	v5 =	vand.u32 @!p2 $0x1FFF, v4  }
0x33c: {  	s7 =	simm.s32 @!p2 $0x9F00;
	p1 =	sge.s32 s21, s14;
	v4 =	vshra.s32 @!p2 v4, $0xD;
	[tilespmem:$0x9F70] =	vst @!p2 v5  }
0x33d: {  	s8 =	simm.s32 @!p2 $0xA200;
	s11 =	simm.s32 @!p2 $0x80;
	s6 =	simm.s32 @!p1 $0x2;
	[tilespmem:$0xA0F0] =	vst @!p2 v4  }
0x33e: {  	[tilespmem:s8], [sflag:$0x1] =	stream.indirect.gather @!p2 [hbm4b:s0+s11], $0x80, s7, s11, $0xb8;
	[tilespmem:$0x1F200] =	vst v63  }
0x33f: {  	s14 =	sadd.s32 $0x4, s21;
	s9 =	simm.s32 @!p1 $0xE200;
	_ =	swait.ge @!p1 [sflag:s6], $0x4000  }
0x340: {  	s12 =	simm.s32 @!p1 $0x80;
	p3 =	sge.s32 s14, s16;
	[sflag:s6] =	ssyncset.done @!p1 $0x0  }
0x341: {  	s13 =	simm.s32 @!p1 $0xA100;
	s14 =	simm.s32 @!p3 $0x5;
	[sflag:s6] =	ssyncadd.s32 @!p1 $0xFFFFC000  }
0x342: {  	[spmem:s3] =	stream.indirect.scatter.add.f32 @!p1 [tilespmem:s9], [sflag:$0x5], $0x80, s13, s12, $0xb8;
	[tilespmem:$0x1F200] =	vst v63  }
0x343: {  	_ =	swait.ge @!p3 [sflag:s14], $0x4000  }
0x344: {  	[sflag:s14] =	ssyncset.done @!p3 $0x0  }
0x345: {  	[sflag:s14] =	ssyncadd.s32 @!p3 $0xFFFFC000  }
0x346: {  	v4 =	vld @!p3 [tilespmem:s2+$0xFFFFFF10];
	_ =	sdelay $0x4  }
0x347: {  	v5 =	vand.u32 @!p3 $0x1FFF, v4  }
0x348: {  	v4 =	vshra.s32 @!p3 v4, $0xD;
	[tilespmem:$0x9F80] =	vst @!p3 v5  }
0x349: {  	[tilespmem:$0xA100] =	vst @!p3 v4  }
0x34a: {  	v4 =	vld @!p3 [tilespmem:s2+$0xFFFFFF20];
	_ =	sdelay $0x4  }
0x34b: {  	v5 =	vand.u32 @!p3 $0x1FFF, v4  }
0x34c: {  	v4 =	vshra.s32 @!p3 v4, $0xD;
	[tilespmem:$0x9F90] =	vst @!p3 v5  }
0x34d: {  	[tilespmem:$0xA110] =	vst @!p3 v4  }
0x34e: {  	v4 =	vld @!p3 [tilespmem:s2+$0xFFFFFF30];
	_ =	sdelay $0x4  }
0x34f: {  	v5 =	vand.u32 @!p3 $0x1FFF, v4  }
0x350: {  	v4 =	vshra.s32 @!p3 v4, $0xD;
	[tilespmem:$0x9FA0] =	vst @!p3 v5  }
0x351: {  	[tilespmem:$0xA120] =	vst @!p3 v4  }
0x352: {  	v4 =	vld @!p3 [tilespmem:s2+$0xFFFFFF40];
	_ =	sdelay $0x4  }
0x353: {  	v5 =	vand.u32 @!p3 $0x1FFF, v4  }
0x354: {  	v4 =	vshra.s32 @!p3 v4, $0xD;
	[tilespmem:$0x9FB0] =	vst @!p3 v5  }
0x355: {  	[tilespmem:$0xA130] =	vst @!p3 v4  }
0x356: {  	v4 =	vld @!p3 [tilespmem:s2+$0xFFFFFF50];
	_ =	sdelay $0x4  }
0x357: {  	v5 =	vand.u32 @!p3 $0x1FFF, v4  }
0x358: {  	v4 =	vshra.s32 @!p3 v4, $0xD;
	[tilespmem:$0x9FC0] =	vst @!p3 v5  }
0x359: {  	[tilespmem:$0xA140] =	vst @!p3 v4  }
0x35a: {  	v4 =	vld @!p3 [tilespmem:s2+$0xFFFFFF60];
	_ =	sdelay $0x4  }
0x35b: {  	v5 =	vand.u32 @!p3 $0x1FFF, v4  }
0x35c: {  	v4 =	vshra.s32 @!p3 v4, $0xD;
	[tilespmem:$0x9FD0] =	vst @!p3 v5  }
0x35d: {  	[tilespmem:$0xA150] =	vst @!p3 v4  }
0x35e: {  	v4 =	vld @!p3 [tilespmem:s2+$0xFFFFFF70];
	_ =	sdelay $0x4  }
0x35f: {  	v5 =	vand.u32 @!p3 $0x1FFF, v4  }
0x360: {  	v4 =	vshra.s32 @!p3 v4, $0xD;
	[tilespmem:$0x9FE0] =	vst @!p3 v5  }
0x361: {  	[tilespmem:$0xA160] =	vst @!p3 v4  }
0x362: {  	v4 =	vld @!p3 [tilespmem:s2+$0xFFFFFF80];
	_ =	sdelay $0x4  }
0x363: {  	v5 =	vand.u32 @!p3 $0x1FFF, v4  }
0x364: {  	p2 =	sge.s32 s21, s18;
	s7 =	simm.s32 @!p3 $0x80;
	v4 =	vshra.s32 @!p3 v4, $0xD;
	[tilespmem:$0x9FF0] =	vst @!p3 v5  }
0x365: {  	s8 =	simm.s32 @!p3 $0x9F80;
	s6 =	simm.s32 @!p3 $0xE200;
	s9 =	simm.s32 @!p2 $0x3;
	[tilespmem:$0xA170] =	vst @!p3 v4  }
0x366: {  	[tilespmem:s6], [sflag:$0x2] =	stream.indirect.gather @!p3 [hbm4b:s0+s7], $0x80, s8, s7, $0xb8;
	[tilespmem:$0x1F200] =	vst v63  }
0x367: {  	s21 =	sadd.s32 $0x5, s21;
	s11 =	simm.s32 @!p2 $0xA180;
	_ =	swait.ge @!p2 [sflag:s9], $0x4000  }
0x368: {  	s13 =	simm.s32 @!p2 $0x12200;
	p1 =	sge.s32 s21, s16;
	[sflag:s9] =	ssyncset.done @!p2 $0x0  }
0x369: {  	s12 =	simm.s32 @!p1 $0x6;
	s14 =	simm.s32 @!p2 $0x80;
	[sflag:s9] =	ssyncadd.s32 @!p2 $0xFFFFC000  }
0x36a: {  	[spmem:s3] =	stream.indirect.scatter.add.f32 @!p2 [tilespmem:s13], [sflag:$0x6], $0x80, s11, s14, $0xb8;
	[tilespmem:$0x1F200] =	vst v63  }
0x36b: {  	_ =	swait.ge @!p1 [sflag:s12], $0x4000  }
0x36c: {  	[sflag:s12] =	ssyncset.done @!p1 $0x0  }
0x36d: {  	[sflag:s12] =	ssyncadd.s32 @!p1 $0xFFFFC000  }
0x36e: {  	v4 =	vld @!p1 [tilespmem:s2+$0xFFFFFF90];
	_ =	sdelay $0x4  }
0x36f: {  	v5 =	vand.u32 @!p1 $0x1FFF, v4  }
0x370: {  	v4 =	vshra.s32 @!p1 v4, $0xD;
	[tilespmem:$0xA000] =	vst @!p1 v5  }
0x371: {  	[tilespmem:$0xA180] =	vst @!p1 v4  }
0x372: {  	v4 =	vld @!p1 [tilespmem:s2+$0xFFFFFFA0];
	_ =	sdelay $0x1  }
0x373: {  	s19 =	sadd.s32 $0xFFFFFFFF, s19  }
0x374: {  	p0 =	sne.s32 s19, $0x0  }
.Ltmp9:
0x375: {  	_ = 	snop;
	(pc) =	sbr.rel @p0 .LBB2_13-.Ltmp9, $4  }
0x376: {  	v5 =	vand.u32 @!p1 $0x1FFF, v4  }
0x377: {  	v4 =	vshra.s32 @!p1 v4, $0xD;
	[tilespmem:$0xA010] =	vst @!p1 v5  }
0x378: {  	[tilespmem:$0xA190] =	vst @!p1 v4  }
0x379: {  	s17 =	smov.u32 s2;
	v4 =	vld @!p1 [tilespmem:s2+$0xFFFFFFB0]  }
.Ltmp10:
0x37a: {  	_ = 	snop;
	(pc) =	sbr.rel .LBB2_14-.Ltmp10, $1  }
0x37b: {  	_ =	sdelay $0x3  }
.LBB2_16:
0x37c: {  	_ =	sfence.sel $0x180000  }
0x37d: {  	[bflag:$0x0] =	sbarrier.arrive $0xFFFF  }
0x37e: {  	_ =	strace $0x90000047  }
0x37f: {  	s0 =	stileid.u32;
	[bflag:$0x2] =	sbarrier.arrive $0xFFFF  }
0x380: {  	p0 =	sne.s32 s0, $0x0;
	s0 =	rddreg [dreg:$0x6]  }
0x381: {  	s0 =	sadd.s32 @!p0 $0x100000, s0  }
0x382: {  	[sflag:s0] =	ssyncadd.tile.s32 @!p0 $0x1;
	_ =	shalt  }
.Lfunc_end2:
_tile_overlayer_lowered:
.L_overlay_start_2:
0x383: {  	(tag) =	ssettag $0x2  }
0x384: {  	s0 =	rddreg [dreg:$0x0];
	s2 =	stileid.u32  }
0x385: {  	s1 =	rddreg [dreg:$0x1];
	p0 =	sne.s32 s2, $0x0  }
0x386: {  	s3 =	rddreg [dreg:$0x2];
	[bflag:$0x3] =	sbarrier.arrive $0xFFFF;
	s2 =	simm.s32 @!p0 $0x1C08  }
0x387: {  	[timem:s3], [sflag:s2] =	dma.local @!p0 [hbm:s0], s1  }
0x388: {  	s0 =	simm.s32 @!p0 $0x8  }
0x389: {  	_ =	swait.ge @!p0 [sflag:s0], s1  }
0x38a: {  	s1 =	ssub.s32 @!p0 $0x0, s1;
	[sflag:s0] =	ssyncset.done @!p0 $0x0  }
0x38b: {  	[sflag:s0] =	ssyncadd.s32 @!p0 s1  }
0x38c: {  	[bflag:$0x3] =	sbarrier.arrive $0xFFFF  }
0x38d: {  	_ =	shalt  }

</sc_bundles>
